<compile_context>
chip_gen: v7x
topology: tpu7x:2x2x1
jax: 0.10.2.dev20260603
libtpu: 0.0.44.dev20260713+nightly
codegen_flags: <defaults>
</compile_context>

<pallas_src>
import functools

import numpy as np
import jax
from jax import lax
import jax.numpy as jnp
from jax.experimental import pallas as pl
from jax.experimental.pallas import tpu as pltpu
from jax.experimental.pallas import tpu_sc as plsc

D = 64
S = 16
K = 1000
T = 8
RMAX = 10.0
NG = 8
NUM_LAYERS = 2

BE = 2048
NW = 32
CHI = 128
EP_ALIGN = 32768

_C1 = float(np.sqrt(3.0))
_C2 = float(np.sqrt(15.0))
_C3 = float(np.sqrt(5.0) / 2.0)
_BESSEL_C = float(np.sqrt(2.0 / RMAX))

def _ref_sh(vec):
    n = jnp.linalg.norm(vec, axis=-1, keepdims=True)
    u = vec / (n + 1e-9)
    x, y, z = u[..., 0], u[..., 1], u[..., 2]
    return jnp.stack([jnp.ones_like(x), _C1 * y, _C1 * z, _C1 * x,
                      _C2 * x * y, _C2 * y * z,
                      _C3 * (3.0 * z ** 2 - 1.0),
                      _C2 * x * z, (_C2 / 2.0) * (x ** 2 - y ** 2)], axis=-1)


def _ref_radial(r):
    n = jnp.arange(1, 9, dtype=jnp.float32)
    bessel = _BESSEL_C * jnp.sin(n * jnp.pi * r / RMAX) / (r + 1e-9)
    u = r / RMAX
    p = 5.0
    env = 1.0 - ((p + 1.0) * (p + 2.0) / 2.0) * u ** p \
        + p * (p + 2.0) * u ** (p + 1.0) - (p * (p + 1.0) / 2.0) * u ** (p + 2.0)
    env = jnp.where(u < 1.0, env, 0.0)
    return bessel * env


@functools.lru_cache(maxsize=None)
def _mesh():
    return plsc.VectorSubcoreMesh(core_axis_name="c", subcore_axis_name="s")


def _wid():
    return lax.axis_index("s") * 2 + lax.axis_index("c")


@functools.lru_cache(maxsize=None)
def _make_gather2(ep, n1, d1, n2, d2):
    rows_w = ep // NW
    cb = 512
    nbc = rows_w // cb
    grp = cb // CHI
    nch = rows_w // CHI

    @functools.partial(
        pl.kernel, mesh=_mesh(),
        compiler_params=pltpu.CompilerParams(use_tc_tiling_on_sc=False, needs_layout_passes=False),
        name=f"sc_gather2_{ep}",
        out_type=[jax.ShapeDtypeStruct((ep, d1), jnp.float32),
                  jax.ShapeDtypeStruct((ep, d2), jnp.float32)],
        scratch_types=[pltpu.VMEM((grp, CHI), jnp.int32),
                       pltpu.VMEM((grp, CHI), jnp.int32),
                       pltpu.VMEM((cb, d1), jnp.float32),
                       pltpu.VMEM((cb, d2), jnp.float32),
                       pltpu.SemaphoreType.DMA],
    )
    def kfn(tab1, idx1, tab2, idx2, out1, out2, i1v, i2v, r1v, r2v, sem):
        wid = _wid()

        def chunk(j, carry):
            base = wid * rows_w + j * cb
            pltpu.sync_copy(idx1.at[pl.ds(wid * nch + j * grp, grp)], i1v)
            pltpu.sync_copy(idx2.at[pl.ds(wid * nch + j * grp, grp)], i2v)
            cps = []
            for k in range(grp):
                cps.append(pltpu.async_copy(
                    tab1.at[i1v.at[k]],
                    r1v.at[pl.ds(k * CHI, CHI)], sem))
                cps.append(pltpu.async_copy(
                    tab2.at[i2v.at[k]],
                    r2v.at[pl.ds(k * CHI, CHI)], sem))
            for c in cps:
                c.wait()
            pltpu.sync_copy(r1v, out1.at[pl.ds(base, cb)])
            pltpu.sync_copy(r2v, out2.at[pl.ds(base, cb)])
            return carry

        lax.fori_loop(0, nbc, chunk, 0)

    return kfn


@functools.lru_cache(maxsize=None)
def _make_gather2_small(ep, nt, d1, d2):
    rows_w = ep // NW
    cb = 512
    nbc = rows_w // cb
    grp = cb // CHI
    nch = rows_w // CHI

    @functools.partial(
        pl.kernel, mesh=_mesh(),
        compiler_params=pltpu.CompilerParams(
            use_tc_tiling_on_sc=False, needs_layout_passes=False),
        name=f"sc_gather2s_{ep}",
        out_type=[jax.ShapeDtypeStruct((ep, d1), jnp.float32),
                  jax.ShapeDtypeStruct((ep, d2), jnp.float32)],
        scratch_types=[pltpu.VMEM_SHARED((nt, d1), jnp.float32),
                       pltpu.VMEM_SHARED((nt, d2), jnp.float32),
                       pltpu.VMEM((grp, CHI), jnp.int32),
                       pltpu.VMEM((grp, CHI), jnp.int32),
                       pltpu.VMEM((cb, d1), jnp.float32),
                       pltpu.VMEM((cb, d2), jnp.float32),
                       pltpu.SemaphoreType.DMA],
    )
    def kfn(tab1, idx1, tab2, idx2, out1, out2, t1s, t2s, i1v, i2v,
            r1v, r2v, sem):
        sid = lax.axis_index("s")
        cid = lax.axis_index("c")
        wid = sid * 2 + cid

        @pl.when(sid == 0)
        def _():
            for q in range(nt // cb):
                pltpu.sync_copy(tab1.at[pl.ds(q * cb, cb)], r1v)
                pltpu.sync_copy(r1v, t1s.at[pl.ds(q * cb, cb)])
                pltpu.sync_copy(tab2.at[pl.ds(q * cb, cb)], r2v)
                pltpu.sync_copy(r2v, t2s.at[pl.ds(q * cb, cb)])

        plsc.subcore_barrier()

        def chunk(j, carry):
            base = wid * rows_w + j * cb
            pltpu.sync_copy(idx1.at[pl.ds(wid * nch + j * grp, grp)], i1v)
            pltpu.sync_copy(idx2.at[pl.ds(wid * nch + j * grp, grp)], i2v)
            cps = []
            for k in range(grp):
                cps.append(pltpu.async_copy(
                    t1s.at[i1v.at[k]],
                    r1v.at[pl.ds(k * CHI, CHI)], sem))
                cps.append(pltpu.async_copy(
                    t2s.at[i2v.at[k]],
                    r2v.at[pl.ds(k * CHI, CHI)], sem))
            for c in cps:
                c.wait()
            pltpu.sync_copy(r1v, out1.at[pl.ds(base, cb)])
            pltpu.sync_copy(r2v, out2.at[pl.ds(base, cb)])
            return carry

        lax.fori_loop(0, nbc, chunk, 0)

    return kfn


@functools.lru_cache(maxsize=None)
def _make_gather1(ep, n1, d1, chi=CHI):
    rows_w = ep // NW
    cb = min(512, rows_w)
    nbc = rows_w // cb
    grp = cb // chi
    nch = rows_w // chi

    @functools.partial(
        pl.kernel, mesh=_mesh(),
        compiler_params=pltpu.CompilerParams(use_tc_tiling_on_sc=False, needs_layout_passes=False),
        name=f"sc_gather1_{ep}",
        out_type=jax.ShapeDtypeStruct((ep, d1), jnp.float32),
        scratch_types=[pltpu.VMEM((grp, chi), jnp.int32),
                       pltpu.VMEM((cb, d1), jnp.float32),
                       pltpu.SemaphoreType.DMA],
    )
    def kfn(tab1, idx1, out1, i1v, r1v, sem):
        wid = _wid()

        def chunk(j, carry):
            base = wid * rows_w + j * cb
            pltpu.sync_copy(idx1.at[pl.ds(wid * nch + j * grp, grp)], i1v)
            cps = []
            for k in range(grp):
                cps.append(pltpu.async_copy(
                    tab1.at[i1v.at[k]],
                    r1v.at[pl.ds(k * chi, chi)], sem))
            for c in cps:
                c.wait()
            pltpu.sync_copy(r1v, out1.at[pl.ds(base, cb)])
            return carry

        lax.fori_loop(0, nbc, chunk, 0)

    return kfn


def _sc_gather_rows(tab, idx, ep, chi=CHI):
    idx_p = _pad1(idx.astype(jnp.int32), ep, 0)
    return _make_gather1(ep, tab.shape[0], tab.shape[1], chi)(
        tab, idx_p.reshape(ep // chi, chi))


@functools.lru_cache(maxsize=None)
def _make_scatter(ep, npad):
    rows_w = ep // NW
    cb = 512
    nbc = rows_w // cb
    grp = cb // CHI
    nch = rows_w // CHI
    rows_t = npad // 16
    nsp = 2 if rows_t > 128 else 1
    tb = rows_t // nsp

    @functools.partial(
        pl.kernel, mesh=_mesh(),
        compiler_params=pltpu.CompilerParams(use_tc_tiling_on_sc=False, needs_layout_passes=False),
        name=f"sc_scatter_{npad}",
        out_type=jax.ShapeDtypeStruct((2, npad, D), jnp.float32),
        scratch_types=[pltpu.VMEM_SHARED((npad, D), jnp.float32),
                       pltpu.VMEM((grp, CHI), jnp.int32),
                       pltpu.VMEM((cb, D), jnp.float32),
                       pltpu.VMEM((tb, D), jnp.float32)],
    )
    def kfn(msg, dstg, zeros, out, acc, idxv, msgv, tbuf):
        cid = lax.axis_index("c")
        sid = lax.axis_index("s")
        wid = sid * 2 + cid
        for q in range(nsp):
            pltpu.sync_copy(zeros.at[pl.ds(sid * rows_t + q * tb, tb)], tbuf)
            pltpu.sync_copy(tbuf, acc.at[pl.ds(sid * rows_t + q * tb, tb)])
        plsc.subcore_barrier()

        def chunk(j, carry):
            base = wid * rows_w + j * cb
            pltpu.sync_copy(dstg.at[pl.ds(wid * nch + j * grp, grp)], idxv)
            pltpu.sync_copy(msg.at[pl.ds(base, cb)], msgv)
            for k in range(grp):
                pltpu.sync_copy(msgv.at[pl.ds(k * CHI, CHI)],
                                acc.at[idxv.at[k]], add=True)
            return carry

        lax.fori_loop(0, nbc, chunk, 0)
        plsc.subcore_barrier()
        for q in range(nsp):
            pltpu.sync_copy(acc.at[pl.ds(sid * rows_t + q * tb, tb)], tbuf)
            pltpu.sync_copy(
                tbuf, out.at[cid].at[pl.ds(sid * rows_t + q * tb, tb)])

    return kfn


@functools.lru_cache(maxsize=None)
def _make_rankmap(ep, npr, e_real):
    rows_w = ep // NW
    cbe = 2048
    nbc = rows_w // cbe

    @functools.partial(
        pl.kernel, mesh=_mesh(),
        compiler_params=pltpu.CompilerParams(use_tc_tiling_on_sc=False, needs_layout_passes=False),
        name="sc_rankmap",
        out_type=[jax.ShapeDtypeStruct((ep,), jnp.int32),
                  jax.ShapeDtypeStruct((ep,), jnp.int32),
                  jax.ShapeDtypeStruct((ep,), jnp.float32),
                  jax.ShapeDtypeStruct((npr,), jnp.int32)],
        scratch_types=[pltpu.VMEM((npr,), jnp.int32),
                       pltpu.VMEM((1024,), jnp.int32),
                       pltpu.VMEM((cbe,), jnp.int32),
                       pltpu.VMEM((cbe,), jnp.int32),
                       pltpu.VMEM((cbe,), jnp.int32),
                       pltpu.VMEM((cbe,), jnp.int32),
                       pltpu.VMEM((cbe,), jnp.float32)],
    )
    def kfn(mi_hbm, src_hbm, dst_hbm, o_src, o_dst, o_val, o_rank,
            rank_v, mi_v, sbuf, dbuf, eob, dob, vbuf):
        wid = _wid()
        pltpu.sync_copy(mi_hbm, mi_v)
        ksplat = jnp.full((16,), K, jnp.int32)

        def initf(i, carry):
            rank_v[pl.ds(i * 16, 16)] = ksplat
            return carry

        lax.fori_loop(0, npr // 16, initf, 0)

        def setf(j, carry):
            idx16 = mi_v[pl.ds(j * 16, 16)]
            val16 = j * 16 + lax.iota(jnp.int32, 16)
            plsc.store_scatter(rank_v, [idx16], val16, mask=val16 < K)
            return carry

        lax.fori_loop(0, 1024 // 16, setf, 0)

        @pl.when(wid == 0)
        def _():
            pltpu.sync_copy(rank_v, o_rank)

        def chunk(j, carry):
            base = wid * rows_w + j * cbe
            pltpu.sync_copy(src_hbm.at[pl.ds(base, cbe)], sbuf)
            pltpu.sync_copy(dst_hbm.at[pl.ds(base, cbe)], dbuf)

            def grpf(g, c2):
                s16 = sbuf[pl.ds(g * 16, 16)]
                d16 = dbuf[pl.ds(g * 16, 16)]
                sr = plsc.load_gather(rank_v, [s16])
                dr = plsc.load_gather(rank_v, [d16])
                gpos = base + g * 16 + lax.iota(jnp.int32, 16)
                ok = (sr < K) & (dr < K) & (gpos < e_real)
                snt = K + (gpos & 1023)
                eob[pl.ds(g * 16, 16)] = jnp.where(ok, sr, snt)
                dob[pl.ds(g * 16, 16)] = jnp.where(ok, dr, snt)
                vbuf[pl.ds(g * 16, 16)] = jnp.where(
                    ok, jnp.float32(1.0), jnp.float32(0.0))
                return c2

            lax.fori_loop(0, cbe // 16, grpf, 0)
            pltpu.sync_copy(eob, o_src.at[pl.ds(base, cbe)])
            pltpu.sync_copy(dob, o_dst.at[pl.ds(base, cbe)])
            pltpu.sync_copy(vbuf, o_val.at[pl.ds(base, cbe)])
            return carry

        lax.fori_loop(0, nbc, chunk, 0)

    return kfn


def _edge_msg_body(ef_ref, sh_ref, h2s_ref, val_ref, w1_ref, b1_ref, w2_ref,
                   b2_ref, wsh_ref, out_ref, *, prec=None):
    hidden = jnp.maximum(
        jnp.dot(ef_ref[...], w1_ref[...], preferred_element_type=jnp.float32,
                precision=prec)
        + b1_ref[...], 0.0)
    w = jnp.dot(hidden, w2_ref[...], preferred_element_type=jnp.float32,
                precision=prec) + b2_ref[...]
    sv = jnp.dot(sh_ref[...], wsh_ref[...], preferred_element_type=jnp.float32,
                 precision=prec)
    out_ref[...] = (h2s_ref[...] * w + sv) * val_ref[...]


def _edge_msg(g1, g2, valid, p, prec=None):
    ep = g1.shape[0]
    grid = ep // BE
    h2src = g1[:, :D]
    vec = g1[:, D:D + 3] - g2[:, :3]
    r = jnp.linalg.norm(vec, axis=-1, keepdims=True)
    sh = _ref_sh(vec)
    ef = _ref_radial(r)
    return pl.pallas_call(
        functools.partial(_edge_msg_body, prec=prec),
        grid=(grid,),
        in_specs=[
            pl.BlockSpec((BE, 8), lambda i: (i, 0)),
            pl.BlockSpec((BE, 9), lambda i: (i, 0)),
            pl.BlockSpec((BE, D), lambda i: (i, 0)),
            pl.BlockSpec((BE, 1), lambda i: (i, 0)),
            pl.BlockSpec((8, 256), lambda i: (0, 0)),
            pl.BlockSpec((1, 256), lambda i: (0, 0)),
            pl.BlockSpec((256, D), lambda i: (0, 0)),
            pl.BlockSpec((1, D), lambda i: (0, 0)),
            pl.BlockSpec((9, D), lambda i: (0, 0)),
        ],
        out_specs=pl.BlockSpec((BE, D), lambda i: (i, 0)),
        out_shape=jax.ShapeDtypeStruct((ep, D), jnp.float32),
    )(ef, sh, h2src, valid,
      p['W_r1'], p['b_r1'].reshape(1, 256),
      p['W_r2'], p['b_r2'].reshape(1, D),
      p['W_sh'])


def _pad1(x, ep, fill):
    pad = ep - x.shape[0]
    return jnp.concatenate([x, jnp.full((pad,), fill, x.dtype)]) if pad else x


def _conv(h_tab, pos_tab, src_p, dst_p, valid_p, dst_seg, e_len, n_seg, p):
    ep = src_p.shape[0]
    n = h_tab.shape[0]
    h2 = h_tab @ p['W_msg']
    zpad = jnp.zeros((n, 13), jnp.float32)
    tab1 = jnp.concatenate([h2, pos_tab, zpad], axis=1)
    tab2 = jnp.concatenate([pos_tab, zpad], axis=1)
    g1, g2 = _make_gather2(ep, n, 80, n, 16)(
        tab1, src_p.reshape(ep // CHI, CHI), tab2,
        dst_p.reshape(ep // CHI, CHI))
    msg = _edge_msg(g1, g2, valid_p[:, None], p)
    agg = jax.ops.segment_sum(msg[:e_len], dst_seg, num_segments=n_seg)
    return agg * jax.nn.sigmoid(agg @ p['W_gate'] + p['b_gate'])


def _hmp_layer(h, pos, src_p, dst_p, ones_p, dst_u, e_real, p):
    n = h.shape[0]
    ep = src_p.shape[0]
    h_update = _conv(h, pos, src_p, dst_p, ones_p, dst_u, e_real, n, p)
    h_local = h_update + h
    h_scalar = h_local[:, :S]
    score = (jax.nn.relu(h_scalar @ p['W_ms1'] + p['b_ms1']) @ p['W_ms2']
             + p['b_ms2'])[:, 0]
    m = jax.nn.sigmoid(score)
    _, master_idx = jax.lax.top_k(score, K)
    npr = 10240
    mi_p = _pad1(master_idx.astype(jnp.int32), 1024, 0)
    e_srcE, e_dstE, e_valE, rank = _make_rankmap(ep, npr, e_real)(
        mi_p, src_p, dst_p)
    hp_tab = jnp.concatenate(
        [h_local, pos, jnp.zeros((n, 13), jnp.float32)], axis=1)
    hp_m = _sc_gather_rows(hp_tab, master_idx, 1024, chi=32)
    h_master = hp_m[:K, :D]
    pos_master = hp_m[:K, D:D + 3]
    hs = h_master[:, :S]
    logits = (hs @ p['Wq']) @ (hs @ p['Wk']).T / np.sqrt(S)
    attn = jax.nn.softmax(logits, axis=-1)
    _, vcols = jax.lax.top_k(attn, T)
    v_src = jnp.repeat(jnp.arange(K, dtype=jnp.int32), T)
    v_dst = vcols.reshape(-1).astype(jnp.int32)
    v_ok = (v_src != v_dst).astype(jnp.float32)
    npm = 2048
    nel = e_real + 2 * K * T
    epm = (nel + EP_ALIGN - 1) // EP_ALIGN * EP_ALIGN
    spread = K + (jnp.arange(epm - nel, dtype=jnp.int32) & 1023)
    e_src = jnp.concatenate([e_srcE[:e_real], v_src, v_dst, spread])
    e_dst = jnp.concatenate([e_dstE[:e_real], v_dst, v_src, spread])
    e_val = _pad1(
        jnp.concatenate([e_valE[:e_real], v_ok, v_ok]), epm, 0.0)
    e_dst_seg = jnp.concatenate([
        jnp.where(e_valE[:e_real] > 0, e_dstE[:e_real], K), v_dst, v_src])
    hm_pad = jnp.concatenate(
        [h_master, jnp.zeros((npm - K, D), dtype=h_master.dtype)], axis=0)
    pm_pad = jnp.concatenate(
        [pos_master, jnp.zeros((npm - K, 3), dtype=pos_master.dtype)], axis=0)
    hm_update = _conv(hm_pad, pm_pad, e_src, e_dst, e_val,
                      e_dst_seg, nel, K + 1, p)[:K]
    h_hier = hm_update + h_master
    hh_tab = jnp.concatenate([h_hier, jnp.zeros((1, D), h_hier.dtype)])
    h_hier_exp = _sc_gather_rows(hh_tab, rank, 10240, chi=64)[:n]
    m_exp = m[:, None]
    return (1.0 - m_exp) * h_local + m_exp * h_hier_exp


def kernel(atoms, pos, edge_index, batch, params):
    h = params['emb'][atoms]
    src, dst = edge_index[0], edge_index[1]
    e = src.shape[0]
    ep = (e + EP_ALIGN - 1) // EP_ALIGN * EP_ALIGN
    src_p = _pad1(src, ep, 0)
    dst_p = _pad1(dst, ep, 0)
    ones_p = _pad1(jnp.ones((e,), jnp.float32), ep, 0.0)
    stacked = jax.tree.map(lambda *xs: jnp.stack(xs), *params['layers'])

    def body(hc, lp):
        return _hmp_layer(hc, pos, src_p, dst_p, ones_p, dst, e, lp), None

    h, _ = jax.lax.scan(body, h, stacked)
    pooled = jax.ops.segment_sum(h[:, :D], batch, num_segments=NG)
    hidden = jax.nn.relu(pooled @ params['W_p1'] + params['b_p1'])
    return hidden @ params['W_p2'] + params['b_p2']

# --- scband reference (transcript-rebuilt; emitter-appended) ---
"""Pipeline reference for scband-hmp-tfnmodel-2826088481280 (READ-ONLY COPY).

The authoritative reference and input builder live on the scoring server;
editing this copy changes nothing except your own understanding.
"""

import jax, jax.numpy as jnp
import numpy as np

N = 10000
E = 640000
D = 64
S = 16
K = 1000
T = 8
NB = 8
RMAX = 10.0
PC = 5
NG = 8
LAMBDA_ATTN = 0.1
NUM_LAYERS = 2


def spherical_harmonics(vec):
    n = jnp.linalg.norm(vec, axis=-1, keepdims=True)
    u = vec / (n + 1e-9)
    x, y, z = u[..., 0], u[..., 1], u[..., 2]
    c1 = np.sqrt(3.0)
    c2 = np.sqrt(15.0)
    c3 = np.sqrt(5.0) / 2.0
    return jnp.stack([jnp.ones_like(x), c1 * y, c1 * z, c1 * x,
                      c2 * x * y, c2 * y * z, c3 * (3.0 * z ** 2 - 1.0),
                      c2 * x * z, (c2 / 2.0) * (x ** 2 - y ** 2)], axis=-1)


def radial_embedding(r):
    n = jnp.arange(1, NB + 1, dtype=jnp.float32)
    bessel = np.sqrt(2.0 / RMAX) * jnp.sin(n * jnp.pi * r / RMAX) / (r + 1e-9)
    u = r / RMAX
    p = float(PC)
    env = 1.0 - ((p + 1.0) * (p + 2.0) / 2.0) * u ** p + p * (p + 2.0) * u ** (p + 1.0) - (p * (p + 1.0) / 2.0) * u ** (p + 2.0)
    env = jnp.where(u < 1.0, env, 0.0)
    return bessel * env


def conv(h_pad, src, dst, sh, ef, valid, num_nodes, p):
    w = jax.nn.relu(ef @ p['W_r1'] + p['b_r1']) @ p['W_r2'] + p['b_r2']
    msg = (h_pad[src] @ p['W_msg']) * w + sh @ p['W_sh']
    msg = msg * valid[:, None]
    agg = jax.ops.segment_sum(msg, dst, num_segments=num_nodes)
    return agg * jax.nn.sigmoid(agg @ p['W_gate'] + p['b_gate'])


def hmp_layer(h, pos, edge_index, p):
    src, dst = edge_index[0], edge_index[1]
    vec = pos[src] - pos[dst]
    r = jnp.linalg.norm(vec, axis=-1, keepdims=True)
    sh = spherical_harmonics(vec)
    ef = radial_embedding(r)
    ones = jnp.ones((src.shape[0],), dtype=jnp.float32)
    h_update = conv(h, src, dst, sh, ef, ones, h.shape[0], p)
    h_local = h_update + h
    h_scalar = h_local[:, :S]
    score = (jax.nn.relu(h_scalar @ p['W_ms1'] + p['b_ms1']) @ p['W_ms2'] + p['b_ms2'])[:, 0]
    m = jax.nn.sigmoid(score)
    _, master_idx = jax.lax.top_k(score, K)
    rank = jnp.full((h.shape[0],), K, dtype=jnp.int32).at[master_idx].set(jnp.arange(K, dtype=jnp.int32))
    sr = rank[src]
    dr = rank[dst]
    valid_ind = (sr < K) & (dr < K)
    adj = jnp.zeros((K + 1, K + 1), dtype=jnp.float32).at[sr, dr].add(valid_ind.astype(jnp.float32))
    adj_induced = (adj[:K, :K] > 0).astype(jnp.float32)
    h_master = h_local[master_idx]
    pos_master = pos[master_idx]
    hs = h_master[:, :S]
    logits = (hs @ p['Wq']) @ (hs @ p['Wk']).T / np.sqrt(S)
    attn = jax.nn.softmax(logits, axis=-1)
    A_virtual = adj_induced + LAMBDA_ATTN * attn
    _, vcols = jax.lax.top_k(attn, T)
    v_src = jnp.repeat(jnp.arange(K, dtype=jnp.int32), T)
    v_dst = vcols.reshape(-1).astype(jnp.int32)
    v_ok = (v_src != v_dst).astype(jnp.float32)
    e_src = jnp.concatenate([jnp.where(valid_ind, sr, K), v_src, v_dst])
    e_dst = jnp.concatenate([jnp.where(valid_ind, dr, K), v_dst, v_src])
    e_valid = jnp.concatenate([valid_ind.astype(jnp.float32), v_ok, v_ok])
    hm_pad = jnp.concatenate([h_master, jnp.zeros((1, h_master.shape[1]), dtype=h_master.dtype)], axis=0)
    pm_pad = jnp.concatenate([pos_master, jnp.zeros((1, 3), dtype=pos_master.dtype)], axis=0)
    vec_m = pm_pad[e_src] - pm_pad[e_dst]
    r_m = jnp.linalg.norm(vec_m, axis=-1, keepdims=True)
    sh_m = spherical_harmonics(vec_m)
    ef_m = radial_embedding(r_m)
    hm_update = conv(hm_pad, e_src, e_dst, sh_m, ef_m, e_valid, K + 1, p)[:K]
    h_hier = hm_update + h_master
    h_hier_exp = jnp.zeros_like(h_local).at[master_idx].set(h_hier)
    m_exp = m[:, None]
    h_final = (1.0 - m_exp) * h_local + m_exp * h_hier_exp
    return h_final, pos, A_virtual, m


def model_forward(atoms, pos, edge_index, batch, params):
    h = params['emb'][atoms]
    for i in range(NUM_LAYERS):
        h, pos, _A, _m = hmp_layer(h, pos, edge_index, params['layers'][i])
    pooled = jax.ops.segment_sum(h[:, :D], batch, num_segments=NG)
    hidden = jax.nn.relu(pooled @ params['W_p1'] + params['b_p1'])
    return hidden @ params['W_p2'] + params['b_p2']


def init_params(key):
    def lin(k, shp):
        return (jax.random.normal(k, shp, dtype=jnp.float32) / np.sqrt(shp[0])).astype(jnp.float32)
    ks = iter(jax.random.split(key, 40))
    layers = []
    for _ in range(NUM_LAYERS):
        layers.append({
            'W_r1': lin(next(ks), (NB, 256)), 'b_r1': jnp.zeros((256,), jnp.float32),
            'W_r2': lin(next(ks), (256, D)), 'b_r2': jnp.zeros((D,), jnp.float32),
            'W_msg': lin(next(ks), (D, D)), 'W_sh': lin(next(ks), (9, D)),
            'W_gate': lin(next(ks), (D, D)), 'b_gate': jnp.zeros((D,), jnp.float32),
            'W_ms1': lin(next(ks), (S, 32)), 'b_ms1': jnp.zeros((32,), jnp.float32),
            'W_ms2': lin(next(ks), (32, 1)), 'b_ms2': jnp.zeros((1,), jnp.float32),
            'Wq': lin(next(ks), (S, S)), 'Wk': lin(next(ks), (S, S)),
        })
    return {'emb': jax.random.normal(next(ks), (100, D), dtype=jnp.float32),
            'layers': layers,
            'W_p1': lin(next(ks), (D, D)), 'b_p1': jnp.zeros((D,), jnp.float32),
            'W_p2': lin(next(ks), (D, 1)), 'b_p2': jnp.zeros((1,), jnp.float32)}


def setup_inputs(seed: int = 0):
    key = jax.random.key(seed)
    k1, k2, k3, k4, k5 = jax.random.split(key, 5)
    atoms = jax.random.randint(k1, (N,), 0, 100, dtype=jnp.int32)
    pos = jax.random.normal(k2, (N, 3), dtype=jnp.float32)
    edge_index = jax.random.randint(k3, (2, E), 0, N, dtype=jnp.int32)
    batch = jnp.sort(jax.random.randint(k4, (N,), 0, NG, dtype=jnp.int32))
    params = init_params(k5)
    return {'atoms': atoms, 'pos': pos, 'edge_index': edge_index, 'batch': batch, 'params': params}


def reference(atoms, pos, edge_index, batch, params):
    return model_forward(atoms, pos, edge_index, batch, params)

if __name__ == "__main__":
    import jax
    _d = setup_inputs()
    print(jax.jit(kernel)(*tuple(_d.values())))

</pallas_src>

<mosaic_0001>
#map = affine_map<(d0, d1) -> (0, 0)>
module attributes {stable_mosaic.version = 14 : i64} {
  func.func @sc_gather2_655360(%arg0: i32, %arg1: i32, %arg2: memref<10000x80xf32, #tpu.memory_space<hbm>>, %arg3: memref<5120x128xi32, #tpu.memory_space<hbm>>, %arg4: memref<10000x16xf32, #tpu.memory_space<hbm>>, %arg5: memref<5120x128xi32, #tpu.memory_space<hbm>>, %arg6: memref<655360x80xf32, #tpu.memory_space<hbm>>, %arg7: memref<655360x16xf32, #tpu.memory_space<hbm>>, %arg8: memref<4x128xi32, #tpu.memory_space<vmem>>, %arg9: memref<4x128xi32, #tpu.memory_space<vmem>>, %arg10: memref<512x80xf32, #tpu.memory_space<vmem>>, %arg11: memref<512x16xf32, #tpu.memory_space<vmem>>, %arg12: memref<!tpu.dma_semaphore, #tpu.memory_space<semaphore_mem>>) attributes {dimension_semantics = [#tpu.dimension_semantics<core_parallel>, #tpu.dimension_semantics<subcore_parallel>], iteration_bounds = array<i64: 2, 16>, scalar_prefetch = 0 : i64, scratch_operands = 5 : i64, tpu.core_type = #tpu.core_type<sc_vector_subcore>, window_params = [{transform_indices = #map}, {transform_indices = #map}, {transform_indices = #map}, {transform_indices = #map}, {transform_indices = #map}, {transform_indices = #map}]} {
    %mul3A = arith.constant 2 : i32
    %mul3A_0 = arith.muli %arg1, %mul3A : i32
    %add3A = arith.addi %mul3A_0, %arg0 : i32
    %scan3A = arith.constant 0 : i32
    %scan3A_1 = arith.constant 0 : i32
    %scan3A_2 = arith.constant 40 : i32
    %scan3A_3 = arith.addi %scan3A_1, %scan3A_2 : i32
    %scan3A_4 = arith.constant 1 : i32
    scf.for %scan3A_6 = %scan3A_1 to %scan3A_3 step %scan3A_4  : i32 {
      %mul3A_7 = arith.constant 20480 : i32
      %mul3A_8 = arith.muli %add3A, %mul3A_7 : i32
      %mul3A_9 = arith.constant 512 : i32
      %mul3A_10 = arith.muli %scan3A_6, %mul3A_9 : i32
      %add3A_11 = arith.addi %mul3A_8, %mul3A_10 : i32
      %mul3A_12 = arith.constant 160 : i32
      %mul3A_13 = arith.muli %add3A, %mul3A_12 : i32
      %mul3A_14 = arith.constant 4 : i32
      %mul3A_15 = arith.muli %scan3A_6, %mul3A_14 : i32
      %add3A_16 = arith.addi %mul3A_13, %mul3A_15 : i32
      "tpu.region"() ({
        %run_scoped3A = tpu.sem_alloc : memref<!tpu.dma_semaphore, #tpu.memory_space<semaphore_mem>>
        %dma_start3A_180 = arith.constant 0 : i32
        %dma_start3A_181 = tpu.memref_slice %arg3[%add3A_16, %dma_start3A_180] : memref<5120x128xi32, #tpu.memory_space<hbm>> -> memref<4x128xi32, #tpu.memory_space<hbm>>
        %dma_start3A_182 = arith.constant 0 : i32
        %dma_start3A_183 = tpu.memref_slice %arg3[%add3A_16, %dma_start3A_182] : memref<5120x128xi32, #tpu.memory_space<hbm>> -> memref<4x128xi32, #tpu.memory_space<hbm>>
        tpu.enqueue_dma source(%dma_start3A_183 : memref<4x128xi32, #tpu.memory_space<hbm>>) target(%arg8 : memref<4x128xi32, #tpu.memory_space<vmem>>) target_semaphore(%run_scoped3A : memref<!tpu.dma_semaphore, #tpu.memory_space<semaphore_mem>>)
        %dma_wait3A_184 = arith.constant 0 : i32
        %dma_wait3A_185 = tpu.memref_slice %arg3[%add3A_16, %dma_wait3A_184] : memref<5120x128xi32, #tpu.memory_space<hbm>> -> memref<4x128xi32, #tpu.memory_space<hbm>>
        %dma_wait3A_186 = arith.constant 0 : i32
        %dma_wait3A_187 = tpu.memref_slice %arg3[%add3A_16, %dma_wait3A_186] : memref<5120x128xi32, #tpu.memory_space<hbm>> -> memref<4x128xi32, #tpu.memory_space<hbm>>
        tpu.wait_dma2 semaphore(%run_scoped3A : memref<!tpu.dma_semaphore, #tpu.memory_space<semaphore_mem>>) src(%dma_wait3A_187 : memref<4x128xi32, #tpu.memory_space<hbm>>) dst(%arg8 : memref<4x128xi32, #tpu.memory_space<vmem>>)
        tpu.yield
      }) : () -> ()
      %mul3A_17 = arith.constant 160 : i32
      %mul3A_18 = arith.muli %add3A, %mul3A_17 : i32
      %mul3A_19 = arith.constant 4 : i32
      %mul3A_20 = arith.muli %scan3A_6, %mul3A_19 : i32
      %add3A_21 = arith.addi %mul3A_18, %mul3A_20 : i32
      "tpu.region"() ({
        %run_scoped3A = tpu.sem_alloc : memref<!tpu.dma_semaphore, #tpu.memory_space<semaphore_mem>>
        %dma_start3A_180 = arith.constant 0 : i32
        %dma_start3A_181 = tpu.memref_slice %arg5[%add3A_21, %dma_start3A_180] : memref<5120x128xi32, #tpu.memory_space<hbm>> -> memref<4x128xi32, #tpu.memory_space<hbm>>
        %dma_start3A_182 = arith.constant 0 : i32
        %dma_start3A_183 = tpu.memref_slice %arg5[%add3A_21, %dma_start3A_182] : memref<5120x128xi32, #tpu.memory_space<hbm>> -> memref<4x128xi32, #tpu.memory_space<hbm>>
        tpu.enqueue_dma source(%dma_start3A_183 : memref<4x128xi32, #tpu.memory_space<hbm>>) target(%arg9 : memref<4x128xi32, #tpu.memory_space<vmem>>) target_semaphore(%run_scoped3A : memref<!tpu.dma_semaphore, #tpu.memory_space<semaphore_mem>>)
        %dma_wait3A_184 = arith.constant 0 : i32
        %dma_wait3A_185 = tpu.memref_slice %arg5[%add3A_21, %dma_wait3A_184] : memref<5120x128xi32, #tpu.memory_space<hbm>> -> memref<4x128xi32, #tpu.memory_space<hbm>>
        %dma_wait3A_186 = arith.constant 0 : i32
        %dma_wait3A_187 = tpu.memref_slice %arg5[%add3A_21, %dma_wait3A_186] : memref<5120x128xi32, #tpu.memory_space<hbm>> -> memref<4x128xi32, #tpu.memory_space<hbm>>
        tpu.wait_dma2 semaphore(%run_scoped3A : memref<!tpu.dma_semaphore, #tpu.memory_space<semaphore_mem>>) src(%dma_wait3A_187 : memref<4x128xi32, #tpu.memory_space<hbm>>) dst(%arg9 : memref<4x128xi32, #tpu.memory_space<vmem>>)
        tpu.yield
      }) : () -> ()
      %dma_start3A = arith.constant 0 : i32
      %dma_start3A_22 = arith.constant 0 : i32
      %dma_start3A_23 = arith.constant 0 : i32
      %dma_start3A_24 = tpu.memref_slice %arg10[%dma_start3A_22, %dma_start3A_23] : memref<512x80xf32, #tpu.memory_space<vmem>> -> memref<128x80xf32, #tpu.memory_space<vmem>>
      %dma_start3A_25 = arith.constant 0 : i32
      %dma_start3A_26 = tpu.memref_slice %arg8[%dma_start3A, %dma_start3A_25] : memref<4x128xi32, #tpu.memory_space<vmem>> -> memref<1x128xi32, #tpu.memory_space<vmem>>
      %dma_start3A_27 = tpu.memref_squeeze %dma_start3A_26 : memref<1x128xi32, #tpu.memory_space<vmem>> -> memref<128xi32, #tpu.memory_space<vmem>>
      %dma_start3A_28 = arith.constant 0 : i32
      %dma_start3A_29 = arith.constant 0 : i32
      %dma_start3A_30 = tpu.memref_slice %arg2[%dma_start3A_28, %dma_start3A_29] : memref<10000x80xf32, #tpu.memory_space<hbm>> -> memref<10000x80xf32, #tpu.memory_space<hbm>>
      tpu.enqueue_indirect_dma source(%dma_start3A_30 : memref<10000x80xf32, #tpu.memory_space<hbm>>) target(%dma_start3A_24 : memref<128x80xf32, #tpu.memory_space<vmem>>) offsets(%dma_start3A_27 : memref<128xi32, #tpu.memory_space<vmem>>) semaphore(%arg12 : memref<!tpu.dma_semaphore, #tpu.memory_space<semaphore_mem>>)
      %dma_start3A_31 = arith.constant 0 : i32
      %dma_start3A_32 = arith.constant 0 : i32
      %dma_start3A_33 = arith.constant 0 : i32
      %dma_start3A_34 = tpu.memref_slice %arg11[%dma_start3A_32, %dma_start3A_33] : memref<512x16xf32, #tpu.memory_space<vmem>> -> memref<128x16xf32, #tpu.memory_space<vmem>>
      %dma_start3A_35 = arith.constant 0 : i32
      %dma_start3A_36 = tpu.memref_slice %arg9[%dma_start3A_31, %dma_start3A_35] : memref<4x128xi32, #tpu.memory_space<vmem>> -> memref<1x128xi32, #tpu.memory_space<vmem>>
      %dma_start3A_37 = tpu.memref_squeeze %dma_start3A_36 : memref<1x128xi32, #tpu.memory_space<vmem>> -> memref<128xi32, #tpu.memory_space<vmem>>
      %dma_start3A_38 = arith.constant 0 : i32
      %dma_start3A_39 = arith.constant 0 : i32
      %dma_start3A_40 = tpu.memref_slice %arg4[%dma_start3A_38, %dma_start3A_39] : memref<10000x16xf32, #tpu.memory_space<hbm>> -> memref<10000x16xf32, #tpu.memory_space<hbm>>
      tpu.enqueue_indirect_dma source(%dma_start3A_40 : memref<10000x16xf32, #tpu.memory_space<hbm>>) target(%dma_start3A_34 : memref<128x16xf32, #tpu.memory_space<vmem>>) offsets(%dma_start3A_37 : memref<128xi32, #tpu.memory_space<vmem>>) semaphore(%arg12 : memref<!tpu.dma_semaphore, #tpu.memory_space<semaphore_mem>>)
      %dma_start3A_41 = arith.constant 1 : i32
      %dma_start3A_42 = arith.constant 128 : i32
      %dma_start3A_43 = arith.constant 0 : i32
      %dma_start3A_44 = tpu.memref_slice %arg10[%dma_start3A_42, %dma_start3A_43] : memref<512x80xf32, #tpu.memory_space<vmem>> -> memref<128x80xf32, #tpu.memory_space<vmem>>
      %dma_start3A_45 = arith.constant 0 : i32
      %dma_start3A_46 = tpu.memref_slice %arg8[%dma_start3A_41, %dma_start3A_45] : memref<4x128xi32, #tpu.memory_space<vmem>> -> memref<1x128xi32, #tpu.memory_space<vmem>>
      %dma_start3A_47 = tpu.memref_squeeze %dma_start3A_46 : memref<1x128xi32, #tpu.memory_space<vmem>> -> memref<128xi32, #tpu.memory_space<vmem>>
      %dma_start3A_48 = arith.constant 0 : i32
      %dma_start3A_49 = arith.constant 0 : i32
      %dma_start3A_50 = tpu.memref_slice %arg2[%dma_start3A_48, %dma_start3A_49] : memref<10000x80xf32, #tpu.memory_space<hbm>> -> memref<10000x80xf32, #tpu.memory_space<hbm>>
      tpu.enqueue_indirect_dma source(%dma_start3A_50 : memref<10000x80xf32, #tpu.memory_space<hbm>>) target(%dma_start3A_44 : memref<128x80xf32, #tpu.memory_space<vmem>>) offsets(%dma_start3A_47 : memref<128xi32, #tpu.memory_space<vmem>>) semaphore(%arg12 : memref<!tpu.dma_semaphore, #tpu.memory_space<semaphore_mem>>)
      %dma_start3A_51 = arith.constant 1 : i32
      %dma_start3A_52 = arith.constant 128 : i32
      %dma_start3A_53 = arith.constant 0 : i32
      %dma_start3A_54 = tpu.memref_slice %arg11[%dma_start3A_52, %dma_start3A_53] : memref<512x16xf32, #tpu.memory_space<vmem>> -> memref<128x16xf32, #tpu.memory_space<vmem>>
      %dma_start3A_55 = arith.constant 0 : i32
      %dma_start3A_56 = tpu.memref_slice %arg9[%dma_start3A_51, %dma_start3A_55] : memref<4x128xi32, #tpu.memory_space<vmem>> -> memref<1x128xi32, #tpu.memory_space<vmem>>
      %dma_start3A_57 = tpu.memref_squeeze %dma_start3A_56 : memref<1x128xi32, #tpu.memory_space<vmem>> -> memref<128xi32, #tpu.memory_space<vmem>>
      %dma_start3A_58 = arith.constant 0 : i32
      %dma_start3A_59 = arith.constant 0 : i32
      %dma_start3A_60 = tpu.memref_slice %arg4[%dma_start3A_58, %dma_start3A_59] : memref<10000x16xf32, #tpu.memory_space<hbm>> -> memref<10000x16xf32, #tpu.memory_space<hbm>>
      tpu.enqueue_indirect_dma source(%dma_start3A_60 : memref<10000x16xf32, #tpu.memory_space<hbm>>) target(%dma_start3A_54 : memref<128x16xf32, #tpu.memory_space<vmem>>) offsets(%dma_start3A_57 : memref<128xi32, #tpu.memory_space<vmem>>) semaphore(%arg12 : memref<!tpu.dma_semaphore, #tpu.memory_space<semaphore_mem>>)
      %dma_start3A_61 = arith.constant 2 : i32
      %dma_start3A_62 = arith.constant 256 : i32
      %dma_start3A_63 = arith.constant 0 : i32
      %dma_start3A_64 = tpu.memref_slice %arg10[%dma_start3A_62, %dma_start3A_63] : memref<512x80xf32, #tpu.memory_space<vmem>> -> memref<128x80xf32, #tpu.memory_space<vmem>>
      %dma_start3A_65 = arith.constant 0 : i32
      %dma_start3A_66 = tpu.memref_slice %arg8[%dma_start3A_61, %dma_start3A_65] : memref<4x128xi32, #tpu.memory_space<vmem>> -> memref<1x128xi32, #tpu.memory_space<vmem>>
      %dma_start3A_67 = tpu.memref_squeeze %dma_start3A_66 : memref<1x128xi32, #tpu.memory_space<vmem>> -> memref<128xi32, #tpu.memory_space<vmem>>
      %dma_start3A_68 = arith.constant 0 : i32
      %dma_start3A_69 = arith.constant 0 : i32
      %dma_start3A_70 = tpu.memref_slice %arg2[%dma_start3A_68, %dma_start3A_69] : memref<10000x80xf32, #tpu.memory_space<hbm>> -> memref<10000x80xf32, #tpu.memory_space<hbm>>
      tpu.enqueue_indirect_dma source(%dma_start3A_70 : memref<10000x80xf32, #tpu.memory_space<hbm>>) target(%dma_start3A_64 : memref<128x80xf32, #tpu.memory_space<vmem>>) offsets(%dma_start3A_67 : memref<128xi32, #tpu.memory_space<vmem>>) semaphore(%arg12 : memref<!tpu.dma_semaphore, #tpu.memory_space<semaphore_mem>>)
      %dma_start3A_71 = arith.constant 2 : i32
      %dma_start3A_72 = arith.constant 256 : i32
      %dma_start3A_73 = arith.constant 0 : i32
      %dma_start3A_74 = tpu.memref_slice %arg11[%dma_start3A_72, %dma_start3A_73] : memref<512x16xf32, #tpu.memory_space<vmem>> -> memref<128x16xf32, #tpu.memory_space<vmem>>
      %dma_start3A_75 = arith.constant 0 : i32
      %dma_start3A_76 = tpu.memref_slice %arg9[%dma_start3A_71, %dma_start3A_75] : memref<4x128xi32, #tpu.memory_space<vmem>> -> memref<1x128xi32, #tpu.memory_space<vmem>>
      %dma_start3A_77 = tpu.memref_squeeze %dma_start3A_76 : memref<1x128xi32, #tpu.memory_space<vmem>> -> memref<128xi32, #tpu.memory_space<vmem>>
      %dma_start3A_78 = arith.constant 0 : i32
      %dma_start3A_79 = arith.constant 0 : i32
      %dma_start3A_80 = tpu.memref_slice %arg4[%dma_start3A_78, %dma_start3A_79] : memref<10000x16xf32, #tpu.memory_space<hbm>> -> memref<10000x16xf32, #tpu.memory_space<hbm>>
      tpu.enqueue_indirect_dma source(%dma_start3A_80 : memref<10000x16xf32, #tpu.memory_space<hbm>>) target(%dma_start3A_74 : memref<128x16xf32, #tpu.memory_space<vmem>>) offsets(%dma_start3A_77 : memref<128xi32, #tpu.memory_space<vmem>>) semaphore(%arg12 : memref<!tpu.dma_semaphore, #tpu.memory_space<semaphore_mem>>)
      %dma_start3A_81 = arith.constant 3 : i32
      %dma_start3A_82 = arith.constant 384 : i32
      %dma_start3A_83 = arith.constant 0 : i32
      %dma_start3A_84 = tpu.memref_slice %arg10[%dma_start3A_82, %dma_start3A_83] : memref<512x80xf32, #tpu.memory_space<vmem>> -> memref<128x80xf32, #tpu.memory_space<vmem>>
      %dma_start3A_85 = arith.constant 0 : i32
      %dma_start3A_86 = tpu.memref_slice %arg8[%dma_start3A_81, %dma_start3A_85] : memref<4x128xi32, #tpu.memory_space<vmem>> -> memref<1x128xi32, #tpu.memory_space<vmem>>
      %dma_start3A_87 = tpu.memref_squeeze %dma_start3A_86 : memref<1x128xi32, #tpu.memory_space<vmem>> -> memref<128xi32, #tpu.memory_space<vmem>>
      %dma_start3A_88 = arith.constant 0 : i32
      %dma_start3A_89 = arith.constant 0 : i32
      %dma_start3A_90 = tpu.memref_slice %arg2[%dma_start3A_88, %dma_start3A_89] : memref<10000x80xf32, #tpu.memory_space<hbm>> -> memref<10000x80xf32, #tpu.memory_space<hbm>>
      tpu.enqueue_indirect_dma source(%dma_start3A_90 : memref<10000x80xf32, #tpu.memory_space<hbm>>) target(%dma_start3A_84 : memref<128x80xf32, #tpu.memory_space<vmem>>) offsets(%dma_start3A_87 : memref<128xi32, #tpu.memory_space<vmem>>) semaphore(%arg12 : memref<!tpu.dma_semaphore, #tpu.memory_space<semaphore_mem>>)
      %dma_start3A_91 = arith.constant 3 : i32
      %dma_start3A_92 = arith.constant 384 : i32
      %dma_start3A_93 = arith.constant 0 : i32
      %dma_start3A_94 = tpu.memref_slice %arg11[%dma_start3A_92, %dma_start3A_93] : memref<512x16xf32, #tpu.memory_space<vmem>> -> memref<128x16xf32, #tpu.memory_space<vmem>>
      %dma_start3A_95 = arith.constant 0 : i32
      %dma_start3A_96 = tpu.memref_slice %arg9[%dma_start3A_91, %dma_start3A_95] : memref<4x128xi32, #tpu.memory_space<vmem>> -> memref<1x128xi32, #tpu.memory_space<vmem>>
      %dma_start3A_97 = tpu.memref_squeeze %dma_start3A_96 : memref<1x128xi32, #tpu.memory_space<vmem>> -> memref<128xi32, #tpu.memory_space<vmem>>
      %dma_start3A_98 = arith.constant 0 : i32
      %dma_start3A_99 = arith.constant 0 : i32
      %dma_start3A_100 = tpu.memref_slice %arg4[%dma_start3A_98, %dma_start3A_99] : memref<10000x16xf32, #tpu.memory_space<hbm>> -> memref<10000x16xf32, #tpu.memory_space<hbm>>
      tpu.enqueue_indirect_dma source(%dma_start3A_100 : memref<10000x16xf32, #tpu.memory_space<hbm>>) target(%dma_start3A_94 : memref<128x16xf32, #tpu.memory_space<vmem>>) offsets(%dma_start3A_97 : memref<128xi32, #tpu.memory_space<vmem>>) semaphore(%arg12 : memref<!tpu.dma_semaphore, #tpu.memory_space<semaphore_mem>>)
      %dma_wait3A = arith.constant 0 : i32
      %dma_wait3A_101 = arith.constant 0 : i32
      %dma_wait3A_102 = arith.constant 0 : i32
      %dma_wait3A_103 = tpu.memref_slice %arg10[%dma_wait3A_101, %dma_wait3A_102] : memref<512x80xf32, #tpu.memory_space<vmem>> -> memref<128x80xf32, #tpu.memory_space<vmem>>
      %dma_wait3A_104 = arith.constant 0 : i32
      %dma_wait3A_105 = tpu.memref_slice %arg8[%dma_wait3A, %dma_wait3A_104] : memref<4x128xi32, #tpu.memory_space<vmem>> -> memref<1x128xi32, #tpu.memory_space<vmem>>
      %dma_wait3A_106 = tpu.memref_squeeze %dma_wait3A_105 : memref<1x128xi32, #tpu.memory_space<vmem>> -> memref<128xi32, #tpu.memory_space<vmem>>
      %dma_wait3A_107 = arith.constant 0 : i32
      %dma_wait3A_108 = arith.constant 0 : i32
      %dma_wait3A_109 = tpu.memref_slice %arg2[%dma_wait3A_107, %dma_wait3A_108] : memref<10000x80xf32, #tpu.memory_space<hbm>> -> memref<10000x80xf32, #tpu.memory_space<hbm>>
      tpu.wait_indirect_dma semaphore(%arg12 : memref<!tpu.dma_semaphore, #tpu.memory_space<semaphore_mem>>) src(%dma_wait3A_109 : memref<10000x80xf32, #tpu.memory_space<hbm>>) dst(%dma_wait3A_103 : memref<128x80xf32, #tpu.memory_space<vmem>>)
      %dma_wait3A_110 = arith.constant 0 : i32
      %dma_wait3A_111 = arith.constant 0 : i32
      %dma_wait3A_112 = arith.constant 0 : i32
      %dma_wait3A_113 = tpu.memref_slice %arg11[%dma_wait3A_111, %dma_wait3A_112] : memref<512x16xf32, #tpu.memory_space<vmem>> -> memref<128x16xf32, #tpu.memory_space<vmem>>
      %dma_wait3A_114 = arith.constant 0 : i32
      %dma_wait3A_115 = tpu.memref_slice %arg9[%dma_wait3A_110, %dma_wait3A_114] : memref<4x128xi32, #tpu.memory_space<vmem>> -> memref<1x128xi32, #tpu.memory_space<vmem>>
      %dma_wait3A_116 = tpu.memref_squeeze %dma_wait3A_115 : memref<1x128xi32, #tpu.memory_space<vmem>> -> memref<128xi32, #tpu.memory_space<vmem>>
      %dma_wait3A_117 = arith.constant 0 : i32
      %dma_wait3A_118 = arith.constant 0 : i32
      %dma_wait3A_119 = tpu.memref_slice %arg4[%dma_wait3A_117, %dma_wait3A_118] : memref<10000x16xf32, #tpu.memory_space<hbm>> -> memref<10000x16xf32, #tpu.memory_space<hbm>>
      tpu.wait_indirect_dma semaphore(%arg12 : memref<!tpu.dma_semaphore, #tpu.memory_space<semaphore_mem>>) src(%dma_wait3A_119 : memref<10000x16xf32, #tpu.memory_space<hbm>>) dst(%dma_wait3A_113 : memref<128x16xf32, #tpu.memory_space<vmem>>)
      %dma_wait3A_120 = arith.constant 1 : i32
      %dma_wait3A_121 = arith.constant 128 : i32
      %dma_wait3A_122 = arith.constant 0 : i32
      %dma_wait3A_123 = tpu.memref_slice %arg10[%dma_wait3A_121, %dma_wait3A_122] : memref<512x80xf32, #tpu.memory_space<vmem>> -> memref<128x80xf32, #tpu.memory_space<vmem>>
      %dma_wait3A_124 = arith.constant 0 : i32
      %dma_wait3A_125 = tpu.memref_slice %arg8[%dma_wait3A_120, %dma_wait3A_124] : memref<4x128xi32, #tpu.memory_space<vmem>> -> memref<1x128xi32, #tpu.memory_space<vmem>>
      %dma_wait3A_126 = tpu.memref_squeeze %dma_wait3A_125 : memref<1x128xi32, #tpu.memory_space<vmem>> -> memref<128xi32, #tpu.memory_space<vmem>>
      %dma_wait3A_127 = arith.constant 0 : i32
      %dma_wait3A_128 = arith.constant 0 : i32
      %dma_wait3A_129 = tpu.memref_slice %arg2[%dma_wait3A_127, %dma_wait3A_128] : memref<10000x80xf32, #tpu.memory_space<hbm>> -> memref<10000x80xf32, #tpu.memory_space<hbm>>
      tpu.wait_indirect_dma semaphore(%arg12 : memref<!tpu.dma_semaphore, #tpu.memory_space<semaphore_mem>>) src(%dma_wait3A_129 : memref<10000x80xf32, #tpu.memory_space<hbm>>) dst(%dma_wait3A_123 : memref<128x80xf32, #tpu.memory_space<vmem>>)
      %dma_wait3A_130 = arith.constant 1 : i32
      %dma_wait3A_131 = arith.constant 128 : i32
      %dma_wait3A_132 = arith.constant 0 : i32
      %dma_wait3A_133 = tpu.memref_slice %arg11[%dma_wait3A_131, %dma_wait3A_132] : memref<512x16xf32, #tpu.memory_space<vmem>> -> memref<128x16xf32, #tpu.memory_space<vmem>>
      %dma_wait3A_134 = arith.constant 0 : i32
      %dma_wait3A_135 = tpu.memref_slice %arg9[%dma_wait3A_130, %dma_wait3A_134] : memref<4x128xi32, #tpu.memory_space<vmem>> -> memref<1x128xi32, #tpu.memory_space<vmem>>
      %dma_wait3A_136 = tpu.memref_squeeze %dma_wait3A_135 : memref<1x128xi32, #tpu.memory_space<vmem>> -> memref<128xi32, #tpu.memory_space<vmem>>
      %dma_wait3A_137 = arith.constant 0 : i32
      %dma_wait3A_138 = arith.constant 0 : i32
      %dma_wait3A_139 = tpu.memref_slice %arg4[%dma_wait3A_137, %dma_wait3A_138] : memref<10000x16xf32, #tpu.memory_space<hbm>> -> memref<10000x16xf32, #tpu.memory_space<hbm>>
      tpu.wait_indirect_dma semaphore(%arg12 : memref<!tpu.dma_semaphore, #tpu.memory_space<semaphore_mem>>) src(%dma_wait3A_139 : memref<10000x16xf32, #tpu.memory_space<hbm>>) dst(%dma_wait3A_133 : memref<128x16xf32, #tpu.memory_space<vmem>>)
      %dma_wait3A_140 = arith.constant 2 : i32
      %dma_wait3A_141 = arith.constant 256 : i32
      %dma_wait3A_142 = arith.constant 0 : i32
      %dma_wait3A_143 = tpu.memref_slice %arg10[%dma_wait3A_141, %dma_wait3A_142] : memref<512x80xf32, #tpu.memory_space<vmem>> -> memref<128x80xf32, #tpu.memory_space<vmem>>
      %dma_wait3A_144 = arith.constant 0 : i32
      %dma_wait3A_145 = tpu.memref_slice %arg8[%dma_wait3A_140, %dma_wait3A_144] : memref<4x128xi32, #tpu.memory_space<vmem>> -> memref<1x128xi32, #tpu.memory_space<vmem>>
      %dma_wait3A_146 = tpu.memref_squeeze %dma_wait3A_145 : memref<1x128xi32, #tpu.memory_space<vmem>> -> memref<128xi32, #tpu.memory_space<vmem>>
      %dma_wait3A_147 = arith.constant 0 : i32
      %dma_wait3A_148 = arith.constant 0 : i32
      %dma_wait3A_149 = tpu.memref_slice %arg2[%dma_wait3A_147, %dma_wait3A_148] : memref<10000x80xf32, #tpu.memory_space<hbm>> -> memref<10000x80xf32, #tpu.memory_space<hbm>>
      tpu.wait_indirect_dma semaphore(%arg12 : memref<!tpu.dma_semaphore, #tpu.memory_space<semaphore_mem>>) src(%dma_wait3A_149 : memref<10000x80xf32, #tpu.memory_space<hbm>>) dst(%dma_wait3A_143 : memref<128x80xf32, #tpu.memory_space<vmem>>)
      %dma_wait3A_150 = arith.constant 2 : i32
      %dma_wait3A_151 = arith.constant 256 : i32
      %dma_wait3A_152 = arith.constant 0 : i32
      %dma_wait3A_153 = tpu.memref_slice %arg11[%dma_wait3A_151, %dma_wait3A_152] : memref<512x16xf32, #tpu.memory_space<vmem>> -> memref<128x16xf32, #tpu.memory_space<vmem>>
      %dma_wait3A_154 = arith.constant 0 : i32
      %dma_wait3A_155 = tpu.memref_slice %arg9[%dma_wait3A_150, %dma_wait3A_154] : memref<4x128xi32, #tpu.memory_space<vmem>> -> memref<1x128xi32, #tpu.memory_space<vmem>>
      %dma_wait3A_156 = tpu.memref_squeeze %dma_wait3A_155 : memref<1x128xi32, #tpu.memory_space<vmem>> -> memref<128xi32, #tpu.memory_space<vmem>>
      %dma_wait3A_157 = arith.constant 0 : i32
      %dma_wait3A_158 = arith.constant 0 : i32
      %dma_wait3A_159 = tpu.memref_slice %arg4[%dma_wait3A_157, %dma_wait3A_158] : memref<10000x16xf32, #tpu.memory_space<hbm>> -> memref<10000x16xf32, #tpu.memory_space<hbm>>
      tpu.wait_indirect_dma semaphore(%arg12 : memref<!tpu.dma_semaphore, #tpu.memory_space<semaphore_mem>>) src(%dma_wait3A_159 : memref<10000x16xf32, #tpu.memory_space<hbm>>) dst(%dma_wait3A_153 : memref<128x16xf32, #tpu.memory_space<vmem>>)
      %dma_wait3A_160 = arith.constant 3 : i32
      %dma_wait3A_161 = arith.constant 384 : i32
      %dma_wait3A_162 = arith.constant 0 : i32
      %dma_wait3A_163 = tpu.memref_slice %arg10[%dma_wait3A_161, %dma_wait3A_162] : memref<512x80xf32, #tpu.memory_space<vmem>> -> memref<128x80xf32, #tpu.memory_space<vmem>>
      %dma_wait3A_164 = arith.constant 0 : i32
      %dma_wait3A_165 = tpu.memref_slice %arg8[%dma_wait3A_160, %dma_wait3A_164] : memref<4x128xi32, #tpu.memory_space<vmem>> -> memref<1x128xi32, #tpu.memory_space<vmem>>
      %dma_wait3A_166 = tpu.memref_squeeze %dma_wait3A_165 : memref<1x128xi32, #tpu.memory_space<vmem>> -> memref<128xi32, #tpu.memory_space<vmem>>
      %dma_wait3A_167 = arith.constant 0 : i32
      %dma_wait3A_168 = arith.constant 0 : i32
      %dma_wait3A_169 = tpu.memref_slice %arg2[%dma_wait3A_167, %dma_wait3A_168] : memref<10000x80xf32, #tpu.memory_space<hbm>> -> memref<10000x80xf32, #tpu.memory_space<hbm>>
      tpu.wait_indirect_dma semaphore(%arg12 : memref<!tpu.dma_semaphore, #tpu.memory_space<semaphore_mem>>) src(%dma_wait3A_169 : memref<10000x80xf32, #tpu.memory_space<hbm>>) dst(%dma_wait3A_163 : memref<128x80xf32, #tpu.memory_space<vmem>>)
      %dma_wait3A_170 = arith.constant 3 : i32
      %dma_wait3A_171 = arith.constant 384 : i32
      %dma_wait3A_172 = arith.constant 0 : i32
      %dma_wait3A_173 = tpu.memref_slice %arg11[%dma_wait3A_171, %dma_wait3A_172] : memref<512x16xf32, #tpu.memory_space<vmem>> -> memref<128x16xf32, #tpu.memory_space<vmem>>
      %dma_wait3A_174 = arith.constant 0 : i32
      %dma_wait3A_175 = tpu.memref_slice %arg9[%dma_wait3A_170, %dma_wait3A_174] : memref<4x128xi32, #tpu.memory_space<vmem>> -> memref<1x128xi32, #tpu.memory_space<vmem>>
      %dma_wait3A_176 = tpu.memref_squeeze %dma_wait3A_175 : memref<1x128xi32, #tpu.memory_space<vmem>> -> memref<128xi32, #tpu.memory_space<vmem>>
      %dma_wait3A_177 = arith.constant 0 : i32
      %dma_wait3A_178 = arith.constant 0 : i32
      %dma_wait3A_179 = tpu.memref_slice %arg4[%dma_wait3A_177, %dma_wait3A_178] : memref<10000x16xf32, #tpu.memory_space<hbm>> -> memref<10000x16xf32, #tpu.memory_space<hbm>>
      tpu.wait_indirect_dma semaphore(%arg12 : memref<!tpu.dma_semaphore, #tpu.memory_space<semaphore_mem>>) src(%dma_wait3A_179 : memref<10000x16xf32, #tpu.memory_space<hbm>>) dst(%dma_wait3A_173 : memref<128x16xf32, #tpu.memory_space<vmem>>)
      "tpu.region"() ({
        %run_scoped3A = tpu.sem_alloc : memref<!tpu.dma_semaphore, #tpu.memory_space<semaphore_mem>>
        %dma_start3A_180 = arith.constant 0 : i32
        %dma_start3A_181 = tpu.memref_slice %arg6[%add3A_11, %dma_start3A_180] : memref<655360x80xf32, #tpu.memory_space<hbm>> -> memref<512x80xf32, #tpu.memory_space<hbm>>
        %dma_start3A_182 = arith.constant 0 : i32
        %dma_start3A_183 = tpu.memref_slice %arg6[%add3A_11, %dma_start3A_182] : memref<655360x80xf32, #tpu.memory_space<hbm>> -> memref<512x80xf32, #tpu.memory_space<hbm>>
        tpu.enqueue_dma source(%arg10 : memref<512x80xf32, #tpu.memory_space<vmem>>) target(%dma_start3A_183 : memref<512x80xf32, #tpu.memory_space<hbm>>) target_semaphore(%run_scoped3A : memref<!tpu.dma_semaphore, #tpu.memory_space<semaphore_mem>>)
        %dma_wait3A_184 = arith.constant 0 : i32
        %dma_wait3A_185 = tpu.memref_slice %arg6[%add3A_11, %dma_wait3A_184] : memref<655360x80xf32, #tpu.memory_space<hbm>> -> memref<512x80xf32, #tpu.memory_space<hbm>>
        %dma_wait3A_186 = arith.constant 0 : i32
        %dma_wait3A_187 = tpu.memref_slice %arg6[%add3A_11, %dma_wait3A_186] : memref<655360x80xf32, #tpu.memory_space<hbm>> -> memref<512x80xf32, #tpu.memory_space<hbm>>
        tpu.wait_dma2 semaphore(%run_scoped3A : memref<!tpu.dma_semaphore, #tpu.memory_space<semaphore_mem>>) src(%arg10 : memref<512x80xf32, #tpu.memory_space<vmem>>) dst(%dma_wait3A_187 : memref<512x80xf32, #tpu.memory_space<hbm>>)
        tpu.yield
      }) : () -> ()
      "tpu.region"() ({
        %run_scoped3A = tpu.sem_alloc : memref<!tpu.dma_semaphore, #tpu.memory_space<semaphore_mem>>
        %dma_start3A_180 = arith.constant 0 : i32
        %dma_start3A_181 = tpu.memref_slice %arg7[%add3A_11, %dma_start3A_180] : memref<655360x16xf32, #tpu.memory_space<hbm>> -> memref<512x16xf32, #tpu.memory_space<hbm>>
        %dma_start3A_182 = arith.constant 0 : i32
        %dma_start3A_183 = tpu.memref_slice %arg7[%add3A_11, %dma_start3A_182] : memref<655360x16xf32, #tpu.memory_space<hbm>> -> memref<512x16xf32, #tpu.memory_space<hbm>>
        tpu.enqueue_dma source(%arg11 : memref<512x16xf32, #tpu.memory_space<vmem>>) target(%dma_start3A_183 : memref<512x16xf32, #tpu.memory_space<hbm>>) target_semaphore(%run_scoped3A : memref<!tpu.dma_semaphore, #tpu.memory_space<semaphore_mem>>)
        %dma_wait3A_184 = arith.constant 0 : i32
        %dma_wait3A_185 = tpu.memref_slice %arg7[%add3A_11, %dma_wait3A_184] : memref<655360x16xf32, #tpu.memory_space<hbm>> -> memref<512x16xf32, #tpu.memory_space<hbm>>
        %dma_wait3A_186 = arith.constant 0 : i32
        %dma_wait3A_187 = tpu.memref_slice %arg7[%add3A_11, %dma_wait3A_186] : memref<655360x16xf32, #tpu.memory_space<hbm>> -> memref<512x16xf32, #tpu.memory_space<hbm>>
        tpu.wait_dma2 semaphore(%run_scoped3A : memref<!tpu.dma_semaphore, #tpu.memory_space<semaphore_mem>>) src(%arg11 : memref<512x16xf32, #tpu.memory_space<vmem>>) dst(%dma_wait3A_187 : memref<512x16xf32, #tpu.memory_space<hbm>>)
        tpu.yield
      }) : () -> ()
    }
    %scan3A_5 = arith.constant 40 : i32
    return
  }
}

#map = affine_map<(d0, d1) -> (0, 0)>
module attributes {stable_mosaic.version = 14 : i64} {
  func.func @sc_gather1_1024(%arg0: i32, %arg1: i32, %arg2: memref<10000x80xf32, #tpu.memory_space<hbm>>, %arg3: memref<32x32xi32, #tpu.memory_space<hbm>>, %arg4: memref<1024x80xf32, #tpu.memory_space<hbm>>, %arg5: memref<1x32xi32, #tpu.memory_space<vmem>>, %arg6: memref<32x80xf32, #tpu.memory_space<vmem>>, %arg7: memref<!tpu.dma_semaphore, #tpu.memory_space<semaphore_mem>>) attributes {dimension_semantics = [#tpu.dimension_semantics<core_parallel>, #tpu.dimension_semantics<subcore_parallel>], iteration_bounds = array<i64: 2, 16>, scalar_prefetch = 0 : i64, scratch_operands = 3 : i64, tpu.core_type = #tpu.core_type<sc_vector_subcore>, window_params = [{transform_indices = #map}, {transform_indices = #map}, {transform_indices = #map}]} {
    %mul3A = arith.constant 2 : i32
    %mul3A_0 = arith.muli %arg1, %mul3A : i32
    %add3A = arith.addi %mul3A_0, %arg0 : i32
    %scan3A = arith.constant 0 : i32
    %scan3A_1 = arith.constant 0 : i32
    %mul3A_2 = arith.constant 32 : i32
    %mul3A_3 = arith.muli %add3A, %mul3A_2 : i32
    %mul3A_4 = arith.constant 32 : i32
    %mul3A_5 = arith.muli %scan3A_1, %mul3A_4 : i32
    %add3A_6 = arith.addi %mul3A_3, %mul3A_5 : i32
    %mul3A_7 = arith.constant 1 : i32
    %mul3A_8 = arith.muli %add3A, %mul3A_7 : i32
    %mul3A_9 = arith.constant 1 : i32
    %mul3A_10 = arith.muli %scan3A_1, %mul3A_9 : i32
    %add3A_11 = arith.addi %mul3A_8, %mul3A_10 : i32
    "tpu.region"() ({
      %run_scoped3A = tpu.sem_alloc : memref<!tpu.dma_semaphore, #tpu.memory_space<semaphore_mem>>
      %dma_start3A_31 = arith.constant 0 : i32
      %dma_start3A_32 = tpu.memref_slice %arg3[%add3A_11, %dma_start3A_31] : memref<32x32xi32, #tpu.memory_space<hbm>> -> memref<1x32xi32, #tpu.memory_space<hbm>>
      %dma_start3A_33 = arith.constant 0 : i32
      %dma_start3A_34 = tpu.memref_slice %arg3[%add3A_11, %dma_start3A_33] : memref<32x32xi32, #tpu.memory_space<hbm>> -> memref<1x32xi32, #tpu.memory_space<hbm>>
      tpu.enqueue_dma source(%dma_start3A_34 : memref<1x32xi32, #tpu.memory_space<hbm>>) target(%arg5 : memref<1x32xi32, #tpu.memory_space<vmem>>) target_semaphore(%run_scoped3A : memref<!tpu.dma_semaphore, #tpu.memory_space<semaphore_mem>>)
      %dma_wait3A_35 = arith.constant 0 : i32
      %dma_wait3A_36 = tpu.memref_slice %arg3[%add3A_11, %dma_wait3A_35] : memref<32x32xi32, #tpu.memory_space<hbm>> -> memref<1x32xi32, #tpu.memory_space<hbm>>
      %dma_wait3A_37 = arith.constant 0 : i32
      %dma_wait3A_38 = tpu.memref_slice %arg3[%add3A_11, %dma_wait3A_37] : memref<32x32xi32, #tpu.memory_space<hbm>> -> memref<1x32xi32, #tpu.memory_space<hbm>>
      tpu.wait_dma2 semaphore(%run_scoped3A : memref<!tpu.dma_semaphore, #tpu.memory_space<semaphore_mem>>) src(%dma_wait3A_38 : memref<1x32xi32, #tpu.memory_space<hbm>>) dst(%arg5 : memref<1x32xi32, #tpu.memory_space<vmem>>)
      tpu.yield
    }) : () -> ()
    %dma_start3A = arith.constant 0 : i32
    %dma_start3A_12 = arith.constant 0 : i32
    %dma_start3A_13 = arith.constant 0 : i32
    %dma_start3A_14 = tpu.memref_slice %arg6[%dma_start3A_12, %dma_start3A_13] : memref<32x80xf32, #tpu.memory_space<vmem>> -> memref<32x80xf32, #tpu.memory_space<vmem>>
    %dma_start3A_15 = arith.constant 0 : i32
    %dma_start3A_16 = tpu.memref_slice %arg5[%dma_start3A, %dma_start3A_15] : memref<1x32xi32, #tpu.memory_space<vmem>> -> memref<1x32xi32, #tpu.memory_space<vmem>>
    %dma_start3A_17 = tpu.memref_squeeze %dma_start3A_16 : memref<1x32xi32, #tpu.memory_space<vmem>> -> memref<32xi32, #tpu.memory_space<vmem>>
    %dma_start3A_18 = arith.constant 0 : i32
    %dma_start3A_19 = arith.constant 0 : i32
    %dma_start3A_20 = tpu.memref_slice %arg2[%dma_start3A_18, %dma_start3A_19] : memref<10000x80xf32, #tpu.memory_space<hbm>> -> memref<10000x80xf32, #tpu.memory_space<hbm>>
    tpu.enqueue_indirect_dma source(%dma_start3A_20 : memref<10000x80xf32, #tpu.memory_space<hbm>>) target(%dma_start3A_14 : memref<32x80xf32, #tpu.memory_space<vmem>>) offsets(%dma_start3A_17 : memref<32xi32, #tpu.memory_space<vmem>>) semaphore(%arg7 : memref<!tpu.dma_semaphore, #tpu.memory_space<semaphore_mem>>)
    %dma_wait3A = arith.constant 0 : i32
    %dma_wait3A_21 = arith.constant 0 : i32
    %dma_wait3A_22 = arith.constant 0 : i32
    %dma_wait3A_23 = tpu.memref_slice %arg6[%dma_wait3A_21, %dma_wait3A_22] : memref<32x80xf32, #tpu.memory_space<vmem>> -> memref<32x80xf32, #tpu.memory_space<vmem>>
    %dma_wait3A_24 = arith.constant 0 : i32
    %dma_wait3A_25 = tpu.memref_slice %arg5[%dma_wait3A, %dma_wait3A_24] : memref<1x32xi32, #tpu.memory_space<vmem>> -> memref<1x32xi32, #tpu.memory_space<vmem>>
    %dma_wait3A_26 = tpu.memref_squeeze %dma_wait3A_25 : memref<1x32xi32, #tpu.memory_space<vmem>> -> memref<32xi32, #tpu.memory_space<vmem>>
    %dma_wait3A_27 = arith.constant 0 : i32
    %dma_wait3A_28 = arith.constant 0 : i32
    %dma_wait3A_29 = tpu.memref_slice %arg2[%dma_wait3A_27, %dma_wait3A_28] : memref<10000x80xf32, #tpu.memory_space<hbm>> -> memref<10000x80xf32, #tpu.memory_space<hbm>>
    tpu.wait_indirect_dma semaphore(%arg7 : memref<!tpu.dma_semaphore, #tpu.memory_space<semaphore_mem>>) src(%dma_wait3A_29 : memref<10000x80xf32, #tpu.memory_space<hbm>>) dst(%dma_wait3A_23 : memref<32x80xf32, #tpu.memory_space<vmem>>)
    "tpu.region"() ({
      %run_scoped3A = tpu.sem_alloc : memref<!tpu.dma_semaphore, #tpu.memory_space<semaphore_mem>>
      %dma_start3A_31 = arith.constant 0 : i32
      %dma_start3A_32 = tpu.memref_slice %arg4[%add3A_6, %dma_start3A_31] : memref<1024x80xf32, #tpu.memory_space<hbm>> -> memref<32x80xf32, #tpu.memory_space<hbm>>
      %dma_start3A_33 = arith.constant 0 : i32
      %dma_start3A_34 = tpu.memref_slice %arg4[%add3A_6, %dma_start3A_33] : memref<1024x80xf32, #tpu.memory_space<hbm>> -> memref<32x80xf32, #tpu.memory_space<hbm>>
      tpu.enqueue_dma source(%arg6 : memref<32x80xf32, #tpu.memory_space<vmem>>) target(%dma_start3A_34 : memref<32x80xf32, #tpu.memory_space<hbm>>) target_semaphore(%run_scoped3A : memref<!tpu.dma_semaphore, #tpu.memory_space<semaphore_mem>>)
      %dma_wait3A_35 = arith.constant 0 : i32
      %dma_wait3A_36 = tpu.memref_slice %arg4[%add3A_6, %dma_wait3A_35] : memref<1024x80xf32, #tpu.memory_space<hbm>> -> memref<32x80xf32, #tpu.memory_space<hbm>>
      %dma_wait3A_37 = arith.constant 0 : i32
      %dma_wait3A_38 = tpu.memref_slice %arg4[%add3A_6, %dma_wait3A_37] : memref<1024x80xf32, #tpu.memory_space<hbm>> -> memref<32x80xf32, #tpu.memory_space<hbm>>
      tpu.wait_dma2 semaphore(%run_scoped3A : memref<!tpu.dma_semaphore, #tpu.memory_space<semaphore_mem>>) src(%arg6 : memref<32x80xf32, #tpu.memory_space<vmem>>) dst(%dma_wait3A_38 : memref<32x80xf32, #tpu.memory_space<hbm>>)
      tpu.yield
    }) : () -> ()
    %scan3A_30 = arith.constant 1 : i32
    return
  }
}

#map = affine_map<(d0, d1) -> (0)>
module attributes {stable_mosaic.version = 14 : i64} {
  func.func @sc_rankmap(%arg0: i32, %arg1: i32, %arg2: memref<1024xi32, #tpu.memory_space<hbm>>, %arg3: memref<655360xi32, #tpu.memory_space<hbm>>, %arg4: memref<655360xi32, #tpu.memory_space<hbm>>, %arg5: memref<655360xi32, #tpu.memory_space<hbm>>, %arg6: memref<655360xi32, #tpu.memory_space<hbm>>, %arg7: memref<655360xf32, #tpu.memory_space<hbm>>, %arg8: memref<10240xi32, #tpu.memory_space<hbm>>, %arg9: memref<10240xi32, #tpu.memory_space<vmem>>, %arg10: memref<1024xi32, #tpu.memory_space<vmem>>, %arg11: memref<2048xi32, #tpu.memory_space<vmem>>, %arg12: memref<2048xi32, #tpu.memory_space<vmem>>, %arg13: memref<2048xi32, #tpu.memory_space<vmem>>, %arg14: memref<2048xi32, #tpu.memory_space<vmem>>, %arg15: memref<2048xf32, #tpu.memory_space<vmem>>) attributes {dimension_semantics = [#tpu.dimension_semantics<core_parallel>, #tpu.dimension_semantics<subcore_parallel>], iteration_bounds = array<i64: 2, 16>, scalar_prefetch = 0 : i64, scratch_operands = 7 : i64, tpu.core_type = #tpu.core_type<sc_vector_subcore>, window_params = [{transform_indices = #map}, {transform_indices = #map}, {transform_indices = #map}, {transform_indices = #map}, {transform_indices = #map}, {transform_indices = #map}, {transform_indices = #map}]} {
    %mul3A = arith.constant 2 : i32
    %mul3A_0 = arith.muli %arg1, %mul3A : i32
    %add3A = arith.addi %mul3A_0, %arg0 : i32
    "tpu.region"() ({
      %run_scoped3A = tpu.sem_alloc : memref<!tpu.dma_semaphore, #tpu.memory_space<semaphore_mem>>
      tpu.enqueue_dma source(%arg2 : memref<1024xi32, #tpu.memory_space<hbm>>) target(%arg10 : memref<1024xi32, #tpu.memory_space<vmem>>) target_semaphore(%run_scoped3A : memref<!tpu.dma_semaphore, #tpu.memory_space<semaphore_mem>>)
      tpu.wait_dma2 semaphore(%run_scoped3A : memref<!tpu.dma_semaphore, #tpu.memory_space<semaphore_mem>>) src(%arg2 : memref<1024xi32, #tpu.memory_space<hbm>>) dst(%arg10 : memref<1024xi32, #tpu.memory_space<vmem>>)
      tpu.yield
    }) : () -> ()
    %broadcast_in_dim3A = arith.constant 1000 : i32
    %broadcast_in_dim3A_1 = vector.broadcast %broadcast_in_dim3A : i32 to vector<16xi32>
    %scan3A = arith.constant 0 : i32
    %scan3A_2 = arith.constant 0 : i32
    %scan3A_3 = arith.constant 640 : i32
    %scan3A_4 = arith.addi %scan3A_2, %scan3A_3 : i32
    %scan3A_5 = arith.constant 1 : i32
    scf.for %scan3A_21 = %scan3A_2 to %scan3A_4 step %scan3A_5  : i32 {
      %mul3A_22 = arith.constant 16 : i32
      %mul3A_23 = arith.muli %scan3A_21, %mul3A_22 : i32
      %swap3A = arith.index_cast %mul3A_23 : i32 to index
      %swap3A_24 = tpu.vector_load %arg9[%swap3A] {strides = array<i32>} : memref<10240xi32, #tpu.memory_space<vmem>>, vector<16xi32>,
      tpu.vector_store %arg9[%swap3A], %broadcast_in_dim3A_1 {strides = array<i32>} : memref<10240xi32, #tpu.memory_space<vmem>>, vector<16xi32>,
    }
    %scan3A_6 = arith.constant 640 : i32
    %scan3A_7 = arith.constant 0 : i32
    %scan3A_8 = arith.constant 0 : i32
    %scan3A_9 = arith.constant 64 : i32
    %scan3A_10 = arith.addi %scan3A_8, %scan3A_9 : i32
    %scan3A_11 = arith.constant 1 : i32
    scf.for %scan3A_21 = %scan3A_8 to %scan3A_10 step %scan3A_11  : i32 {
      %mul3A_22 = arith.constant 16 : i32
      %mul3A_23 = arith.muli %scan3A_21, %mul3A_22 : i32
      %get3A = arith.index_cast %mul3A_23 : i32 to index
      %get3A_24 = tpu.vector_load %arg10[%get3A] {strides = array<i32>} : memref<1024xi32, #tpu.memory_space<vmem>>, vector<16xi32>,
      %mul3A_25 = arith.constant 16 : i32
      %mul3A_26 = arith.muli %scan3A_21, %mul3A_25 : i32
      %iota3A = tpu.iota {dimensions = array<i32: 0>} : vector<16xi32>
      %add3A_27 = vector.broadcast %mul3A_26 : i32 to vector<16xi32>
      %add3A_28 = arith.addi %add3A_27, %iota3A : vector<16xi32>
      %lt3A = arith.constant 1000 : i32
      %lt3A_29 = vector.broadcast %lt3A : i32 to vector<16xi32>
      %lt3A_30 = arith.cmpi slt, %add3A_28, %lt3A_29 : vector<16xi32>
      tpu.vector_store_idx %arg9[%get3A_24], %add3A_28 masked %lt3A_30 : memref<10240xi32, #tpu.memory_space<vmem>>[vector<16xi32>], vector<16xi32>, vector<16xi1>
    }
    %scan3A_12 = arith.constant 64 : i32
    %eq3A = arith.constant 0 : i32
    %eq3A_13 = arith.cmpi eq, %add3A, %eq3A : i32
    %convert_element_type3A = arith.extui %eq3A_13 : i1 to i32
    %cond3A = arith.constant 0 : i32
    %cond3A_14 = arith.cmpi ne, %convert_element_type3A, %cond3A : i32
    scf.if %cond3A_14 {
      "tpu.region"() ({
        %run_scoped3A = tpu.sem_alloc : memref<!tpu.dma_semaphore, #tpu.memory_space<semaphore_mem>>
        tpu.enqueue_dma source(%arg9 : memref<10240xi32, #tpu.memory_space<vmem>>) target(%arg8 : memref<10240xi32, #tpu.memory_space<hbm>>) target_semaphore(%run_scoped3A : memref<!tpu.dma_semaphore, #tpu.memory_space<semaphore_mem>>)
        tpu.wait_dma2 semaphore(%run_scoped3A : memref<!tpu.dma_semaphore, #tpu.memory_space<semaphore_mem>>) src(%arg9 : memref<10240xi32, #tpu.memory_space<vmem>>) dst(%arg8 : memref<10240xi32, #tpu.memory_space<hbm>>)
        tpu.yield
      }) : () -> ()
    } else {
    }
    %scan3A_15 = arith.constant 0 : i32
    %scan3A_16 = arith.constant 0 : i32
    %scan3A_17 = arith.constant 10 : i32
    %scan3A_18 = arith.addi %scan3A_16, %scan3A_17 : i32
    %scan3A_19 = arith.constant 1 : i32
    scf.for %scan3A_21 = %scan3A_16 to %scan3A_18 step %scan3A_19  : i32 {
      %mul3A_22 = arith.constant 20480 : i32
      %mul3A_23 = arith.muli %add3A, %mul3A_22 : i32
      %mul3A_24 = arith.constant 2048 : i32
      %mul3A_25 = arith.muli %scan3A_21, %mul3A_24 : i32
      %add3A_26 = arith.addi %mul3A_23, %mul3A_25 : i32
      "tpu.region"() ({
        %run_scoped3A = tpu.sem_alloc : memref<!tpu.dma_semaphore, #tpu.memory_space<semaphore_mem>>
        %dma_start3A = tpu.memref_slice %arg3[%add3A_26] : memref<655360xi32, #tpu.memory_space<hbm>> -> memref<2048xi32, #tpu.memory_space<hbm>>
        %dma_start3A_33 = tpu.memref_slice %arg3[%add3A_26] : memref<655360xi32, #tpu.memory_space<hbm>> -> memref<2048xi32, #tpu.memory_space<hbm>>
        tpu.enqueue_dma source(%dma_start3A_33 : memref<2048xi32, #tpu.memory_space<hbm>>) target(%arg11 : memref<2048xi32, #tpu.memory_space<vmem>>) target_semaphore(%run_scoped3A : memref<!tpu.dma_semaphore, #tpu.memory_space<semaphore_mem>>)
        %dma_wait3A = tpu.memref_slice %arg3[%add3A_26] : memref<655360xi32, #tpu.memory_space<hbm>> -> memref<2048xi32, #tpu.memory_space<hbm>>
        %dma_wait3A_34 = tpu.memref_slice %arg3[%add3A_26] : memref<655360xi32, #tpu.memory_space<hbm>> -> memref<2048xi32, #tpu.memory_space<hbm>>
        tpu.wait_dma2 semaphore(%run_scoped3A : memref<!tpu.dma_semaphore, #tpu.memory_space<semaphore_mem>>) src(%dma_wait3A_34 : memref<2048xi32, #tpu.memory_space<hbm>>) dst(%arg11 : memref<2048xi32, #tpu.memory_space<vmem>>)
        tpu.yield
      }) : () -> ()
      "tpu.region"() ({
        %run_scoped3A = tpu.sem_alloc : memref<!tpu.dma_semaphore, #tpu.memory_space<semaphore_mem>>
        %dma_start3A = tpu.memref_slice %arg4[%add3A_26] : memref<655360xi32, #tpu.memory_space<hbm>> -> memref<2048xi32, #tpu.memory_space<hbm>>
        %dma_start3A_33 = tpu.memref_slice %arg4[%add3A_26] : memref<655360xi32, #tpu.memory_space<hbm>> -> memref<2048xi32, #tpu.memory_space<hbm>>
        tpu.enqueue_dma source(%dma_start3A_33 : memref<2048xi32, #tpu.memory_space<hbm>>) target(%arg12 : memref<2048xi32, #tpu.memory_space<vmem>>) target_semaphore(%run_scoped3A : memref<!tpu.dma_semaphore, #tpu.memory_space<semaphore_mem>>)
        %dma_wait3A = tpu.memref_slice %arg4[%add3A_26] : memref<655360xi32, #tpu.memory_space<hbm>> -> memref<2048xi32, #tpu.memory_space<hbm>>
        %dma_wait3A_34 = tpu.memref_slice %arg4[%add3A_26] : memref<655360xi32, #tpu.memory_space<hbm>> -> memref<2048xi32, #tpu.memory_space<hbm>>
        tpu.wait_dma2 semaphore(%run_scoped3A : memref<!tpu.dma_semaphore, #tpu.memory_space<semaphore_mem>>) src(%dma_wait3A_34 : memref<2048xi32, #tpu.memory_space<hbm>>) dst(%arg12 : memref<2048xi32, #tpu.memory_space<vmem>>)
        tpu.yield
      }) : () -> ()
      %scan3A_27 = arith.constant 0 : i32
      %scan3A_28 = arith.constant 0 : i32
      %scan3A_29 = arith.constant 128 : i32
      %scan3A_30 = arith.addi %scan3A_28, %scan3A_29 : i32
      %scan3A_31 = arith.constant 1 : i32
      scf.for %scan3A_33 = %scan3A_28 to %scan3A_30 step %scan3A_31  : i32 {
        %mul3A_34 = arith.constant 16 : i32
        %mul3A_35 = arith.muli %scan3A_33, %mul3A_34 : i32
        %get3A = arith.index_cast %mul3A_35 : i32 to index
        %get3A_36 = tpu.vector_load %arg11[%get3A] {strides = array<i32>} : memref<2048xi32, #tpu.memory_space<vmem>>, vector<16xi32>,
        %mul3A_37 = arith.constant 16 : i32
        %mul3A_38 = arith.muli %scan3A_33, %mul3A_37 : i32
        %get3A_39 = arith.index_cast %mul3A_38 : i32 to index
        %get3A_40 = tpu.vector_load %arg12[%get3A_39] {strides = array<i32>} : memref<2048xi32, #tpu.memory_space<vmem>>, vector<16xi32>,
        %gather3A = tpu.vector_load_idx %arg9[%get3A_36] : memref<10240xi32, #tpu.memory_space<vmem>>[vector<16xi32>], vector<16xi32>,
        %gather3A_41 = tpu.vector_load_idx %arg9[%get3A_40] : memref<10240xi32, #tpu.memory_space<vmem>>[vector<16xi32>], vector<16xi32>,
        %mul3A_42 = arith.constant 16 : i32
        %mul3A_43 = arith.muli %scan3A_33, %mul3A_42 : i32
        %add3A_44 = arith.addi %add3A_26, %mul3A_43 : i32
        %iota3A = tpu.iota {dimensions = array<i32: 0>} : vector<16xi32>
        %add3A_45 = vector.broadcast %add3A_44 : i32 to vector<16xi32>
        %add3A_46 = arith.addi %add3A_45, %iota3A : vector<16xi32>
        %lt3A = arith.constant 1000 : i32
        %lt3A_47 = vector.broadcast %lt3A : i32 to vector<16xi32>
        %lt3A_48 = arith.cmpi slt, %gather3A, %lt3A_47 : vector<16xi32>
        %lt3A_49 = arith.constant 1000 : i32
        %lt3A_50 = vector.broadcast %lt3A_49 : i32 to vector<16xi32>
        %lt3A_51 = arith.cmpi slt, %gather3A_41, %lt3A_50 : vector<16xi32>
        %and3A = arith.andi %lt3A_48, %lt3A_51 : vector<16xi1>
        %lt3A_52 = arith.constant 640000 : i32
        %lt3A_53 = vector.broadcast %lt3A_52 : i32 to vector<16xi32>
        %lt3A_54 = arith.cmpi slt, %add3A_46, %lt3A_53 : vector<16xi32>
        %and3A_55 = arith.andi %and3A, %lt3A_54 : vector<16xi1>
        %and3A_56 = arith.constant 1023 : i32
        %and3A_57 = vector.broadcast %and3A_56 : i32 to vector<16xi32>
        %and3A_58 = arith.andi %add3A_46, %and3A_57 : vector<16xi32>
        %add3A_59 = arith.constant 1000 : i32
        %add3A_60 = vector.broadcast %add3A_59 : i32 to vector<16xi32>
        %add3A_61 = arith.addi %add3A_60, %and3A_58 : vector<16xi32>
        %select_n3A = arith.select %and3A_55, %gather3A, %add3A_61 : vector<16xi1>, vector<16xi32>
        %mul3A_62 = arith.constant 16 : i32
        %mul3A_63 = arith.muli %scan3A_33, %mul3A_62 : i32
        %swap3A = arith.index_cast %mul3A_63 : i32 to index
        %swap3A_64 = tpu.vector_load %arg13[%swap3A] {strides = array<i32>} : memref<2048xi32, #tpu.memory_space<vmem>>, vector<16xi32>,
        tpu.vector_store %arg13[%swap3A], %select_n3A {strides = array<i32>} : memref<2048xi32, #tpu.memory_space<vmem>>, vector<16xi32>,
        %select_n3A_65 = arith.select %and3A_55, %gather3A_41, %add3A_61 : vector<16xi1>, vector<16xi32>
        %mul3A_66 = arith.constant 16 : i32
        %mul3A_67 = arith.muli %scan3A_33, %mul3A_66 : i32
        %swap3A_68 = arith.index_cast %mul3A_67 : i32 to index
        %swap3A_69 = tpu.vector_load %arg14[%swap3A_68] {strides = array<i32>} : memref<2048xi32, #tpu.memory_space<vmem>>, vector<16xi32>,
        tpu.vector_store %arg14[%swap3A_68], %select_n3A_65 {strides = array<i32>} : memref<2048xi32, #tpu.memory_space<vmem>>, vector<16xi32>,
        %jit3A = arith.constant 1.000000e+00 : f32
        %jit3A_70 = arith.constant 0.000000e+00 : f32
        %broadcast_in_dim3A_71 = vector.broadcast %jit3A : f32 to vector<16xf32>
        %broadcast_in_dim3A_72 = vector.broadcast %jit3A_70 : f32 to vector<16xf32>
        %select_n3A_73 = arith.select %and3A_55, %broadcast_in_dim3A_71, %broadcast_in_dim3A_72 : vector<16xi1>, vector<16xf32>
        %mul3A_74 = arith.constant 16 : i32
        %mul3A_75 = arith.muli %scan3A_33, %mul3A_74 : i32
        %swap3A_76 = arith.index_cast %mul3A_75 : i32 to index
        %swap3A_77 = tpu.vector_load %arg15[%swap3A_76] {strides = array<i32>} : memref<2048xf32, #tpu.memory_space<vmem>>, vector<16xf32>,
        tpu.vector_store %arg15[%swap3A_76], %select_n3A_73 {strides = array<i32>} : memref<2048xf32, #tpu.memory_space<vmem>>, vector<16xf32>,
      }
      %scan3A_32 = arith.constant 128 : i32
      "tpu.region"() ({
        %run_scoped3A = tpu.sem_alloc : memref<!tpu.dma_semaphore, #tpu.memory_space<semaphore_mem>>
        %dma_start3A = tpu.memref_slice %arg5[%add3A_26] : memref<655360xi32, #tpu.memory_space<hbm>> -> memref<2048xi32, #tpu.memory_space<hbm>>
        %dma_start3A_33 = tpu.memref_slice %arg5[%add3A_26] : memref<655360xi32, #tpu.memory_space<hbm>> -> memref<2048xi32, #tpu.memory_space<hbm>>
        tpu.enqueue_dma source(%arg13 : memref<2048xi32, #tpu.memory_space<vmem>>) target(%dma_start3A_33 : memref<2048xi32, #tpu.memory_space<hbm>>) target_semaphore(%run_scoped3A : memref<!tpu.dma_semaphore, #tpu.memory_space<semaphore_mem>>)
        %dma_wait3A = tpu.memref_slice %arg5[%add3A_26] : memref<655360xi32, #tpu.memory_space<hbm>> -> memref<2048xi32, #tpu.memory_space<hbm>>
        %dma_wait3A_34 = tpu.memref_slice %arg5[%add3A_26] : memref<655360xi32, #tpu.memory_space<hbm>> -> memref<2048xi32, #tpu.memory_space<hbm>>
        tpu.wait_dma2 semaphore(%run_scoped3A : memref<!tpu.dma_semaphore, #tpu.memory_space<semaphore_mem>>) src(%arg13 : memref<2048xi32, #tpu.memory_space<vmem>>) dst(%dma_wait3A_34 : memref<2048xi32, #tpu.memory_space<hbm>>)
        tpu.yield
      }) : () -> ()
      "tpu.region"() ({
        %run_scoped3A = tpu.sem_alloc : memref<!tpu.dma_semaphore, #tpu.memory_space<semaphore_mem>>
        %dma_start3A = tpu.memref_slice %arg6[%add3A_26] : memref<655360xi32, #tpu.memory_space<hbm>> -> memref<2048xi32, #tpu.memory_space<hbm>>
        %dma_start3A_33 = tpu.memref_slice %arg6[%add3A_26] : memref<655360xi32, #tpu.memory_space<hbm>> -> memref<2048xi32, #tpu.memory_space<hbm>>
        tpu.enqueue_dma source(%arg14 : memref<2048xi32, #tpu.memory_space<vmem>>) target(%dma_start3A_33 : memref<2048xi32, #tpu.memory_space<hbm>>) target_semaphore(%run_scoped3A : memref<!tpu.dma_semaphore, #tpu.memory_space<semaphore_mem>>)
        %dma_wait3A = tpu.memref_slice %arg6[%add3A_26] : memref<655360xi32, #tpu.memory_space<hbm>> -> memref<2048xi32, #tpu.memory_space<hbm>>
        %dma_wait3A_34 = tpu.memref_slice %arg6[%add3A_26] : memref<655360xi32, #tpu.memory_space<hbm>> -> memref<2048xi32, #tpu.memory_space<hbm>>
        tpu.wait_dma2 semaphore(%run_scoped3A : memref<!tpu.dma_semaphore, #tpu.memory_space<semaphore_mem>>) src(%arg14 : memref<2048xi32, #tpu.memory_space<vmem>>) dst(%dma_wait3A_34 : memref<2048xi32, #tpu.memory_space<hbm>>)
        tpu.yield
      }) : () -> ()
      "tpu.region"() ({
        %run_scoped3A = tpu.sem_alloc : memref<!tpu.dma_semaphore, #tpu.memory_space<semaphore_mem>>
        %dma_start3A = tpu.memref_slice %arg7[%add3A_26] : memref<655360xf32, #tpu.memory_space<hbm>> -> memref<2048xf32, #tpu.memory_space<hbm>>
        %dma_start3A_33 = tpu.memref_slice %arg7[%add3A_26] : memref<655360xf32, #tpu.memory_space<hbm>> -> memref<2048xf32, #tpu.memory_space<hbm>>
        tpu.enqueue_dma source(%arg15 : memref<2048xf32, #tpu.memory_space<vmem>>) target(%dma_start3A_33 : memref<2048xf32, #tpu.memory_space<hbm>>) target_semaphore(%run_scoped3A : memref<!tpu.dma_semaphore, #tpu.memory_space<semaphore_mem>>)
        %dma_wait3A = tpu.memref_slice %arg7[%add3A_26] : memref<655360xf32, #tpu.memory_space<hbm>> -> memref<2048xf32, #tpu.memory_space<hbm>>
        %dma_wait3A_34 = tpu.memref_slice %arg7[%add3A_26] : memref<655360xf32, #tpu.memory_space<hbm>> -> memref<2048xf32, #tpu.memory_space<hbm>>
        tpu.wait_dma2 semaphore(%run_scoped3A : memref<!tpu.dma_semaphore, #tpu.memory_space<semaphore_mem>>) src(%arg15 : memref<2048xf32, #tpu.memory_space<vmem>>) dst(%dma_wait3A_34 : memref<2048xf32, #tpu.memory_space<hbm>>)
        tpu.yield
      }) : () -> ()
    }
    %scan3A_20 = arith.constant 10 : i32
    return
  }
}

#map = affine_map<(d0, d1) -> (0, 0)>
module attributes {stable_mosaic.version = 14 : i64} {
  func.func @sc_gather2_688128(%arg0: i32, %arg1: i32, %arg2: memref<2048x80xf32, #tpu.memory_space<hbm>>, %arg3: memref<5376x128xi32, #tpu.memory_space<hbm>>, %arg4: memref<2048x16xf32, #tpu.memory_space<hbm>>, %arg5: memref<5376x128xi32, #tpu.memory_space<hbm>>, %arg6: memref<688128x80xf32, #tpu.memory_space<hbm>>, %arg7: memref<688128x16xf32, #tpu.memory_space<hbm>>, %arg8: memref<4x128xi32, #tpu.memory_space<vmem>>, %arg9: memref<4x128xi32, #tpu.memory_space<vmem>>, %arg10: memref<512x80xf32, #tpu.memory_space<vmem>>, %arg11: memref<512x16xf32, #tpu.memory_space<vmem>>, %arg12: memref<!tpu.dma_semaphore, #tpu.memory_space<semaphore_mem>>) attributes {dimension_semantics = [#tpu.dimension_semantics<core_parallel>, #tpu.dimension_semantics<subcore_parallel>], iteration_bounds = array<i64: 2, 16>, scalar_prefetch = 0 : i64, scratch_operands = 5 : i64, tpu.core_type = #tpu.core_type<sc_vector_subcore>, window_params = [{transform_indices = #map}, {transform_indices = #map}, {transform_indices = #map}, {transform_indices = #map}, {transform_indices = #map}, {transform_indices = #map}]} {
    %mul3A = arith.constant 2 : i32
    %mul3A_0 = arith.muli %arg1, %mul3A : i32
    %add3A = arith.addi %mul3A_0, %arg0 : i32
    %scan3A = arith.constant 0 : i32
    %scan3A_1 = arith.constant 0 : i32
    %scan3A_2 = arith.constant 42 : i32
    %scan3A_3 = arith.addi %scan3A_1, %scan3A_2 : i32
    %scan3A_4 = arith.constant 1 : i32
    scf.for %scan3A_6 = %scan3A_1 to %scan3A_3 step %scan3A_4  : i32 {
      %mul3A_7 = arith.constant 21504 : i32
      %mul3A_8 = arith.muli %add3A, %mul3A_7 : i32
      %mul3A_9 = arith.constant 512 : i32
      %mul3A_10 = arith.muli %scan3A_6, %mul3A_9 : i32
      %add3A_11 = arith.addi %mul3A_8, %mul3A_10 : i32
      %mul3A_12 = arith.constant 168 : i32
      %mul3A_13 = arith.muli %add3A, %mul3A_12 : i32
      %mul3A_14 = arith.constant 4 : i32
      %mul3A_15 = arith.muli %scan3A_6, %mul3A_14 : i32
      %add3A_16 = arith.addi %mul3A_13, %mul3A_15 : i32
      "tpu.region"() ({
        %run_scoped3A = tpu.sem_alloc : memref<!tpu.dma_semaphore, #tpu.memory_space<semaphore_mem>>
        %dma_start3A_180 = arith.constant 0 : i32
        %dma_start3A_181 = tpu.memref_slice %arg3[%add3A_16, %dma_start3A_180] : memref<5376x128xi32, #tpu.memory_space<hbm>> -> memref<4x128xi32, #tpu.memory_space<hbm>>
        %dma_start3A_182 = arith.constant 0 : i32
        %dma_start3A_183 = tpu.memref_slice %arg3[%add3A_16, %dma_start3A_182] : memref<5376x128xi32, #tpu.memory_space<hbm>> -> memref<4x128xi32, #tpu.memory_space<hbm>>
        tpu.enqueue_dma source(%dma_start3A_183 : memref<4x128xi32, #tpu.memory_space<hbm>>) target(%arg8 : memref<4x128xi32, #tpu.memory_space<vmem>>) target_semaphore(%run_scoped3A : memref<!tpu.dma_semaphore, #tpu.memory_space<semaphore_mem>>)
        %dma_wait3A_184 = arith.constant 0 : i32
        %dma_wait3A_185 = tpu.memref_slice %arg3[%add3A_16, %dma_wait3A_184] : memref<5376x128xi32, #tpu.memory_space<hbm>> -> memref<4x128xi32, #tpu.memory_space<hbm>>
        %dma_wait3A_186 = arith.constant 0 : i32
        %dma_wait3A_187 = tpu.memref_slice %arg3[%add3A_16, %dma_wait3A_186] : memref<5376x128xi32, #tpu.memory_space<hbm>> -> memref<4x128xi32, #tpu.memory_space<hbm>>
        tpu.wait_dma2 semaphore(%run_scoped3A : memref<!tpu.dma_semaphore, #tpu.memory_space<semaphore_mem>>) src(%dma_wait3A_187 : memref<4x128xi32, #tpu.memory_space<hbm>>) dst(%arg8 : memref<4x128xi32, #tpu.memory_space<vmem>>)
        tpu.yield
      }) : () -> ()
      %mul3A_17 = arith.constant 168 : i32
      %mul3A_18 = arith.muli %add3A, %mul3A_17 : i32
      %mul3A_19 = arith.constant 4 : i32
      %mul3A_20 = arith.muli %scan3A_6, %mul3A_19 : i32
      %add3A_21 = arith.addi %mul3A_18, %mul3A_20 : i32
      "tpu.region"() ({
        %run_scoped3A = tpu.sem_alloc : memref<!tpu.dma_semaphore, #tpu.memory_space<semaphore_mem>>
        %dma_start3A_180 = arith.constant 0 : i32
        %dma_start3A_181 = tpu.memref_slice %arg5[%add3A_21, %dma_start3A_180] : memref<5376x128xi32, #tpu.memory_space<hbm>> -> memref<4x128xi32, #tpu.memory_space<hbm>>
        %dma_start3A_182 = arith.constant 0 : i32
        %dma_start3A_183 = tpu.memref_slice %arg5[%add3A_21, %dma_start3A_182] : memref<5376x128xi32, #tpu.memory_space<hbm>> -> memref<4x128xi32, #tpu.memory_space<hbm>>
        tpu.enqueue_dma source(%dma_start3A_183 : memref<4x128xi32, #tpu.memory_space<hbm>>) target(%arg9 : memref<4x128xi32, #tpu.memory_space<vmem>>) target_semaphore(%run_scoped3A : memref<!tpu.dma_semaphore, #tpu.memory_space<semaphore_mem>>)
        %dma_wait3A_184 = arith.constant 0 : i32
        %dma_wait3A_185 = tpu.memref_slice %arg5[%add3A_21, %dma_wait3A_184] : memref<5376x128xi32, #tpu.memory_space<hbm>> -> memref<4x128xi32, #tpu.memory_space<hbm>>
        %dma_wait3A_186 = arith.constant 0 : i32
        %dma_wait3A_187 = tpu.memref_slice %arg5[%add3A_21, %dma_wait3A_186] : memref<5376x128xi32, #tpu.memory_space<hbm>> -> memref<4x128xi32, #tpu.memory_space<hbm>>
        tpu.wait_dma2 semaphore(%run_scoped3A : memref<!tpu.dma_semaphore, #tpu.memory_space<semaphore_mem>>) src(%dma_wait3A_187 : memref<4x128xi32, #tpu.memory_space<hbm>>) dst(%arg9 : memref<4x128xi32, #tpu.memory_space<vmem>>)
        tpu.yield
      }) : () -> ()
      %dma_start3A = arith.constant 0 : i32
      %dma_start3A_22 = arith.constant 0 : i32
      %dma_start3A_23 = arith.constant 0 : i32
      %dma_start3A_24 = tpu.memref_slice %arg10[%dma_start3A_22, %dma_start3A_23] : memref<512x80xf32, #tpu.memory_space<vmem>> -> memref<128x80xf32, #tpu.memory_space<vmem>>
      %dma_start3A_25 = arith.constant 0 : i32
      %dma_start3A_26 = tpu.memref_slice %arg8[%dma_start3A, %dma_start3A_25] : memref<4x128xi32, #tpu.memory_space<vmem>> -> memref<1x128xi32, #tpu.memory_space<vmem>>
      %dma_start3A_27 = tpu.memref_squeeze %dma_start3A_26 : memref<1x128xi32, #tpu.memory_space<vmem>> -> memref<128xi32, #tpu.memory_space<vmem>>
      %dma_start3A_28 = arith.constant 0 : i32
      %dma_start3A_29 = arith.constant 0 : i32
      %dma_start3A_30 = tpu.memref_slice %arg2[%dma_start3A_28, %dma_start3A_29] : memref<2048x80xf32, #tpu.memory_space<hbm>> -> memref<2048x80xf32, #tpu.memory_space<hbm>>
      tpu.enqueue_indirect_dma source(%dma_start3A_30 : memref<2048x80xf32, #tpu.memory_space<hbm>>) target(%dma_start3A_24 : memref<128x80xf32, #tpu.memory_space<vmem>>) offsets(%dma_start3A_27 : memref<128xi32, #tpu.memory_space<vmem>>) semaphore(%arg12 : memref<!tpu.dma_semaphore, #tpu.memory_space<semaphore_mem>>)
      %dma_start3A_31 = arith.constant 0 : i32
      %dma_start3A_32 = arith.constant 0 : i32
      %dma_start3A_33 = arith.constant 0 : i32
      %dma_start3A_34 = tpu.memref_slice %arg11[%dma_start3A_32, %dma_start3A_33] : memref<512x16xf32, #tpu.memory_space<vmem>> -> memref<128x16xf32, #tpu.memory_space<vmem>>
      %dma_start3A_35 = arith.constant 0 : i32
      %dma_start3A_36 = tpu.memref_slice %arg9[%dma_start3A_31, %dma_start3A_35] : memref<4x128xi32, #tpu.memory_space<vmem>> -> memref<1x128xi32, #tpu.memory_space<vmem>>
      %dma_start3A_37 = tpu.memref_squeeze %dma_start3A_36 : memref<1x128xi32, #tpu.memory_space<vmem>> -> memref<128xi32, #tpu.memory_space<vmem>>
      %dma_start3A_38 = arith.constant 0 : i32
      %dma_start3A_39 = arith.constant 0 : i32
      %dma_start3A_40 = tpu.memref_slice %arg4[%dma_start3A_38, %dma_start3A_39] : memref<2048x16xf32, #tpu.memory_space<hbm>> -> memref<2048x16xf32, #tpu.memory_space<hbm>>
      tpu.enqueue_indirect_dma source(%dma_start3A_40 : memref<2048x16xf32, #tpu.memory_space<hbm>>) target(%dma_start3A_34 : memref<128x16xf32, #tpu.memory_space<vmem>>) offsets(%dma_start3A_37 : memref<128xi32, #tpu.memory_space<vmem>>) semaphore(%arg12 : memref<!tpu.dma_semaphore, #tpu.memory_space<semaphore_mem>>)
      %dma_start3A_41 = arith.constant 1 : i32
      %dma_start3A_42 = arith.constant 128 : i32
      %dma_start3A_43 = arith.constant 0 : i32
      %dma_start3A_44 = tpu.memref_slice %arg10[%dma_start3A_42, %dma_start3A_43] : memref<512x80xf32, #tpu.memory_space<vmem>> -> memref<128x80xf32, #tpu.memory_space<vmem>>
      %dma_start3A_45 = arith.constant 0 : i32
      %dma_start3A_46 = tpu.memref_slice %arg8[%dma_start3A_41, %dma_start3A_45] : memref<4x128xi32, #tpu.memory_space<vmem>> -> memref<1x128xi32, #tpu.memory_space<vmem>>
      %dma_start3A_47 = tpu.memref_squeeze %dma_start3A_46 : memref<1x128xi32, #tpu.memory_space<vmem>> -> memref<128xi32, #tpu.memory_space<vmem>>
      %dma_start3A_48 = arith.constant 0 : i32
      %dma_start3A_49 = arith.constant 0 : i32
      %dma_start3A_50 = tpu.memref_slice %arg2[%dma_start3A_48, %dma_start3A_49] : memref<2048x80xf32, #tpu.memory_space<hbm>> -> memref<2048x80xf32, #tpu.memory_space<hbm>>
      tpu.enqueue_indirect_dma source(%dma_start3A_50 : memref<2048x80xf32, #tpu.memory_space<hbm>>) target(%dma_start3A_44 : memref<128x80xf32, #tpu.memory_space<vmem>>) offsets(%dma_start3A_47 : memref<128xi32, #tpu.memory_space<vmem>>) semaphore(%arg12 : memref<!tpu.dma_semaphore, #tpu.memory_space<semaphore_mem>>)
      %dma_start3A_51 = arith.constant 1 : i32
      %dma_start3A_52 = arith.constant 128 : i32
      %dma_start3A_53 = arith.constant 0 : i32
      %dma_start3A_54 = tpu.memref_slice %arg11[%dma_start3A_52, %dma_start3A_53] : memref<512x16xf32, #tpu.memory_space<vmem>> -> memref<128x16xf32, #tpu.memory_space<vmem>>
      %dma_start3A_55 = arith.constant 0 : i32
      %dma_start3A_56 = tpu.memref_slice %arg9[%dma_start3A_51, %dma_start3A_55] : memref<4x128xi32, #tpu.memory_space<vmem>> -> memref<1x128xi32, #tpu.memory_space<vmem>>
      %dma_start3A_57 = tpu.memref_squeeze %dma_start3A_56 : memref<1x128xi32, #tpu.memory_space<vmem>> -> memref<128xi32, #tpu.memory_space<vmem>>
      %dma_start3A_58 = arith.constant 0 : i32
      %dma_start3A_59 = arith.constant 0 : i32
      %dma_start3A_60 = tpu.memref_slice %arg4[%dma_start3A_58, %dma_start3A_59] : memref<2048x16xf32, #tpu.memory_space<hbm>> -> memref<2048x16xf32, #tpu.memory_space<hbm>>
      tpu.enqueue_indirect_dma source(%dma_start3A_60 : memref<2048x16xf32, #tpu.memory_space<hbm>>) target(%dma_start3A_54 : memref<128x16xf32, #tpu.memory_space<vmem>>) offsets(%dma_start3A_57 : memref<128xi32, #tpu.memory_space<vmem>>) semaphore(%arg12 : memref<!tpu.dma_semaphore, #tpu.memory_space<semaphore_mem>>)
      %dma_start3A_61 = arith.constant 2 : i32
      %dma_start3A_62 = arith.constant 256 : i32
      %dma_start3A_63 = arith.constant 0 : i32
      %dma_start3A_64 = tpu.memref_slice %arg10[%dma_start3A_62, %dma_start3A_63] : memref<512x80xf32, #tpu.memory_space<vmem>> -> memref<128x80xf32, #tpu.memory_space<vmem>>
      %dma_start3A_65 = arith.constant 0 : i32
      %dma_start3A_66 = tpu.memref_slice %arg8[%dma_start3A_61, %dma_start3A_65] : memref<4x128xi32, #tpu.memory_space<vmem>> -> memref<1x128xi32, #tpu.memory_space<vmem>>
      %dma_start3A_67 = tpu.memref_squeeze %dma_start3A_66 : memref<1x128xi32, #tpu.memory_space<vmem>> -> memref<128xi32, #tpu.memory_space<vmem>>
      %dma_start3A_68 = arith.constant 0 : i32
      %dma_start3A_69 = arith.constant 0 : i32
      %dma_start3A_70 = tpu.memref_slice %arg2[%dma_start3A_68, %dma_start3A_69] : memref<2048x80xf32, #tpu.memory_space<hbm>> -> memref<2048x80xf32, #tpu.memory_space<hbm>>
      tpu.enqueue_indirect_dma source(%dma_start3A_70 : memref<2048x80xf32, #tpu.memory_space<hbm>>) target(%dma_start3A_64 : memref<128x80xf32, #tpu.memory_space<vmem>>) offsets(%dma_start3A_67 : memref<128xi32, #tpu.memory_space<vmem>>) semaphore(%arg12 : memref<!tpu.dma_semaphore, #tpu.memory_space<semaphore_mem>>)
      %dma_start3A_71 = arith.constant 2 : i32
      %dma_start3A_72 = arith.constant 256 : i32
      %dma_start3A_73 = arith.constant 0 : i32
      %dma_start3A_74 = tpu.memref_slice %arg11[%dma_start3A_72, %dma_start3A_73] : memref<512x16xf32, #tpu.memory_space<vmem>> -> memref<128x16xf32, #tpu.memory_space<vmem>>
      %dma_start3A_75 = arith.constant 0 : i32
      %dma_start3A_76 = tpu.memref_slice %arg9[%dma_start3A_71, %dma_start3A_75] : memref<4x128xi32, #tpu.memory_space<vmem>> -> memref<1x128xi32, #tpu.memory_space<vmem>>
      %dma_start3A_77 = tpu.memref_squeeze %dma_start3A_76 : memref<1x128xi32, #tpu.memory_space<vmem>> -> memref<128xi32, #tpu.memory_space<vmem>>
      %dma_start3A_78 = arith.constant 0 : i32
      %dma_start3A_79 = arith.constant 0 : i32
      %dma_start3A_80 = tpu.memref_slice %arg4[%dma_start3A_78, %dma_start3A_79] : memref<2048x16xf32, #tpu.memory_space<hbm>> -> memref<2048x16xf32, #tpu.memory_space<hbm>>
      tpu.enqueue_indirect_dma source(%dma_start3A_80 : memref<2048x16xf32, #tpu.memory_space<hbm>>) target(%dma_start3A_74 : memref<128x16xf32, #tpu.memory_space<vmem>>) offsets(%dma_start3A_77 : memref<128xi32, #tpu.memory_space<vmem>>) semaphore(%arg12 : memref<!tpu.dma_semaphore, #tpu.memory_space<semaphore_mem>>)
      %dma_start3A_81 = arith.constant 3 : i32
      %dma_start3A_82 = arith.constant 384 : i32
      %dma_start3A_83 = arith.constant 0 : i32
      %dma_start3A_84 = tpu.memref_slice %arg10[%dma_start3A_82, %dma_start3A_83] : memref<512x80xf32, #tpu.memory_space<vmem>> -> memref<128x80xf32, #tpu.memory_space<vmem>>
      %dma_start3A_85 = arith.constant 0 : i32
      %dma_start3A_86 = tpu.memref_slice %arg8[%dma_start3A_81, %dma_start3A_85] : memref<4x128xi32, #tpu.memory_space<vmem>> -> memref<1x128xi32, #tpu.memory_space<vmem>>
      %dma_start3A_87 = tpu.memref_squeeze %dma_start3A_86 : memref<1x128xi32, #tpu.memory_space<vmem>> -> memref<128xi32, #tpu.memory_space<vmem>>
      %dma_start3A_88 = arith.constant 0 : i32
      %dma_start3A_89 = arith.constant 0 : i32
      %dma_start3A_90 = tpu.memref_slice %arg2[%dma_start3A_88, %dma_start3A_89] : memref<2048x80xf32, #tpu.memory_space<hbm>> -> memref<2048x80xf32, #tpu.memory_space<hbm>>
      tpu.enqueue_indirect_dma source(%dma_start3A_90 : memref<2048x80xf32, #tpu.memory_space<hbm>>) target(%dma_start3A_84 : memref<128x80xf32, #tpu.memory_space<vmem>>) offsets(%dma_start3A_87 : memref<128xi32, #tpu.memory_space<vmem>>) semaphore(%arg12 : memref<!tpu.dma_semaphore, #tpu.memory_space<semaphore_mem>>)
      %dma_start3A_91 = arith.constant 3 : i32
      %dma_start3A_92 = arith.constant 384 : i32
      %dma_start3A_93 = arith.constant 0 : i32
      %dma_start3A_94 = tpu.memref_slice %arg11[%dma_start3A_92, %dma_start3A_93] : memref<512x16xf32, #tpu.memory_space<vmem>> -> memref<128x16xf32, #tpu.memory_space<vmem>>
      %dma_start3A_95 = arith.constant 0 : i32
      %dma_start3A_96 = tpu.memref_slice %arg9[%dma_start3A_91, %dma_start3A_95] : memref<4x128xi32, #tpu.memory_space<vmem>> -> memref<1x128xi32, #tpu.memory_space<vmem>>
      %dma_start3A_97 = tpu.memref_squeeze %dma_start3A_96 : memref<1x128xi32, #tpu.memory_space<vmem>> -> memref<128xi32, #tpu.memory_space<vmem>>
      %dma_start3A_98 = arith.constant 0 : i32
      %dma_start3A_99 = arith.constant 0 : i32
      %dma_start3A_100 = tpu.memref_slice %arg4[%dma_start3A_98, %dma_start3A_99] : memref<2048x16xf32, #tpu.memory_space<hbm>> -> memref<2048x16xf32, #tpu.memory_space<hbm>>
      tpu.enqueue_indirect_dma source(%dma_start3A_100 : memref<2048x16xf32, #tpu.memory_space<hbm>>) target(%dma_start3A_94 : memref<128x16xf32, #tpu.memory_space<vmem>>) offsets(%dma_start3A_97 : memref<128xi32, #tpu.memory_space<vmem>>) semaphore(%arg12 : memref<!tpu.dma_semaphore, #tpu.memory_space<semaphore_mem>>)
      %dma_wait3A = arith.constant 0 : i32
      %dma_wait3A_101 = arith.constant 0 : i32
      %dma_wait3A_102 = arith.constant 0 : i32
      %dma_wait3A_103 = tpu.memref_slice %arg10[%dma_wait3A_101, %dma_wait3A_102] : memref<512x80xf32, #tpu.memory_space<vmem>> -> memref<128x80xf32, #tpu.memory_space<vmem>>
      %dma_wait3A_104 = arith.constant 0 : i32
      %dma_wait3A_105 = tpu.memref_slice %arg8[%dma_wait3A, %dma_wait3A_104] : memref<4x128xi32, #tpu.memory_space<vmem>> -> memref<1x128xi32, #tpu.memory_space<vmem>>
      %dma_wait3A_106 = tpu.memref_squeeze %dma_wait3A_105 : memref<1x128xi32, #tpu.memory_space<vmem>> -> memref<128xi32, #tpu.memory_space<vmem>>
      %dma_wait3A_107 = arith.constant 0 : i32
      %dma_wait3A_108 = arith.constant 0 : i32
      %dma_wait3A_109 = tpu.memref_slice %arg2[%dma_wait3A_107, %dma_wait3A_108] : memref<2048x80xf32, #tpu.memory_space<hbm>> -> memref<2048x80xf32, #tpu.memory_space<hbm>>
      tpu.wait_indirect_dma semaphore(%arg12 : memref<!tpu.dma_semaphore, #tpu.memory_space<semaphore_mem>>) src(%dma_wait3A_109 : memref<2048x80xf32, #tpu.memory_space<hbm>>) dst(%dma_wait3A_103 : memref<128x80xf32, #tpu.memory_space<vmem>>)
      %dma_wait3A_110 = arith.constant 0 : i32
      %dma_wait3A_111 = arith.constant 0 : i32
      %dma_wait3A_112 = arith.constant 0 : i32
      %dma_wait3A_113 = tpu.memref_slice %arg11[%dma_wait3A_111, %dma_wait3A_112] : memref<512x16xf32, #tpu.memory_space<vmem>> -> memref<128x16xf32, #tpu.memory_space<vmem>>
      %dma_wait3A_114 = arith.constant 0 : i32
      %dma_wait3A_115 = tpu.memref_slice %arg9[%dma_wait3A_110, %dma_wait3A_114] : memref<4x128xi32, #tpu.memory_space<vmem>> -> memref<1x128xi32, #tpu.memory_space<vmem>>
      %dma_wait3A_116 = tpu.memref_squeeze %dma_wait3A_115 : memref<1x128xi32, #tpu.memory_space<vmem>> -> memref<128xi32, #tpu.memory_space<vmem>>
      %dma_wait3A_117 = arith.constant 0 : i32
      %dma_wait3A_118 = arith.constant 0 : i32
      %dma_wait3A_119 = tpu.memref_slice %arg4[%dma_wait3A_117, %dma_wait3A_118] : memref<2048x16xf32, #tpu.memory_space<hbm>> -> memref<2048x16xf32, #tpu.memory_space<hbm>>
      tpu.wait_indirect_dma semaphore(%arg12 : memref<!tpu.dma_semaphore, #tpu.memory_space<semaphore_mem>>) src(%dma_wait3A_119 : memref<2048x16xf32, #tpu.memory_space<hbm>>) dst(%dma_wait3A_113 : memref<128x16xf32, #tpu.memory_space<vmem>>)
      %dma_wait3A_120 = arith.constant 1 : i32
      %dma_wait3A_121 = arith.constant 128 : i32
      %dma_wait3A_122 = arith.constant 0 : i32
      %dma_wait3A_123 = tpu.memref_slice %arg10[%dma_wait3A_121, %dma_wait3A_122] : memref<512x80xf32, #tpu.memory_space<vmem>> -> memref<128x80xf32, #tpu.memory_space<vmem>>
      %dma_wait3A_124 = arith.constant 0 : i32
      %dma_wait3A_125 = tpu.memref_slice %arg8[%dma_wait3A_120, %dma_wait3A_124] : memref<4x128xi32, #tpu.memory_space<vmem>> -> memref<1x128xi32, #tpu.memory_space<vmem>>
      %dma_wait3A_126 = tpu.memref_squeeze %dma_wait3A_125 : memref<1x128xi32, #tpu.memory_space<vmem>> -> memref<128xi32, #tpu.memory_space<vmem>>
      %dma_wait3A_127 = arith.constant 0 : i32
      %dma_wait3A_128 = arith.constant 0 : i32
      %dma_wait3A_129 = tpu.memref_slice %arg2[%dma_wait3A_127, %dma_wait3A_128] : memref<2048x80xf32, #tpu.memory_space<hbm>> -> memref<2048x80xf32, #tpu.memory_space<hbm>>
      tpu.wait_indirect_dma semaphore(%arg12 : memref<!tpu.dma_semaphore, #tpu.memory_space<semaphore_mem>>) src(%dma_wait3A_129 : memref<2048x80xf32, #tpu.memory_space<hbm>>) dst(%dma_wait3A_123 : memref<128x80xf32, #tpu.memory_space<vmem>>)
      %dma_wait3A_130 = arith.constant 1 : i32
      %dma_wait3A_131 = arith.constant 128 : i32
      %dma_wait3A_132 = arith.constant 0 : i32
      %dma_wait3A_133 = tpu.memref_slice %arg11[%dma_wait3A_131, %dma_wait3A_132] : memref<512x16xf32, #tpu.memory_space<vmem>> -> memref<128x16xf32, #tpu.memory_space<vmem>>
      %dma_wait3A_134 = arith.constant 0 : i32
      %dma_wait3A_135 = tpu.memref_slice %arg9[%dma_wait3A_130, %dma_wait3A_134] : memref<4x128xi32, #tpu.memory_space<vmem>> -> memref<1x128xi32, #tpu.memory_space<vmem>>
      %dma_wait3A_136 = tpu.memref_squeeze %dma_wait3A_135 : memref<1x128xi32, #tpu.memory_space<vmem>> -> memref<128xi32, #tpu.memory_space<vmem>>
      %dma_wait3A_137 = arith.constant 0 : i32
      %dma_wait3A_138 = arith.constant 0 : i32
      %dma_wait3A_139 = tpu.memref_slice %arg4[%dma_wait3A_137, %dma_wait3A_138] : memref<2048x16xf32, #tpu.memory_space<hbm>> -> memref<2048x16xf32, #tpu.memory_space<hbm>>
      tpu.wait_indirect_dma semaphore(%arg12 : memref<!tpu.dma_semaphore, #tpu.memory_space<semaphore_mem>>) src(%dma_wait3A_139 : memref<2048x16xf32, #tpu.memory_space<hbm>>) dst(%dma_wait3A_133 : memref<128x16xf32, #tpu.memory_space<vmem>>)
      %dma_wait3A_140 = arith.constant 2 : i32
      %dma_wait3A_141 = arith.constant 256 : i32
      %dma_wait3A_142 = arith.constant 0 : i32
      %dma_wait3A_143 = tpu.memref_slice %arg10[%dma_wait3A_141, %dma_wait3A_142] : memref<512x80xf32, #tpu.memory_space<vmem>> -> memref<128x80xf32, #tpu.memory_space<vmem>>
      %dma_wait3A_144 = arith.constant 0 : i32
      %dma_wait3A_145 = tpu.memref_slice %arg8[%dma_wait3A_140, %dma_wait3A_144] : memref<4x128xi32, #tpu.memory_space<vmem>> -> memref<1x128xi32, #tpu.memory_space<vmem>>
      %dma_wait3A_146 = tpu.memref_squeeze %dma_wait3A_145 : memref<1x128xi32, #tpu.memory_space<vmem>> -> memref<128xi32, #tpu.memory_space<vmem>>
      %dma_wait3A_147 = arith.constant 0 : i32
      %dma_wait3A_148 = arith.constant 0 : i32
      %dma_wait3A_149 = tpu.memref_slice %arg2[%dma_wait3A_147, %dma_wait3A_148] : memref<2048x80xf32, #tpu.memory_space<hbm>> -> memref<2048x80xf32, #tpu.memory_space<hbm>>
      tpu.wait_indirect_dma semaphore(%arg12 : memref<!tpu.dma_semaphore, #tpu.memory_space<semaphore_mem>>) src(%dma_wait3A_149 : memref<2048x80xf32, #tpu.memory_space<hbm>>) dst(%dma_wait3A_143 : memref<128x80xf32, #tpu.memory_space<vmem>>)
      %dma_wait3A_150 = arith.constant 2 : i32
      %dma_wait3A_151 = arith.constant 256 : i32
      %dma_wait3A_152 = arith.constant 0 : i32
      %dma_wait3A_153 = tpu.memref_slice %arg11[%dma_wait3A_151, %dma_wait3A_152] : memref<512x16xf32, #tpu.memory_space<vmem>> -> memref<128x16xf32, #tpu.memory_space<vmem>>
      %dma_wait3A_154 = arith.constant 0 : i32
      %dma_wait3A_155 = tpu.memref_slice %arg9[%dma_wait3A_150, %dma_wait3A_154] : memref<4x128xi32, #tpu.memory_space<vmem>> -> memref<1x128xi32, #tpu.memory_space<vmem>>
      %dma_wait3A_156 = tpu.memref_squeeze %dma_wait3A_155 : memref<1x128xi32, #tpu.memory_space<vmem>> -> memref<128xi32, #tpu.memory_space<vmem>>
      %dma_wait3A_157 = arith.constant 0 : i32
      %dma_wait3A_158 = arith.constant 0 : i32
      %dma_wait3A_159 = tpu.memref_slice %arg4[%dma_wait3A_157, %dma_wait3A_158] : memref<2048x16xf32, #tpu.memory_space<hbm>> -> memref<2048x16xf32, #tpu.memory_space<hbm>>
      tpu.wait_indirect_dma semaphore(%arg12 : memref<!tpu.dma_semaphore, #tpu.memory_space<semaphore_mem>>) src(%dma_wait3A_159 : memref<2048x16xf32, #tpu.memory_space<hbm>>) dst(%dma_wait3A_153 : memref<128x16xf32, #tpu.memory_space<vmem>>)
      %dma_wait3A_160 = arith.constant 3 : i32
      %dma_wait3A_161 = arith.constant 384 : i32
      %dma_wait3A_162 = arith.constant 0 : i32
      %dma_wait3A_163 = tpu.memref_slice %arg10[%dma_wait3A_161, %dma_wait3A_162] : memref<512x80xf32, #tpu.memory_space<vmem>> -> memref<128x80xf32, #tpu.memory_space<vmem>>
      %dma_wait3A_164 = arith.constant 0 : i32
      %dma_wait3A_165 = tpu.memref_slice %arg8[%dma_wait3A_160, %dma_wait3A_164] : memref<4x128xi32, #tpu.memory_space<vmem>> -> memref<1x128xi32, #tpu.memory_space<vmem>>
      %dma_wait3A_166 = tpu.memref_squeeze %dma_wait3A_165 : memref<1x128xi32, #tpu.memory_space<vmem>> -> memref<128xi32, #tpu.memory_space<vmem>>
      %dma_wait3A_167 = arith.constant 0 : i32
      %dma_wait3A_168 = arith.constant 0 : i32
      %dma_wait3A_169 = tpu.memref_slice %arg2[%dma_wait3A_167, %dma_wait3A_168] : memref<2048x80xf32, #tpu.memory_space<hbm>> -> memref<2048x80xf32, #tpu.memory_space<hbm>>
      tpu.wait_indirect_dma semaphore(%arg12 : memref<!tpu.dma_semaphore, #tpu.memory_space<semaphore_mem>>) src(%dma_wait3A_169 : memref<2048x80xf32, #tpu.memory_space<hbm>>) dst(%dma_wait3A_163 : memref<128x80xf32, #tpu.memory_space<vmem>>)
      %dma_wait3A_170 = arith.constant 3 : i32
      %dma_wait3A_171 = arith.constant 384 : i32
      %dma_wait3A_172 = arith.constant 0 : i32
      %dma_wait3A_173 = tpu.memref_slice %arg11[%dma_wait3A_171, %dma_wait3A_172] : memref<512x16xf32, #tpu.memory_space<vmem>> -> memref<128x16xf32, #tpu.memory_space<vmem>>
      %dma_wait3A_174 = arith.constant 0 : i32
      %dma_wait3A_175 = tpu.memref_slice %arg9[%dma_wait3A_170, %dma_wait3A_174] : memref<4x128xi32, #tpu.memory_space<vmem>> -> memref<1x128xi32, #tpu.memory_space<vmem>>
      %dma_wait3A_176 = tpu.memref_squeeze %dma_wait3A_175 : memref<1x128xi32, #tpu.memory_space<vmem>> -> memref<128xi32, #tpu.memory_space<vmem>>
      %dma_wait3A_177 = arith.constant 0 : i32
      %dma_wait3A_178 = arith.constant 0 : i32
      %dma_wait3A_179 = tpu.memref_slice %arg4[%dma_wait3A_177, %dma_wait3A_178] : memref<2048x16xf32, #tpu.memory_space<hbm>> -> memref<2048x16xf32, #tpu.memory_space<hbm>>
      tpu.wait_indirect_dma semaphore(%arg12 : memref<!tpu.dma_semaphore, #tpu.memory_space<semaphore_mem>>) src(%dma_wait3A_179 : memref<2048x16xf32, #tpu.memory_space<hbm>>) dst(%dma_wait3A_173 : memref<128x16xf32, #tpu.memory_space<vmem>>)
      "tpu.region"() ({
        %run_scoped3A = tpu.sem_alloc : memref<!tpu.dma_semaphore, #tpu.memory_space<semaphore_mem>>
        %dma_start3A_180 = arith.constant 0 : i32
        %dma_start3A_181 = tpu.memref_slice %arg6[%add3A_11, %dma_start3A_180] : memref<688128x80xf32, #tpu.memory_space<hbm>> -> memref<512x80xf32, #tpu.memory_space<hbm>>
        %dma_start3A_182 = arith.constant 0 : i32
        %dma_start3A_183 = tpu.memref_slice %arg6[%add3A_11, %dma_start3A_182] : memref<688128x80xf32, #tpu.memory_space<hbm>> -> memref<512x80xf32, #tpu.memory_space<hbm>>
        tpu.enqueue_dma source(%arg10 : memref<512x80xf32, #tpu.memory_space<vmem>>) target(%dma_start3A_183 : memref<512x80xf32, #tpu.memory_space<hbm>>) target_semaphore(%run_scoped3A : memref<!tpu.dma_semaphore, #tpu.memory_space<semaphore_mem>>)
        %dma_wait3A_184 = arith.constant 0 : i32
        %dma_wait3A_185 = tpu.memref_slice %arg6[%add3A_11, %dma_wait3A_184] : memref<688128x80xf32, #tpu.memory_space<hbm>> -> memref<512x80xf32, #tpu.memory_space<hbm>>
        %dma_wait3A_186 = arith.constant 0 : i32
        %dma_wait3A_187 = tpu.memref_slice %arg6[%add3A_11, %dma_wait3A_186] : memref<688128x80xf32, #tpu.memory_space<hbm>> -> memref<512x80xf32, #tpu.memory_space<hbm>>
        tpu.wait_dma2 semaphore(%run_scoped3A : memref<!tpu.dma_semaphore, #tpu.memory_space<semaphore_mem>>) src(%arg10 : memref<512x80xf32, #tpu.memory_space<vmem>>) dst(%dma_wait3A_187 : memref<512x80xf32, #tpu.memory_space<hbm>>)
        tpu.yield
      }) : () -> ()
      "tpu.region"() ({
        %run_scoped3A = tpu.sem_alloc : memref<!tpu.dma_semaphore, #tpu.memory_space<semaphore_mem>>
        %dma_start3A_180 = arith.constant 0 : i32
        %dma_start3A_181 = tpu.memref_slice %arg7[%add3A_11, %dma_start3A_180] : memref<688128x16xf32, #tpu.memory_space<hbm>> -> memref<512x16xf32, #tpu.memory_space<hbm>>
        %dma_start3A_182 = arith.constant 0 : i32
        %dma_start3A_183 = tpu.memref_slice %arg7[%add3A_11, %dma_start3A_182] : memref<688128x16xf32, #tpu.memory_space<hbm>> -> memref<512x16xf32, #tpu.memory_space<hbm>>
        tpu.enqueue_dma source(%arg11 : memref<512x16xf32, #tpu.memory_space<vmem>>) target(%dma_start3A_183 : memref<512x16xf32, #tpu.memory_space<hbm>>) target_semaphore(%run_scoped3A : memref<!tpu.dma_semaphore, #tpu.memory_space<semaphore_mem>>)
        %dma_wait3A_184 = arith.constant 0 : i32
        %dma_wait3A_185 = tpu.memref_slice %arg7[%add3A_11, %dma_wait3A_184] : memref<688128x16xf32, #tpu.memory_space<hbm>> -> memref<512x16xf32, #tpu.memory_space<hbm>>
        %dma_wait3A_186 = arith.constant 0 : i32
        %dma_wait3A_187 = tpu.memref_slice %arg7[%add3A_11, %dma_wait3A_186] : memref<688128x16xf32, #tpu.memory_space<hbm>> -> memref<512x16xf32, #tpu.memory_space<hbm>>
        tpu.wait_dma2 semaphore(%run_scoped3A : memref<!tpu.dma_semaphore, #tpu.memory_space<semaphore_mem>>) src(%arg11 : memref<512x16xf32, #tpu.memory_space<vmem>>) dst(%dma_wait3A_187 : memref<512x16xf32, #tpu.memory_space<hbm>>)
        tpu.yield
      }) : () -> ()
    }
    %scan3A_5 = arith.constant 42 : i32
    return
  }
}

#map = affine_map<(d0, d1) -> (0, 0)>
module attributes {stable_mosaic.version = 14 : i64} {
  func.func @sc_gather1_10240(%arg0: i32, %arg1: i32, %arg2: memref<1001x64xf32, #tpu.memory_space<hbm>>, %arg3: memref<160x64xi32, #tpu.memory_space<hbm>>, %arg4: memref<10240x64xf32, #tpu.memory_space<hbm>>, %arg5: memref<5x64xi32, #tpu.memory_space<vmem>>, %arg6: memref<320x64xf32, #tpu.memory_space<vmem>>, %arg7: memref<!tpu.dma_semaphore, #tpu.memory_space<semaphore_mem>>) attributes {dimension_semantics = [#tpu.dimension_semantics<core_parallel>, #tpu.dimension_semantics<subcore_parallel>], iteration_bounds = array<i64: 2, 16>, scalar_prefetch = 0 : i64, scratch_operands = 3 : i64, tpu.core_type = #tpu.core_type<sc_vector_subcore>, window_params = [{transform_indices = #map}, {transform_indices = #map}, {transform_indices = #map}]} {
    %mul3A = arith.constant 2 : i32
    %mul3A_0 = arith.muli %arg1, %mul3A : i32
    %add3A = arith.addi %mul3A_0, %arg0 : i32
    %scan3A = arith.constant 0 : i32
    %scan3A_1 = arith.constant 0 : i32
    %mul3A_2 = arith.constant 320 : i32
    %mul3A_3 = arith.muli %add3A, %mul3A_2 : i32
    %mul3A_4 = arith.constant 320 : i32
    %mul3A_5 = arith.muli %scan3A_1, %mul3A_4 : i32
    %add3A_6 = arith.addi %mul3A_3, %mul3A_5 : i32
    %mul3A_7 = arith.constant 5 : i32
    %mul3A_8 = arith.muli %add3A, %mul3A_7 : i32
    %mul3A_9 = arith.constant 5 : i32
    %mul3A_10 = arith.muli %scan3A_1, %mul3A_9 : i32
    %add3A_11 = arith.addi %mul3A_8, %mul3A_10 : i32
    "tpu.region"() ({
      %run_scoped3A = tpu.sem_alloc : memref<!tpu.dma_semaphore, #tpu.memory_space<semaphore_mem>>
      %dma_start3A_111 = arith.constant 0 : i32
      %dma_start3A_112 = tpu.memref_slice %arg3[%add3A_11, %dma_start3A_111] : memref<160x64xi32, #tpu.memory_space<hbm>> -> memref<5x64xi32, #tpu.memory_space<hbm>>
      %dma_start3A_113 = arith.constant 0 : i32
      %dma_start3A_114 = tpu.memref_slice %arg3[%add3A_11, %dma_start3A_113] : memref<160x64xi32, #tpu.memory_space<hbm>> -> memref<5x64xi32, #tpu.memory_space<hbm>>
      tpu.enqueue_dma source(%dma_start3A_114 : memref<5x64xi32, #tpu.memory_space<hbm>>) target(%arg5 : memref<5x64xi32, #tpu.memory_space<vmem>>) target_semaphore(%run_scoped3A : memref<!tpu.dma_semaphore, #tpu.memory_space<semaphore_mem>>)
      %dma_wait3A_115 = arith.constant 0 : i32
      %dma_wait3A_116 = tpu.memref_slice %arg3[%add3A_11, %dma_wait3A_115] : memref<160x64xi32, #tpu.memory_space<hbm>> -> memref<5x64xi32, #tpu.memory_space<hbm>>
      %dma_wait3A_117 = arith.constant 0 : i32
      %dma_wait3A_118 = tpu.memref_slice %arg3[%add3A_11, %dma_wait3A_117] : memref<160x64xi32, #tpu.memory_space<hbm>> -> memref<5x64xi32, #tpu.memory_space<hbm>>
      tpu.wait_dma2 semaphore(%run_scoped3A : memref<!tpu.dma_semaphore, #tpu.memory_space<semaphore_mem>>) src(%dma_wait3A_118 : memref<5x64xi32, #tpu.memory_space<hbm>>) dst(%arg5 : memref<5x64xi32, #tpu.memory_space<vmem>>)
      tpu.yield
    }) : () -> ()
    %dma_start3A = arith.constant 0 : i32
    %dma_start3A_12 = arith.constant 0 : i32
    %dma_start3A_13 = arith.constant 0 : i32
    %dma_start3A_14 = tpu.memref_slice %arg6[%dma_start3A_12, %dma_start3A_13] : memref<320x64xf32, #tpu.memory_space<vmem>> -> memref<64x64xf32, #tpu.memory_space<vmem>>
    %dma_start3A_15 = arith.constant 0 : i32
    %dma_start3A_16 = tpu.memref_slice %arg5[%dma_start3A, %dma_start3A_15] : memref<5x64xi32, #tpu.memory_space<vmem>> -> memref<1x64xi32, #tpu.memory_space<vmem>>
    %dma_start3A_17 = tpu.memref_squeeze %dma_start3A_16 : memref<1x64xi32, #tpu.memory_space<vmem>> -> memref<64xi32, #tpu.memory_space<vmem>>
    %dma_start3A_18 = arith.constant 0 : i32
    %dma_start3A_19 = arith.constant 0 : i32
    %dma_start3A_20 = tpu.memref_slice %arg2[%dma_start3A_18, %dma_start3A_19] : memref<1001x64xf32, #tpu.memory_space<hbm>> -> memref<1001x64xf32, #tpu.memory_space<hbm>>
    tpu.enqueue_indirect_dma source(%dma_start3A_20 : memref<1001x64xf32, #tpu.memory_space<hbm>>) target(%dma_start3A_14 : memref<64x64xf32, #tpu.memory_space<vmem>>) offsets(%dma_start3A_17 : memref<64xi32, #tpu.memory_space<vmem>>) semaphore(%arg7 : memref<!tpu.dma_semaphore, #tpu.memory_space<semaphore_mem>>)
    %dma_start3A_21 = arith.constant 1 : i32
    %dma_start3A_22 = arith.constant 64 : i32
    %dma_start3A_23 = arith.constant 0 : i32
    %dma_start3A_24 = tpu.memref_slice %arg6[%dma_start3A_22, %dma_start3A_23] : memref<320x64xf32, #tpu.memory_space<vmem>> -> memref<64x64xf32, #tpu.memory_space<vmem>>
    %dma_start3A_25 = arith.constant 0 : i32
    %dma_start3A_26 = tpu.memref_slice %arg5[%dma_start3A_21, %dma_start3A_25] : memref<5x64xi32, #tpu.memory_space<vmem>> -> memref<1x64xi32, #tpu.memory_space<vmem>>
    %dma_start3A_27 = tpu.memref_squeeze %dma_start3A_26 : memref<1x64xi32, #tpu.memory_space<vmem>> -> memref<64xi32, #tpu.memory_space<vmem>>
    %dma_start3A_28 = arith.constant 0 : i32
    %dma_start3A_29 = arith.constant 0 : i32
    %dma_start3A_30 = tpu.memref_slice %arg2[%dma_start3A_28, %dma_start3A_29] : memref<1001x64xf32, #tpu.memory_space<hbm>> -> memref<1001x64xf32, #tpu.memory_space<hbm>>
    tpu.enqueue_indirect_dma source(%dma_start3A_30 : memref<1001x64xf32, #tpu.memory_space<hbm>>) target(%dma_start3A_24 : memref<64x64xf32, #tpu.memory_space<vmem>>) offsets(%dma_start3A_27 : memref<64xi32, #tpu.memory_space<vmem>>) semaphore(%arg7 : memref<!tpu.dma_semaphore, #tpu.memory_space<semaphore_mem>>)
    %dma_start3A_31 = arith.constant 2 : i32
    %dma_start3A_32 = arith.constant 128 : i32
    %dma_start3A_33 = arith.constant 0 : i32
    %dma_start3A_34 = tpu.memref_slice %arg6[%dma_start3A_32, %dma_start3A_33] : memref<320x64xf32, #tpu.memory_space<vmem>> -> memref<64x64xf32, #tpu.memory_space<vmem>>
    %dma_start3A_35 = arith.constant 0 : i32
    %dma_start3A_36 = tpu.memref_slice %arg5[%dma_start3A_31, %dma_start3A_35] : memref<5x64xi32, #tpu.memory_space<vmem>> -> memref<1x64xi32, #tpu.memory_space<vmem>>
    %dma_start3A_37 = tpu.memref_squeeze %dma_start3A_36 : memref<1x64xi32, #tpu.memory_space<vmem>> -> memref<64xi32, #tpu.memory_space<vmem>>
    %dma_start3A_38 = arith.constant 0 : i32
    %dma_start3A_39 = arith.constant 0 : i32
    %dma_start3A_40 = tpu.memref_slice %arg2[%dma_start3A_38, %dma_start3A_39] : memref<1001x64xf32, #tpu.memory_space<hbm>> -> memref<1001x64xf32, #tpu.memory_space<hbm>>
    tpu.enqueue_indirect_dma source(%dma_start3A_40 : memref<1001x64xf32, #tpu.memory_space<hbm>>) target(%dma_start3A_34 : memref<64x64xf32, #tpu.memory_space<vmem>>) offsets(%dma_start3A_37 : memref<64xi32, #tpu.memory_space<vmem>>) semaphore(%arg7 : memref<!tpu.dma_semaphore, #tpu.memory_space<semaphore_mem>>)
    %dma_start3A_41 = arith.constant 3 : i32
    %dma_start3A_42 = arith.constant 192 : i32
    %dma_start3A_43 = arith.constant 0 : i32
    %dma_start3A_44 = tpu.memref_slice %arg6[%dma_start3A_42, %dma_start3A_43] : memref<320x64xf32, #tpu.memory_space<vmem>> -> memref<64x64xf32, #tpu.memory_space<vmem>>
    %dma_start3A_45 = arith.constant 0 : i32
    %dma_start3A_46 = tpu.memref_slice %arg5[%dma_start3A_41, %dma_start3A_45] : memref<5x64xi32, #tpu.memory_space<vmem>> -> memref<1x64xi32, #tpu.memory_space<vmem>>
    %dma_start3A_47 = tpu.memref_squeeze %dma_start3A_46 : memref<1x64xi32, #tpu.memory_space<vmem>> -> memref<64xi32, #tpu.memory_space<vmem>>
    %dma_start3A_48 = arith.constant 0 : i32
    %dma_start3A_49 = arith.constant 0 : i32
    %dma_start3A_50 = tpu.memref_slice %arg2[%dma_start3A_48, %dma_start3A_49] : memref<1001x64xf32, #tpu.memory_space<hbm>> -> memref<1001x64xf32, #tpu.memory_space<hbm>>
    tpu.enqueue_indirect_dma source(%dma_start3A_50 : memref<1001x64xf32, #tpu.memory_space<hbm>>) target(%dma_start3A_44 : memref<64x64xf32, #tpu.memory_space<vmem>>) offsets(%dma_start3A_47 : memref<64xi32, #tpu.memory_space<vmem>>) semaphore(%arg7 : memref<!tpu.dma_semaphore, #tpu.memory_space<semaphore_mem>>)
    %dma_start3A_51 = arith.constant 4 : i32
    %dma_start3A_52 = arith.constant 256 : i32
    %dma_start3A_53 = arith.constant 0 : i32
    %dma_start3A_54 = tpu.memref_slice %arg6[%dma_start3A_52, %dma_start3A_53] : memref<320x64xf32, #tpu.memory_space<vmem>> -> memref<64x64xf32, #tpu.memory_space<vmem>>
    %dma_start3A_55 = arith.constant 0 : i32
    %dma_start3A_56 = tpu.memref_slice %arg5[%dma_start3A_51, %dma_start3A_55] : memref<5x64xi32, #tpu.memory_space<vmem>> -> memref<1x64xi32, #tpu.memory_space<vmem>>
    %dma_start3A_57 = tpu.memref_squeeze %dma_start3A_56 : memref<1x64xi32, #tpu.memory_space<vmem>> -> memref<64xi32, #tpu.memory_space<vmem>>
    %dma_start3A_58 = arith.constant 0 : i32
    %dma_start3A_59 = arith.constant 0 : i32
    %dma_start3A_60 = tpu.memref_slice %arg2[%dma_start3A_58, %dma_start3A_59] : memref<1001x64xf32, #tpu.memory_space<hbm>> -> memref<1001x64xf32, #tpu.memory_space<hbm>>
    tpu.enqueue_indirect_dma source(%dma_start3A_60 : memref<1001x64xf32, #tpu.memory_space<hbm>>) target(%dma_start3A_54 : memref<64x64xf32, #tpu.memory_space<vmem>>) offsets(%dma_start3A_57 : memref<64xi32, #tpu.memory_space<vmem>>) semaphore(%arg7 : memref<!tpu.dma_semaphore, #tpu.memory_space<semaphore_mem>>)
    %dma_wait3A = arith.constant 0 : i32
    %dma_wait3A_61 = arith.constant 0 : i32
    %dma_wait3A_62 = arith.constant 0 : i32
    %dma_wait3A_63 = tpu.memref_slice %arg6[%dma_wait3A_61, %dma_wait3A_62] : memref<320x64xf32, #tpu.memory_space<vmem>> -> memref<64x64xf32, #tpu.memory_space<vmem>>
    %dma_wait3A_64 = arith.constant 0 : i32
    %dma_wait3A_65 = tpu.memref_slice %arg5[%dma_wait3A, %dma_wait3A_64] : memref<5x64xi32, #tpu.memory_space<vmem>> -> memref<1x64xi32, #tpu.memory_space<vmem>>
    %dma_wait3A_66 = tpu.memref_squeeze %dma_wait3A_65 : memref<1x64xi32, #tpu.memory_space<vmem>> -> memref<64xi32, #tpu.memory_space<vmem>>
    %dma_wait3A_67 = arith.constant 0 : i32
    %dma_wait3A_68 = arith.constant 0 : i32
    %dma_wait3A_69 = tpu.memref_slice %arg2[%dma_wait3A_67, %dma_wait3A_68] : memref<1001x64xf32, #tpu.memory_space<hbm>> -> memref<1001x64xf32, #tpu.memory_space<hbm>>
    tpu.wait_indirect_dma semaphore(%arg7 : memref<!tpu.dma_semaphore, #tpu.memory_space<semaphore_mem>>) src(%dma_wait3A_69 : memref<1001x64xf32, #tpu.memory_space<hbm>>) dst(%dma_wait3A_63 : memref<64x64xf32, #tpu.memory_space<vmem>>)
    %dma_wait3A_70 = arith.constant 1 : i32
    %dma_wait3A_71 = arith.constant 64 : i32
    %dma_wait3A_72 = arith.constant 0 : i32
    %dma_wait3A_73 = tpu.memref_slice %arg6[%dma_wait3A_71, %dma_wait3A_72] : memref<320x64xf32, #tpu.memory_space<vmem>> -> memref<64x64xf32, #tpu.memory_space<vmem>>
    %dma_wait3A_74 = arith.constant 0 : i32
    %dma_wait3A_75 = tpu.memref_slice %arg5[%dma_wait3A_70, %dma_wait3A_74] : memref<5x64xi32, #tpu.memory_space<vmem>> -> memref<1x64xi32, #tpu.memory_space<vmem>>
    %dma_wait3A_76 = tpu.memref_squeeze %dma_wait3A_75 : memref<1x64xi32, #tpu.memory_space<vmem>> -> memref<64xi32, #tpu.memory_space<vmem>>
    %dma_wait3A_77 = arith.constant 0 : i32
    %dma_wait3A_78 = arith.constant 0 : i32
    %dma_wait3A_79 = tpu.memref_slice %arg2[%dma_wait3A_77, %dma_wait3A_78] : memref<1001x64xf32, #tpu.memory_space<hbm>> -> memref<1001x64xf32, #tpu.memory_space<hbm>>
    tpu.wait_indirect_dma semaphore(%arg7 : memref<!tpu.dma_semaphore, #tpu.memory_space<semaphore_mem>>) src(%dma_wait3A_79 : memref<1001x64xf32, #tpu.memory_space<hbm>>) dst(%dma_wait3A_73 : memref<64x64xf32, #tpu.memory_space<vmem>>)
    %dma_wait3A_80 = arith.constant 2 : i32
    %dma_wait3A_81 = arith.constant 128 : i32
    %dma_wait3A_82 = arith.constant 0 : i32
    %dma_wait3A_83 = tpu.memref_slice %arg6[%dma_wait3A_81, %dma_wait3A_82] : memref<320x64xf32, #tpu.memory_space<vmem>> -> memref<64x64xf32, #tpu.memory_space<vmem>>
    %dma_wait3A_84 = arith.constant 0 : i32
    %dma_wait3A_85 = tpu.memref_slice %arg5[%dma_wait3A_80, %dma_wait3A_84] : memref<5x64xi32, #tpu.memory_space<vmem>> -> memref<1x64xi32, #tpu.memory_space<vmem>>
    %dma_wait3A_86 = tpu.memref_squeeze %dma_wait3A_85 : memref<1x64xi32, #tpu.memory_space<vmem>> -> memref<64xi32, #tpu.memory_space<vmem>>
    %dma_wait3A_87 = arith.constant 0 : i32
    %dma_wait3A_88 = arith.constant 0 : i32
    %dma_wait3A_89 = tpu.memref_slice %arg2[%dma_wait3A_87, %dma_wait3A_88] : memref<1001x64xf32, #tpu.memory_space<hbm>> -> memref<1001x64xf32, #tpu.memory_space<hbm>>
    tpu.wait_indirect_dma semaphore(%arg7 : memref<!tpu.dma_semaphore, #tpu.memory_space<semaphore_mem>>) src(%dma_wait3A_89 : memref<1001x64xf32, #tpu.memory_space<hbm>>) dst(%dma_wait3A_83 : memref<64x64xf32, #tpu.memory_space<vmem>>)
    %dma_wait3A_90 = arith.constant 3 : i32
    %dma_wait3A_91 = arith.constant 192 : i32
    %dma_wait3A_92 = arith.constant 0 : i32
    %dma_wait3A_93 = tpu.memref_slice %arg6[%dma_wait3A_91, %dma_wait3A_92] : memref<320x64xf32, #tpu.memory_space<vmem>> -> memref<64x64xf32, #tpu.memory_space<vmem>>
    %dma_wait3A_94 = arith.constant 0 : i32
    %dma_wait3A_95 = tpu.memref_slice %arg5[%dma_wait3A_90, %dma_wait3A_94] : memref<5x64xi32, #tpu.memory_space<vmem>> -> memref<1x64xi32, #tpu.memory_space<vmem>>
    %dma_wait3A_96 = tpu.memref_squeeze %dma_wait3A_95 : memref<1x64xi32, #tpu.memory_space<vmem>> -> memref<64xi32, #tpu.memory_space<vmem>>
    %dma_wait3A_97 = arith.constant 0 : i32
    %dma_wait3A_98 = arith.constant 0 : i32
    %dma_wait3A_99 = tpu.memref_slice %arg2[%dma_wait3A_97, %dma_wait3A_98] : memref<1001x64xf32, #tpu.memory_space<hbm>> -> memref<1001x64xf32, #tpu.memory_space<hbm>>
    tpu.wait_indirect_dma semaphore(%arg7 : memref<!tpu.dma_semaphore, #tpu.memory_space<semaphore_mem>>) src(%dma_wait3A_99 : memref<1001x64xf32, #tpu.memory_space<hbm>>) dst(%dma_wait3A_93 : memref<64x64xf32, #tpu.memory_space<vmem>>)
    %dma_wait3A_100 = arith.constant 4 : i32
    %dma_wait3A_101 = arith.constant 256 : i32
    %dma_wait3A_102 = arith.constant 0 : i32
    %dma_wait3A_103 = tpu.memref_slice %arg6[%dma_wait3A_101, %dma_wait3A_102] : memref<320x64xf32, #tpu.memory_space<vmem>> -> memref<64x64xf32, #tpu.memory_space<vmem>>
    %dma_wait3A_104 = arith.constant 0 : i32
    %dma_wait3A_105 = tpu.memref_slice %arg5[%dma_wait3A_100, %dma_wait3A_104] : memref<5x64xi32, #tpu.memory_space<vmem>> -> memref<1x64xi32, #tpu.memory_space<vmem>>
    %dma_wait3A_106 = tpu.memref_squeeze %dma_wait3A_105 : memref<1x64xi32, #tpu.memory_space<vmem>> -> memref<64xi32, #tpu.memory_space<vmem>>
    %dma_wait3A_107 = arith.constant 0 : i32
    %dma_wait3A_108 = arith.constant 0 : i32
    %dma_wait3A_109 = tpu.memref_slice %arg2[%dma_wait3A_107, %dma_wait3A_108] : memref<1001x64xf32, #tpu.memory_space<hbm>> -> memref<1001x64xf32, #tpu.memory_space<hbm>>
    tpu.wait_indirect_dma semaphore(%arg7 : memref<!tpu.dma_semaphore, #tpu.memory_space<semaphore_mem>>) src(%dma_wait3A_109 : memref<1001x64xf32, #tpu.memory_space<hbm>>) dst(%dma_wait3A_103 : memref<64x64xf32, #tpu.memory_space<vmem>>)
    "tpu.region"() ({
      %run_scoped3A = tpu.sem_alloc : memref<!tpu.dma_semaphore, #tpu.memory_space<semaphore_mem>>
      %dma_start3A_111 = arith.constant 0 : i32
      %dma_start3A_112 = tpu.memref_slice %arg4[%add3A_6, %dma_start3A_111] : memref<10240x64xf32, #tpu.memory_space<hbm>> -> memref<320x64xf32, #tpu.memory_space<hbm>>
      %dma_start3A_113 = arith.constant 0 : i32
      %dma_start3A_114 = tpu.memref_slice %arg4[%add3A_6, %dma_start3A_113] : memref<10240x64xf32, #tpu.memory_space<hbm>> -> memref<320x64xf32, #tpu.memory_space<hbm>>
      tpu.enqueue_dma source(%arg6 : memref<320x64xf32, #tpu.memory_space<vmem>>) target(%dma_start3A_114 : memref<320x64xf32, #tpu.memory_space<hbm>>) target_semaphore(%run_scoped3A : memref<!tpu.dma_semaphore, #tpu.memory_space<semaphore_mem>>)
      %dma_wait3A_115 = arith.constant 0 : i32
      %dma_wait3A_116 = tpu.memref_slice %arg4[%add3A_6, %dma_wait3A_115] : memref<10240x64xf32, #tpu.memory_space<hbm>> -> memref<320x64xf32, #tpu.memory_space<hbm>>
      %dma_wait3A_117 = arith.constant 0 : i32
      %dma_wait3A_118 = tpu.memref_slice %arg4[%add3A_6, %dma_wait3A_117] : memref<10240x64xf32, #tpu.memory_space<hbm>> -> memref<320x64xf32, #tpu.memory_space<hbm>>
      tpu.wait_dma2 semaphore(%run_scoped3A : memref<!tpu.dma_semaphore, #tpu.memory_space<semaphore_mem>>) src(%arg6 : memref<320x64xf32, #tpu.memory_space<vmem>>) dst(%dma_wait3A_118 : memref<320x64xf32, #tpu.memory_space<hbm>>)
      tpu.yield
    }) : () -> ()
    %scan3A_110 = arith.constant 1 : i32
    return
  }
}

module attributes {stable_mosaic.version = 14 : i64} {
  func.func @_edge_msg_body(%arg0: i32, %arg1: memref<2048x8xf32, #tpu.memory_space<vmem>>, %arg2: memref<2048x9xf32, #tpu.memory_space<vmem>>, %arg3: memref<2048x64xf32, #tpu.memory_space<vmem>>, %arg4: memref<2048x1xf32, #tpu.memory_space<vmem>>, %arg5: memref<8x256xf32, #tpu.memory_space<vmem>>, %arg6: memref<1x256xf32, #tpu.memory_space<vmem>>, %arg7: memref<256x64xf32, #tpu.memory_space<vmem>>, %arg8: memref<1x64xf32, #tpu.memory_space<vmem>>, %arg9: memref<9x64xf32, #tpu.memory_space<vmem>>, %arg10: memref<2048x64xf32, #tpu.memory_space<vmem>>) attributes {dimension_semantics = [#tpu.dimension_semantics<arbitrary>], iteration_bounds = array<i64: 320>, scalar_prefetch = 0 : i64, scratch_operands = 0 : i64, tpu.core_type = #tpu.core_type<tc>, window_params = [{transform_indices = @transform_0, window_bounds = array<i64: 2048, 8>}, {transform_indices = @transform_1, window_bounds = array<i64: 2048, 9>}, {transform_indices = @transform_2, window_bounds = array<i64: 2048, 64>}, {transform_indices = @transform_3, window_bounds = array<i64: 2048, 1>}, {pipeline_mode = #tpu.pipeline_mode<synchronous>, transform_indices = @transform_4, window_bounds = array<i64: 8, 256>}, {pipeline_mode = #tpu.pipeline_mode<synchronous>, transform_indices = @transform_5, window_bounds = array<i64: 1, 256>}, {pipeline_mode = #tpu.pipeline_mode<synchronous>, transform_indices = @transform_6, window_bounds = array<i64: 256, 64>}, {pipeline_mode = #tpu.pipeline_mode<synchronous>, transform_indices = @transform_7, window_bounds = array<i64: 1, 64>}, {pipeline_mode = #tpu.pipeline_mode<synchronous>, transform_indices = @transform_8, window_bounds = array<i64: 9, 64>}, {transform_indices = @transform_9, window_bounds = array<i64: 2048, 64>}]} {
    %get3A = arith.constant 0 : index
    %get3A_0 = arith.constant 0 : index
    %get3A_1 = vector.load %arg1[%get3A, %get3A_0] : memref<2048x8xf32, #tpu.memory_space<vmem>>, vector<2048x8xf32>
    %get3A_2 = arith.constant 0 : index
    %get3A_3 = arith.constant 0 : index
    %get3A_4 = vector.load %arg5[%get3A_2, %get3A_3] : memref<8x256xf32, #tpu.memory_space<vmem>>, vector<8x256xf32>
    %dot_general3A = arith.constant dense<0.000000e+00> : vector<2048x256xf32>
    %dot_general3A_5 = tpu.matmul %get3A_1, %get3A_4, %dot_general3A {dimension_numbers = #tpu.dot_dimension_numbers<[1], [0], [0], [1], [0, 0, 1, 1], [], []>, transpose_lhs_hint = false} : vector<2048x8xf32>, vector<8x256xf32>, vector<2048x256xf32> -> vector<2048x256xf32>
    %get3A_6 = arith.constant 0 : index
    %get3A_7 = arith.constant 0 : index
    %get3A_8 = vector.load %arg6[%get3A_6, %get3A_7] : memref<1x256xf32, #tpu.memory_space<vmem>>, vector<1x256xf32>
    %add3A = vector.broadcast %get3A_8 : vector<1x256xf32> to vector<2048x256xf32>
    %add3A_9 = arith.addf %dot_general3A_5, %add3A : vector<2048x256xf32>
    %max3A = arith.constant 0.000000e+00 : f32
    %max3A_10 = vector.broadcast %max3A : f32 to vector<2048x256xf32>
    %max3A_11 = arith.maximumf %add3A_9, %max3A_10 : vector<2048x256xf32>
    %get3A_12 = arith.constant 0 : index
    %get3A_13 = arith.constant 0 : index
    %get3A_14 = vector.load %arg7[%get3A_12, %get3A_13] : memref<256x64xf32, #tpu.memory_space<vmem>>, vector<256x64xf32>
    %dot_general3A_15 = arith.constant dense<0.000000e+00> : vector<2048x64xf32>
    %dot_general3A_16 = tpu.matmul %max3A_11, %get3A_14, %dot_general3A_15 {dimension_numbers = #tpu.dot_dimension_numbers<[1], [0], [0], [1], [0, 0, 1, 1], [], []>, transpose_lhs_hint = false} : vector<2048x256xf32>, vector<256x64xf32>, vector<2048x64xf32> -> vector<2048x64xf32>
    %get3A_17 = arith.constant 0 : index
    %get3A_18 = arith.constant 0 : index
    %get3A_19 = vector.load %arg8[%get3A_17, %get3A_18] : memref<1x64xf32, #tpu.memory_space<vmem>>, vector<1x64xf32>
    %add3A_20 = vector.broadcast %get3A_19 : vector<1x64xf32> to vector<2048x64xf32>
    %add3A_21 = arith.addf %dot_general3A_16, %add3A_20 : vector<2048x64xf32>
    %get3A_22 = arith.constant 0 : index
    %get3A_23 = arith.constant 0 : index
    %get3A_24 = vector.load %arg2[%get3A_22, %get3A_23] : memref<2048x9xf32, #tpu.memory_space<vmem>>, vector<2048x9xf32>
    %get3A_25 = arith.constant 0 : index
    %get3A_26 = arith.constant 0 : index
    %get3A_27 = vector.load %arg9[%get3A_25, %get3A_26] : memref<9x64xf32, #tpu.memory_space<vmem>>, vector<9x64xf32>
    %dot_general3A_28 = arith.constant dense<0.000000e+00> : vector<2048x64xf32>
    %dot_general3A_29 = tpu.matmul %get3A_24, %get3A_27, %dot_general3A_28 {dimension_numbers = #tpu.dot_dimension_numbers<[1], [0], [0], [1], [0, 0, 1, 1], [], []>, transpose_lhs_hint = false} : vector<2048x9xf32>, vector<9x64xf32>, vector<2048x64xf32> -> vector<2048x64xf32>
    %get3A_30 = arith.constant 0 : index
    %get3A_31 = arith.constant 0 : index
    %get3A_32 = vector.load %arg3[%get3A_30, %get3A_31] : memref<2048x64xf32, #tpu.memory_space<vmem>>, vector<2048x64xf32>
    %mul3A = arith.mulf %get3A_32, %add3A_21 : vector<2048x64xf32>
    %add3A_33 = arith.addf %mul3A, %dot_general3A_29 : vector<2048x64xf32>
    %get3A_34 = arith.constant 0 : index
    %get3A_35 = arith.constant 0 : index
    %get3A_36 = vector.load %arg4[%get3A_34, %get3A_35] : memref<2048x1xf32, #tpu.memory_space<vmem>>, vector<2048x1xf32>
    %mul3A_37 = vector.broadcast %get3A_36 : vector<2048x1xf32> to vector<2048x64xf32>
    %mul3A_38 = arith.mulf %add3A_33, %mul3A_37 : vector<2048x64xf32>
    %swap3A = arith.constant 0 : index
    %swap3A_39 = arith.constant 0 : index
    %swap3A_40 = vector.load %arg10[%swap3A, %swap3A_39] : memref<2048x64xf32, #tpu.memory_space<vmem>>, vector<2048x64xf32>
    tpu.vector_store %arg10[%swap3A, %swap3A_39], %mul3A_38 {strides = array<i32>} : memref<2048x64xf32, #tpu.memory_space<vmem>>, vector<2048x64xf32>,
    return
  }
  func.func @transform_0(%arg0: i32) -> (i32, i32) {
    %c0_i32 = arith.constant 0 : i32
    %c0_i32_0 = arith.constant 0 : i32
    return %arg0, %c0_i32 : i32, i32
  }
  func.func @transform_1(%arg0: i32) -> (i32, i32) {
    %c0_i32 = arith.constant 0 : i32
    %c0_i32_0 = arith.constant 0 : i32
    return %arg0, %c0_i32 : i32, i32
  }
  func.func @transform_2(%arg0: i32) -> (i32, i32) {
    %c0_i32 = arith.constant 0 : i32
    %c0_i32_0 = arith.constant 0 : i32
    return %arg0, %c0_i32 : i32, i32
  }
  func.func @transform_3(%arg0: i32) -> (i32, i32) {
    %c0_i32 = arith.constant 0 : i32
    %c0_i32_0 = arith.constant 0 : i32
    return %arg0, %c0_i32 : i32, i32
  }
  func.func @transform_4(%arg0: i32) -> (i32, i32) {
    %c0_i32 = arith.constant 0 : i32
    %c0_i32_0 = arith.constant 0 : i32
    %c0_i32_1 = arith.constant 0 : i32
    return %c0_i32, %c0_i32_0 : i32, i32
  }
  func.func @transform_5(%arg0: i32) -> (i32, i32) {
    %c0_i32 = arith.constant 0 : i32
    %c0_i32_0 = arith.constant 0 : i32
    %c0_i32_1 = arith.constant 0 : i32
    return %c0_i32, %c0_i32_0 : i32, i32
  }
  func.func @transform_6(%arg0: i32) -> (i32, i32) {
    %c0_i32 = arith.constant 0 : i32
    %c0_i32_0 = arith.constant 0 : i32
    %c0_i32_1 = arith.constant 0 : i32
    return %c0_i32, %c0_i32_0 : i32, i32
  }
  func.func @transform_7(%arg0: i32) -> (i32, i32) {
    %c0_i32 = arith.constant 0 : i32
    %c0_i32_0 = arith.constant 0 : i32
    %c0_i32_1 = arith.constant 0 : i32
    return %c0_i32, %c0_i32_0 : i32, i32
  }
  func.func @transform_8(%arg0: i32) -> (i32, i32) {
    %c0_i32 = arith.constant 0 : i32
    %c0_i32_0 = arith.constant 0 : i32
    %c0_i32_1 = arith.constant 0 : i32
    return %c0_i32, %c0_i32_0 : i32, i32
  }
  func.func @transform_9(%arg0: i32) -> (i32, i32) {
    %c0_i32 = arith.constant 0 : i32
    %c0_i32_0 = arith.constant 0 : i32
    return %arg0, %c0_i32 : i32, i32
  }
}

module attributes {stable_mosaic.version = 14 : i64} {
  func.func @_edge_msg_body(%arg0: i32, %arg1: memref<2048x8xf32, #tpu.memory_space<vmem>>, %arg2: memref<2048x9xf32, #tpu.memory_space<vmem>>, %arg3: memref<2048x64xf32, #tpu.memory_space<vmem>>, %arg4: memref<2048x1xf32, #tpu.memory_space<vmem>>, %arg5: memref<8x256xf32, #tpu.memory_space<vmem>>, %arg6: memref<1x256xf32, #tpu.memory_space<vmem>>, %arg7: memref<256x64xf32, #tpu.memory_space<vmem>>, %arg8: memref<1x64xf32, #tpu.memory_space<vmem>>, %arg9: memref<9x64xf32, #tpu.memory_space<vmem>>, %arg10: memref<2048x64xf32, #tpu.memory_space<vmem>>) attributes {dimension_semantics = [#tpu.dimension_semantics<arbitrary>], iteration_bounds = array<i64: 336>, scalar_prefetch = 0 : i64, scratch_operands = 0 : i64, tpu.core_type = #tpu.core_type<tc>, window_params = [{transform_indices = @transform_0, window_bounds = array<i64: 2048, 8>}, {transform_indices = @transform_1, window_bounds = array<i64: 2048, 9>}, {transform_indices = @transform_2, window_bounds = array<i64: 2048, 64>}, {transform_indices = @transform_3, window_bounds = array<i64: 2048, 1>}, {pipeline_mode = #tpu.pipeline_mode<synchronous>, transform_indices = @transform_4, window_bounds = array<i64: 8, 256>}, {pipeline_mode = #tpu.pipeline_mode<synchronous>, transform_indices = @transform_5, window_bounds = array<i64: 1, 256>}, {pipeline_mode = #tpu.pipeline_mode<synchronous>, transform_indices = @transform_6, window_bounds = array<i64: 256, 64>}, {pipeline_mode = #tpu.pipeline_mode<synchronous>, transform_indices = @transform_7, window_bounds = array<i64: 1, 64>}, {pipeline_mode = #tpu.pipeline_mode<synchronous>, transform_indices = @transform_8, window_bounds = array<i64: 9, 64>}, {transform_indices = @transform_9, window_bounds = array<i64: 2048, 64>}]} {
    %get3A = arith.constant 0 : index
    %get3A_0 = arith.constant 0 : index
    %get3A_1 = vector.load %arg1[%get3A, %get3A_0] : memref<2048x8xf32, #tpu.memory_space<vmem>>, vector<2048x8xf32>
    %get3A_2 = arith.constant 0 : index
    %get3A_3 = arith.constant 0 : index
    %get3A_4 = vector.load %arg5[%get3A_2, %get3A_3] : memref<8x256xf32, #tpu.memory_space<vmem>>, vector<8x256xf32>
    %dot_general3A = arith.constant dense<0.000000e+00> : vector<2048x256xf32>
    %dot_general3A_5 = tpu.matmul %get3A_1, %get3A_4, %dot_general3A {dimension_numbers = #tpu.dot_dimension_numbers<[1], [0], [0], [1], [0, 0, 1, 1], [], []>, transpose_lhs_hint = false} : vector<2048x8xf32>, vector<8x256xf32>, vector<2048x256xf32> -> vector<2048x256xf32>
    %get3A_6 = arith.constant 0 : index
    %get3A_7 = arith.constant 0 : index
    %get3A_8 = vector.load %arg6[%get3A_6, %get3A_7] : memref<1x256xf32, #tpu.memory_space<vmem>>, vector<1x256xf32>
    %add3A = vector.broadcast %get3A_8 : vector<1x256xf32> to vector<2048x256xf32>
    %add3A_9 = arith.addf %dot_general3A_5, %add3A : vector<2048x256xf32>
    %max3A = arith.constant 0.000000e+00 : f32
    %max3A_10 = vector.broadcast %max3A : f32 to vector<2048x256xf32>
    %max3A_11 = arith.maximumf %add3A_9, %max3A_10 : vector<2048x256xf32>
    %get3A_12 = arith.constant 0 : index
    %get3A_13 = arith.constant 0 : index
    %get3A_14 = vector.load %arg7[%get3A_12, %get3A_13] : memref<256x64xf32, #tpu.memory_space<vmem>>, vector<256x64xf32>
    %dot_general3A_15 = arith.constant dense<0.000000e+00> : vector<2048x64xf32>
    %dot_general3A_16 = tpu.matmul %max3A_11, %get3A_14, %dot_general3A_15 {dimension_numbers = #tpu.dot_dimension_numbers<[1], [0], [0], [1], [0, 0, 1, 1], [], []>, transpose_lhs_hint = false} : vector<2048x256xf32>, vector<256x64xf32>, vector<2048x64xf32> -> vector<2048x64xf32>
    %get3A_17 = arith.constant 0 : index
    %get3A_18 = arith.constant 0 : index
    %get3A_19 = vector.load %arg8[%get3A_17, %get3A_18] : memref<1x64xf32, #tpu.memory_space<vmem>>, vector<1x64xf32>
    %add3A_20 = vector.broadcast %get3A_19 : vector<1x64xf32> to vector<2048x64xf32>
    %add3A_21 = arith.addf %dot_general3A_16, %add3A_20 : vector<2048x64xf32>
    %get3A_22 = arith.constant 0 : index
    %get3A_23 = arith.constant 0 : index
    %get3A_24 = vector.load %arg2[%get3A_22, %get3A_23] : memref<2048x9xf32, #tpu.memory_space<vmem>>, vector<2048x9xf32>
    %get3A_25 = arith.constant 0 : index
    %get3A_26 = arith.constant 0 : index
    %get3A_27 = vector.load %arg9[%get3A_25, %get3A_26] : memref<9x64xf32, #tpu.memory_space<vmem>>, vector<9x64xf32>
    %dot_general3A_28 = arith.constant dense<0.000000e+00> : vector<2048x64xf32>
    %dot_general3A_29 = tpu.matmul %get3A_24, %get3A_27, %dot_general3A_28 {dimension_numbers = #tpu.dot_dimension_numbers<[1], [0], [0], [1], [0, 0, 1, 1], [], []>, transpose_lhs_hint = false} : vector<2048x9xf32>, vector<9x64xf32>, vector<2048x64xf32> -> vector<2048x64xf32>
    %get3A_30 = arith.constant 0 : index
    %get3A_31 = arith.constant 0 : index
    %get3A_32 = vector.load %arg3[%get3A_30, %get3A_31] : memref<2048x64xf32, #tpu.memory_space<vmem>>, vector<2048x64xf32>
    %mul3A = arith.mulf %get3A_32, %add3A_21 : vector<2048x64xf32>
    %add3A_33 = arith.addf %mul3A, %dot_general3A_29 : vector<2048x64xf32>
    %get3A_34 = arith.constant 0 : index
    %get3A_35 = arith.constant 0 : index
    %get3A_36 = vector.load %arg4[%get3A_34, %get3A_35] : memref<2048x1xf32, #tpu.memory_space<vmem>>, vector<2048x1xf32>
    %mul3A_37 = vector.broadcast %get3A_36 : vector<2048x1xf32> to vector<2048x64xf32>
    %mul3A_38 = arith.mulf %add3A_33, %mul3A_37 : vector<2048x64xf32>
    %swap3A = arith.constant 0 : index
    %swap3A_39 = arith.constant 0 : index
    %swap3A_40 = vector.load %arg10[%swap3A, %swap3A_39] : memref<2048x64xf32, #tpu.memory_space<vmem>>, vector<2048x64xf32>
    tpu.vector_store %arg10[%swap3A, %swap3A_39], %mul3A_38 {strides = array<i32>} : memref<2048x64xf32, #tpu.memory_space<vmem>>, vector<2048x64xf32>,
    return
  }
  func.func @transform_0(%arg0: i32) -> (i32, i32) {
    %c0_i32 = arith.constant 0 : i32
    %c0_i32_0 = arith.constant 0 : i32
    return %arg0, %c0_i32 : i32, i32
  }
  func.func @transform_1(%arg0: i32) -> (i32, i32) {
    %c0_i32 = arith.constant 0 : i32
    %c0_i32_0 = arith.constant 0 : i32
    return %arg0, %c0_i32 : i32, i32
  }
  func.func @transform_2(%arg0: i32) -> (i32, i32) {
    %c0_i32 = arith.constant 0 : i32
    %c0_i32_0 = arith.constant 0 : i32
    return %arg0, %c0_i32 : i32, i32
  }
  func.func @transform_3(%arg0: i32) -> (i32, i32) {
    %c0_i32 = arith.constant 0 : i32
    %c0_i32_0 = arith.constant 0 : i32
    return %arg0, %c0_i32 : i32, i32
  }
  func.func @transform_4(%arg0: i32) -> (i32, i32) {
    %c0_i32 = arith.constant 0 : i32
    %c0_i32_0 = arith.constant 0 : i32
    %c0_i32_1 = arith.constant 0 : i32
    return %c0_i32, %c0_i32_0 : i32, i32
  }
  func.func @transform_5(%arg0: i32) -> (i32, i32) {
    %c0_i32 = arith.constant 0 : i32
    %c0_i32_0 = arith.constant 0 : i32
    %c0_i32_1 = arith.constant 0 : i32
    return %c0_i32, %c0_i32_0 : i32, i32
  }
  func.func @transform_6(%arg0: i32) -> (i32, i32) {
    %c0_i32 = arith.constant 0 : i32
    %c0_i32_0 = arith.constant 0 : i32
    %c0_i32_1 = arith.constant 0 : i32
    return %c0_i32, %c0_i32_0 : i32, i32
  }
  func.func @transform_7(%arg0: i32) -> (i32, i32) {
    %c0_i32 = arith.constant 0 : i32
    %c0_i32_0 = arith.constant 0 : i32
    %c0_i32_1 = arith.constant 0 : i32
    return %c0_i32, %c0_i32_0 : i32, i32
  }
  func.func @transform_8(%arg0: i32) -> (i32, i32) {
    %c0_i32 = arith.constant 0 : i32
    %c0_i32_0 = arith.constant 0 : i32
    %c0_i32_1 = arith.constant 0 : i32
    return %c0_i32, %c0_i32_0 : i32, i32
  }
  func.func @transform_9(%arg0: i32) -> (i32, i32) {
    %c0_i32 = arith.constant 0 : i32
    %c0_i32_0 = arith.constant 0 : i32
    return %arg0, %c0_i32 : i32, i32
  }
}

</mosaic_0001>

<sc_bundles>
// kernel: sc_gather1_1024.9.cloned.1.call-start
scs
__scs_entry_jumppad:
0x0: {  	(pc) =	sbr.rel $0x88, $3  }
0x1: {  	(tag) =	ssettag $0x0;
	lr =	simm.s32 $0x1  }
0x2: {  	[smem:$0x3F7C] =	sst lr;
	_ =	strace $0xD0000000  }
0x3: {  	_ = 	snop  }
0x4: {  	_ = 	snop  }
0x5: {  	_ = 	snop  }
0x6: {  	_ = 	snop  }
0x7: {  	_ = 	snop  }
__scs_overlays_trampoline_lowered:
0x8: {  	[smem:$0x3F8B] =	sst s0  }
0x9: {  	[smem:$0x3F8C] =	sst s1  }
0xa: {  	[smem:$0x3F8D] =	sst s2  }
0xb: {  	[smem:$0x3F8E] =	sst s3  }
0xc: {  	[smem:$0x3F8F] =	sst s4  }
0xd: {  	[smem:$0x3F90] =	sst s5  }
0xe: {  	[smem:$0x3F91] =	sst s6  }
0xf: {  	[smem:$0x3F92] =	sst s7  }
0x10: {  	[smem:$0x3F93] =	sst s8  }
0x11: {  	[smem:$0x3F94] =	sst s9;
	s0 =	simm.s32 @!p0 $0x0  }
0x12: {  	s1 =	sld [smem:$0x3F7A];
	s0 =	simm.s32 @p0 $0x1  }
0x13: {  	[smem:$0x3F95] =	sst s0;
	s0 =	simm.s32 @!p1 $0x0  }
0x14: {  	s2 =	sld [smem:$0x3F79];
	s0 =	simm.s32 @p1 $0x1  }
0x15: {  	[smem:$0x3F96] =	sst s0;
	s0 =	simm.s32 @!p2 $0x0  }
0x16: {  	s3 =	sld [smem:$0x3FDB];
	s0 =	simm.s32 @p2 $0x1  }
0x17: {  	s4 =	simm.s32 $0x1BF5;
	[smem:$0x3F98] =	sst s0  }
0x18: {  	s0 =	sld [smem:$0x3F7B];
	_ =	swait.ge [sflag:s4], $0x0  }
0x19: {  	s7 =	sld [smem:$0x3F7C]  }
0x1a: {  	s8 =	sadd.s32 $0xFFFFE003, lr  }
0x1b: {  	s9 =	sadd.s32 $0xFFFFFEF7, lr;
	s5 =	simm.s32 $0xFFFFFFFF;
	p2 =	slt.u32 s8, $0xFFFFF086  }
0x1c: {  	p1 =	slt.u32 s9, $0xF7A;
	s5 =	simm.s32 @!p2 $0x0  }
0x1d: {  	s5 =	simm.s32 @p1 $0x1;
	p0 =	seq.s32 s7, s2  }
0x1e: {  	s7 =	smul.u32 @!p0 $0xF7A, s2;
	p2 =	seq.s32 @!p0 s5, $0x0  }
0x1f: {  	s9 =	smul.u32 $0xF7A, s1;
	s8 =	simm.s32 @!p0 $0x1BF5;
	p2 =	por !p2, p0  }
0x20: {  	[sflag:s8] =	ssyncset.s32 @!p0 $0xFFFFF086;
	s6 =	sadd.s32 @!p0 s3, s7;
	s7 =	simm.s32 @!p0 $0x108  }
0x21: {  	s3 =	sadd.s32 s3, s9;
	s6 =	sadd.s32 @!p0 $0x88, s6;
	s7 =	simm.s32 @p2 $0x1082  }
0x22: {  	[simem:s7], [sflag:s8] =	dma.local @!p0 [hbm:s6], $0xF7A  }
0x23: {  	s9 =	sor.u32 $0xD0000000, s2;
	s6 =	simm.s32 $0x108;
	_ =	swait.ge @!p0 [sflag:s8], $0x0  }
0x24: {  	s3 =	sadd.s32 $0x88, s3;
	s6 =	simm.s32 @!p1 $0x1082;
	[sflag:s4] =	ssyncset.s32 $0xFFFFF086  }
0x25: {  	[simem:s6], [sflag:s4] =	dma.local [hbm:s3], $0xF7A  }
0x26: {  	[smem:$0x3F7C] =	sst s1;
	(tag) =	ssettag s2;
	_ =	strace s9  }
0x27: {  	s1 =	sld [smem:$0x3F8C]  }
0x28: {  	s2 =	sld [smem:$0x3F8D]  }
0x29: {  	s4 =	sld [smem:$0x3F8F]  }
0x2a: {  	p0 =	seq.s32 s5, $0x0;
	s5 =	sld [smem:$0x3F90]  }
0x2b: {  	s6 =	sld [smem:$0x3F91]  }
0x2c: {  	s7 =	sld [smem:$0x3F92]  }
0x2d: {  	s3 =	simm.s32 $0x108;
	s8 =	sld [smem:$0x3F93]  }
0x2e: {  	s3 =	simm.s32 @!p0 $0x1082;
	s9 =	sld [smem:$0x3F94]  }
0x2f: {  	lr =	sadd.s32 s0, s3;
	s0 =	sld [smem:$0x3F8B]  }
0x30: {  	s3 =	sld [smem:$0x3F8E]  }
0x31: {  	[smem:$0x3F97] =	sst s10  }
0x32: {  	s10 =	sld [smem:$0x3F95];
	_ =	sdelay $0x3  }
0x33: {  	p0 =	seq.s32 s10, $0x1;
	s10 =	sld [smem:$0x3F97];
	_ =	sdelay $0x3  }
0x34: {  	[smem:$0x3F97] =	sst s10  }
0x35: {  	s10 =	sld [smem:$0x3F96];
	_ =	sdelay $0x3  }
0x36: {  	p1 =	seq.s32 s10, $0x1;
	s10 =	sld [smem:$0x3F97];
	_ =	sdelay $0x3  }
0x37: {  	[smem:$0x3F97] =	sst s10  }
0x38: {  	s10 =	sld [smem:$0x3F98]  }
0x39: {  	_ = 	snop;
	(pc) =	sbr.ind lr, $3  }
0x3a: {  	_ = 	snop  }
0x3b: {  	_ = 	snop  }
0x3c: {  	p2 =	seq.s32 s10, $0x1;
	s10 =	sld [smem:$0x3F97]  }
0x3d: {  	_ =	shalt  }
0x3e: {  	_ =	shalt  }
0x3f: {  	_ =	shalt  }
0x40: {  	_ =	shalt  }
0x41: {  	_ =	shalt  }
0x42: {  	_ =	shalt  }
0x43: {  	_ =	shalt  }
0x44: {  	_ =	shalt  }
0x45: {  	_ =	shalt  }
0x46: {  	_ =	shalt  }
0x47: {  	_ =	shalt  }
0x48: {  	_ =	shalt  }
0x49: {  	_ =	shalt  }
0x4a: {  	_ =	shalt  }
0x4b: {  	_ =	shalt  }
0x4c: {  	_ =	shalt  }
0x4d: {  	_ =	shalt  }
0x4e: {  	_ =	shalt  }
0x4f: {  	_ =	shalt  }
0x50: {  	_ =	shalt  }
0x51: {  	_ =	shalt  }
0x52: {  	_ =	shalt  }
0x53: {  	_ =	shalt  }
0x54: {  	_ =	shalt  }
0x55: {  	_ =	shalt  }
0x56: {  	_ =	shalt  }
0x57: {  	_ =	shalt  }
0x58: {  	_ =	shalt  }
0x59: {  	_ =	shalt  }
0x5a: {  	_ =	shalt  }
0x5b: {  	_ =	shalt  }
0x5c: {  	_ =	shalt  }
0x5d: {  	_ =	shalt  }
0x5e: {  	_ =	shalt  }
0x5f: {  	_ =	shalt  }
0x60: {  	_ =	shalt  }
0x61: {  	_ =	shalt  }
0x62: {  	_ =	shalt  }
0x63: {  	_ =	shalt  }
0x64: {  	_ =	shalt  }
0x65: {  	_ =	shalt  }
0x66: {  	_ =	shalt  }
0x67: {  	_ =	shalt  }
0x68: {  	_ =	shalt  }
0x69: {  	_ =	shalt  }
0x6a: {  	_ =	shalt  }
0x6b: {  	_ =	shalt  }
0x6c: {  	_ =	shalt  }
0x6d: {  	_ =	shalt  }
0x6e: {  	_ =	shalt  }
0x6f: {  	_ =	shalt  }
0x70: {  	_ =	shalt  }
0x71: {  	_ =	shalt  }
0x72: {  	_ =	shalt  }
0x73: {  	_ =	shalt  }
0x74: {  	_ =	shalt  }
0x75: {  	_ =	shalt  }
0x76: {  	_ =	shalt  }
0x77: {  	_ =	shalt  }
0x78: {  	_ =	shalt  }
0x79: {  	_ =	shalt  }
0x7a: {  	_ =	shalt  }
0x7b: {  	_ =	shalt  }
0x7c: {  	_ =	shalt  }
0x7d: {  	_ =	shalt  }
0x7e: {  	_ =	shalt  }
0x7f: {  	_ =	shalt  }
0x80: {  	_ =	shalt  }
0x81: {  	_ =	shalt  }
0x82: {  	_ =	shalt  }
0x83: {  	_ =	shalt  }
0x84: {  	_ =	shalt  }
0x85: {  	_ =	shalt  }
0x86: {  	_ =	shalt  }
0x87: {  	_ =	shalt  }
.Lfunc_end0:
.L_simem_size_0:
called_computation.5_lowered:
.L_overlay_start_0:
0x88: {  	s2 =	sld [smem:$0x3FD9]  }
0x89: {  	s3 =	sld [smem:$0x3FFE];
	_ =	sdelay $0x1  }
0x8a: {  	s1 =	srdreg.scid  }
0x8b: {  	s0 =	sand.u32 $0x1, s1  }
0x8c: {  	s16 =	sshll.u32 s0, $0xA;
	s2 =	sadd.s32 s3, s2  }
0x8d: {  	s2 =	sadd.s32 s2, s16  }
0x8e: {  	[smem:$0x3FA3] =	sst s2  }
0x8f: {  	_ = 	snop  }
0x90: {  	(tm) =	ssettm $0x1  }
0x91: {  	s17 =	sld [smem:$0x3FFB];
	_ =	sdelay $0x3  }
0x92: {  	_ =	strace s17  }
0x93: {  	s2 =	sld [smem:$0x3FFC];
	_ =	sdelay $0x3  }
0x94: {  	_ =	strace s2  }
0x95: {  	s2 =	sld [smem:$0x3FFD];
	_ =	sdelay $0x3  }
0x96: {  	_ =	strace s2  }
0x97: {  	_ =	strace $0x8FFFFFFF  }
0x98: {  	s18 =	sld [smem:$0x3FDB];
	_ =	sdelay $0x1  }
0x99: {  	s19 =	simm.s32 $_scs_section_size  }
0x9a: {  	s4 =	simm.s32 $_size__tile_overlayer_lowered;
	s5 =	simm.s32 $_tile_overlayer_lowered  }
0x9b: {  	s22 =	simm.s32 $0x1BFF;
	s21 =	sshll.u32 s5, $0x1;
	s2 =	sadd.s32 s19, s18  }
0x9c: {  	s6 =	simm.s32 $0x0;
	s20 =	sshll.u32 s4, $0x1;
	s4 =	sadd.s32 s21, s2  }
0x9d: {  	[timem:s6], [sflag:s22] =	dma.local [hbm:s4], s20  }
0x9e: {  	_ =	swait.ge [sflag:s22], s20  }
0x9f: {  	s3 =	ssub.s32 $0x0, s20;
	[sflag:s22] =	ssyncset.done $0x0  }
0xa0: {  	[sflag:s22] =	ssyncadd.s32 s3;
	_ =	sdelay $0x1  }
0xa1: {  	s23 =	simm.s32 $0x1B8B  }
0xa2: {  	_ =	swait.ge [sflag:s23], $0x1  }
0xa3: {  	[sflag:s23] =	ssyncset.done $0x0  }
0xa4: {  	s25 =	simm.s32 $0x1B8E;
	s24 =	sld [smem:$0x3FFE];
	[sflag:s23] =	ssyncadd.s32 $0xFFFFFFFF  }
0xa5: {  	s26 =	simm.s32 $execute0_lowered;
	[smem:$0x3FD2] =	sst s25  }
0xa6: {  	s4 =	sshll.u32 s26, $0x1;
	_ =	strace $0x8000004F;
	[dreg:$0x1] =	wrdreg $0xFFFFFFFF  }
0xa7: {  	s28 =	simm.s32 $_size_execute0_lowered;
	s2 =	sadd.s32 s2, s4;
	[dreg:$0x0] =	wrdreg $0x0  }
0xa8: {  	s4 =	sshll.u32 s28, $0x1;
	[dreg:$0x2] =	wrdreg s2  }
0xa9: {  	[dreg:$0x3] =	wrdreg s4  }
0xaa: {  	[dreg:$0x4] =	wrdreg $0xC0  }
0xab: {  	_ =	task [dreg:s6], $0x5FFFF  }
0xac: {  	[dreg:$0x1] =	wrdreg $0xFFFFFFFF  }
0xad: {  	[dreg:$0x0] =	wrdreg $0x60  }
0xae: {  	[dreg:$0x2] =	wrdreg s24  }
0xaf: {  	[dreg:$0x3] =	wrdreg $0xA  }
0xb0: {  	_ =	task.clear_ibuf [dreg:s6], $0x4FFFF;
	_ =	strace $0x9000004F  }
0xb1: {  	s29 =	simm.s32 $0xA;
	_ =	strace $0x80000051  }
0xb2: {  	_ =	swait.ge [sflag:s29], $0x1  }
0xb3: {  	[sflag:s29] =	ssyncadd.s32 $0xFFFFFFFF  }
0xb4: {  	_ =	strace $0x90000051  }
0xb5: {  	_ =	sfence  }
0xb6: {  	s30 =	sld [smem:$0x0];
	_ =	sdelay $0x2  }
0xb7: {  	s31 =	sshll.u32 s1, $0xD;
	s1 =	sshrl.u32 s1, $0x2  }
0xb8: {  	s3 =	sand.u32 $0x4000, s31;
	s1 =	sadd.s32 s1, s30  }
0xb9: {  	s0 =	sor.u32 s3, s0;
	s1 =	sshll.u32 s1, $0x11  }
0xba: {  	s0 =	sor.u32 s1, s0  }
0xbb: {  	s0 =	sadd.s32 $0x8F2B, s0  }
0xbc: {  	[sflag:s0] =	ssyncadd.remote.s32 $0x1  }
0xbd: {  	_ =	sfence.sel $0xFFFF  }
0xbe: {  	[dreg:$0x0] =	wrdreg $0xFFFFFFFF;
	(pc) =	sbr.abs _section_cstart, $3  }
0xbf: {  	[dreg:$0x1] =	wrdreg $0xFFFFFFFF  }
0xc0: {  	_ =	task.clear_ibuf [dreg:s6], $0x2FFFF;
	_ =	strace $0x9FFFFFFF  }
0xc1: {  	(tm) =	ssettm $0x7FFFFFFF  }
tec
execute0_lowered:
.L_overlay_start_1:
0x0: {  	(tag) =	ssettag $0x1  }
0x1: {  	s1 =	srdreg.scid  }
0x2: {  	s0 =	stileid.u32;
	s6 =	sand.u32 $0x1, s1  }
0x3: {  	s8 =	rddreg [dreg:$0x0];
	s30 =	sshll.u32 s0, $0x6;
	s2 =	sshll.u32 s6, $0x5  }
0x4: {  	s1 =	rddreg [dreg:$0x1];
	s5 =	sadd.s32 $0xABA400, s8;
	s7 =	sor.u32 s2, s30  }
0x5: {  	s10 =	ssub.s32 $0x2, s6;
	s2 =	simm.s32 $0x0;
	s3 =	sshrl.u32 s7, $0x3  }
0x6: {  	s6 =	simm.s32 $0x20;
	[smem:$0x7FF] =	sst s2;
	s3 =	sadd.s32 s3, s8  }
0x7: {  	_ =	strace $0x80000050;
	s4 =	sadd.s32 $0xAD3800, s3;
	s3 =	simm.s32 $0x2  }
0x8: {  	[tilespmem:s2], [sflag:$0x2] =	stream.linear.gather [hbm4b:s4+s2], $0x20, $0x38;
	[tilespmem:$0xA20] =	vst v63  }
0x9: {  	s11 =	sshrl.u32 s10, $0x1;
	s9 =	smul.u32 $0xA, s7;
	_ =	swait.ge [sflag:s3], $0x20  }
0xa: {  	s7 =	simm.s32 $0x1;
	s31 =	ssub.s32 s10, s11;
	[sflag:s3] =	ssyncset.done $0x0  }
0xb: {  	s8 =	sadd.s32 s9, s8;
	s9 =	smax.u32 s31, $0x1;
	[sflag:s3] =	ssyncadd.s32 $0xFFFFFFE0  }
0xc: {  	[tilespmem:s6], [sflag:$0x1] =	stream.indirect.gather [hbm4b:s5+s6], $0x50, s2, s6, $0xb8;
	[tilespmem:$0xA20] =	vst v63  }
0xd: {  	p0 =	sne.s32 s9, $0x1;
	_ =	swait.ge [sflag:s7], $0xA00  }
.Ltmp0:
0xe: {  	[sflag:s7] =	ssyncset.done $0x0;
	(pc) =	sbr.rel @!p0 .LBB2_2-.Ltmp0, $4  }
0xf: {  	s8 =	sadd.s32 $0xAD3A00, s8;
	[sflag:s7] =	ssyncadd.s32 $0xFFFFF600  }
0x10: {  	[hbm4b:s8+s2] =	stream.linear.scatter [tilespmem:s6], [sflag:$0x2], $0xA00, $0x38;
	[tilespmem:$0xA20] =	vst v63  }
0x11: {  	_ =	swait.ge [sflag:s3], $0xA00  }
0x12: {  	s9 =	sadd.s32 $0xFFFFFFFF, s9;
	[sflag:s3] =	ssyncset.done $0x0  }
.LBB2_1:
0x13: {  	p0 =	sne.s32 s9, $0x1;
	s9 =	sadd.s32 $0xFFFFFFFF, s9;
	[sflag:s3] =	ssyncadd.s32 $0xFFFFF600  }
0x14: {  	[tilespmem:s2], [sflag:$0x2] =	stream.linear.gather [hbm4b:s4+s2], $0x20, $0x38;
	[tilespmem:$0xA20] =	vst v63  }
0x15: {  	_ =	swait.ge [sflag:s3], $0x20  }
0x16: {  	[sflag:s3] =	ssyncset.done $0x0  }
0x17: {  	[sflag:s3] =	ssyncadd.s32 $0xFFFFFFE0  }
0x18: {  	[tilespmem:s6], [sflag:$0x1] =	stream.indirect.gather [hbm4b:s5+s6], $0x50, s2, s6, $0xb8;
	[tilespmem:$0xA20] =	vst v63  }
0x19: {  	_ =	swait.ge [sflag:s7], $0xA00  }
.Ltmp1:
0x1a: {  	[sflag:s7] =	ssyncset.done $0x0;
	(pc) =	sbr.rel @p0 .LBB2_1-.Ltmp1, $4  }
0x1b: {  	[sflag:s7] =	ssyncadd.s32 $0xFFFFF600  }
0x1c: {  	[hbm4b:s8+s2] =	stream.linear.scatter [tilespmem:s6], [sflag:$0x2], $0xA00, $0x38;
	[tilespmem:$0xA20] =	vst v63  }
0x1d: {  	_ =	swait.ge [sflag:s3], $0xA00  }
0x1e: {  	[sflag:s3] =	ssyncset.done $0x0  }
.LBB2_2:
0x1f: {  	[sflag:s3] =	ssyncadd.s32 $0xFFFFF600  }
0x20: {  	_ =	sfence.sel $0x180000  }
0x21: {  	[bflag:$0x0] =	sbarrier.arrive $0xFFFF  }
0x22: {  	p0 =	sne.s32 s0, $0x0;
	_ =	strace $0x90000050  }
0x23: {  	s0 =	sadd.s32 @!p0 $0x100000, s1;
	[bflag:$0x2] =	sbarrier.arrive $0xFFFF  }
0x24: {  	[sflag:s0] =	ssyncadd.tile.s32 @!p0 $0x1;
	_ =	shalt  }
.Lfunc_end2:
_tile_overlayer_lowered:
.L_overlay_start_2:
0x25: {  	(tag) =	ssettag $0x2  }
0x26: {  	s0 =	rddreg [dreg:$0x0];
	s2 =	stileid.u32  }
0x27: {  	s1 =	rddreg [dreg:$0x1];
	p0 =	sne.s32 s2, $0x0  }
0x28: {  	s3 =	rddreg [dreg:$0x2];
	[bflag:$0x3] =	sbarrier.arrive $0xFFFF;
	s2 =	simm.s32 @!p0 $0x1C02  }
0x29: {  	[timem:s3], [sflag:s2] =	dma.local @!p0 [hbm:s0], s1  }
0x2a: {  	s0 =	simm.s32 @!p0 $0x2  }
0x2b: {  	_ =	swait.ge @!p0 [sflag:s0], s1  }
0x2c: {  	s1 =	ssub.s32 @!p0 $0x0, s1;
	[sflag:s0] =	ssyncset.done @!p0 $0x0  }
0x2d: {  	[sflag:s0] =	ssyncadd.s32 @!p0 s1  }
0x2e: {  	[bflag:$0x3] =	sbarrier.arrive $0xFFFF  }
0x2f: {  	_ =	shalt  }

// kernel: sc_gather1_10240.9.cloned.1.call-start
scs
__scs_entry_jumppad:
0x0: {  	(pc) =	sbr.rel $0x88, $3  }
0x1: {  	(tag) =	ssettag $0x0;
	lr =	simm.s32 $0x1  }
0x2: {  	[smem:$0x3F7C] =	sst lr;
	_ =	strace $0xD0000000  }
0x3: {  	_ = 	snop  }
0x4: {  	_ = 	snop  }
0x5: {  	_ = 	snop  }
0x6: {  	_ = 	snop  }
0x7: {  	_ = 	snop  }
__scs_overlays_trampoline_lowered:
0x8: {  	[smem:$0x3F8B] =	sst s0  }
0x9: {  	[smem:$0x3F8C] =	sst s1  }
0xa: {  	[smem:$0x3F8D] =	sst s2  }
0xb: {  	[smem:$0x3F8E] =	sst s3  }
0xc: {  	[smem:$0x3F8F] =	sst s4  }
0xd: {  	[smem:$0x3F90] =	sst s5  }
0xe: {  	[smem:$0x3F91] =	sst s6  }
0xf: {  	[smem:$0x3F92] =	sst s7  }
0x10: {  	[smem:$0x3F93] =	sst s8  }
0x11: {  	[smem:$0x3F94] =	sst s9;
	s0 =	simm.s32 @!p0 $0x0  }
0x12: {  	s1 =	sld [smem:$0x3F7A];
	s0 =	simm.s32 @p0 $0x1  }
0x13: {  	[smem:$0x3F95] =	sst s0;
	s0 =	simm.s32 @!p1 $0x0  }
0x14: {  	s2 =	sld [smem:$0x3F79];
	s0 =	simm.s32 @p1 $0x1  }
0x15: {  	[smem:$0x3F96] =	sst s0;
	s0 =	simm.s32 @!p2 $0x0  }
0x16: {  	s3 =	sld [smem:$0x3FDB];
	s0 =	simm.s32 @p2 $0x1  }
0x17: {  	s4 =	simm.s32 $0x1BF5;
	[smem:$0x3F98] =	sst s0  }
0x18: {  	s0 =	sld [smem:$0x3F7B];
	_ =	swait.ge [sflag:s4], $0x0  }
0x19: {  	s7 =	sld [smem:$0x3F7C]  }
0x1a: {  	s8 =	sadd.s32 $0xFFFFE003, lr  }
0x1b: {  	s9 =	sadd.s32 $0xFFFFFEF7, lr;
	s5 =	simm.s32 $0xFFFFFFFF;
	p2 =	slt.u32 s8, $0xFFFFF086  }
0x1c: {  	p1 =	slt.u32 s9, $0xF7A;
	s5 =	simm.s32 @!p2 $0x0  }
0x1d: {  	s5 =	simm.s32 @p1 $0x1;
	p0 =	seq.s32 s7, s2  }
0x1e: {  	s7 =	smul.u32 @!p0 $0xF7A, s2;
	p2 =	seq.s32 @!p0 s5, $0x0  }
0x1f: {  	s9 =	smul.u32 $0xF7A, s1;
	s8 =	simm.s32 @!p0 $0x1BF5;
	p2 =	por !p2, p0  }
0x20: {  	[sflag:s8] =	ssyncset.s32 @!p0 $0xFFFFF086;
	s6 =	sadd.s32 @!p0 s3, s7;
	s7 =	simm.s32 @!p0 $0x108  }
0x21: {  	s3 =	sadd.s32 s3, s9;
	s6 =	sadd.s32 @!p0 $0x88, s6;
	s7 =	simm.s32 @p2 $0x1082  }
0x22: {  	[simem:s7], [sflag:s8] =	dma.local @!p0 [hbm:s6], $0xF7A  }
0x23: {  	s9 =	sor.u32 $0xD0000000, s2;
	s6 =	simm.s32 $0x108;
	_ =	swait.ge @!p0 [sflag:s8], $0x0  }
0x24: {  	s3 =	sadd.s32 $0x88, s3;
	s6 =	simm.s32 @!p1 $0x1082;
	[sflag:s4] =	ssyncset.s32 $0xFFFFF086  }
0x25: {  	[simem:s6], [sflag:s4] =	dma.local [hbm:s3], $0xF7A  }
0x26: {  	[smem:$0x3F7C] =	sst s1;
	(tag) =	ssettag s2;
	_ =	strace s9  }
0x27: {  	s1 =	sld [smem:$0x3F8C]  }
0x28: {  	s2 =	sld [smem:$0x3F8D]  }
0x29: {  	s4 =	sld [smem:$0x3F8F]  }
0x2a: {  	p0 =	seq.s32 s5, $0x0;
	s5 =	sld [smem:$0x3F90]  }
0x2b: {  	s6 =	sld [smem:$0x3F91]  }
0x2c: {  	s7 =	sld [smem:$0x3F92]  }
0x2d: {  	s3 =	simm.s32 $0x108;
	s8 =	sld [smem:$0x3F93]  }
0x2e: {  	s3 =	simm.s32 @!p0 $0x1082;
	s9 =	sld [smem:$0x3F94]  }
0x2f: {  	lr =	sadd.s32 s0, s3;
	s0 =	sld [smem:$0x3F8B]  }
0x30: {  	s3 =	sld [smem:$0x3F8E]  }
0x31: {  	[smem:$0x3F97] =	sst s10  }
0x32: {  	s10 =	sld [smem:$0x3F95];
	_ =	sdelay $0x3  }
0x33: {  	p0 =	seq.s32 s10, $0x1;
	s10 =	sld [smem:$0x3F97];
	_ =	sdelay $0x3  }
0x34: {  	[smem:$0x3F97] =	sst s10  }
0x35: {  	s10 =	sld [smem:$0x3F96];
	_ =	sdelay $0x3  }
0x36: {  	p1 =	seq.s32 s10, $0x1;
	s10 =	sld [smem:$0x3F97];
	_ =	sdelay $0x3  }
0x37: {  	[smem:$0x3F97] =	sst s10  }
0x38: {  	s10 =	sld [smem:$0x3F98]  }
0x39: {  	_ = 	snop;
	(pc) =	sbr.ind lr, $3  }
0x3a: {  	_ = 	snop  }
0x3b: {  	_ = 	snop  }
0x3c: {  	p2 =	seq.s32 s10, $0x1;
	s10 =	sld [smem:$0x3F97]  }
0x3d: {  	_ =	shalt  }
0x3e: {  	_ =	shalt  }
0x3f: {  	_ =	shalt  }
0x40: {  	_ =	shalt  }
0x41: {  	_ =	shalt  }
0x42: {  	_ =	shalt  }
0x43: {  	_ =	shalt  }
0x44: {  	_ =	shalt  }
0x45: {  	_ =	shalt  }
0x46: {  	_ =	shalt  }
0x47: {  	_ =	shalt  }
0x48: {  	_ =	shalt  }
0x49: {  	_ =	shalt  }
0x4a: {  	_ =	shalt  }
0x4b: {  	_ =	shalt  }
0x4c: {  	_ =	shalt  }
0x4d: {  	_ =	shalt  }
0x4e: {  	_ =	shalt  }
0x4f: {  	_ =	shalt  }
0x50: {  	_ =	shalt  }
0x51: {  	_ =	shalt  }
0x52: {  	_ =	shalt  }
0x53: {  	_ =	shalt  }
0x54: {  	_ =	shalt  }
0x55: {  	_ =	shalt  }
0x56: {  	_ =	shalt  }
0x57: {  	_ =	shalt  }
0x58: {  	_ =	shalt  }
0x59: {  	_ =	shalt  }
0x5a: {  	_ =	shalt  }
0x5b: {  	_ =	shalt  }
0x5c: {  	_ =	shalt  }
0x5d: {  	_ =	shalt  }
0x5e: {  	_ =	shalt  }
0x5f: {  	_ =	shalt  }
0x60: {  	_ =	shalt  }
0x61: {  	_ =	shalt  }
0x62: {  	_ =	shalt  }
0x63: {  	_ =	shalt  }
0x64: {  	_ =	shalt  }
0x65: {  	_ =	shalt  }
0x66: {  	_ =	shalt  }
0x67: {  	_ =	shalt  }
0x68: {  	_ =	shalt  }
0x69: {  	_ =	shalt  }
0x6a: {  	_ =	shalt  }
0x6b: {  	_ =	shalt  }
0x6c: {  	_ =	shalt  }
0x6d: {  	_ =	shalt  }
0x6e: {  	_ =	shalt  }
0x6f: {  	_ =	shalt  }
0x70: {  	_ =	shalt  }
0x71: {  	_ =	shalt  }
0x72: {  	_ =	shalt  }
0x73: {  	_ =	shalt  }
0x74: {  	_ =	shalt  }
0x75: {  	_ =	shalt  }
0x76: {  	_ =	shalt  }
0x77: {  	_ =	shalt  }
0x78: {  	_ =	shalt  }
0x79: {  	_ =	shalt  }
0x7a: {  	_ =	shalt  }
0x7b: {  	_ =	shalt  }
0x7c: {  	_ =	shalt  }
0x7d: {  	_ =	shalt  }
0x7e: {  	_ =	shalt  }
0x7f: {  	_ =	shalt  }
0x80: {  	_ =	shalt  }
0x81: {  	_ =	shalt  }
0x82: {  	_ =	shalt  }
0x83: {  	_ =	shalt  }
0x84: {  	_ =	shalt  }
0x85: {  	_ =	shalt  }
0x86: {  	_ =	shalt  }
0x87: {  	_ =	shalt  }
.Lfunc_end0:
.L_simem_size_0:
called_computation.7_lowered:
.L_overlay_start_0:
0x88: {  	s2 =	sld [smem:$0x3FD9]  }
0x89: {  	s3 =	sld [smem:$0x3FFE];
	_ =	sdelay $0x1  }
0x8a: {  	s1 =	srdreg.scid  }
0x8b: {  	s0 =	sand.u32 $0x1, s1  }
0x8c: {  	s16 =	sshll.u32 s0, $0xA;
	s2 =	sadd.s32 s3, s2  }
0x8d: {  	s2 =	sadd.s32 s2, s16  }
0x8e: {  	[smem:$0x3FA3] =	sst s2  }
0x8f: {  	_ = 	snop  }
0x90: {  	(tm) =	ssettm $0x1  }
0x91: {  	s17 =	sld [smem:$0x3FFB];
	_ =	sdelay $0x3  }
0x92: {  	_ =	strace s17  }
0x93: {  	s2 =	sld [smem:$0x3FFC];
	_ =	sdelay $0x3  }
0x94: {  	_ =	strace s2  }
0x95: {  	s2 =	sld [smem:$0x3FFD];
	_ =	sdelay $0x3  }
0x96: {  	_ =	strace s2  }
0x97: {  	_ =	strace $0x8FFFFFFF  }
0x98: {  	s18 =	sld [smem:$0x3FDB];
	_ =	sdelay $0x1  }
0x99: {  	s19 =	simm.s32 $_scs_section_size  }
0x9a: {  	s4 =	simm.s32 $_size__tile_overlayer_lowered;
	s5 =	simm.s32 $_tile_overlayer_lowered  }
0x9b: {  	s22 =	simm.s32 $0x1BFF;
	s21 =	sshll.u32 s5, $0x1;
	s2 =	sadd.s32 s19, s18  }
0x9c: {  	s6 =	simm.s32 $0x0;
	s20 =	sshll.u32 s4, $0x1;
	s4 =	sadd.s32 s21, s2  }
0x9d: {  	[timem:s6], [sflag:s22] =	dma.local [hbm:s4], s20  }
0x9e: {  	_ =	swait.ge [sflag:s22], s20  }
0x9f: {  	s3 =	ssub.s32 $0x0, s20;
	[sflag:s22] =	ssyncset.done $0x0  }
0xa0: {  	[sflag:s22] =	ssyncadd.s32 s3;
	_ =	sdelay $0x1  }
0xa1: {  	s23 =	simm.s32 $0x1B8B  }
0xa2: {  	_ =	swait.ge [sflag:s23], $0x1  }
0xa3: {  	[sflag:s23] =	ssyncset.done $0x0  }
0xa4: {  	s25 =	simm.s32 $0x1B8E;
	s24 =	sld [smem:$0x3FFE];
	[sflag:s23] =	ssyncadd.s32 $0xFFFFFFFF  }
0xa5: {  	s26 =	simm.s32 $execute0_lowered;
	[smem:$0x3FD2] =	sst s25  }
0xa6: {  	s4 =	sshll.u32 s26, $0x1;
	_ =	strace $0x8000005B;
	[dreg:$0x1] =	wrdreg $0xFFFFFFFF  }
0xa7: {  	s28 =	simm.s32 $_size_execute0_lowered;
	s2 =	sadd.s32 s2, s4;
	[dreg:$0x0] =	wrdreg $0x0  }
0xa8: {  	s4 =	sshll.u32 s28, $0x1;
	[dreg:$0x2] =	wrdreg s2  }
0xa9: {  	[dreg:$0x3] =	wrdreg s4  }
0xaa: {  	[dreg:$0x4] =	wrdreg $0xC0  }
0xab: {  	_ =	task [dreg:s6], $0x5FFFF  }
0xac: {  	[dreg:$0x1] =	wrdreg $0xFFFFFFFF  }
0xad: {  	[dreg:$0x0] =	wrdreg $0x60  }
0xae: {  	[dreg:$0x2] =	wrdreg s24  }
0xaf: {  	[dreg:$0x3] =	wrdreg $0x9  }
0xb0: {  	_ =	task.clear_ibuf [dreg:s6], $0x4FFFF;
	_ =	strace $0x9000005B  }
0xb1: {  	s29 =	simm.s32 $0x9;
	_ =	strace $0x8000005D  }
0xb2: {  	_ =	swait.ge [sflag:s29], $0x1  }
0xb3: {  	[sflag:s29] =	ssyncadd.s32 $0xFFFFFFFF  }
0xb4: {  	_ =	strace $0x9000005D  }
0xb5: {  	_ =	sfence  }
0xb6: {  	s30 =	sld [smem:$0x0];
	_ =	sdelay $0x2  }
0xb7: {  	s31 =	sshll.u32 s1, $0xD;
	s1 =	sshrl.u32 s1, $0x2  }
0xb8: {  	s3 =	sand.u32 $0x4000, s31;
	s1 =	sadd.s32 s1, s30  }
0xb9: {  	s0 =	sor.u32 s3, s0;
	s1 =	sshll.u32 s1, $0x11  }
0xba: {  	s0 =	sor.u32 s1, s0  }
0xbb: {  	s0 =	sadd.s32 $0x8F2B, s0  }
0xbc: {  	[sflag:s0] =	ssyncadd.remote.s32 $0x1  }
0xbd: {  	_ =	sfence.sel $0xFFFF  }
0xbe: {  	[dreg:$0x0] =	wrdreg $0xFFFFFFFF;
	(pc) =	sbr.abs _section_cstart, $3  }
0xbf: {  	[dreg:$0x1] =	wrdreg $0xFFFFFFFF  }
0xc0: {  	_ =	task.clear_ibuf [dreg:s6], $0x2FFFF;
	_ =	strace $0x9FFFFFFF  }
0xc1: {  	(tm) =	ssettm $0x7FFFFFFF  }
tec
execute0_lowered:
.L_overlay_start_1:
0x0: {  	(tag) =	ssettag $0x1  }
0x1: {  	s1 =	srdreg.scid;
	s0 =	stileid.u32  }
0x2: {  	s16 =	sand.u32 $0x1, s1;
	s29 =	sshll.u32 s0, $0x1  }
0x3: {  	s17 =	sor.u32 s16, s29  }
0x4: {  	s18 =	rddreg [dreg:$0x0];
	s3 =	smul.u32 $0x28, s17  }
0x5: {  	s2 =	simm.s32 $0x0;
	s1 =	rddreg [dreg:$0x1]  }
0x6: {  	[smem:$0x7FF] =	sst s2;
	s3 =	sadd.s32 s3, s18  }
0x7: {  	_ =	strace $0x8000005C;
	s4 =	sadd.s32 $0xB12200, s3;
	s3 =	simm.s32 $0x2  }
0x8: {  	[tilespmem:s2], [sflag:$0x2] =	stream.linear.gather [hbm4b:s4+s2], $0x140, $0x38;
	[tilespmem:$0x5140] =	vst v63  }
0x9: {  	_ =	swait.ge [sflag:s3], $0x140  }
0xa: {  	s6 =	simm.s32 $0x40;
	[sflag:s3] =	ssyncset.done $0x0  }
0xb: {  	s7 =	simm.s32 $0x140;
	s5 =	sadd.s32 $0xABA400, s18;
	[sflag:s3] =	ssyncadd.s32 $0xFFFFFEC0  }
0xc: {  	[tilespmem:s7], [sflag:$0x1] =	stream.indirect.gather [hbm4b:s5+s6], $0x40, s2, s6, $0xb8;
	[tilespmem:$0x5140] =	vst v63  }
0xd: {  	s8 =	simm.s32 $0x1140  }
0xe: {  	[tilespmem:s8], [sflag:$0x1] =	stream.indirect.gather [hbm4b:s5+s6], $0x40, s6, s6, $0xb8;
	[tilespmem:$0x5140] =	vst v63  }
0xf: {  	s9 =	simm.s32 $0x80;
	s10 =	simm.s32 $0x2140  }
0x10: {  	[tilespmem:s10], [sflag:$0x1] =	stream.indirect.gather [hbm4b:s5+s6], $0x40, s9, s6, $0xb8;
	[tilespmem:$0x5140] =	vst v63  }
0x11: {  	s11 =	simm.s32 $0xC0;
	s12 =	simm.s32 $0x3140  }
0x12: {  	[tilespmem:s12], [sflag:$0x1] =	stream.indirect.gather [hbm4b:s5+s6], $0x40, s11, s6, $0xb8;
	[tilespmem:$0x5140] =	vst v63  }
0x13: {  	s13 =	simm.s32 $0x100;
	s14 =	simm.s32 $0x4140;
	s15 =	simm.s32 $0x1  }
0x14: {  	[tilespmem:s14], [sflag:$0x1] =	stream.indirect.gather [hbm4b:s5+s6], $0x40, s13, s6, $0xb8;
	[tilespmem:$0x5140] =	vst v63  }
0x15: {  	_ =	swait.ge [sflag:s15], $0x1000  }
0x16: {  	[sflag:s15] =	ssyncset.done $0x0  }
0x17: {  	[sflag:s15] =	ssyncadd.s32 $0xFFFFF000  }
0x18: {  	_ =	swait.ge [sflag:s15], $0x1000  }
0x19: {  	[sflag:s15] =	ssyncset.done $0x0  }
0x1a: {  	[sflag:s15] =	ssyncadd.s32 $0xFFFFF000  }
0x1b: {  	_ =	swait.ge [sflag:s15], $0x1000  }
0x1c: {  	[sflag:s15] =	ssyncset.done $0x0  }
0x1d: {  	s16 =	ssub.s32 $0x2, s16;
	[sflag:s15] =	ssyncadd.s32 $0xFFFFF000  }
0x1e: {  	s19 =	sshrl.u32 s16, $0x1;
	_ =	swait.ge [sflag:s15], $0x1000  }
0x1f: {  	s30 =	ssub.s32 s16, s19;
	[sflag:s15] =	ssyncset.done $0x0  }
0x20: {  	s17 =	smul.u32 $0xA00, s17;
	s31 =	smax.u32 s30, $0x1;
	[sflag:s15] =	ssyncadd.s32 $0xFFFFF000  }
0x21: {  	p0 =	sne.s32 s31, $0x1;
	_ =	swait.ge [sflag:s15], $0x1000  }
.Ltmp0:
0x22: {  	s17 =	sadd.s32 s17, s18;
	[sflag:s15] =	ssyncset.done $0x0;
	(pc) =	sbr.rel @!p0 .LBB2_2-.Ltmp0, $4  }
0x23: {  	s16 =	sadd.s32 $0xABC400, s17;
	[sflag:s15] =	ssyncadd.s32 $0xFFFFF000  }
0x24: {  	[hbm4b:s16+s2] =	stream.linear.scatter [tilespmem:s7], [sflag:$0x2], $0x5000, $0x38;
	[tilespmem:$0x5140] =	vst v63  }
0x25: {  	_ =	swait.ge [sflag:s3], $0x5000  }
0x26: {  	s17 =	sadd.s32 $0xFFFFFFFF, s31;
	[sflag:s3] =	ssyncset.done $0x0  }
.LBB2_1:
0x27: {  	p0 =	sne.s32 s17, $0x1;
	s17 =	sadd.s32 $0xFFFFFFFF, s17;
	[sflag:s3] =	ssyncadd.s32 $0xFFFFB000  }
0x28: {  	[tilespmem:s2], [sflag:$0x2] =	stream.linear.gather [hbm4b:s4+s2], $0x140, $0x38;
	[tilespmem:$0x5140] =	vst v63  }
0x29: {  	_ =	swait.ge [sflag:s3], $0x140  }
0x2a: {  	[sflag:s3] =	ssyncset.done $0x0  }
0x2b: {  	[sflag:s3] =	ssyncadd.s32 $0xFFFFFEC0  }
0x2c: {  	[tilespmem:s7], [sflag:$0x1] =	stream.indirect.gather [hbm4b:s5+s6], $0x40, s2, s6, $0xb8;
	[tilespmem:$0x5140] =	vst v63  }
0x2d: {  	_ = 	snop  }
0x2e: {  	[tilespmem:s8], [sflag:$0x1] =	stream.indirect.gather [hbm4b:s5+s6], $0x40, s6, s6, $0xb8;
	[tilespmem:$0x5140] =	vst v63  }
0x2f: {  	_ = 	snop  }
0x30: {  	[tilespmem:s10], [sflag:$0x1] =	stream.indirect.gather [hbm4b:s5+s6], $0x40, s9, s6, $0xb8;
	[tilespmem:$0x5140] =	vst v63  }
0x31: {  	_ = 	snop  }
0x32: {  	[tilespmem:s12], [sflag:$0x1] =	stream.indirect.gather [hbm4b:s5+s6], $0x40, s11, s6, $0xb8;
	[tilespmem:$0x5140] =	vst v63  }
0x33: {  	_ = 	snop  }
0x34: {  	[tilespmem:s14], [sflag:$0x1] =	stream.indirect.gather [hbm4b:s5+s6], $0x40, s13, s6, $0xb8;
	[tilespmem:$0x5140] =	vst v63  }
0x35: {  	_ =	swait.ge [sflag:s15], $0x1000  }
0x36: {  	[sflag:s15] =	ssyncset.done $0x0  }
0x37: {  	[sflag:s15] =	ssyncadd.s32 $0xFFFFF000  }
0x38: {  	_ =	swait.ge [sflag:s15], $0x1000  }
0x39: {  	[sflag:s15] =	ssyncset.done $0x0  }
0x3a: {  	[sflag:s15] =	ssyncadd.s32 $0xFFFFF000  }
0x3b: {  	_ =	swait.ge [sflag:s15], $0x1000  }
0x3c: {  	[sflag:s15] =	ssyncset.done $0x0  }
0x3d: {  	[sflag:s15] =	ssyncadd.s32 $0xFFFFF000  }
0x3e: {  	_ =	swait.ge [sflag:s15], $0x1000  }
0x3f: {  	[sflag:s15] =	ssyncset.done $0x0  }
0x40: {  	[sflag:s15] =	ssyncadd.s32 $0xFFFFF000  }
0x41: {  	_ =	swait.ge [sflag:s15], $0x1000  }
.Ltmp1:
0x42: {  	[sflag:s15] =	ssyncset.done $0x0;
	(pc) =	sbr.rel @p0 .LBB2_1-.Ltmp1, $4  }
0x43: {  	[sflag:s15] =	ssyncadd.s32 $0xFFFFF000  }
0x44: {  	[hbm4b:s16+s2] =	stream.linear.scatter [tilespmem:s7], [sflag:$0x2], $0x5000, $0x38;
	[tilespmem:$0x5140] =	vst v63  }
0x45: {  	_ =	swait.ge [sflag:s3], $0x5000  }
0x46: {  	[sflag:s3] =	ssyncset.done $0x0  }
.LBB2_2:
0x47: {  	[sflag:s3] =	ssyncadd.s32 $0xFFFFB000  }
0x48: {  	_ =	sfence.sel $0x180000  }
0x49: {  	[bflag:$0x0] =	sbarrier.arrive $0xFFFF  }
0x4a: {  	p0 =	sne.s32 s0, $0x0;
	_ =	strace $0x9000005C  }
0x4b: {  	s0 =	sadd.s32 @!p0 $0x100000, s1;
	[bflag:$0x2] =	sbarrier.arrive $0xFFFF  }
0x4c: {  	[sflag:s0] =	ssyncadd.tile.s32 @!p0 $0x1;
	_ =	shalt  }
.Lfunc_end2:
_tile_overlayer_lowered:
.L_overlay_start_2:
0x4d: {  	(tag) =	ssettag $0x2  }
0x4e: {  	s0 =	rddreg [dreg:$0x0];
	s2 =	stileid.u32  }
0x4f: {  	s1 =	rddreg [dreg:$0x1];
	p0 =	sne.s32 s2, $0x0  }
0x50: {  	s3 =	rddreg [dreg:$0x2];
	[bflag:$0x3] =	sbarrier.arrive $0xFFFF;
	s2 =	simm.s32 @!p0 $0x1C02  }
0x51: {  	[timem:s3], [sflag:s2] =	dma.local @!p0 [hbm:s0], s1  }
0x52: {  	s0 =	simm.s32 @!p0 $0x2  }
0x53: {  	_ =	swait.ge @!p0 [sflag:s0], s1  }
0x54: {  	s1 =	ssub.s32 @!p0 $0x0, s1;
	[sflag:s0] =	ssyncset.done @!p0 $0x0  }
0x55: {  	[sflag:s0] =	ssyncadd.s32 @!p0 s1  }
0x56: {  	[bflag:$0x3] =	sbarrier.arrive $0xFFFF  }
0x57: {  	_ =	shalt  }

// kernel: sc_gather2_655360.9.cloned.1.call-start
scs
__scs_entry_jumppad:
0x0: {  	(pc) =	sbr.rel $0x88, $3  }
0x1: {  	(tag) =	ssettag $0x0;
	lr =	simm.s32 $0x1  }
0x2: {  	[smem:$0x3F7C] =	sst lr;
	_ =	strace $0xD0000000  }
0x3: {  	_ = 	snop  }
0x4: {  	_ = 	snop  }
0x5: {  	_ = 	snop  }
0x6: {  	_ = 	snop  }
0x7: {  	_ = 	snop  }
__scs_overlays_trampoline_lowered:
0x8: {  	[smem:$0x3F8B] =	sst s0  }
0x9: {  	[smem:$0x3F8C] =	sst s1  }
0xa: {  	[smem:$0x3F8D] =	sst s2  }
0xb: {  	[smem:$0x3F8E] =	sst s3  }
0xc: {  	[smem:$0x3F8F] =	sst s4  }
0xd: {  	[smem:$0x3F90] =	sst s5  }
0xe: {  	[smem:$0x3F91] =	sst s6  }
0xf: {  	[smem:$0x3F92] =	sst s7  }
0x10: {  	[smem:$0x3F93] =	sst s8  }
0x11: {  	[smem:$0x3F94] =	sst s9;
	s0 =	simm.s32 @!p0 $0x0  }
0x12: {  	s1 =	sld [smem:$0x3F7A];
	s0 =	simm.s32 @p0 $0x1  }
0x13: {  	[smem:$0x3F95] =	sst s0;
	s0 =	simm.s32 @!p1 $0x0  }
0x14: {  	s2 =	sld [smem:$0x3F79];
	s0 =	simm.s32 @p1 $0x1  }
0x15: {  	[smem:$0x3F96] =	sst s0;
	s0 =	simm.s32 @!p2 $0x0  }
0x16: {  	s3 =	sld [smem:$0x3FDB];
	s0 =	simm.s32 @p2 $0x1  }
0x17: {  	s4 =	simm.s32 $0x1BF5;
	[smem:$0x3F98] =	sst s0  }
0x18: {  	s0 =	sld [smem:$0x3F7B];
	_ =	swait.ge [sflag:s4], $0x0  }
0x19: {  	s7 =	sld [smem:$0x3F7C]  }
0x1a: {  	s8 =	sadd.s32 $0xFFFFE003, lr  }
0x1b: {  	s9 =	sadd.s32 $0xFFFFFEF7, lr;
	s5 =	simm.s32 $0xFFFFFFFF;
	p2 =	slt.u32 s8, $0xFFFFF086  }
0x1c: {  	p1 =	slt.u32 s9, $0xF7A;
	s5 =	simm.s32 @!p2 $0x0  }
0x1d: {  	s5 =	simm.s32 @p1 $0x1;
	p0 =	seq.s32 s7, s2  }
0x1e: {  	s7 =	smul.u32 @!p0 $0xF7A, s2;
	p2 =	seq.s32 @!p0 s5, $0x0  }
0x1f: {  	s9 =	smul.u32 $0xF7A, s1;
	s8 =	simm.s32 @!p0 $0x1BF5;
	p2 =	por !p2, p0  }
0x20: {  	[sflag:s8] =	ssyncset.s32 @!p0 $0xFFFFF086;
	s6 =	sadd.s32 @!p0 s3, s7;
	s7 =	simm.s32 @!p0 $0x108  }
0x21: {  	s3 =	sadd.s32 s3, s9;
	s6 =	sadd.s32 @!p0 $0x88, s6;
	s7 =	simm.s32 @p2 $0x1082  }
0x22: {  	[simem:s7], [sflag:s8] =	dma.local @!p0 [hbm:s6], $0xF7A  }
0x23: {  	s9 =	sor.u32 $0xD0000000, s2;
	s6 =	simm.s32 $0x108;
	_ =	swait.ge @!p0 [sflag:s8], $0x0  }
0x24: {  	s3 =	sadd.s32 $0x88, s3;
	s6 =	simm.s32 @!p1 $0x1082;
	[sflag:s4] =	ssyncset.s32 $0xFFFFF086  }
0x25: {  	[simem:s6], [sflag:s4] =	dma.local [hbm:s3], $0xF7A  }
0x26: {  	[smem:$0x3F7C] =	sst s1;
	(tag) =	ssettag s2;
	_ =	strace s9  }
0x27: {  	s1 =	sld [smem:$0x3F8C]  }
0x28: {  	s2 =	sld [smem:$0x3F8D]  }
0x29: {  	s4 =	sld [smem:$0x3F8F]  }
0x2a: {  	p0 =	seq.s32 s5, $0x0;
	s5 =	sld [smem:$0x3F90]  }
0x2b: {  	s6 =	sld [smem:$0x3F91]  }
0x2c: {  	s7 =	sld [smem:$0x3F92]  }
0x2d: {  	s3 =	simm.s32 $0x108;
	s8 =	sld [smem:$0x3F93]  }
0x2e: {  	s3 =	simm.s32 @!p0 $0x1082;
	s9 =	sld [smem:$0x3F94]  }
0x2f: {  	lr =	sadd.s32 s0, s3;
	s0 =	sld [smem:$0x3F8B]  }
0x30: {  	s3 =	sld [smem:$0x3F8E]  }
0x31: {  	[smem:$0x3F97] =	sst s10  }
0x32: {  	s10 =	sld [smem:$0x3F95];
	_ =	sdelay $0x3  }
0x33: {  	p0 =	seq.s32 s10, $0x1;
	s10 =	sld [smem:$0x3F97];
	_ =	sdelay $0x3  }
0x34: {  	[smem:$0x3F97] =	sst s10  }
0x35: {  	s10 =	sld [smem:$0x3F96];
	_ =	sdelay $0x3  }
0x36: {  	p1 =	seq.s32 s10, $0x1;
	s10 =	sld [smem:$0x3F97];
	_ =	sdelay $0x3  }
0x37: {  	[smem:$0x3F97] =	sst s10  }
0x38: {  	s10 =	sld [smem:$0x3F98]  }
0x39: {  	_ = 	snop;
	(pc) =	sbr.ind lr, $3  }
0x3a: {  	_ = 	snop  }
0x3b: {  	_ = 	snop  }
0x3c: {  	p2 =	seq.s32 s10, $0x1;
	s10 =	sld [smem:$0x3F97]  }
0x3d: {  	_ =	shalt  }
0x3e: {  	_ =	shalt  }
0x3f: {  	_ =	shalt  }
0x40: {  	_ =	shalt  }
0x41: {  	_ =	shalt  }
0x42: {  	_ =	shalt  }
0x43: {  	_ =	shalt  }
0x44: {  	_ =	shalt  }
0x45: {  	_ =	shalt  }
0x46: {  	_ =	shalt  }
0x47: {  	_ =	shalt  }
0x48: {  	_ =	shalt  }
0x49: {  	_ =	shalt  }
0x4a: {  	_ =	shalt  }
0x4b: {  	_ =	shalt  }
0x4c: {  	_ =	shalt  }
0x4d: {  	_ =	shalt  }
0x4e: {  	_ =	shalt  }
0x4f: {  	_ =	shalt  }
0x50: {  	_ =	shalt  }
0x51: {  	_ =	shalt  }
0x52: {  	_ =	shalt  }
0x53: {  	_ =	shalt  }
0x54: {  	_ =	shalt  }
0x55: {  	_ =	shalt  }
0x56: {  	_ =	shalt  }
0x57: {  	_ =	shalt  }
0x58: {  	_ =	shalt  }
0x59: {  	_ =	shalt  }
0x5a: {  	_ =	shalt  }
0x5b: {  	_ =	shalt  }
0x5c: {  	_ =	shalt  }
0x5d: {  	_ =	shalt  }
0x5e: {  	_ =	shalt  }
0x5f: {  	_ =	shalt  }
0x60: {  	_ =	shalt  }
0x61: {  	_ =	shalt  }
0x62: {  	_ =	shalt  }
0x63: {  	_ =	shalt  }
0x64: {  	_ =	shalt  }
0x65: {  	_ =	shalt  }
0x66: {  	_ =	shalt  }
0x67: {  	_ =	shalt  }
0x68: {  	_ =	shalt  }
0x69: {  	_ =	shalt  }
0x6a: {  	_ =	shalt  }
0x6b: {  	_ =	shalt  }
0x6c: {  	_ =	shalt  }
0x6d: {  	_ =	shalt  }
0x6e: {  	_ =	shalt  }
0x6f: {  	_ =	shalt  }
0x70: {  	_ =	shalt  }
0x71: {  	_ =	shalt  }
0x72: {  	_ =	shalt  }
0x73: {  	_ =	shalt  }
0x74: {  	_ =	shalt  }
0x75: {  	_ =	shalt  }
0x76: {  	_ =	shalt  }
0x77: {  	_ =	shalt  }
0x78: {  	_ =	shalt  }
0x79: {  	_ =	shalt  }
0x7a: {  	_ =	shalt  }
0x7b: {  	_ =	shalt  }
0x7c: {  	_ =	shalt  }
0x7d: {  	_ =	shalt  }
0x7e: {  	_ =	shalt  }
0x7f: {  	_ =	shalt  }
0x80: {  	_ =	shalt  }
0x81: {  	_ =	shalt  }
0x82: {  	_ =	shalt  }
0x83: {  	_ =	shalt  }
0x84: {  	_ =	shalt  }
0x85: {  	_ =	shalt  }
0x86: {  	_ =	shalt  }
0x87: {  	_ =	shalt  }
.Lfunc_end0:
.L_simem_size_0:
called_computation.3_lowered:
.L_overlay_start_0:
0x88: {  	s2 =	sld [smem:$0x3FD9]  }
0x89: {  	s3 =	sld [smem:$0x3FFE];
	_ =	sdelay $0x1  }
0x8a: {  	s1 =	srdreg.scid  }
0x8b: {  	s0 =	sand.u32 $0x1, s1  }
0x8c: {  	s16 =	sshll.u32 s0, $0xA;
	s2 =	sadd.s32 s3, s2  }
0x8d: {  	s2 =	sadd.s32 s2, s16  }
0x8e: {  	[smem:$0x3FA3] =	sst s2  }
0x8f: {  	_ = 	snop  }
0x90: {  	(tm) =	ssettm $0x1  }
0x91: {  	s17 =	sld [smem:$0x3FFB];
	_ =	sdelay $0x3  }
0x92: {  	_ =	strace s17  }
0x93: {  	s2 =	sld [smem:$0x3FFC];
	_ =	sdelay $0x3  }
0x94: {  	_ =	strace s2  }
0x95: {  	s2 =	sld [smem:$0x3FFD];
	_ =	sdelay $0x3  }
0x96: {  	_ =	strace s2  }
0x97: {  	_ =	strace $0x8FFFFFFF  }
0x98: {  	s18 =	sld [smem:$0x3FDB];
	_ =	sdelay $0x1  }
0x99: {  	s19 =	simm.s32 $_scs_section_size  }
0x9a: {  	s4 =	simm.s32 $_size__tile_overlayer_lowered;
	s5 =	simm.s32 $_tile_overlayer_lowered  }
0x9b: {  	s22 =	simm.s32 $0x1BFF;
	s21 =	sshll.u32 s5, $0x1;
	s2 =	sadd.s32 s19, s18  }
0x9c: {  	s6 =	simm.s32 $0x0;
	s20 =	sshll.u32 s4, $0x1;
	s4 =	sadd.s32 s21, s2  }
0x9d: {  	[timem:s6], [sflag:s22] =	dma.local [hbm:s4], s20  }
0x9e: {  	_ =	swait.ge [sflag:s22], s20  }
0x9f: {  	s3 =	ssub.s32 $0x0, s20;
	[sflag:s22] =	ssyncset.done $0x0  }
0xa0: {  	[sflag:s22] =	ssyncadd.s32 s3;
	_ =	sdelay $0x1  }
0xa1: {  	s23 =	simm.s32 $0x1B8B  }
0xa2: {  	_ =	swait.ge [sflag:s23], $0x1  }
0xa3: {  	[sflag:s23] =	ssyncset.done $0x0  }
0xa4: {  	s25 =	simm.s32 $0x1B8E;
	s24 =	sld [smem:$0x3FFE];
	[sflag:s23] =	ssyncadd.s32 $0xFFFFFFFF  }
0xa5: {  	s26 =	simm.s32 $execute0_lowered;
	[smem:$0x3FD2] =	sst s25  }
0xa6: {  	s4 =	sshll.u32 s26, $0x1;
	_ =	strace $0x80000049;
	[dreg:$0x1] =	wrdreg $0xFFFFFFFF  }
0xa7: {  	s28 =	simm.s32 $_size_execute0_lowered;
	s2 =	sadd.s32 s2, s4;
	[dreg:$0x0] =	wrdreg $0x0  }
0xa8: {  	s4 =	sshll.u32 s28, $0x1;
	[dreg:$0x2] =	wrdreg s2  }
0xa9: {  	[dreg:$0x3] =	wrdreg s4  }
0xaa: {  	[dreg:$0x4] =	wrdreg $0xC0  }
0xab: {  	_ =	task [dreg:s6], $0x5FFFF  }
0xac: {  	[dreg:$0x1] =	wrdreg $0xFFFFFFFF  }
0xad: {  	[dreg:$0x0] =	wrdreg $0x60  }
0xae: {  	[dreg:$0x2] =	wrdreg s24  }
0xaf: {  	[dreg:$0x3] =	wrdreg $0x9  }
0xb0: {  	_ =	task.clear_ibuf [dreg:s6], $0x4FFFF;
	_ =	strace $0x90000049  }
0xb1: {  	s29 =	simm.s32 $0x9;
	_ =	strace $0x8000004B  }
0xb2: {  	_ =	swait.ge [sflag:s29], $0x1  }
0xb3: {  	[sflag:s29] =	ssyncadd.s32 $0xFFFFFFFF  }
0xb4: {  	_ =	strace $0x9000004B  }
0xb5: {  	_ =	sfence  }
0xb6: {  	s30 =	sld [smem:$0x0];
	_ =	sdelay $0x2  }
0xb7: {  	s31 =	sshll.u32 s1, $0xD;
	s1 =	sshrl.u32 s1, $0x2  }
0xb8: {  	s3 =	sand.u32 $0x4000, s31;
	s1 =	sadd.s32 s1, s30  }
0xb9: {  	s0 =	sor.u32 s3, s0;
	s1 =	sshll.u32 s1, $0x11  }
0xba: {  	s0 =	sor.u32 s1, s0  }
0xbb: {  	s0 =	sadd.s32 $0x8F2B, s0  }
0xbc: {  	[sflag:s0] =	ssyncadd.remote.s32 $0x1  }
0xbd: {  	_ =	sfence.sel $0xFFFF  }
0xbe: {  	[dreg:$0x0] =	wrdreg $0xFFFFFFFF;
	(pc) =	sbr.abs _section_cstart, $3  }
0xbf: {  	[dreg:$0x1] =	wrdreg $0xFFFFFFFF  }
0xc0: {  	_ =	task.clear_ibuf [dreg:s6], $0x2FFFF;
	_ =	strace $0x9FFFFFFF  }
0xc1: {  	(tm) =	ssettm $0x7FFFFFFF  }
tec
execute0_lowered:
.L_overlay_start_1:
0x0: {  	(tag) =	ssettag $0x1  }
0x1: {  	s0 =	rddreg [dreg:$0x0];
	s1 =	srdreg.scid  }
0x2: {  	s6 =	stileid.u32;
	s2 =	simm.s32 $0x0;
	s11 =	simm.s32 $0x200  }
0x3: {  	s12 =	simm.s32 $0x80;
	s13 =	simm.s32 $0x400;
	s14 =	simm.s32 $0xA400  }
0x4: {  	s15 =	simm.s32 $0x2C00;
	s16 =	simm.s32 $0x280;
	s17 =	simm.s32 $0xAC00  }
0x5: {  	s18 =	simm.s32 $0x100;
	s19 =	simm.s32 $0x5400;
	s20 =	simm.s32 $0x300  }
0x6: {  	s21 =	simm.s32 $0xB400;
	s22 =	simm.s32 $0x180;
	s4 =	smul.u32 $0xA000, s6  }
0x7: {  	s23 =	simm.s32 $0x7C00;
	s24 =	simm.s32 $0x380;
	s26 =	smul.u32 $0x64000, s6  }
0x8: {  	s25 =	simm.s32 $0xBC00;
	s1 =	sand.u32 $0x1, s1;
	s6 =	smul.u32 $0x14000, s6  }
0x9: {  	s28 =	simm.s32 $0x0;
	[smem:$0x7FF] =	sst s2;
	s5 =	smul.u32 $0x5000, s1  }
0xa: {  	s3 =	sadd.s32 $0xA7C00, s0;
	s7 =	ssub.s32 $0x2, s1;
	s10 =	smul.u32 $0x32000, s1  }
0xb: {  	_ =	strace $0x8000004A;
	s1 =	smul.u32 $0xA000, s1;
	s9 =	sshrl.u32 s7, $0x1  }
0xc: {  	s29 =	sadd.s32 s26, s0;
	s26 =	simm.s32 $0x1;
	s4 =	sadd.s32 s5, s4  }
0xd: {  	s7 =	ssub.s32 s7, s9;
	s9 =	sadd.s32 s10, s29;
	s4 =	sshrl.u32 s4, $0x3  }
0xe: {  	s30 =	smax.u32 s7, $0x1;
	s31 =	sadd.s32 $0x205400, s9;
	s8 =	sadd.s32 s4, s0  }
0xf: {  	s4 =	sadd.s32 $0xC0400, s0;
	s0 =	sadd.s32 s6, s0;
	[dreg:$0x2] =	wrdreg s30  }
0x10: {  	s10 =	simm.s32 $0x2;
	[dreg:$0x3] =	wrdreg s31;
	s0 =	sadd.s32 s1, s0  }
0x11: {  	s6 =	sadd.s32 $0x6CA00, s8;
	s7 =	sadd.s32 $0x58A00, s8;
	s9 =	sadd.s32 $0xC5400, s0  }
.LBB2_1:
0x12: {  	s0 =	sadd.s32 $0x0, s7  }
0x13: {  	[tilespmem:s2], [sflag:$0x2] =	stream.linear.gather [hbm4b:s0+s2], $0x200, $0x38;
	[tilespmem:$0xC400] =	vst v63  }
0x14: {  	_ =	swait.ge [sflag:s10], $0x200  }
0x15: {  	[sflag:s10] =	ssyncset.done $0x0  }
0x16: {  	s8 =	sadd.s32 $0x0, s6;
	[sflag:s10] =	ssyncadd.s32 $0xFFFFFE00  }
0x17: {  	[tilespmem:s11], [sflag:$0x2] =	stream.linear.gather [hbm4b:s8+s2], $0x200, $0x38;
	[tilespmem:$0xC400] =	vst v63  }
0x18: {  	_ =	swait.ge [sflag:s10], $0x200  }
0x19: {  	[sflag:s10] =	ssyncset.done $0x0  }
0x1a: {  	[sflag:s10] =	ssyncadd.s32 $0xFFFFFE00  }
0x1b: {  	[tilespmem:s13], [sflag:$0x1] =	stream.indirect.gather [hbm4b:s3+s12], $0x50, s2, s12, $0xb8;
	[tilespmem:$0xC400] =	vst v63  }
0x1c: {  	_ = 	snop  }
0x1d: {  	[tilespmem:s14], [sflag:$0x1] =	stream.indirect.gather [hbm4b:s4+s12], $0x10, s11, s12, $0xb8;
	[tilespmem:$0xC400] =	vst v63  }
0x1e: {  	_ = 	snop  }
0x1f: {  	[tilespmem:s15], [sflag:$0x1] =	stream.indirect.gather [hbm4b:s3+s12], $0x50, s12, s12, $0xb8;
	[tilespmem:$0xC400] =	vst v63  }
0x20: {  	_ = 	snop  }
0x21: {  	[tilespmem:s17], [sflag:$0x1] =	stream.indirect.gather [hbm4b:s4+s12], $0x10, s16, s12, $0xb8;
	[tilespmem:$0xC400] =	vst v63  }
0x22: {  	_ = 	snop  }
0x23: {  	[tilespmem:s19], [sflag:$0x1] =	stream.indirect.gather [hbm4b:s3+s12], $0x50, s18, s12, $0xb8;
	[tilespmem:$0xC400] =	vst v63  }
0x24: {  	_ = 	snop  }
0x25: {  	[tilespmem:s21], [sflag:$0x1] =	stream.indirect.gather [hbm4b:s4+s12], $0x10, s20, s12, $0xb8;
	[tilespmem:$0xC400] =	vst v63  }
0x26: {  	_ = 	snop  }
0x27: {  	[tilespmem:s23], [sflag:$0x1] =	stream.indirect.gather [hbm4b:s3+s12], $0x50, s22, s12, $0xb8;
	[tilespmem:$0xC400] =	vst v63  }
0x28: {  	_ = 	snop  }
0x29: {  	[tilespmem:s25], [sflag:$0x1] =	stream.indirect.gather [hbm4b:s4+s12], $0x10, s24, s12, $0xb8;
	[tilespmem:$0xC400] =	vst v63  }
0x2a: {  	_ =	swait.ge [sflag:s26], $0x2800  }
0x2b: {  	[sflag:s26] =	ssyncset.done $0x0  }
0x2c: {  	[sflag:s26] =	ssyncadd.s32 $0xFFFFD800  }
0x2d: {  	_ =	swait.ge [sflag:s26], $0x800  }
0x2e: {  	[sflag:s26] =	ssyncset.done $0x0  }
0x2f: {  	[sflag:s26] =	ssyncadd.s32 $0xFFFFF800  }
0x30: {  	_ =	swait.ge [sflag:s26], $0x2800  }
0x31: {  	[sflag:s26] =	ssyncset.done $0x0  }
0x32: {  	[sflag:s26] =	ssyncadd.s32 $0xFFFFD800  }
0x33: {  	_ =	swait.ge [sflag:s26], $0x800  }
0x34: {  	[sflag:s26] =	ssyncset.done $0x0  }
0x35: {  	[sflag:s26] =	ssyncadd.s32 $0xFFFFF800  }
0x36: {  	_ =	swait.ge [sflag:s26], $0x2800  }
0x37: {  	[sflag:s26] =	ssyncset.done $0x0  }
0x38: {  	[sflag:s26] =	ssyncadd.s32 $0xFFFFD800  }
0x39: {  	_ =	swait.ge [sflag:s26], $0x800  }
0x3a: {  	[sflag:s26] =	ssyncset.done $0x0  }
0x3b: {  	[sflag:s26] =	ssyncadd.s32 $0xFFFFF800  }
0x3c: {  	_ =	swait.ge [sflag:s26], $0x2800  }
0x3d: {  	[sflag:s26] =	ssyncset.done $0x0  }
0x3e: {  	[sflag:s26] =	ssyncadd.s32 $0xFFFFD800  }
0x3f: {  	_ =	swait.ge [sflag:s26], $0x800  }
0x40: {  	[sflag:s26] =	ssyncset.done $0x0  }
0x41: {  	s1 =	rddreg [dreg:$0x3];
	[sflag:s26] =	ssyncadd.s32 $0xFFFFF800  }
0x42: {  	[hbm4b:s1+s2] =	stream.linear.scatter [tilespmem:s13], [sflag:$0x2], $0xA000, $0x38;
	[tilespmem:$0xC400] =	vst v63  }
0x43: {  	_ =	swait.ge [sflag:s10], $0xA000  }
0x44: {  	[sflag:s10] =	ssyncset.done $0x0  }
0x45: {  	[sflag:s10] =	ssyncadd.s32 $0xFFFF6000  }
0x46: {  	[hbm4b:s9+s2] =	stream.linear.scatter [tilespmem:s14], [sflag:$0x2], $0x2000, $0x38;
	[tilespmem:$0xC400] =	vst v63  }
0x47: {  	s31 =	simm.s32 $0x40;
	s29 =	sadd.s32 $0x400, s9;
	_ =	swait.ge [sflag:s10], $0x2000  }
0x48: {  	s0 =	simm.s32 $0x80;
	s30 =	sadd.s32 $0x1400, s1;
	[sflag:s10] =	ssyncset.done $0x0  }
.LBB2_2:
0x49: {  	s5 =	sadd.s32 s31, s7  }
0x4a: {  	[sflag:s10] =	ssyncadd.s32 $0xFFFFE000;
	s8 =	smov.u32 s0;
	s1 =	sadd.s32 $0x40, s0  }
0x4b: {  	[tilespmem:s2], [sflag:$0x2] =	stream.linear.gather [hbm4b:s5+s2], $0x200, $0x38;
	[tilespmem:$0xC400] =	vst v63  }
0x4c: {  	p0 =	sne.s32 s0, $0x9C0;
	_ =	swait.ge [sflag:s10], $0x200  }
0x4d: {  	[sflag:s10] =	ssyncset.done $0x0  }
0x4e: {  	s0 =	sadd.s32 s31, s6;
	s31 =	smov.u32 s8;
	[sflag:s10] =	ssyncadd.s32 $0xFFFFFE00  }
0x4f: {  	[tilespmem:s11], [sflag:$0x2] =	stream.linear.gather [hbm4b:s0+s2], $0x200, $0x38;
	[tilespmem:$0xC400] =	vst v63  }
0x50: {  	_ =	swait.ge [sflag:s10], $0x200  }
0x51: {  	[sflag:s10] =	ssyncset.done $0x0  }
0x52: {  	[sflag:s10] =	ssyncadd.s32 $0xFFFFFE00  }
0x53: {  	[tilespmem:s13], [sflag:$0x1] =	stream.indirect.gather [hbm4b:s3+s12], $0x50, s2, s12, $0xb8;
	[tilespmem:$0xC400] =	vst v63  }
0x54: {  	_ = 	snop  }
0x55: {  	[tilespmem:s14], [sflag:$0x1] =	stream.indirect.gather [hbm4b:s4+s12], $0x10, s11, s12, $0xb8;
	[tilespmem:$0xC400] =	vst v63  }
0x56: {  	_ = 	snop  }
0x57: {  	[tilespmem:s15], [sflag:$0x1] =	stream.indirect.gather [hbm4b:s3+s12], $0x50, s12, s12, $0xb8;
	[tilespmem:$0xC400] =	vst v63  }
0x58: {  	_ = 	snop  }
0x59: {  	[tilespmem:s17], [sflag:$0x1] =	stream.indirect.gather [hbm4b:s4+s12], $0x10, s16, s12, $0xb8;
	[tilespmem:$0xC400] =	vst v63  }
0x5a: {  	_ = 	snop  }
0x5b: {  	[tilespmem:s19], [sflag:$0x1] =	stream.indirect.gather [hbm4b:s3+s12], $0x50, s18, s12, $0xb8;
	[tilespmem:$0xC400] =	vst v63  }
0x5c: {  	_ = 	snop  }
0x5d: {  	[tilespmem:s21], [sflag:$0x1] =	stream.indirect.gather [hbm4b:s4+s12], $0x10, s20, s12, $0xb8;
	[tilespmem:$0xC400] =	vst v63  }
0x5e: {  	_ = 	snop  }
0x5f: {  	[tilespmem:s23], [sflag:$0x1] =	stream.indirect.gather [hbm4b:s3+s12], $0x50, s22, s12, $0xb8;
	[tilespmem:$0xC400] =	vst v63  }
0x60: {  	_ = 	snop  }
0x61: {  	[tilespmem:s25], [sflag:$0x1] =	stream.indirect.gather [hbm4b:s4+s12], $0x10, s24, s12, $0xb8;
	[tilespmem:$0xC400] =	vst v63  }
0x62: {  	_ =	swait.ge [sflag:s26], $0x2800  }
0x63: {  	[sflag:s26] =	ssyncset.done $0x0  }
0x64: {  	[sflag:s26] =	ssyncadd.s32 $0xFFFFD800  }
0x65: {  	_ =	swait.ge [sflag:s26], $0x800  }
0x66: {  	[sflag:s26] =	ssyncset.done $0x0  }
0x67: {  	[sflag:s26] =	ssyncadd.s32 $0xFFFFF800  }
0x68: {  	_ =	swait.ge [sflag:s26], $0x2800  }
0x69: {  	[sflag:s26] =	ssyncset.done $0x0  }
0x6a: {  	[sflag:s26] =	ssyncadd.s32 $0xFFFFD800  }
0x6b: {  	_ =	swait.ge [sflag:s26], $0x800  }
0x6c: {  	[sflag:s26] =	ssyncset.done $0x0  }
0x6d: {  	[sflag:s26] =	ssyncadd.s32 $0xFFFFF800  }
0x6e: {  	_ =	swait.ge [sflag:s26], $0x2800  }
0x6f: {  	[sflag:s26] =	ssyncset.done $0x0  }
0x70: {  	[sflag:s26] =	ssyncadd.s32 $0xFFFFD800  }
0x71: {  	_ =	swait.ge [sflag:s26], $0x800  }
0x72: {  	[sflag:s26] =	ssyncset.done $0x0  }
0x73: {  	[sflag:s26] =	ssyncadd.s32 $0xFFFFF800  }
0x74: {  	_ =	swait.ge [sflag:s26], $0x2800  }
0x75: {  	[sflag:s26] =	ssyncset.done $0x0  }
0x76: {  	[sflag:s26] =	ssyncadd.s32 $0xFFFFD800  }
0x77: {  	_ =	swait.ge [sflag:s26], $0x800  }
0x78: {  	[sflag:s26] =	ssyncset.done $0x0  }
0x79: {  	[sflag:s26] =	ssyncadd.s32 $0xFFFFF800  }
0x7a: {  	[hbm4b:s30+s2] =	stream.linear.scatter [tilespmem:s13], [sflag:$0x2], $0xA000, $0x38;
	[tilespmem:$0xC400] =	vst v63  }
0x7b: {  	_ =	swait.ge [sflag:s10], $0xA000  }
.Ltmp0:
0x7c: {  	[sflag:s10] =	ssyncset.done $0x0;
	(pc) =	sbr.rel @p0 .LBB2_2-.Ltmp0, $4  }
0x7d: {  	[sflag:s10] =	ssyncadd.s32 $0xFFFF6000  }
0x7e: {  	[hbm4b:s29+s2] =	stream.linear.scatter [tilespmem:s14], [sflag:$0x2], $0x2000, $0x38;
	[tilespmem:$0xC400] =	vst v63  }
0x7f: {  	s0 =	smov.u32 s1;
	_ =	swait.ge [sflag:s10], $0x2000  }
0x80: {  	s30 =	sadd.s32 $0x1400, s30;
	s29 =	sadd.s32 $0x400, s29;
	[sflag:s10] =	ssyncset.done $0x0  }
0x81: {  	s0 =	sadd.s32 s31, s7;
	[sflag:s10] =	ssyncadd.s32 $0xFFFFE000  }
0x82: {  	[tilespmem:s2], [sflag:$0x2] =	stream.linear.gather [hbm4b:s0+s2], $0x200, $0x38;
	[tilespmem:$0xC400] =	vst v63  }
0x83: {  	_ =	swait.ge [sflag:s10], $0x200  }
0x84: {  	[sflag:s10] =	ssyncset.done $0x0  }
0x85: {  	s8 =	sadd.s32 s31, s6;
	[sflag:s10] =	ssyncadd.s32 $0xFFFFFE00  }
0x86: {  	[tilespmem:s11], [sflag:$0x2] =	stream.linear.gather [hbm4b:s8+s2], $0x200, $0x38;
	[tilespmem:$0xC400] =	vst v63  }
0x87: {  	_ =	swait.ge [sflag:s10], $0x200  }
0x88: {  	[sflag:s10] =	ssyncset.done $0x0  }
0x89: {  	[sflag:s10] =	ssyncadd.s32 $0xFFFFFE00  }
0x8a: {  	[tilespmem:s13], [sflag:$0x1] =	stream.indirect.gather [hbm4b:s3+s12], $0x50, s2, s12, $0xb8;
	[tilespmem:$0xC400] =	vst v63  }
0x8b: {  	_ = 	snop  }
0x8c: {  	[tilespmem:s14], [sflag:$0x1] =	stream.indirect.gather [hbm4b:s4+s12], $0x10, s11, s12, $0xb8;
	[tilespmem:$0xC400] =	vst v63  }
0x8d: {  	_ = 	snop  }
0x8e: {  	[tilespmem:s15], [sflag:$0x1] =	stream.indirect.gather [hbm4b:s3+s12], $0x50, s12, s12, $0xb8;
	[tilespmem:$0xC400] =	vst v63  }
0x8f: {  	_ = 	snop  }
0x90: {  	[tilespmem:s17], [sflag:$0x1] =	stream.indirect.gather [hbm4b:s4+s12], $0x10, s16, s12, $0xb8;
	[tilespmem:$0xC400] =	vst v63  }
0x91: {  	_ = 	snop  }
0x92: {  	[tilespmem:s19], [sflag:$0x1] =	stream.indirect.gather [hbm4b:s3+s12], $0x50, s18, s12, $0xb8;
	[tilespmem:$0xC400] =	vst v63  }
0x93: {  	_ = 	snop  }
0x94: {  	[tilespmem:s21], [sflag:$0x1] =	stream.indirect.gather [hbm4b:s4+s12], $0x10, s20, s12, $0xb8;
	[tilespmem:$0xC400] =	vst v63  }
0x95: {  	_ = 	snop  }
0x96: {  	[tilespmem:s23], [sflag:$0x1] =	stream.indirect.gather [hbm4b:s3+s12], $0x50, s22, s12, $0xb8;
	[tilespmem:$0xC400] =	vst v63  }
0x97: {  	_ = 	snop  }
0x98: {  	[tilespmem:s25], [sflag:$0x1] =	stream.indirect.gather [hbm4b:s4+s12], $0x10, s24, s12, $0xb8;
	[tilespmem:$0xC400] =	vst v63  }
0x99: {  	_ =	swait.ge [sflag:s26], $0x2800  }
0x9a: {  	[sflag:s26] =	ssyncset.done $0x0  }
0x9b: {  	[sflag:s26] =	ssyncadd.s32 $0xFFFFD800  }
0x9c: {  	_ =	swait.ge [sflag:s26], $0x800  }
0x9d: {  	[sflag:s26] =	ssyncset.done $0x0  }
0x9e: {  	[sflag:s26] =	ssyncadd.s32 $0xFFFFF800  }
0x9f: {  	_ =	swait.ge [sflag:s26], $0x2800  }
0xa0: {  	[sflag:s26] =	ssyncset.done $0x0  }
0xa1: {  	[sflag:s26] =	ssyncadd.s32 $0xFFFFD800  }
0xa2: {  	_ =	swait.ge [sflag:s26], $0x800  }
0xa3: {  	[sflag:s26] =	ssyncset.done $0x0  }
0xa4: {  	[sflag:s26] =	ssyncadd.s32 $0xFFFFF800  }
0xa5: {  	_ =	swait.ge [sflag:s26], $0x2800  }
0xa6: {  	[sflag:s26] =	ssyncset.done $0x0  }
0xa7: {  	[sflag:s26] =	ssyncadd.s32 $0xFFFFD800  }
0xa8: {  	_ =	swait.ge [sflag:s26], $0x800  }
0xa9: {  	[sflag:s26] =	ssyncset.done $0x0  }
0xaa: {  	[sflag:s26] =	ssyncadd.s32 $0xFFFFF800  }
0xab: {  	_ =	swait.ge [sflag:s26], $0x2800  }
0xac: {  	[sflag:s26] =	ssyncset.done $0x0  }
0xad: {  	[sflag:s26] =	ssyncadd.s32 $0xFFFFD800  }
0xae: {  	_ =	swait.ge [sflag:s26], $0x800  }
0xaf: {  	[sflag:s26] =	ssyncset.done $0x0  }
0xb0: {  	[sflag:s26] =	ssyncadd.s32 $0xFFFFF800  }
0xb1: {  	[hbm4b:s30+s2] =	stream.linear.scatter [tilespmem:s13], [sflag:$0x2], $0xA000, $0x38;
	[tilespmem:$0xC400] =	vst v63  }
0xb2: {  	_ =	swait.ge [sflag:s10], $0xA000  }
0xb3: {  	[sflag:s10] =	ssyncset.done $0x0  }
0xb4: {  	[sflag:s10] =	ssyncadd.s32 $0xFFFF6000  }
0xb5: {  	[hbm4b:s29+s2] =	stream.linear.scatter [tilespmem:s14], [sflag:$0x2], $0x2000, $0x38;
	[tilespmem:$0xC400] =	vst v63  }
0xb6: {  	_ =	swait.ge [sflag:s10], $0x2000  }
0xb7: {  	s28 =	sadd.s32 $0x1, s28;
	s31 =	rddreg [dreg:$0x2]  }
0xb8: {  	p0 =	sne.s32 s28, s31  }
.Ltmp1:
0xb9: {  	_ = 	snop;
	(pc) =	sbr.rel @p0 .LBB2_1-.Ltmp1, $3  }
0xba: {  	_ =	sdelay $0x1  }
0xbb: {  	[sflag:s10] =	ssyncset.done $0x0  }
0xbc: {  	[sflag:s10] =	ssyncadd.s32 $0xFFFFE000  }
0xbd: {  	_ =	sfence.sel $0x180000  }
0xbe: {  	[bflag:$0x0] =	sbarrier.arrive $0xFFFF  }
0xbf: {  	_ =	strace $0x9000004A  }
0xc0: {  	s0 =	stileid.u32;
	[bflag:$0x2] =	sbarrier.arrive $0xFFFF  }
0xc1: {  	p0 =	sne.s32 s0, $0x0;
	s0 =	rddreg [dreg:$0x1]  }
0xc2: {  	s0 =	sadd.s32 @!p0 $0x100000, s0  }
0xc3: {  	[sflag:s0] =	ssyncadd.tile.s32 @!p0 $0x1;
	_ =	shalt  }
.Lfunc_end2:
_tile_overlayer_lowered:
.L_overlay_start_2:
0xc4: {  	(tag) =	ssettag $0x2  }
0xc5: {  	s0 =	rddreg [dreg:$0x0];
	s2 =	stileid.u32  }
0xc6: {  	s1 =	rddreg [dreg:$0x1];
	p0 =	sne.s32 s2, $0x0  }
0xc7: {  	s3 =	rddreg [dreg:$0x2];
	[bflag:$0x3] =	sbarrier.arrive $0xFFFF;
	s2 =	simm.s32 @!p0 $0x1C02  }
0xc8: {  	[timem:s3], [sflag:s2] =	dma.local @!p0 [hbm:s0], s1  }
0xc9: {  	s0 =	simm.s32 @!p0 $0x2  }
0xca: {  	_ =	swait.ge @!p0 [sflag:s0], s1  }
0xcb: {  	s1 =	ssub.s32 @!p0 $0x0, s1;
	[sflag:s0] =	ssyncset.done @!p0 $0x0  }
0xcc: {  	[sflag:s0] =	ssyncadd.s32 @!p0 s1  }
0xcd: {  	[bflag:$0x3] =	sbarrier.arrive $0xFFFF  }
0xce: {  	_ =	shalt  }

// kernel: sc_gather2_688128.9.cloned.1.call-start
scs
__scs_entry_jumppad:
0x0: {  	(pc) =	sbr.rel $0x88, $3  }
0x1: {  	(tag) =	ssettag $0x0;
	lr =	simm.s32 $0x1  }
0x2: {  	[smem:$0x3F7C] =	sst lr;
	_ =	strace $0xD0000000  }
0x3: {  	_ = 	snop  }
0x4: {  	_ = 	snop  }
0x5: {  	_ = 	snop  }
0x6: {  	_ = 	snop  }
0x7: {  	_ = 	snop  }
__scs_overlays_trampoline_lowered:
0x8: {  	[smem:$0x3F8B] =	sst s0  }
0x9: {  	[smem:$0x3F8C] =	sst s1  }
0xa: {  	[smem:$0x3F8D] =	sst s2  }
0xb: {  	[smem:$0x3F8E] =	sst s3  }
0xc: {  	[smem:$0x3F8F] =	sst s4  }
0xd: {  	[smem:$0x3F90] =	sst s5  }
0xe: {  	[smem:$0x3F91] =	sst s6  }
0xf: {  	[smem:$0x3F92] =	sst s7  }
0x10: {  	[smem:$0x3F93] =	sst s8  }
0x11: {  	[smem:$0x3F94] =	sst s9;
	s0 =	simm.s32 @!p0 $0x0  }
0x12: {  	s1 =	sld [smem:$0x3F7A];
	s0 =	simm.s32 @p0 $0x1  }
0x13: {  	[smem:$0x3F95] =	sst s0;
	s0 =	simm.s32 @!p1 $0x0  }
0x14: {  	s2 =	sld [smem:$0x3F79];
	s0 =	simm.s32 @p1 $0x1  }
0x15: {  	[smem:$0x3F96] =	sst s0;
	s0 =	simm.s32 @!p2 $0x0  }
0x16: {  	s3 =	sld [smem:$0x3FDB];
	s0 =	simm.s32 @p2 $0x1  }
0x17: {  	s4 =	simm.s32 $0x1BF5;
	[smem:$0x3F98] =	sst s0  }
0x18: {  	s0 =	sld [smem:$0x3F7B];
	_ =	swait.ge [sflag:s4], $0x0  }
0x19: {  	s7 =	sld [smem:$0x3F7C]  }
0x1a: {  	s8 =	sadd.s32 $0xFFFFE003, lr  }
0x1b: {  	s9 =	sadd.s32 $0xFFFFFEF7, lr;
	s5 =	simm.s32 $0xFFFFFFFF;
	p2 =	slt.u32 s8, $0xFFFFF086  }
0x1c: {  	p1 =	slt.u32 s9, $0xF7A;
	s5 =	simm.s32 @!p2 $0x0  }
0x1d: {  	s5 =	simm.s32 @p1 $0x1;
	p0 =	seq.s32 s7, s2  }
0x1e: {  	s7 =	smul.u32 @!p0 $0xF7A, s2;
	p2 =	seq.s32 @!p0 s5, $0x0  }
0x1f: {  	s9 =	smul.u32 $0xF7A, s1;
	s8 =	simm.s32 @!p0 $0x1BF5;
	p2 =	por !p2, p0  }
0x20: {  	[sflag:s8] =	ssyncset.s32 @!p0 $0xFFFFF086;
	s6 =	sadd.s32 @!p0 s3, s7;
	s7 =	simm.s32 @!p0 $0x108  }
0x21: {  	s3 =	sadd.s32 s3, s9;
	s6 =	sadd.s32 @!p0 $0x88, s6;
	s7 =	simm.s32 @p2 $0x1082  }
0x22: {  	[simem:s7], [sflag:s8] =	dma.local @!p0 [hbm:s6], $0xF7A  }
0x23: {  	s9 =	sor.u32 $0xD0000000, s2;
	s6 =	simm.s32 $0x108;
	_ =	swait.ge @!p0 [sflag:s8], $0x0  }
0x24: {  	s3 =	sadd.s32 $0x88, s3;
	s6 =	simm.s32 @!p1 $0x1082;
	[sflag:s4] =	ssyncset.s32 $0xFFFFF086  }
0x25: {  	[simem:s6], [sflag:s4] =	dma.local [hbm:s3], $0xF7A  }
0x26: {  	[smem:$0x3F7C] =	sst s1;
	(tag) =	ssettag s2;
	_ =	strace s9  }
0x27: {  	s1 =	sld [smem:$0x3F8C]  }
0x28: {  	s2 =	sld [smem:$0x3F8D]  }
0x29: {  	s4 =	sld [smem:$0x3F8F]  }
0x2a: {  	p0 =	seq.s32 s5, $0x0;
	s5 =	sld [smem:$0x3F90]  }
0x2b: {  	s6 =	sld [smem:$0x3F91]  }
0x2c: {  	s7 =	sld [smem:$0x3F92]  }
0x2d: {  	s3 =	simm.s32 $0x108;
	s8 =	sld [smem:$0x3F93]  }
0x2e: {  	s3 =	simm.s32 @!p0 $0x1082;
	s9 =	sld [smem:$0x3F94]  }
0x2f: {  	lr =	sadd.s32 s0, s3;
	s0 =	sld [smem:$0x3F8B]  }
0x30: {  	s3 =	sld [smem:$0x3F8E]  }
0x31: {  	[smem:$0x3F97] =	sst s10  }
0x32: {  	s10 =	sld [smem:$0x3F95];
	_ =	sdelay $0x3  }
0x33: {  	p0 =	seq.s32 s10, $0x1;
	s10 =	sld [smem:$0x3F97];
	_ =	sdelay $0x3  }
0x34: {  	[smem:$0x3F97] =	sst s10  }
0x35: {  	s10 =	sld [smem:$0x3F96];
	_ =	sdelay $0x3  }
0x36: {  	p1 =	seq.s32 s10, $0x1;
	s10 =	sld [smem:$0x3F97];
	_ =	sdelay $0x3  }
0x37: {  	[smem:$0x3F97] =	sst s10  }
0x38: {  	s10 =	sld [smem:$0x3F98]  }
0x39: {  	_ = 	snop;
	(pc) =	sbr.ind lr, $3  }
0x3a: {  	_ = 	snop  }
0x3b: {  	_ = 	snop  }
0x3c: {  	p2 =	seq.s32 s10, $0x1;
	s10 =	sld [smem:$0x3F97]  }
0x3d: {  	_ =	shalt  }
0x3e: {  	_ =	shalt  }
0x3f: {  	_ =	shalt  }
0x40: {  	_ =	shalt  }
0x41: {  	_ =	shalt  }
0x42: {  	_ =	shalt  }
0x43: {  	_ =	shalt  }
0x44: {  	_ =	shalt  }
0x45: {  	_ =	shalt  }
0x46: {  	_ =	shalt  }
0x47: {  	_ =	shalt  }
0x48: {  	_ =	shalt  }
0x49: {  	_ =	shalt  }
0x4a: {  	_ =	shalt  }
0x4b: {  	_ =	shalt  }
0x4c: {  	_ =	shalt  }
0x4d: {  	_ =	shalt  }
0x4e: {  	_ =	shalt  }
0x4f: {  	_ =	shalt  }
0x50: {  	_ =	shalt  }
0x51: {  	_ =	shalt  }
0x52: {  	_ =	shalt  }
0x53: {  	_ =	shalt  }
0x54: {  	_ =	shalt  }
0x55: {  	_ =	shalt  }
0x56: {  	_ =	shalt  }
0x57: {  	_ =	shalt  }
0x58: {  	_ =	shalt  }
0x59: {  	_ =	shalt  }
0x5a: {  	_ =	shalt  }
0x5b: {  	_ =	shalt  }
0x5c: {  	_ =	shalt  }
0x5d: {  	_ =	shalt  }
0x5e: {  	_ =	shalt  }
0x5f: {  	_ =	shalt  }
0x60: {  	_ =	shalt  }
0x61: {  	_ =	shalt  }
0x62: {  	_ =	shalt  }
0x63: {  	_ =	shalt  }
0x64: {  	_ =	shalt  }
0x65: {  	_ =	shalt  }
0x66: {  	_ =	shalt  }
0x67: {  	_ =	shalt  }
0x68: {  	_ =	shalt  }
0x69: {  	_ =	shalt  }
0x6a: {  	_ =	shalt  }
0x6b: {  	_ =	shalt  }
0x6c: {  	_ =	shalt  }
0x6d: {  	_ =	shalt  }
0x6e: {  	_ =	shalt  }
0x6f: {  	_ =	shalt  }
0x70: {  	_ =	shalt  }
0x71: {  	_ =	shalt  }
0x72: {  	_ =	shalt  }
0x73: {  	_ =	shalt  }
0x74: {  	_ =	shalt  }
0x75: {  	_ =	shalt  }
0x76: {  	_ =	shalt  }
0x77: {  	_ =	shalt  }
0x78: {  	_ =	shalt  }
0x79: {  	_ =	shalt  }
0x7a: {  	_ =	shalt  }
0x7b: {  	_ =	shalt  }
0x7c: {  	_ =	shalt  }
0x7d: {  	_ =	shalt  }
0x7e: {  	_ =	shalt  }
0x7f: {  	_ =	shalt  }
0x80: {  	_ =	shalt  }
0x81: {  	_ =	shalt  }
0x82: {  	_ =	shalt  }
0x83: {  	_ =	shalt  }
0x84: {  	_ =	shalt  }
0x85: {  	_ =	shalt  }
0x86: {  	_ =	shalt  }
0x87: {  	_ =	shalt  }
.Lfunc_end0:
.L_simem_size_0:
called_computation.6_lowered:
.L_overlay_start_0:
0x88: {  	s2 =	sld [smem:$0x3FD9]  }
0x89: {  	s3 =	sld [smem:$0x3FFE];
	_ =	sdelay $0x1  }
0x8a: {  	s1 =	srdreg.scid  }
0x8b: {  	s0 =	sand.u32 $0x1, s1  }
0x8c: {  	s16 =	sshll.u32 s0, $0xA;
	s2 =	sadd.s32 s3, s2  }
0x8d: {  	s2 =	sadd.s32 s2, s16  }
0x8e: {  	[smem:$0x3FA3] =	sst s2  }
0x8f: {  	_ = 	snop  }
0x90: {  	(tm) =	ssettm $0x1  }
0x91: {  	s17 =	sld [smem:$0x3FFB];
	_ =	sdelay $0x3  }
0x92: {  	_ =	strace s17  }
0x93: {  	s2 =	sld [smem:$0x3FFC];
	_ =	sdelay $0x3  }
0x94: {  	_ =	strace s2  }
0x95: {  	s2 =	sld [smem:$0x3FFD];
	_ =	sdelay $0x3  }
0x96: {  	_ =	strace s2  }
0x97: {  	_ =	strace $0x8FFFFFFF  }
0x98: {  	s18 =	sld [smem:$0x3FDB];
	_ =	sdelay $0x1  }
0x99: {  	s19 =	simm.s32 $_scs_section_size  }
0x9a: {  	s4 =	simm.s32 $_size__tile_overlayer_lowered;
	s5 =	simm.s32 $_tile_overlayer_lowered  }
0x9b: {  	s22 =	simm.s32 $0x1BFF;
	s21 =	sshll.u32 s5, $0x1;
	s2 =	sadd.s32 s19, s18  }
0x9c: {  	s6 =	simm.s32 $0x0;
	s20 =	sshll.u32 s4, $0x1;
	s4 =	sadd.s32 s21, s2  }
0x9d: {  	[timem:s6], [sflag:s22] =	dma.local [hbm:s4], s20  }
0x9e: {  	_ =	swait.ge [sflag:s22], s20  }
0x9f: {  	s3 =	ssub.s32 $0x0, s20;
	[sflag:s22] =	ssyncset.done $0x0  }
0xa0: {  	[sflag:s22] =	ssyncadd.s32 s3;
	_ =	sdelay $0x1  }
0xa1: {  	s23 =	simm.s32 $0x1B8B  }
0xa2: {  	_ =	swait.ge [sflag:s23], $0x1  }
0xa3: {  	[sflag:s23] =	ssyncset.done $0x0  }
0xa4: {  	s25 =	simm.s32 $0x1B8E;
	s24 =	sld [smem:$0x3FFE];
	[sflag:s23] =	ssyncadd.s32 $0xFFFFFFFF  }
0xa5: {  	s26 =	simm.s32 $execute0_lowered;
	[smem:$0x3FD2] =	sst s25  }
0xa6: {  	s4 =	sshll.u32 s26, $0x1;
	_ =	strace $0x80000055;
	[dreg:$0x1] =	wrdreg $0xFFFFFFFF  }
0xa7: {  	s28 =	simm.s32 $_size_execute0_lowered;
	s2 =	sadd.s32 s2, s4;
	[dreg:$0x0] =	wrdreg $0x0  }
0xa8: {  	s4 =	sshll.u32 s28, $0x1;
	[dreg:$0x2] =	wrdreg s2  }
0xa9: {  	[dreg:$0x3] =	wrdreg s4  }
0xaa: {  	[dreg:$0x4] =	wrdreg $0xC0  }
0xab: {  	_ =	task [dreg:s6], $0x5FFFF  }
0xac: {  	[dreg:$0x1] =	wrdreg $0xFFFFFFFF  }
0xad: {  	[dreg:$0x0] =	wrdreg $0x60  }
0xae: {  	[dreg:$0x2] =	wrdreg s24  }
0xaf: {  	[dreg:$0x3] =	wrdreg $0x9  }
0xb0: {  	_ =	task.clear_ibuf [dreg:s6], $0x4FFFF;
	_ =	strace $0x90000055  }
0xb1: {  	s29 =	simm.s32 $0x9;
	_ =	strace $0x80000057  }
0xb2: {  	_ =	swait.ge [sflag:s29], $0x1  }
0xb3: {  	[sflag:s29] =	ssyncadd.s32 $0xFFFFFFFF  }
0xb4: {  	_ =	strace $0x90000057  }
0xb5: {  	_ =	sfence  }
0xb6: {  	s30 =	sld [smem:$0x0];
	_ =	sdelay $0x2  }
0xb7: {  	s31 =	sshll.u32 s1, $0xD;
	s1 =	sshrl.u32 s1, $0x2  }
0xb8: {  	s3 =	sand.u32 $0x4000, s31;
	s1 =	sadd.s32 s1, s30  }
0xb9: {  	s0 =	sor.u32 s3, s0;
	s1 =	sshll.u32 s1, $0x11  }
0xba: {  	s0 =	sor.u32 s1, s0  }
0xbb: {  	s0 =	sadd.s32 $0x8F2B, s0  }
0xbc: {  	[sflag:s0] =	ssyncadd.remote.s32 $0x1  }
0xbd: {  	_ =	sfence.sel $0xFFFF  }
0xbe: {  	[dreg:$0x0] =	wrdreg $0xFFFFFFFF;
	(pc) =	sbr.abs _section_cstart, $3  }
0xbf: {  	[dreg:$0x1] =	wrdreg $0xFFFFFFFF  }
0xc0: {  	_ =	task.clear_ibuf [dreg:s6], $0x2FFFF;
	_ =	strace $0x9FFFFFFF  }
0xc1: {  	(tm) =	ssettm $0x7FFFFFFF  }
tec
execute0_lowered:
.L_overlay_start_1:
0x0: {  	(tag) =	ssettag $0x1  }
0x1: {  	s0 =	srdreg.scid;
	s4 =	stileid.u32  }
0x2: {  	s5 =	rddreg [dreg:$0x0];
	s2 =	simm.s32 $0x0;
	s11 =	simm.s32 $0x200  }
0x3: {  	s12 =	simm.s32 $0x80;
	s13 =	simm.s32 $0x400;
	s14 =	simm.s32 $0xA400  }
0x4: {  	s15 =	simm.s32 $0x2C00;
	s16 =	simm.s32 $0x280;
	s17 =	simm.s32 $0xAC00  }
0x5: {  	s18 =	simm.s32 $0x100;
	s19 =	simm.s32 $0x5400;
	s20 =	simm.s32 $0x300  }
0x6: {  	s21 =	simm.s32 $0xB400;
	s22 =	simm.s32 $0x180;
	s1 =	smul.u32 $0xA800, s4  }
0x7: {  	s23 =	simm.s32 $0x7C00;
	s24 =	simm.s32 $0x380;
	s6 =	smul.u32 $0x69000, s4  }
0x8: {  	s25 =	simm.s32 $0xBC00;
	s0 =	sand.u32 $0x1, s0;
	s7 =	smul.u32 $0x15000, s4  }
0x9: {  	s26 =	simm.s32 $0x1;
	s28 =	simm.s32 $0x0;
	s3 =	smul.u32 $0x5400, s0  }
0xa: {  	[smem:$0x7FF] =	sst s2;
	s4 =	sadd.s32 $0xAC3400, s5;
	s9 =	smul.u32 $0x34800, s0  }
0xb: {  	_ =	strace $0x80000056;
	s8 =	ssub.s32 $0x2, s0;
	s0 =	smul.u32 $0xA800, s0  }
0xc: {  	s10 =	sadd.s32 s6, s5;
	s29 =	sshrl.u32 s8, $0x1;
	s1 =	sadd.s32 s3, s1  }
0xd: {  	s7 =	sadd.s32 s7, s5;
	s3 =	sadd.s32 $0xABE400, s5;
	s1 =	sshrl.u32 s1, $0x3  }
0xe: {  	s8 =	ssub.s32 s8, s29;
	s30 =	sadd.s32 s9, s10;
	s1 =	sadd.s32 s1, s5  }
0xf: {  	s0 =	sadd.s32 s0, s7;
	s31 =	smax.u32 s8, $0x1;
	s5 =	sadd.s32 $0xAE8800, s1  }
0x10: {  	[dreg:$0x2] =	wrdreg s31;
	s6 =	sadd.s32 $0xAD3800, s1;
	s1 =	sadd.s32 $0xA7C00, s30  }
0x11: {  	s10 =	simm.s32 $0x2;
	s9 =	sadd.s32 $0xB12800, s0;
	[dreg:$0x3] =	wrdreg s1  }
.LBB2_1:
0x12: {  	s0 =	sadd.s32 $0x0, s6  }
0x13: {  	[tilespmem:s2], [sflag:$0x2] =	stream.linear.gather [hbm4b:s0+s2], $0x200, $0x38;
	[tilespmem:$0xC400] =	vst v63  }
0x14: {  	_ =	swait.ge [sflag:s10], $0x200  }
0x15: {  	[sflag:s10] =	ssyncset.done $0x0  }
0x16: {  	s7 =	sadd.s32 $0x0, s5;
	[sflag:s10] =	ssyncadd.s32 $0xFFFFFE00  }
0x17: {  	[tilespmem:s11], [sflag:$0x2] =	stream.linear.gather [hbm4b:s7+s2], $0x200, $0x38;
	[tilespmem:$0xC400] =	vst v63  }
0x18: {  	_ =	swait.ge [sflag:s10], $0x200  }
0x19: {  	[sflag:s10] =	ssyncset.done $0x0  }
0x1a: {  	[sflag:s10] =	ssyncadd.s32 $0xFFFFFE00  }
0x1b: {  	[tilespmem:s13], [sflag:$0x1] =	stream.indirect.gather [hbm4b:s3+s12], $0x50, s2, s12, $0xb8;
	[tilespmem:$0xC400] =	vst v63  }
0x1c: {  	_ = 	snop  }
0x1d: {  	[tilespmem:s14], [sflag:$0x1] =	stream.indirect.gather [hbm4b:s4+s12], $0x10, s11, s12, $0xb8;
	[tilespmem:$0xC400] =	vst v63  }
0x1e: {  	_ = 	snop  }
0x1f: {  	[tilespmem:s15], [sflag:$0x1] =	stream.indirect.gather [hbm4b:s3+s12], $0x50, s12, s12, $0xb8;
	[tilespmem:$0xC400] =	vst v63  }
0x20: {  	_ = 	snop  }
0x21: {  	[tilespmem:s17], [sflag:$0x1] =	stream.indirect.gather [hbm4b:s4+s12], $0x10, s16, s12, $0xb8;
	[tilespmem:$0xC400] =	vst v63  }
0x22: {  	_ = 	snop  }
0x23: {  	[tilespmem:s19], [sflag:$0x1] =	stream.indirect.gather [hbm4b:s3+s12], $0x50, s18, s12, $0xb8;
	[tilespmem:$0xC400] =	vst v63  }
0x24: {  	_ = 	snop  }
0x25: {  	[tilespmem:s21], [sflag:$0x1] =	stream.indirect.gather [hbm4b:s4+s12], $0x10, s20, s12, $0xb8;
	[tilespmem:$0xC400] =	vst v63  }
0x26: {  	_ = 	snop  }
0x27: {  	[tilespmem:s23], [sflag:$0x1] =	stream.indirect.gather [hbm4b:s3+s12], $0x50, s22, s12, $0xb8;
	[tilespmem:$0xC400] =	vst v63  }
0x28: {  	_ = 	snop  }
0x29: {  	[tilespmem:s25], [sflag:$0x1] =	stream.indirect.gather [hbm4b:s4+s12], $0x10, s24, s12, $0xb8;
	[tilespmem:$0xC400] =	vst v63  }
0x2a: {  	_ =	swait.ge [sflag:s26], $0x2800  }
0x2b: {  	[sflag:s26] =	ssyncset.done $0x0  }
0x2c: {  	[sflag:s26] =	ssyncadd.s32 $0xFFFFD800  }
0x2d: {  	_ =	swait.ge [sflag:s26], $0x800  }
0x2e: {  	[sflag:s26] =	ssyncset.done $0x0  }
0x2f: {  	[sflag:s26] =	ssyncadd.s32 $0xFFFFF800  }
0x30: {  	_ =	swait.ge [sflag:s26], $0x2800  }
0x31: {  	[sflag:s26] =	ssyncset.done $0x0  }
0x32: {  	[sflag:s26] =	ssyncadd.s32 $0xFFFFD800  }
0x33: {  	_ =	swait.ge [sflag:s26], $0x800  }
0x34: {  	[sflag:s26] =	ssyncset.done $0x0  }
0x35: {  	[sflag:s26] =	ssyncadd.s32 $0xFFFFF800  }
0x36: {  	_ =	swait.ge [sflag:s26], $0x2800  }
0x37: {  	[sflag:s26] =	ssyncset.done $0x0  }
0x38: {  	[sflag:s26] =	ssyncadd.s32 $0xFFFFD800  }
0x39: {  	_ =	swait.ge [sflag:s26], $0x800  }
0x3a: {  	[sflag:s26] =	ssyncset.done $0x0  }
0x3b: {  	[sflag:s26] =	ssyncadd.s32 $0xFFFFF800  }
0x3c: {  	_ =	swait.ge [sflag:s26], $0x2800  }
0x3d: {  	[sflag:s26] =	ssyncset.done $0x0  }
0x3e: {  	[sflag:s26] =	ssyncadd.s32 $0xFFFFD800  }
0x3f: {  	_ =	swait.ge [sflag:s26], $0x800  }
0x40: {  	[sflag:s26] =	ssyncset.done $0x0  }
0x41: {  	s8 =	rddreg [dreg:$0x3];
	[sflag:s26] =	ssyncadd.s32 $0xFFFFF800  }
0x42: {  	[hbm4b:s8+s2] =	stream.linear.scatter [tilespmem:s13], [sflag:$0x2], $0xA000, $0x38;
	[tilespmem:$0xC400] =	vst v63  }
0x43: {  	_ =	swait.ge [sflag:s10], $0xA000  }
0x44: {  	[sflag:s10] =	ssyncset.done $0x0  }
0x45: {  	[sflag:s10] =	ssyncadd.s32 $0xFFFF6000  }
0x46: {  	[hbm4b:s9+s2] =	stream.linear.scatter [tilespmem:s14], [sflag:$0x2], $0x2000, $0x38;
	[tilespmem:$0xC400] =	vst v63  }
0x47: {  	s31 =	simm.s32 $0x40;
	s1 =	simm.s32 $0x80;
	_ =	swait.ge [sflag:s10], $0x2000  }
0x48: {  	s29 =	sadd.s32 $0x400, s9;
	s30 =	sadd.s32 $0x1400, s8;
	[sflag:s10] =	ssyncset.done $0x0  }
.LBB2_2:
0x49: {  	s7 =	sadd.s32 s31, s6  }
0x4a: {  	[sflag:s10] =	ssyncadd.s32 $0xFFFFE000;
	s8 =	smov.u32 s1;
	s0 =	sadd.s32 $0x40, s1  }
0x4b: {  	[tilespmem:s2], [sflag:$0x2] =	stream.linear.gather [hbm4b:s7+s2], $0x200, $0x38;
	[tilespmem:$0xC400] =	vst v63  }
0x4c: {  	p0 =	sne.s32 s1, $0xA40;
	_ =	swait.ge [sflag:s10], $0x200  }
0x4d: {  	[sflag:s10] =	ssyncset.done $0x0  }
0x4e: {  	s1 =	sadd.s32 s31, s5;
	s31 =	smov.u32 s8;
	[sflag:s10] =	ssyncadd.s32 $0xFFFFFE00  }
0x4f: {  	[tilespmem:s11], [sflag:$0x2] =	stream.linear.gather [hbm4b:s1+s2], $0x200, $0x38;
	[tilespmem:$0xC400] =	vst v63  }
0x50: {  	_ =	swait.ge [sflag:s10], $0x200  }
0x51: {  	[sflag:s10] =	ssyncset.done $0x0  }
0x52: {  	[sflag:s10] =	ssyncadd.s32 $0xFFFFFE00  }
0x53: {  	[tilespmem:s13], [sflag:$0x1] =	stream.indirect.gather [hbm4b:s3+s12], $0x50, s2, s12, $0xb8;
	[tilespmem:$0xC400] =	vst v63  }
0x54: {  	_ = 	snop  }
0x55: {  	[tilespmem:s14], [sflag:$0x1] =	stream.indirect.gather [hbm4b:s4+s12], $0x10, s11, s12, $0xb8;
	[tilespmem:$0xC400] =	vst v63  }
0x56: {  	_ = 	snop  }
0x57: {  	[tilespmem:s15], [sflag:$0x1] =	stream.indirect.gather [hbm4b:s3+s12], $0x50, s12, s12, $0xb8;
	[tilespmem:$0xC400] =	vst v63  }
0x58: {  	_ = 	snop  }
0x59: {  	[tilespmem:s17], [sflag:$0x1] =	stream.indirect.gather [hbm4b:s4+s12], $0x10, s16, s12, $0xb8;
	[tilespmem:$0xC400] =	vst v63  }
0x5a: {  	_ = 	snop  }
0x5b: {  	[tilespmem:s19], [sflag:$0x1] =	stream.indirect.gather [hbm4b:s3+s12], $0x50, s18, s12, $0xb8;
	[tilespmem:$0xC400] =	vst v63  }
0x5c: {  	_ = 	snop  }
0x5d: {  	[tilespmem:s21], [sflag:$0x1] =	stream.indirect.gather [hbm4b:s4+s12], $0x10, s20, s12, $0xb8;
	[tilespmem:$0xC400] =	vst v63  }
0x5e: {  	_ = 	snop  }
0x5f: {  	[tilespmem:s23], [sflag:$0x1] =	stream.indirect.gather [hbm4b:s3+s12], $0x50, s22, s12, $0xb8;
	[tilespmem:$0xC400] =	vst v63  }
0x60: {  	_ = 	snop  }
0x61: {  	[tilespmem:s25], [sflag:$0x1] =	stream.indirect.gather [hbm4b:s4+s12], $0x10, s24, s12, $0xb8;
	[tilespmem:$0xC400] =	vst v63  }
0x62: {  	_ =	swait.ge [sflag:s26], $0x2800  }
0x63: {  	[sflag:s26] =	ssyncset.done $0x0  }
0x64: {  	[sflag:s26] =	ssyncadd.s32 $0xFFFFD800  }
0x65: {  	_ =	swait.ge [sflag:s26], $0x800  }
0x66: {  	[sflag:s26] =	ssyncset.done $0x0  }
0x67: {  	[sflag:s26] =	ssyncadd.s32 $0xFFFFF800  }
0x68: {  	_ =	swait.ge [sflag:s26], $0x2800  }
0x69: {  	[sflag:s26] =	ssyncset.done $0x0  }
0x6a: {  	[sflag:s26] =	ssyncadd.s32 $0xFFFFD800  }
0x6b: {  	_ =	swait.ge [sflag:s26], $0x800  }
0x6c: {  	[sflag:s26] =	ssyncset.done $0x0  }
0x6d: {  	[sflag:s26] =	ssyncadd.s32 $0xFFFFF800  }
0x6e: {  	_ =	swait.ge [sflag:s26], $0x2800  }
0x6f: {  	[sflag:s26] =	ssyncset.done $0x0  }
0x70: {  	[sflag:s26] =	ssyncadd.s32 $0xFFFFD800  }
0x71: {  	_ =	swait.ge [sflag:s26], $0x800  }
0x72: {  	[sflag:s26] =	ssyncset.done $0x0  }
0x73: {  	[sflag:s26] =	ssyncadd.s32 $0xFFFFF800  }
0x74: {  	_ =	swait.ge [sflag:s26], $0x2800  }
0x75: {  	[sflag:s26] =	ssyncset.done $0x0  }
0x76: {  	[sflag:s26] =	ssyncadd.s32 $0xFFFFD800  }
0x77: {  	_ =	swait.ge [sflag:s26], $0x800  }
0x78: {  	[sflag:s26] =	ssyncset.done $0x0  }
0x79: {  	[sflag:s26] =	ssyncadd.s32 $0xFFFFF800  }
0x7a: {  	[hbm4b:s30+s2] =	stream.linear.scatter [tilespmem:s13], [sflag:$0x2], $0xA000, $0x38;
	[tilespmem:$0xC400] =	vst v63  }
0x7b: {  	_ =	swait.ge [sflag:s10], $0xA000  }
.Ltmp0:
0x7c: {  	[sflag:s10] =	ssyncset.done $0x0;
	(pc) =	sbr.rel @p0 .LBB2_2-.Ltmp0, $4  }
0x7d: {  	[sflag:s10] =	ssyncadd.s32 $0xFFFF6000  }
0x7e: {  	[hbm4b:s29+s2] =	stream.linear.scatter [tilespmem:s14], [sflag:$0x2], $0x2000, $0x38;
	[tilespmem:$0xC400] =	vst v63  }
0x7f: {  	s1 =	smov.u32 s0;
	_ =	swait.ge [sflag:s10], $0x2000  }
0x80: {  	s30 =	sadd.s32 $0x1400, s30;
	s29 =	sadd.s32 $0x400, s29;
	[sflag:s10] =	ssyncset.done $0x0  }
0x81: {  	s0 =	sadd.s32 s31, s6;
	[sflag:s10] =	ssyncadd.s32 $0xFFFFE000  }
0x82: {  	[tilespmem:s2], [sflag:$0x2] =	stream.linear.gather [hbm4b:s0+s2], $0x200, $0x38;
	[tilespmem:$0xC400] =	vst v63  }
0x83: {  	_ =	swait.ge [sflag:s10], $0x200  }
0x84: {  	[sflag:s10] =	ssyncset.done $0x0  }
0x85: {  	s8 =	sadd.s32 s31, s5;
	[sflag:s10] =	ssyncadd.s32 $0xFFFFFE00  }
0x86: {  	[tilespmem:s11], [sflag:$0x2] =	stream.linear.gather [hbm4b:s8+s2], $0x200, $0x38;
	[tilespmem:$0xC400] =	vst v63  }
0x87: {  	_ =	swait.ge [sflag:s10], $0x200  }
0x88: {  	[sflag:s10] =	ssyncset.done $0x0  }
0x89: {  	[sflag:s10] =	ssyncadd.s32 $0xFFFFFE00  }
0x8a: {  	[tilespmem:s13], [sflag:$0x1] =	stream.indirect.gather [hbm4b:s3+s12], $0x50, s2, s12, $0xb8;
	[tilespmem:$0xC400] =	vst v63  }
0x8b: {  	_ = 	snop  }
0x8c: {  	[tilespmem:s14], [sflag:$0x1] =	stream.indirect.gather [hbm4b:s4+s12], $0x10, s11, s12, $0xb8;
	[tilespmem:$0xC400] =	vst v63  }
0x8d: {  	_ = 	snop  }
0x8e: {  	[tilespmem:s15], [sflag:$0x1] =	stream.indirect.gather [hbm4b:s3+s12], $0x50, s12, s12, $0xb8;
	[tilespmem:$0xC400] =	vst v63  }
0x8f: {  	_ = 	snop  }
0x90: {  	[tilespmem:s17], [sflag:$0x1] =	stream.indirect.gather [hbm4b:s4+s12], $0x10, s16, s12, $0xb8;
	[tilespmem:$0xC400] =	vst v63  }
0x91: {  	_ = 	snop  }
0x92: {  	[tilespmem:s19], [sflag:$0x1] =	stream.indirect.gather [hbm4b:s3+s12], $0x50, s18, s12, $0xb8;
	[tilespmem:$0xC400] =	vst v63  }
0x93: {  	_ = 	snop  }
0x94: {  	[tilespmem:s21], [sflag:$0x1] =	stream.indirect.gather [hbm4b:s4+s12], $0x10, s20, s12, $0xb8;
	[tilespmem:$0xC400] =	vst v63  }
0x95: {  	_ = 	snop  }
0x96: {  	[tilespmem:s23], [sflag:$0x1] =	stream.indirect.gather [hbm4b:s3+s12], $0x50, s22, s12, $0xb8;
	[tilespmem:$0xC400] =	vst v63  }
0x97: {  	_ = 	snop  }
0x98: {  	[tilespmem:s25], [sflag:$0x1] =	stream.indirect.gather [hbm4b:s4+s12], $0x10, s24, s12, $0xb8;
	[tilespmem:$0xC400] =	vst v63  }
0x99: {  	_ =	swait.ge [sflag:s26], $0x2800  }
0x9a: {  	[sflag:s26] =	ssyncset.done $0x0  }
0x9b: {  	[sflag:s26] =	ssyncadd.s32 $0xFFFFD800  }
0x9c: {  	_ =	swait.ge [sflag:s26], $0x800  }
0x9d: {  	[sflag:s26] =	ssyncset.done $0x0  }
0x9e: {  	[sflag:s26] =	ssyncadd.s32 $0xFFFFF800  }
0x9f: {  	_ =	swait.ge [sflag:s26], $0x2800  }
0xa0: {  	[sflag:s26] =	ssyncset.done $0x0  }
0xa1: {  	[sflag:s26] =	ssyncadd.s32 $0xFFFFD800  }
0xa2: {  	_ =	swait.ge [sflag:s26], $0x800  }
0xa3: {  	[sflag:s26] =	ssyncset.done $0x0  }
0xa4: {  	[sflag:s26] =	ssyncadd.s32 $0xFFFFF800  }
0xa5: {  	_ =	swait.ge [sflag:s26], $0x2800  }
0xa6: {  	[sflag:s26] =	ssyncset.done $0x0  }
0xa7: {  	[sflag:s26] =	ssyncadd.s32 $0xFFFFD800  }
0xa8: {  	_ =	swait.ge [sflag:s26], $0x800  }
0xa9: {  	[sflag:s26] =	ssyncset.done $0x0  }
0xaa: {  	[sflag:s26] =	ssyncadd.s32 $0xFFFFF800  }
0xab: {  	_ =	swait.ge [sflag:s26], $0x2800  }
0xac: {  	[sflag:s26] =	ssyncset.done $0x0  }
0xad: {  	[sflag:s26] =	ssyncadd.s32 $0xFFFFD800  }
0xae: {  	_ =	swait.ge [sflag:s26], $0x800  }
0xaf: {  	[sflag:s26] =	ssyncset.done $0x0  }
0xb0: {  	[sflag:s26] =	ssyncadd.s32 $0xFFFFF800  }
0xb1: {  	[hbm4b:s30+s2] =	stream.linear.scatter [tilespmem:s13], [sflag:$0x2], $0xA000, $0x38;
	[tilespmem:$0xC400] =	vst v63  }
0xb2: {  	_ =	swait.ge [sflag:s10], $0xA000  }
0xb3: {  	[sflag:s10] =	ssyncset.done $0x0  }
0xb4: {  	[sflag:s10] =	ssyncadd.s32 $0xFFFF6000  }
0xb5: {  	[hbm4b:s29+s2] =	stream.linear.scatter [tilespmem:s14], [sflag:$0x2], $0x2000, $0x38;
	[tilespmem:$0xC400] =	vst v63  }
0xb6: {  	_ =	swait.ge [sflag:s10], $0x2000  }
0xb7: {  	s28 =	sadd.s32 $0x1, s28;
	s31 =	rddreg [dreg:$0x2]  }
0xb8: {  	p0 =	sne.s32 s28, s31  }
.Ltmp1:
0xb9: {  	_ = 	snop;
	(pc) =	sbr.rel @p0 .LBB2_1-.Ltmp1, $3  }
0xba: {  	_ =	sdelay $0x1  }
0xbb: {  	[sflag:s10] =	ssyncset.done $0x0  }
0xbc: {  	[sflag:s10] =	ssyncadd.s32 $0xFFFFE000  }
0xbd: {  	_ =	sfence.sel $0x180000  }
0xbe: {  	[bflag:$0x0] =	sbarrier.arrive $0xFFFF  }
0xbf: {  	_ =	strace $0x90000056  }
0xc0: {  	s0 =	stileid.u32;
	[bflag:$0x2] =	sbarrier.arrive $0xFFFF  }
0xc1: {  	p0 =	sne.s32 s0, $0x0;
	s0 =	rddreg [dreg:$0x1]  }
0xc2: {  	s0 =	sadd.s32 @!p0 $0x100000, s0  }
0xc3: {  	[sflag:s0] =	ssyncadd.tile.s32 @!p0 $0x1;
	_ =	shalt  }
.Lfunc_end2:
_tile_overlayer_lowered:
.L_overlay_start_2:
0xc4: {  	(tag) =	ssettag $0x2  }
0xc5: {  	s0 =	rddreg [dreg:$0x0];
	s2 =	stileid.u32  }
0xc6: {  	s1 =	rddreg [dreg:$0x1];
	p0 =	sne.s32 s2, $0x0  }
0xc7: {  	s3 =	rddreg [dreg:$0x2];
	[bflag:$0x3] =	sbarrier.arrive $0xFFFF;
	s2 =	simm.s32 @!p0 $0x1C02  }
0xc8: {  	[timem:s3], [sflag:s2] =	dma.local @!p0 [hbm:s0], s1  }
0xc9: {  	s0 =	simm.s32 @!p0 $0x2  }
0xca: {  	_ =	swait.ge @!p0 [sflag:s0], s1  }
0xcb: {  	s1 =	ssub.s32 @!p0 $0x0, s1;
	[sflag:s0] =	ssyncset.done @!p0 $0x0  }
0xcc: {  	[sflag:s0] =	ssyncadd.s32 @!p0 s1  }
0xcd: {  	[bflag:$0x3] =	sbarrier.arrive $0xFFFF  }
0xce: {  	_ =	shalt  }

// kernel: sc_rankmap.9.cloned.1.call-start
scs
__scs_entry_jumppad:
0x0: {  	(pc) =	sbr.rel $0x88, $3  }
0x1: {  	(tag) =	ssettag $0x0;
	lr =	simm.s32 $0x1  }
0x2: {  	[smem:$0x3F7C] =	sst lr;
	_ =	strace $0xD0000000  }
0x3: {  	_ = 	snop  }
0x4: {  	_ = 	snop  }
0x5: {  	_ = 	snop  }
0x6: {  	_ = 	snop  }
0x7: {  	_ = 	snop  }
__scs_overlays_trampoline_lowered:
0x8: {  	[smem:$0x3F8B] =	sst s0  }
0x9: {  	[smem:$0x3F8C] =	sst s1  }
0xa: {  	[smem:$0x3F8D] =	sst s2  }
0xb: {  	[smem:$0x3F8E] =	sst s3  }
0xc: {  	[smem:$0x3F8F] =	sst s4  }
0xd: {  	[smem:$0x3F90] =	sst s5  }
0xe: {  	[smem:$0x3F91] =	sst s6  }
0xf: {  	[smem:$0x3F92] =	sst s7  }
0x10: {  	[smem:$0x3F93] =	sst s8  }
0x11: {  	[smem:$0x3F94] =	sst s9;
	s0 =	simm.s32 @!p0 $0x0  }
0x12: {  	s1 =	sld [smem:$0x3F7A];
	s0 =	simm.s32 @p0 $0x1  }
0x13: {  	[smem:$0x3F95] =	sst s0;
	s0 =	simm.s32 @!p1 $0x0  }
0x14: {  	s2 =	sld [smem:$0x3F79];
	s0 =	simm.s32 @p1 $0x1  }
0x15: {  	[smem:$0x3F96] =	sst s0;
	s0 =	simm.s32 @!p2 $0x0  }
0x16: {  	s3 =	sld [smem:$0x3FDB];
	s0 =	simm.s32 @p2 $0x1  }
0x17: {  	s4 =	simm.s32 $0x1BF5;
	[smem:$0x3F98] =	sst s0  }
0x18: {  	s0 =	sld [smem:$0x3F7B];
	_ =	swait.ge [sflag:s4], $0x0  }
0x19: {  	s7 =	sld [smem:$0x3F7C]  }
0x1a: {  	s8 =	sadd.s32 $0xFFFFE003, lr  }
0x1b: {  	s9 =	sadd.s32 $0xFFFFFEF7, lr;
	s5 =	simm.s32 $0xFFFFFFFF;
	p2 =	slt.u32 s8, $0xFFFFF086  }
0x1c: {  	p1 =	slt.u32 s9, $0xF7A;
	s5 =	simm.s32 @!p2 $0x0  }
0x1d: {  	s5 =	simm.s32 @p1 $0x1;
	p0 =	seq.s32 s7, s2  }
0x1e: {  	s7 =	smul.u32 @!p0 $0xF7A, s2;
	p2 =	seq.s32 @!p0 s5, $0x0  }
0x1f: {  	s9 =	smul.u32 $0xF7A, s1;
	s8 =	simm.s32 @!p0 $0x1BF5;
	p2 =	por !p2, p0  }
0x20: {  	[sflag:s8] =	ssyncset.s32 @!p0 $0xFFFFF086;
	s6 =	sadd.s32 @!p0 s3, s7;
	s7 =	simm.s32 @!p0 $0x108  }
0x21: {  	s3 =	sadd.s32 s3, s9;
	s6 =	sadd.s32 @!p0 $0x88, s6;
	s7 =	simm.s32 @p2 $0x1082  }
0x22: {  	[simem:s7], [sflag:s8] =	dma.local @!p0 [hbm:s6], $0xF7A  }
0x23: {  	s9 =	sor.u32 $0xD0000000, s2;
	s6 =	simm.s32 $0x108;
	_ =	swait.ge @!p0 [sflag:s8], $0x0  }
0x24: {  	s3 =	sadd.s32 $0x88, s3;
	s6 =	simm.s32 @!p1 $0x1082;
	[sflag:s4] =	ssyncset.s32 $0xFFFFF086  }
0x25: {  	[simem:s6], [sflag:s4] =	dma.local [hbm:s3], $0xF7A  }
0x26: {  	[smem:$0x3F7C] =	sst s1;
	(tag) =	ssettag s2;
	_ =	strace s9  }
0x27: {  	s1 =	sld [smem:$0x3F8C]  }
0x28: {  	s2 =	sld [smem:$0x3F8D]  }
0x29: {  	s4 =	sld [smem:$0x3F8F]  }
0x2a: {  	p0 =	seq.s32 s5, $0x0;
	s5 =	sld [smem:$0x3F90]  }
0x2b: {  	s6 =	sld [smem:$0x3F91]  }
0x2c: {  	s7 =	sld [smem:$0x3F92]  }
0x2d: {  	s3 =	simm.s32 $0x108;
	s8 =	sld [smem:$0x3F93]  }
0x2e: {  	s3 =	simm.s32 @!p0 $0x1082;
	s9 =	sld [smem:$0x3F94]  }
0x2f: {  	lr =	sadd.s32 s0, s3;
	s0 =	sld [smem:$0x3F8B]  }
0x30: {  	s3 =	sld [smem:$0x3F8E]  }
0x31: {  	[smem:$0x3F97] =	sst s10  }
0x32: {  	s10 =	sld [smem:$0x3F95];
	_ =	sdelay $0x3  }
0x33: {  	p0 =	seq.s32 s10, $0x1;
	s10 =	sld [smem:$0x3F97];
	_ =	sdelay $0x3  }
0x34: {  	[smem:$0x3F97] =	sst s10  }
0x35: {  	s10 =	sld [smem:$0x3F96];
	_ =	sdelay $0x3  }
0x36: {  	p1 =	seq.s32 s10, $0x1;
	s10 =	sld [smem:$0x3F97];
	_ =	sdelay $0x3  }
0x37: {  	[smem:$0x3F97] =	sst s10  }
0x38: {  	s10 =	sld [smem:$0x3F98]  }
0x39: {  	_ = 	snop;
	(pc) =	sbr.ind lr, $3  }
0x3a: {  	_ = 	snop  }
0x3b: {  	_ = 	snop  }
0x3c: {  	p2 =	seq.s32 s10, $0x1;
	s10 =	sld [smem:$0x3F97]  }
0x3d: {  	_ =	shalt  }
0x3e: {  	_ =	shalt  }
0x3f: {  	_ =	shalt  }
0x40: {  	_ =	shalt  }
0x41: {  	_ =	shalt  }
0x42: {  	_ =	shalt  }
0x43: {  	_ =	shalt  }
0x44: {  	_ =	shalt  }
0x45: {  	_ =	shalt  }
0x46: {  	_ =	shalt  }
0x47: {  	_ =	shalt  }
0x48: {  	_ =	shalt  }
0x49: {  	_ =	shalt  }
0x4a: {  	_ =	shalt  }
0x4b: {  	_ =	shalt  }
0x4c: {  	_ =	shalt  }
0x4d: {  	_ =	shalt  }
0x4e: {  	_ =	shalt  }
0x4f: {  	_ =	shalt  }
0x50: {  	_ =	shalt  }
0x51: {  	_ =	shalt  }
0x52: {  	_ =	shalt  }
0x53: {  	_ =	shalt  }
0x54: {  	_ =	shalt  }
0x55: {  	_ =	shalt  }
0x56: {  	_ =	shalt  }
0x57: {  	_ =	shalt  }
0x58: {  	_ =	shalt  }
0x59: {  	_ =	shalt  }
0x5a: {  	_ =	shalt  }
0x5b: {  	_ =	shalt  }
0x5c: {  	_ =	shalt  }
0x5d: {  	_ =	shalt  }
0x5e: {  	_ =	shalt  }
0x5f: {  	_ =	shalt  }
0x60: {  	_ =	shalt  }
0x61: {  	_ =	shalt  }
0x62: {  	_ =	shalt  }
0x63: {  	_ =	shalt  }
0x64: {  	_ =	shalt  }
0x65: {  	_ =	shalt  }
0x66: {  	_ =	shalt  }
0x67: {  	_ =	shalt  }
0x68: {  	_ =	shalt  }
0x69: {  	_ =	shalt  }
0x6a: {  	_ =	shalt  }
0x6b: {  	_ =	shalt  }
0x6c: {  	_ =	shalt  }
0x6d: {  	_ =	shalt  }
0x6e: {  	_ =	shalt  }
0x6f: {  	_ =	shalt  }
0x70: {  	_ =	shalt  }
0x71: {  	_ =	shalt  }
0x72: {  	_ =	shalt  }
0x73: {  	_ =	shalt  }
0x74: {  	_ =	shalt  }
0x75: {  	_ =	shalt  }
0x76: {  	_ =	shalt  }
0x77: {  	_ =	shalt  }
0x78: {  	_ =	shalt  }
0x79: {  	_ =	shalt  }
0x7a: {  	_ =	shalt  }
0x7b: {  	_ =	shalt  }
0x7c: {  	_ =	shalt  }
0x7d: {  	_ =	shalt  }
0x7e: {  	_ =	shalt  }
0x7f: {  	_ =	shalt  }
0x80: {  	_ =	shalt  }
0x81: {  	_ =	shalt  }
0x82: {  	_ =	shalt  }
0x83: {  	_ =	shalt  }
0x84: {  	_ =	shalt  }
0x85: {  	_ =	shalt  }
0x86: {  	_ =	shalt  }
0x87: {  	_ =	shalt  }
.Lfunc_end0:
.L_simem_size_0:
called_computation.4_lowered:
.L_overlay_start_0:
0x88: {  	s2 =	sld [smem:$0x3FD9]  }
0x89: {  	s3 =	sld [smem:$0x3FFE];
	_ =	sdelay $0x1  }
0x8a: {  	s1 =	srdreg.scid  }
0x8b: {  	s0 =	sand.u32 $0x1, s1  }
0x8c: {  	s17 =	sshll.u32 s0, $0xA;
	s2 =	sadd.s32 s3, s2  }
0x8d: {  	s2 =	sadd.s32 s2, s17  }
0x8e: {  	[smem:$0x3FA3] =	sst s2  }
0x8f: {  	_ = 	snop  }
0x90: {  	(tm) =	ssettm $0x1  }
0x91: {  	s18 =	sld [smem:$0x3FFB];
	_ =	sdelay $0x3  }
0x92: {  	_ =	strace s18  }
0x93: {  	s2 =	sld [smem:$0x3FFC];
	_ =	sdelay $0x3  }
0x94: {  	_ =	strace s2  }
0x95: {  	s2 =	sld [smem:$0x3FFD];
	_ =	sdelay $0x3  }
0x96: {  	_ =	strace s2  }
0x97: {  	_ =	strace $0x8FFFFFFF  }
0x98: {  	s19 =	sld [smem:$0x3FDB];
	_ =	sdelay $0x1  }
0x99: {  	s20 =	simm.s32 $_scs_section_size  }
0x9a: {  	s4 =	simm.s32 $_size__tile_overlayer_lowered;
	s5 =	simm.s32 $_tile_overlayer_lowered  }
0x9b: {  	s6 =	simm.s32 $0x1BFF;
	s21 =	sshll.u32 s5, $0x1;
	s3 =	sadd.s32 s20, s19  }
0x9c: {  	s22 =	simm.s32 $0x0;
	s4 =	sshll.u32 s4, $0x1;
	s5 =	sadd.s32 s21, s3  }
0x9d: {  	[timem:s22], [sflag:s6] =	dma.local [hbm:s5], s4  }
0x9e: {  	_ =	swait.ge [sflag:s6], s4  }
0x9f: {  	s4 =	ssub.s32 $0x0, s4;
	[sflag:s6] =	ssyncset.done $0x0  }
0xa0: {  	[sflag:s6] =	ssyncadd.s32 s4;
	_ =	sdelay $0x1  }
0xa1: {  	s23 =	simm.s32 $0x1B8B  }
0xa2: {  	_ =	swait.ge [sflag:s23], $0x1  }
0xa3: {  	[sflag:s23] =	ssyncset.done $0x0  }
0xa4: {  	[sflag:s23] =	ssyncadd.s32 $0xFFFFFFFF  }
0xa5: {  	s4 =	sld [smem:$0x0]  }
0xa6: {  	s5 =	sand.u32 $0xFFFFFFFE, s1  }
0xa7: {  	p0 =	sne.s32 s1, s5  }
0xa8: {  	s5 =	sshll.u32 @p0 s5, $0xE  }
0xa9: {  	s5 =	sadd.s32 @p0 $0x11B8D, s5;
	s6 =	sshll.u32 @p0 s4, $0x11  }
0xaa: {  	s5 =	sor.u32 @p0 s6, s5  }
0xab: {  	[sflag:s5] =	ssyncadd.remote.s32 @p0 $0x1;
	_ =	sdelay $0x1  }
0xac: {  	s5 =	simm.s32 @p0 $0x1B8D  }
0xad: {  	_ =	swait.eq @p0 [sflag:s5], $0x1  }
0xae: {  	[sflag:s5] =	ssyncadd.s32 @p0 $0xFFFFFFFF  }
0xaf: {  	s6 =	sshll.u32 @!p0 s1, $0xE  }
0xb0: {  	s6 =	sor.u32 @!p0 $0x4000, s6;
	s5 =	simm.s32 @!p0 $0x1B8D  }
0xb1: {  	s4 =	sshll.u32 @!p0 s4, $0x11;
	s6 =	sadd.s32 @!p0 $0x11B8D, s6;
	_ =	swait.eq @!p0 [sflag:s5], $0x1  }
0xb2: {  	s4 =	sor.u32 @!p0 s4, s6;
	[sflag:s5] =	ssyncadd.s32 @!p0 $0xFFFFFFFF  }
0xb3: {  	s25 =	simm.s32 $0x1B8E;
	s24 =	sld [smem:$0x3FFE];
	[sflag:s4] =	ssyncadd.remote.s32 @!p0 $0x1  }
0xb4: {  	s26 =	simm.s32 $execute0_lowered;
	[smem:$0x3FD2] =	sst s25  }
0xb5: {  	s5 =	sshll.u32 s26, $0x1;
	_ =	strace $0x80000052;
	[dreg:$0x1] =	wrdreg $0xFFFFFFFF  }
0xb6: {  	s28 =	simm.s32 $_size_execute0_lowered;
	s3 =	sadd.s32 s3, s5;
	[dreg:$0x0] =	wrdreg $0x0  }
0xb7: {  	s5 =	sshll.u32 s28, $0x1;
	[dreg:$0x2] =	wrdreg s3  }
0xb8: {  	[dreg:$0x3] =	wrdreg s5  }
0xb9: {  	[dreg:$0x4] =	wrdreg $0xC0  }
0xba: {  	_ =	task [dreg:s22], $0x5FFFF  }
0xbb: {  	[dreg:$0x1] =	wrdreg $0xFFFFFFFF  }
0xbc: {  	[dreg:$0x0] =	wrdreg $0x60  }
0xbd: {  	[dreg:$0x2] =	wrdreg s24  }
0xbe: {  	[dreg:$0x3] =	wrdreg $0x9  }
0xbf: {  	_ =	task.clear_ibuf [dreg:s22], $0x4FFFF;
	_ =	strace $0x90000052  }
0xc0: {  	s29 =	simm.s32 $0x9;
	_ =	strace $0x80000054  }
0xc1: {  	_ =	swait.ge [sflag:s29], $0x1  }
0xc2: {  	[sflag:s29] =	ssyncadd.s32 $0xFFFFFFFF  }
0xc3: {  	_ =	strace $0x90000054  }
0xc4: {  	_ =	sfence  }
0xc5: {  	s30 =	sld [smem:$0x0];
	_ =	sdelay $0x2  }
0xc6: {  	s31 =	sshll.u32 s1, $0xD;
	s1 =	sshrl.u32 s1, $0x2  }
0xc7: {  	s4 =	sand.u32 $0x4000, s31;
	s1 =	sadd.s32 s1, s30  }
0xc8: {  	s0 =	sor.u32 s4, s0;
	s1 =	sshll.u32 s1, $0x11  }
0xc9: {  	s0 =	sor.u32 s1, s0  }
0xca: {  	s0 =	sadd.s32 $0x8F2B, s0  }
0xcb: {  	[sflag:s0] =	ssyncadd.remote.s32 $0x1  }
0xcc: {  	_ =	sfence.sel $0xFFFF  }
0xcd: {  	[dreg:$0x0] =	wrdreg $0xFFFFFFFF;
	(pc) =	sbr.abs _section_cstart, $3  }
0xce: {  	[dreg:$0x1] =	wrdreg $0xFFFFFFFF  }
0xcf: {  	_ =	task.clear_ibuf [dreg:s22], $0x2FFFF;
	_ =	strace $0x9FFFFFFF  }
0xd0: {  	(tm) =	ssettm $0x7FFFFFFF  }
0xd1: {  	_ =	shalt  }
tec
execute0_lowered:
.L_overlay_start_1:
0x0: {  	(tag) =	ssettag $0x1  }
0x1: {  	s9 =	rddreg [dreg:$0x0]  }
0x2: {  	s0 =	rddreg [dreg:$0x1];
	s1 =	simm.s32 $0x0;
	s8 =	srdreg.scid  }
0x3: {  	s4 =	stileid.u32;
	s17 =	simm.s32 $0x3C00;
	s18 =	simm.s32 $0x4400  }
0x4: {  	s19 =	simm.s32 $0x4C00;
	s20 =	simm.s32 $0x0;
	[smem:$0x7FF] =	sst s1  }
0x5: {  	s2 =	sadd.s32 $0xAD3800, s9;
	s3 =	sadd.s32 $0x58A00, s9;
	s5 =	sadd.s32 $0x6CA00, s9  }
0x6: {  	s6 =	sadd.s32 $0xAD6200, s9;
	s7 =	sadd.s32 $0xAFE200, s9;
	s10 =	sand.u32 $0x1, s8  }
0x7: {  	s8 =	sadd.s32 $0xAEA200, s9;
	s12 =	smul.u32 $0xA000, s4;
	s14 =	sshll.u32 s4, $0x1  }
0x8: {  	s9 =	sadd.s32 $0xB12200, s9;
	_ =	strace $0x80000053;
	s11 =	ssub.s32 $0x2, s10  }
0x9: {  	s15 =	smul.u32 $0x5000, s10;
	s16 =	sor.u32 s10, s14;
	s14 =	simm.s32 $0x1  }
0xa: {  	s13 =	sshrl.u32 s11, $0x1;
	s10 =	smul.u32 $0x5000, s16;
	p0 =	sne.s32 s16, $0x0  }
0xb: {  	s16 =	simm.s32 $0x3400;
	s11 =	ssub.s32 s11, s13;
	s12 =	sadd.s32 s15, s12  }
0xc: {  	v0 =	vimm.s32 $0x3E8;
	v1 =	vlaneseq.u32;
	v2 =	vimm.f32 $0.0e+00;
	s13 =	simm.s32 $0x2800;
	s15 =	simm.s32 $0x2C00;
	s11 =	smax.u32 s11, $0x1  }
.LBB2_1:
0xd: {  	[tilespmem:s13], [sflag:$0x1] =	stream.linear.gather [hbm4b:s2+s1], $0x400, $0x38;
	[tilespmem:$0x5400] =	vst v63  }
0xe: {  	_ =	swait.ge [sflag:s14], $0x400  }
0xf: {  	[sflag:s14] =	ssyncset.done $0x0  }
0x10: {  	s21 =	simm.s32 $0x0;
	[sflag:s14] =	ssyncadd.s32 $0xFFFFFC00  }
.LBB2_2:
0x11: {  	p1 =	sne.s32 s21, $0x9FC0  }
.Ltmp0:
0x12: {  	_ = 	snop;
	(pc) =	sbr.rel @p1 .LBB2_2-.Ltmp0, $3  }
0x13: {  	_ =	sdelay $0x1  }
0x14: {  	s22 =	sshra.s32 s21, $0x2  }
0x15: {  	s21 =	sadd.s32 $0x40, s21;
	[tilespmem:s22+$0x0] =	vst v0  }
0x16: {  	s21 =	simm.s32 $0x2800  }
0x17: {  	s22 =	simm.s32 $0x0;
	s23 =	simm.s32 $0x10;
	v3 =	vld [tilespmem:s21+$0x0]  }
.LBB2_4:
0x18: {  	p1 =	sne.s32 s23, $0x3F0;
	v4 =	vor.u32 s22, v1;
	s22 =	smov.u32 s23  }
0x19: {  	vm0 =	vlt.u32 v4, $0x3E8;
	_ =	sdelay $0x2  }
.Ltmp1:
0x1a: {  	(pc) =	sbr.rel @p1 .LBB2_4-.Ltmp1, $3  }
0x1b: {  	_ =	sdelay $0x1  }
0x1c: {  	s21 =	sadd.s32 $0x10, s21;
	[tilespmem:v3+s1+$0x0] =	vst.idx.msk vm0, v4  }
0x1d: {  	s23 =	sadd.s32 $0x10, s23;
	v3 =	vld [tilespmem:s21+$0x0]  }
0x1e: {  	_ = 	snop  }
0x1f: {  	v4 =	vor.u32 s22, v1  }
0x20: {  	vm0 =	vlt.u32 v4, $0x3E8;
	_ =	sdelay $0x5  }
0x21: {  	s21 =	simm.s32 @!p0 $0x0;
	[tilespmem:v3+s1+$0x0] =	vst.idx.msk vm0, v4  }
0x22: {  	[hbm4b:s9+s21] =	stream.linear.scatter @!p0 [tilespmem:s21], [sflag:$0x1], $0x2800, $0x38;
	[tilespmem:$0x5400] =	vst v63  }
0x23: {  	s21 =	simm.s32 @!p0 $0x1  }
0x24: {  	_ =	swait.ge @!p0 [sflag:s21], $0x2800  }
0x25: {  	s22 =	smov.u32 s12;
	[sflag:s21] =	ssyncset.done @!p0 $0x0  }
0x26: {  	s23 =	simm.s32 $0x0;
	[sflag:s21] =	ssyncadd.s32 @!p0 $0xFFFFD800;
	s21 =	simm.s32 $0x0  }
.LBB2_6:
0x27: {  	s24 =	sshll.u32 s23, $0xB  }
0x28: {  	s24 =	sadd.s32 s10, s24  }
0x29: {  	s24 =	sshrl.u32 s24, $0x3  }
0x2a: {  	s25 =	sadd.s32 s3, s24  }
0x2b: {  	[tilespmem:s15], [sflag:$0x1] =	stream.linear.gather [hbm4b:s25+s21], $0x800, $0x38;
	[tilespmem:$0x5400] =	vst v63  }
0x2c: {  	_ =	swait.ge [sflag:s14], $0x800  }
0x2d: {  	[sflag:s14] =	ssyncset.done $0x0  }
0x2e: {  	s31 =	sadd.s32 s5, s24;
	[sflag:s14] =	ssyncadd.s32 $0xFFFFF800  }
0x2f: {  	[tilespmem:s16], [sflag:$0x1] =	stream.linear.gather [hbm4b:s31+s21], $0x800, $0x38;
	[tilespmem:$0x5400] =	vst v63  }
0x30: {  	_ =	swait.ge [sflag:s14], $0x800  }
0x31: {  	[sflag:s14] =	ssyncset.done $0x0  }
0x32: {  	s26 =	simm.s32 $0x0;
	[sflag:s14] =	ssyncadd.s32 $0xFFFFF800  }
0x33: {  	v3 =	vld [tilespmem:s26+$0x2C00]  }
0x34: {  	v5 =	vld [tilespmem:s26+$0x3400];
	_ =	sdelay $0x6  }
0x35: {  	v4 =	vld.idx.msk [tilespmem:v3+s1+$0x0], $0xffff  }
0x36: {  	v5 =	vld.idx.msk [tilespmem:v5+s1+$0x0], $0xffff;
	_ =	sdelay $0x2  }
0x37: {  	s25 =	simm.s32 $0x10  }
0x38: {  	s29 =	simm.s32 $0x80;
	v6 =	vmov s22;
	s28 =	smov.u32 s22;
	v3 =	vld [tilespmem:s25+$0x2C00]  }
.LBB2_7:
0x39: {  	p1 =	sne.s32 s29, $0x1FC0;
	v7 =	vld [tilespmem:s25+$0x3400];
	v8 =	vor.u32 s28, v1;
	vm0 =	vlt.s32 v4, $0x3E8;
	vm1 =	vlt.s32 v5, $0x3E8  }
0x3a: {  	vm0 =	vmand vm0, vm1;
	vm1 =	vlt.u32 v6, $0x9C400;
	v6 =	vand.u32 $0x3FF, v8  }
0x3b: {  	vm0 =	vmand vm1, vm0;
	v6 =	vadd.s32 $0x3E8, v6  }
0x3c: {  	v4 =	vsel vm0, v4, v6;
	v5 =	vsel vm0, v5, v6;
	v6 =	vsel vm0, $0x3F800000, v2  }
0x3d: {  	[tilespmem:s26+$0x3C00] =	vst v4  }
0x3e: {  	[tilespmem:s26+$0x4400] =	vst v5  }
0x3f: {  	[tilespmem:s26+$0x4C00] =	vst v6;
	s26 =	smov.u32 s25  }
0x40: {  	v4 =	vld.idx.msk [tilespmem:v3+s1+$0x0], $0xffff  }
0x41: {  	v5 =	vld.idx.msk [tilespmem:v7+s1+$0x0], $0xffff  }
.Ltmp2:
0x42: {  	(pc) =	sbr.rel @p1 .LBB2_7-.Ltmp2, $3  }
0x43: {  	_ =	sdelay $0x1  }
0x44: {  	s28 =	sadd.s32 $0x10, s28;
	s25 =	sshra.s32 s29, $0x2  }
0x45: {  	s29 =	sadd.s32 $0x40, s29;
	v6 =	vmov s28;
	v3 =	vld [tilespmem:s25+$0x2C00]  }
0x46: {  	_ = 	snop  }
0x47: {  	v7 =	vld [tilespmem:s25+$0x3400];
	v8 =	vor.u32 s28, v1;
	vm0 =	vlt.s32 v4, $0x3E8;
	vm1 =	vlt.s32 v5, $0x3E8  }
0x48: {  	vm12 =	vlt.u32 v6, $0x9C400;
	vm0 =	vmand vm0, vm1;
	v57 =	vand.u32 $0x3FF, v8  }
0x49: {  	vm0 =	vmand vm12, vm0;
	v6 =	vadd.s32 $0x3E8, v57  }
0x4a: {  	v58 =	vsel vm0, v4, v6  }
0x4b: {  	v59 =	vsel vm0, v5, v6;
	[tilespmem:s26+$0x3C00] =	vst v58  }
0x4c: {  	v60 =	vsel vm0, $0x3F800000, v2;
	[tilespmem:s26+$0x4400] =	vst v59  }
0x4d: {  	[tilespmem:s26+$0x4C00] =	vst v60  }
0x4e: {  	v3 =	vld.idx.msk [tilespmem:v3+s1+$0x0], $0xffff  }
0x4f: {  	v4 =	vld.idx.msk [tilespmem:v7+s1+$0x0], $0xffff;
	_ =	sdelay $0x2  }
0x50: {  	s28 =	sadd.s32 $0x10, s28  }
0x51: {  	v61 =	vmov s28  }
0x52: {  	v62 =	vor.u32 s28, v1;
	vm13 =	vlt.s32 v3, $0x3E8;
	vm14 =	vlt.s32 v4, $0x3E8  }
0x53: {  	vm15 =	vlt.u32 v61, $0x9C400;
	v63 =	vand.u32 $0x3FF, v62;
	vm0 =	vmand vm13, vm14  }
0x54: {  	v5 =	vadd.s32 $0x3E8, v63;
	vm0 =	vmand vm15, vm0  }
0x55: {  	v3 =	vsel vm0, v3, v5  }
0x56: {  	v4 =	vsel vm0, v4, v5;
	[tilespmem:s25+$0x3C00] =	vst v3  }
0x57: {  	v3 =	vsel vm0, $0x3F800000, v2;
	[tilespmem:s25+$0x4400] =	vst v4  }
0x58: {  	s29 =	sadd.s32 s6, s24;
	[tilespmem:s25+$0x4C00] =	vst v3  }
0x59: {  	[hbm4b:s29+s1] =	stream.linear.scatter [tilespmem:s17], [sflag:$0x1], $0x800, $0x38;
	[tilespmem:$0x5400] =	vst v63  }
0x5a: {  	_ =	swait.ge [sflag:s14], $0x800  }
0x5b: {  	[sflag:s14] =	ssyncset.done $0x0  }
0x5c: {  	s30 =	sadd.s32 s7, s24;
	[sflag:s14] =	ssyncadd.s32 $0xFFFFF800  }
0x5d: {  	[hbm4b:s30+s1] =	stream.linear.scatter [tilespmem:s18], [sflag:$0x1], $0x800, $0x38;
	[tilespmem:$0x5400] =	vst v63  }
0x5e: {  	s23 =	sadd.s32 $0x1, s23;
	_ =	swait.ge [sflag:s14], $0x800  }
0x5f: {  	p1 =	sne.s32 s23, $0xA;
	[sflag:s14] =	ssyncset.done $0x0  }
.Ltmp3:
0x60: {  	s31 =	sadd.s32 s8, s24;
	[sflag:s14] =	ssyncadd.s32 $0xFFFFF800;
	(pc) =	sbr.rel @p1 .LBB2_6-.Ltmp3, $4  }
0x61: {  	[hbm4b:s31+s1] =	stream.linear.scatter [tilespmem:s19], [sflag:$0x1], $0x800, $0x38;
	[tilespmem:$0x5400] =	vst v63  }
0x62: {  	_ =	swait.ge [sflag:s14], $0x800  }
0x63: {  	[sflag:s14] =	ssyncset.done $0x0  }
0x64: {  	s22 =	sadd.s32 $0x800, s22;
	[sflag:s14] =	ssyncadd.s32 $0xFFFFF800  }
0x65: {  	s20 =	sadd.s32 $0x1, s20  }
0x66: {  	p1 =	sne.s32 s20, s11  }
.Ltmp4:
0x67: {  	_ = 	snop;
	(pc) =	sbr.rel @p1 .LBB2_1-.Ltmp4, $1  }
0x68: {  	_ =	sdelay $0x3  }
0x69: {  	_ =	sfence.sel $0x180000  }
0x6a: {  	[bflag:$0x0] =	sbarrier.arrive $0xFFFF  }
0x6b: {  	p0 =	sne.s32 s4, $0x0;
	_ =	strace $0x90000053  }
0x6c: {  	s0 =	sadd.s32 @!p0 $0x100000, s0;
	[bflag:$0x2] =	sbarrier.arrive $0xFFFF  }
0x6d: {  	[sflag:s0] =	ssyncadd.tile.s32 @!p0 $0x1;
	_ =	shalt  }
.Lfunc_end2:
_tile_overlayer_lowered:
.L_overlay_start_2:
0x6e: {  	(tag) =	ssettag $0x2  }
0x6f: {  	s0 =	rddreg [dreg:$0x0];
	s2 =	stileid.u32  }
0x70: {  	s1 =	rddreg [dreg:$0x1];
	p0 =	sne.s32 s2, $0x0  }
0x71: {  	s3 =	rddreg [dreg:$0x2];
	[bflag:$0x3] =	sbarrier.arrive $0xFFFF;
	s2 =	simm.s32 @!p0 $0x1C01  }
0x72: {  	[timem:s3], [sflag:s2] =	dma.local @!p0 [hbm:s0], s1  }
0x73: {  	s0 =	simm.s32 @!p0 $0x1  }
0x74: {  	_ =	swait.ge @!p0 [sflag:s0], s1  }
0x75: {  	s1 =	ssub.s32 @!p0 $0x0, s1;
	[sflag:s0] =	ssyncset.done @!p0 $0x0  }
0x76: {  	[sflag:s0] =	ssyncadd.s32 @!p0 s1  }
0x77: {  	[bflag:$0x3] =	sbarrier.arrive $0xFFFF  }
0x78: {  	_ =	shalt  }

// kernel: scatter_offload_async_start.2
scs
__scs_entry_jumppad:
0x0: {  	(pc) =	sbr.rel $0x88, $3  }
0x1: {  	(tag) =	ssettag $0x0;
	lr =	simm.s32 $0x1  }
0x2: {  	[smem:$0x3F7C] =	sst lr;
	_ =	strace $0xD0000000  }
0x3: {  	_ = 	snop  }
0x4: {  	_ = 	snop  }
0x5: {  	_ = 	snop  }
0x6: {  	_ = 	snop  }
0x7: {  	_ = 	snop  }
__scs_overlays_trampoline_lowered:
0x8: {  	[smem:$0x3F8B] =	sst s0  }
0x9: {  	[smem:$0x3F8C] =	sst s1  }
0xa: {  	[smem:$0x3F8D] =	sst s2  }
0xb: {  	[smem:$0x3F8E] =	sst s3  }
0xc: {  	[smem:$0x3F8F] =	sst s4  }
0xd: {  	[smem:$0x3F90] =	sst s5  }
0xe: {  	[smem:$0x3F91] =	sst s6  }
0xf: {  	[smem:$0x3F92] =	sst s7  }
0x10: {  	[smem:$0x3F93] =	sst s8  }
0x11: {  	[smem:$0x3F94] =	sst s9;
	s0 =	simm.s32 @!p0 $0x0  }
0x12: {  	s1 =	sld [smem:$0x3F7A];
	s0 =	simm.s32 @p0 $0x1  }
0x13: {  	[smem:$0x3F95] =	sst s0;
	s0 =	simm.s32 @!p1 $0x0  }
0x14: {  	s2 =	sld [smem:$0x3F79];
	s0 =	simm.s32 @p1 $0x1  }
0x15: {  	[smem:$0x3F96] =	sst s0;
	s0 =	simm.s32 @!p2 $0x0  }
0x16: {  	s3 =	sld [smem:$0x3FDB];
	s0 =	simm.s32 @p2 $0x1  }
0x17: {  	s4 =	simm.s32 $0x1BF5;
	[smem:$0x3F98] =	sst s0  }
0x18: {  	s0 =	sld [smem:$0x3F7B];
	_ =	swait.ge [sflag:s4], $0x0  }
0x19: {  	s7 =	sld [smem:$0x3F7C]  }
0x1a: {  	s8 =	sadd.s32 $0xFFFFE003, lr  }
0x1b: {  	s9 =	sadd.s32 $0xFFFFFEF7, lr;
	s5 =	simm.s32 $0xFFFFFFFF;
	p2 =	slt.u32 s8, $0xFFFFF086  }
0x1c: {  	p1 =	slt.u32 s9, $0xF7A;
	s5 =	simm.s32 @!p2 $0x0  }
0x1d: {  	s5 =	simm.s32 @p1 $0x1;
	p0 =	seq.s32 s7, s2  }
0x1e: {  	s7 =	smul.u32 @!p0 $0xF7A, s2;
	p2 =	seq.s32 @!p0 s5, $0x0  }
0x1f: {  	s9 =	smul.u32 $0xF7A, s1;
	s8 =	simm.s32 @!p0 $0x1BF5;
	p2 =	por !p2, p0  }
0x20: {  	[sflag:s8] =	ssyncset.s32 @!p0 $0xFFFFF086;
	s6 =	sadd.s32 @!p0 s3, s7;
	s7 =	simm.s32 @!p0 $0x108  }
0x21: {  	s3 =	sadd.s32 s3, s9;
	s6 =	sadd.s32 @!p0 $0x88, s6;
	s7 =	simm.s32 @p2 $0x1082  }
0x22: {  	[simem:s7], [sflag:s8] =	dma.local @!p0 [hbm:s6], $0xF7A  }
0x23: {  	s9 =	sor.u32 $0xD0000000, s2;
	s6 =	simm.s32 $0x108;
	_ =	swait.ge @!p0 [sflag:s8], $0x0  }
0x24: {  	s3 =	sadd.s32 $0x88, s3;
	s6 =	simm.s32 @!p1 $0x1082;
	[sflag:s4] =	ssyncset.s32 $0xFFFFF086  }
0x25: {  	[simem:s6], [sflag:s4] =	dma.local [hbm:s3], $0xF7A  }
0x26: {  	[smem:$0x3F7C] =	sst s1;
	(tag) =	ssettag s2;
	_ =	strace s9  }
0x27: {  	s1 =	sld [smem:$0x3F8C]  }
0x28: {  	s2 =	sld [smem:$0x3F8D]  }
0x29: {  	s4 =	sld [smem:$0x3F8F]  }
0x2a: {  	p0 =	seq.s32 s5, $0x0;
	s5 =	sld [smem:$0x3F90]  }
0x2b: {  	s6 =	sld [smem:$0x3F91]  }
0x2c: {  	s7 =	sld [smem:$0x3F92]  }
0x2d: {  	s3 =	simm.s32 $0x108;
	s8 =	sld [smem:$0x3F93]  }
0x2e: {  	s3 =	simm.s32 @!p0 $0x1082;
	s9 =	sld [smem:$0x3F94]  }
0x2f: {  	lr =	sadd.s32 s0, s3;
	s0 =	sld [smem:$0x3F8B]  }
0x30: {  	s3 =	sld [smem:$0x3F8E]  }
0x31: {  	[smem:$0x3F97] =	sst s10  }
0x32: {  	s10 =	sld [smem:$0x3F95];
	_ =	sdelay $0x3  }
0x33: {  	p0 =	seq.s32 s10, $0x1;
	s10 =	sld [smem:$0x3F97];
	_ =	sdelay $0x3  }
0x34: {  	[smem:$0x3F97] =	sst s10  }
0x35: {  	s10 =	sld [smem:$0x3F96];
	_ =	sdelay $0x3  }
0x36: {  	p1 =	seq.s32 s10, $0x1;
	s10 =	sld [smem:$0x3F97];
	_ =	sdelay $0x3  }
0x37: {  	[smem:$0x3F97] =	sst s10  }
0x38: {  	s10 =	sld [smem:$0x3F98]  }
0x39: {  	_ = 	snop;
	(pc) =	sbr.ind lr, $3  }
0x3a: {  	_ = 	snop  }
0x3b: {  	_ = 	snop  }
0x3c: {  	p2 =	seq.s32 s10, $0x1;
	s10 =	sld [smem:$0x3F97]  }
0x3d: {  	_ =	shalt  }
0x3e: {  	_ =	shalt  }
0x3f: {  	_ =	shalt  }
0x40: {  	_ =	shalt  }
0x41: {  	_ =	shalt  }
0x42: {  	_ =	shalt  }
0x43: {  	_ =	shalt  }
0x44: {  	_ =	shalt  }
0x45: {  	_ =	shalt  }
0x46: {  	_ =	shalt  }
0x47: {  	_ =	shalt  }
0x48: {  	_ =	shalt  }
0x49: {  	_ =	shalt  }
0x4a: {  	_ =	shalt  }
0x4b: {  	_ =	shalt  }
0x4c: {  	_ =	shalt  }
0x4d: {  	_ =	shalt  }
0x4e: {  	_ =	shalt  }
0x4f: {  	_ =	shalt  }
0x50: {  	_ =	shalt  }
0x51: {  	_ =	shalt  }
0x52: {  	_ =	shalt  }
0x53: {  	_ =	shalt  }
0x54: {  	_ =	shalt  }
0x55: {  	_ =	shalt  }
0x56: {  	_ =	shalt  }
0x57: {  	_ =	shalt  }
0x58: {  	_ =	shalt  }
0x59: {  	_ =	shalt  }
0x5a: {  	_ =	shalt  }
0x5b: {  	_ =	shalt  }
0x5c: {  	_ =	shalt  }
0x5d: {  	_ =	shalt  }
0x5e: {  	_ =	shalt  }
0x5f: {  	_ =	shalt  }
0x60: {  	_ =	shalt  }
0x61: {  	_ =	shalt  }
0x62: {  	_ =	shalt  }
0x63: {  	_ =	shalt  }
0x64: {  	_ =	shalt  }
0x65: {  	_ =	shalt  }
0x66: {  	_ =	shalt  }
0x67: {  	_ =	shalt  }
0x68: {  	_ =	shalt  }
0x69: {  	_ =	shalt  }
0x6a: {  	_ =	shalt  }
0x6b: {  	_ =	shalt  }
0x6c: {  	_ =	shalt  }
0x6d: {  	_ =	shalt  }
0x6e: {  	_ =	shalt  }
0x6f: {  	_ =	shalt  }
0x70: {  	_ =	shalt  }
0x71: {  	_ =	shalt  }
0x72: {  	_ =	shalt  }
0x73: {  	_ =	shalt  }
0x74: {  	_ =	shalt  }
0x75: {  	_ =	shalt  }
0x76: {  	_ =	shalt  }
0x77: {  	_ =	shalt  }
0x78: {  	_ =	shalt  }
0x79: {  	_ =	shalt  }
0x7a: {  	_ =	shalt  }
0x7b: {  	_ =	shalt  }
0x7c: {  	_ =	shalt  }
0x7d: {  	_ =	shalt  }
0x7e: {  	_ =	shalt  }
0x7f: {  	_ =	shalt  }
0x80: {  	_ =	shalt  }
0x81: {  	_ =	shalt  }
0x82: {  	_ =	shalt  }
0x83: {  	_ =	shalt  }
0x84: {  	_ =	shalt  }
0x85: {  	_ =	shalt  }
0x86: {  	_ =	shalt  }
0x87: {  	_ =	shalt  }
.Lfunc_end0:
.L_simem_size_0:
called_computation.2_lowered:
.L_overlay_start_0:
0x88: {  	s0 =	sld [smem:$0x3FD9]  }
0x89: {  	s1 =	sld [smem:$0x3FFE];
	_ =	sdelay $0x3  }
0x8a: {  	s0 =	sadd.s32 s1, s0  }
0x8b: {  	[smem:$0x3FA3] =	sst s0  }
0x8c: {  	_ = 	snop  }
0x8d: {  	(tm) =	ssettm $0x1  }
0x8e: {  	s15 =	sld [smem:$0x3FFB];
	_ =	sdelay $0x3  }
0x8f: {  	_ =	strace s15  }
0x90: {  	s0 =	sld [smem:$0x3FFC];
	_ =	sdelay $0x3  }
0x91: {  	_ =	strace s0  }
0x92: {  	s0 =	sld [smem:$0x3FFD];
	_ =	sdelay $0x3  }
0x93: {  	_ =	strace s0  }
0x94: {  	_ =	strace $0x8FFFFFFF  }
0x95: {  	s16 =	sld [smem:$0x3FDB];
	_ =	sdelay $0x1  }
0x96: {  	s17 =	simm.s32 $_scs_section_size  }
0x97: {  	s2 =	simm.s32 $_size__tile_overlayer_lowered;
	s3 =	simm.s32 $_tile_overlayer_lowered  }
0x98: {  	s20 =	simm.s32 $0x1BFF;
	s19 =	sshll.u32 s3, $0x1;
	s0 =	sadd.s32 s17, s16  }
0x99: {  	s4 =	simm.s32 $0x0;
	s18 =	sshll.u32 s2, $0x1;
	s2 =	sadd.s32 s19, s0  }
0x9a: {  	[timem:s4], [sflag:s20] =	dma.local [hbm:s2], s18  }
0x9b: {  	_ =	swait.ge [sflag:s20], s18  }
0x9c: {  	s1 =	ssub.s32 $0x0, s18;
	[sflag:s20] =	ssyncset.done $0x0  }
0x9d: {  	[sflag:s20] =	ssyncadd.s32 s1;
	_ =	sdelay $0x1  }
0x9e: {  	s21 =	simm.s32 $0x1B8B  }
0x9f: {  	_ =	swait.ge [sflag:s21], $0x1  }
0xa0: {  	[sflag:s21] =	ssyncset.done $0x0  }
0xa1: {  	s23 =	simm.s32 $0x1B8E;
	s22 =	sld [smem:$0x3FFE];
	[sflag:s21] =	ssyncadd.s32 $0xFFFFFFFF  }
0xa2: {  	s24 =	simm.s32 $execute0_lowered;
	[smem:$0x3FD2] =	sst s23  }
0xa3: {  	s2 =	sshll.u32 s24, $0x1;
	_ =	strace $0x80000046;
	[dreg:$0x1] =	wrdreg $0xFFFFFFFF  }
0xa4: {  	s25 =	simm.s32 $_size_execute0_lowered;
	s0 =	sadd.s32 s0, s2;
	[dreg:$0x0] =	wrdreg $0x0  }
0xa5: {  	s2 =	sshll.u32 s25, $0x1;
	[dreg:$0x2] =	wrdreg s0  }
0xa6: {  	[dreg:$0x3] =	wrdreg s2  }
0xa7: {  	[dreg:$0x4] =	wrdreg $0xC0  }
0xa8: {  	_ =	task [dreg:s4], $0x5FFFF  }
0xa9: {  	[dreg:$0x1] =	wrdreg $0xFFFFFFFF  }
0xaa: {  	[dreg:$0x0] =	wrdreg $0x60  }
0xab: {  	[dreg:$0x2] =	wrdreg s22  }
0xac: {  	[dreg:$0x3] =	wrdreg $0x9  }
0xad: {  	_ =	task.clear_ibuf [dreg:s4], $0x4FFFF;
	_ =	strace $0x90000046  }
0xae: {  	s26 =	simm.s32 $0x9;
	_ =	strace $0x80000048  }
0xaf: {  	_ =	swait.ge [sflag:s26], $0x1  }
0xb0: {  	[sflag:s26] =	ssyncadd.s32 $0xFFFFFFFF  }
0xb1: {  	_ =	strace $0x90000048  }
0xb2: {  	_ =	sfence  }
0xb3: {  	s28 =	sld [smem:$0x0];
	_ =	sdelay $0x1  }
0xb4: {  	s29 =	srdreg.scid  }
0xb5: {  	s30 =	sshll.u32 s29, $0xD;
	s31 =	sshrl.u32 s29, $0x2  }
0xb6: {  	s1 =	sand.u32 $0x1, s29;
	s2 =	sand.u32 $0x4000, s30;
	s0 =	sadd.s32 s31, s28  }
0xb7: {  	s1 =	sor.u32 s2, s1;
	s0 =	sshll.u32 s0, $0x11  }
0xb8: {  	s0 =	sor.u32 s0, s1  }
0xb9: {  	s0 =	sadd.s32 $0x8F2B, s0  }
0xba: {  	[sflag:s0] =	ssyncadd.remote.s32 $0x1  }
0xbb: {  	_ =	sfence.sel $0xFFFF  }
0xbc: {  	[dreg:$0x0] =	wrdreg $0xFFFFFFFF;
	(pc) =	sbr.abs _section_cstart, $3  }
0xbd: {  	[dreg:$0x1] =	wrdreg $0xFFFFFFFF  }
0xbe: {  	_ =	task.clear_ibuf [dreg:s4], $0x2FFFF;
	_ =	strace $0x9FFFFFFF  }
0xbf: {  	(tm) =	ssettm $0x7FFFFFFF  }
tec
execute0_lowered:
.L_overlay_start_1:
0x0: {  	(tag) =	ssettag $0x1  }
0x1: {  	s0 =	rddreg [dreg:$0x0];
	_ =	strace $0x80000047;
	s1 =	simm.s32 $0x1  }
0x2: {  	s8 =	simm.s32 $0x88;
	v0 =	vimm.s32 $0x0;
	[sflag:s1] =	ssyncpa.u1 $0x0  }
0x3: {  	[tilespmem:s8+$0x30] =	vst v0  }
0x4: {  	s1 =	sadd.s32 $0x5200, s0;
	s3 =	sadd.s32 $0x19000, s0;
	[tilespmem:s8+$0x20] =	vst v0  }
0x5: {  	s4 =	sadd.s32 $0x19C00, s0;
	s5 =	sadd.s32 $0x19600, s0;
	s0 =	simm.s32 $0x40;
	[tilespmem:s8+$0x10] =	vst v0  }
.LBB2_1:
0x6: {  	s0 =	sadd.s32 $0x40, s0  }
0x7: {  	[tilespmem:s8+$0x0] =	vst v0;
	s8 =	sadd.s32 $0x40, s8;
	p0 =	slt.u32 s0, $0x5040  }
.Ltmp0:
0x8: {  	(pc) =	sbr.rel @p0 .LBB2_1-.Ltmp0, $4  }
0x9: {  	_ = 	snop  }
0xa: {  	[tilespmem:s8+$0x30] =	vst v0  }
0xb: {  	[tilespmem:s8+$0x20] =	vst v0  }
0xc: {  	[tilespmem:s8+$0x10] =	vst v0  }
0xd: {  	s9 =	stileid.u32  }
0xe: {  	s6 =	smul.u32 $0x280, s9;
	_ =	sdelay $0x1  }
0xf: {  	s0 =	smin.u32 s6, $0x2490  }
0x10: {  	s7 =	sadd.s32 $0x280, s0  }
0x11: {  	s0 =	ssub.s32 s7, s6  }
0x12: {  	p0 =	sgt.s32 s0, $0x0  }
0x13: {  	s0 =	simm.s32 @!p0 $0x0  }
0x14: {  	s29 =	simm.s32 $0x2;
	s10 =	simm.s32 $0x7;
	s2 =	smul.u32 $0xCCCD, s0  }
0x15: {  	s31 =	simm.s32 $0x8;
	s11 =	simm.s32 $0x1;
	s15 =	simm.s32 $0x0  }
0x16: {  	p1 =	por $0x0, $0x0;
	s16 =	simm.s32 $0xA;
	s2 =	sshrl.u32 s2, $0x18  }
0x17: {  	s20 =	simm.s32 $0x0;
	s17 =	simm.s32 $0x0;
	s30 =	smul.u32 $0x140, s2  }
.Ltmp1:
0x18: {  	[tilespmem:s8+$0x0] =	vst v0;
	s19 =	simm.s32 $0x0;
	[sflag:s29] =	ssyncpa.u1 $0x0;
	(pc) =	sbr.rel .LBB2_3-.Ltmp1, $4  }
0x19: {  	v0 =	vimm.s32 $0xFFFFFFFF;
	s13 =	sshll.u32 s9, $0x7;
	p0 =	sne.s32 s0, s30;
	s0 =	simm.s32 $0x1  }
0x1a: {  	[tilespmem:$0xA108] =	vst v0;
	[sflag:s10] =	ssyncpa.u1 $0x0;
	s10 =	simm.s32 $0x9;
	s0 =	simm.s32 @!p0 $0x0  }
0x1b: {  	[sflag:s31] =	ssyncpa.u1 $0x0;
	s18 =	smov.u32 s6;
	s12 =	sadd.s32 s2, s0  }
0x1c: {  	v0 =	vlaneseq.u32;
	[sflag:s10] =	ssyncpa.u1 $0x0;
	p0 =	por $0x1, $0x1;
	s14 =	sadd.s32 $0x1, s12  }
.LBB2_24:
0x1d: {  	s0 =	sshrl.u32 s29, $0x2  }
.LBB2_26:
0x1e: {  	_ =	swait.ge [sflag:s16], s0  }
0x1f: {  	s31 =	ssub.s32 $0x0, s0;
	v1 =	vmov s22;
	vm0 =	veq.s32 v0, $0x0;
	[sflag:s16] =	ssyncset.done $0x0  }
0x20: {  	vm15 =	veq.s32 v0, $0x2;
	v1 =	vsel vm0, s28, v1;
	[sflag:s16] =	ssyncadd.s32 s31  }
0x21: {  	v1 =	vsel vm15, s20, v1;
	[sflag:s16] =	ssyncpa.u1 $0x1  }
0x22: {  	[tilespmem:$0xA108] =	vst v1  }
.LBB2_27:
0x23: {  	s0 =	sadd.s32 $0x140, s18  }
0x24: {  	s2 =	smov.u32 s6;
	p2 =	slt.s32 s0, s7  }
0x25: {  	s2 =	smov.u32 @p2 s0;
	p2 =	sne.s32 s19, s14  }
.Ltmp2:
0x26: {  	_ = 	snop;
	(pc) =	sbr.rel @!p2 .LBB2_28-.Ltmp2, $4  }
0x27: {  	_ = 	snop  }
0x28: {  	s20 =	smov.u32 s17  }
0x29: {  	s31 =	sadd.s32 $0x1, s19;
	s17 =	smov.u32 s18;
	p0 =	por !p0, !p0  }
0x2a: {  	p1 =	por !p1, !p1;
	s19 =	smov.u32 s31;
	s18 =	smov.u32 s2  }
.LBB2_3:
0x2b: {  	p2 =	sge.u32 s19, s12  }
0x2c: {  	s0 =	smulhi.u32 @!p2 $0xAAAAAAAB, s19  }
0x2d: {  	s2 =	smov.u32 s18;
	p3 =	sgt.s32 @!p2 s18, $0x25D0  }
0x2e: {  	s8 =	sshra.s32 @!p2 s18, $0x1F;
	p3 =	por !p3, p2;
	s0 =	sshrl.u32 @!p2 s0, $0x1  }
0x2f: {  	s8 =	sand.u32 @!p2 s8, s18;
	s2 =	simm.s32 @p3 $0x25D0;
	s0 =	smul.u32 @!p2 $0x3, s0  }
0x30: {  	s2 =	ssub.s32 @!p2 s2, s8  }
0x31: {  	s22 =	sadd.s32 $0xFFFFFFFF, s19;
	s2 =	sadd.s32 @!p2 $0xFFFFDA30, s2;
	s0 =	ssub.s32 @!p2 s19, s0  }
0x32: {  	s8 =	sshll.u32 @!p2 s2, $0x2;
	p3 =	sgt.s32 @!p2 s2, $0x13F;
	s0 =	smul.u32 @!p2 $0x500, s0  }
0x33: {  	s21 =	sand.u32 @!p2 $0x7, s18;
	s2 =	ssub.s32 @!p2 $0x500, s8;
	p3 =	por !p3, p2  }
0x34: {  	s8 =	sshrl.u32 @!p2 s18, $0x3;
	s2 =	sshrl.u32 @!p2 s2, $0x2;
	s0 =	sshrl.u32 @!p2 s0, $0x2  }
0x35: {  	s8 =	sadd.s32 @!p2 s5, s8;
	s2 =	simm.s32 @!p3 $0x0;
	s0 =	sadd.s32 @!p2 $0xA938, s0  }
0x36: {  	[tilespmem:s0], [sflag:$0x8] =	stream.linear.gather @!p2 [hbm4b:s8+s21], s2, $0x38;
	[tilespmem:$0x1EF78] =	vst v63  }
0x37: {  	p2 =	sge.u32 s22, s12  }
0x38: {  	p3 =	sgt.s32 @!p2 s17, $0x25D0  }
0x39: {  	s0 =	smov.u32 s17;
	s2 =	sshra.s32 @!p2 s17, $0x1F;
	p3 =	por !p3, p2  }
0x3a: {  	s2 =	sand.u32 @!p2 s2, s17;
	s0 =	simm.s32 @p3 $0x25D0  }
0x3b: {  	s0 =	ssub.s32 @!p2 s0, s2  }
0x3c: {  	s0 =	sadd.s32 @!p2 $0xFFFFDA30, s0  }
0x3d: {  	s2 =	sshll.u32 @!p2 s0, $0x2  }
0x3e: {  	p3 =	sgt.s32 @!p2 s0, $0x13F;
	s0 =	ssub.s32 @!p2 $0x500, s2  }
0x3f: {  	p3 =	por !p3, p2;
	s0 =	sshrl.u32 @!p2 s0, $0x2  }
0x40: {  	s8 =	simm.s32 @!p2 $0x8;
	s2 =	sand.u32 @!p2 $0x1, s22;
	s0 =	simm.s32 @!p3 $0x0  }
0x41: {  	s2 =	smul.u32 @!p2 $0x500, s2;
	_ =	swait.ge @!p2 [sflag:s8], s0  }
0x42: {  	s21 =	ssub.s32 @!p2 $0x0, s0;
	[sflag:s8] =	ssyncset.done @!p2 $0x0  }
0x43: {  	s2 =	sshrl.u32 @!p2 s2, $0x2;
	[sflag:s8] =	ssyncadd.s32 @!p2 s21;
	s8 =	sshrl.u32 @!p2 s17, $0x3  }
0x44: {  	s2 =	sadd.s32 @!p2 $0xACF8, s2;
	s21 =	sand.u32 @!p2 $0x7, s17;
	s8 =	sadd.s32 @!p2 s3, s8  }
0x45: {  	[tilespmem:s2], [sflag:$0x9] =	stream.linear.gather @!p2 [hbm4b:s8+s21], s0, $0x38;
	[tilespmem:$0x1EF78] =	vst v63  }
0x46: {  	s21 =	ssub.s32 @!p2 $0x2710, s17  }
0x47: {  	p3 =	slt.s32 @!p2 s21, $0x1  }
0x48: {  	p3 =	por p2, p3  }
.Ltmp3:
0x49: {  	_ = 	snop;
	(pc) =	sbr.rel @p3 .LBB2_9-.Ltmp3, $1  }
0x4a: {  	_ =	sdelay $0x3  }
0x4b: {  	s0 =	smulhi.u32 $0xAAAAAAAB, s22;
	_ =	sdelay $0x1  }
0x4c: {  	s0 =	sshrl.u32 s0, $0x1  }
0x4d: {  	s0 =	smul.u32 $0x3, s0;
	_ =	sdelay $0x1  }
0x4e: {  	s0 =	ssub.s32 s22, s0  }
0x4f: {  	s2 =	simm.s32 $0x1;
	s0 =	smul.u32 $0x500, s0  }
.Ltmp4:
0x50: {  	s2 =	simm.s32 @!p0 $0x0;
	(pc) =	sbr.rel .LBB2_6-.Ltmp4, $4  }
0x51: {  	s2 =	smul.u32 $0x28000, s2  }
0x52: {  	p3 =	slt.s32 @!p2 s21, $0x140;
	s0 =	sshrl.u32 s0, $0x2  }
0x53: {  	p2 =	por !p3, p2;
	s2 =	sshrl.u32 s2, $0x2;
	s0 =	sadd.s32 $0xA938, s0  }
0x54: {  	s23 =	simm.s32 $0x0;
	s21 =	simm.s32 @p2 $0x140;
	s22 =	sadd.s32 $0xAF78, s2;
	v1 =	vmov s0  }
.LBB2_5:
0x55: {  	p2 =	sge.s32 s23, s21  }
.Ltmp5:
0x56: {  	_ = 	snop;
	(pc) =	sbr.rel @p2 .LBB2_9-.Ltmp5, $2  }
0x57: {  	_ =	sdelay $0x2  }
0x58: {  	s22 =	sadd.s32 $0x800, s22  }
.LBB2_6:
0x59: {  	p2 =	sle.s32 s21, s23  }
.Ltmp6:
0x5a: {  	_ = 	snop;
	(pc) =	sbr.rel @p2 .LBB2_5-.Ltmp6, $2  }
0x5b: {  	_ =	sdelay $0x2  }
0x5c: {  	s24 =	smov.u32 s23;
	s23 =	sadd.s32 $0x10, s23  }
0x5d: {  	s0 =	ssub.s32 s21, s24  }
0x5e: {  	p2 =	slt.s32 s0, $0x10  }
0x5f: {  	s0 =	simm.s32 @!p2 $0x10  }
0x60: {  	v2 =	vmov s0  }
0x61: {  	vm0 =	vgt.s32 v2, v0;
	_ =	sdelay $0x5  }
0x62: {  	v2 =	vld.idx.msk [tilespmem:v1+s24+$0x0 ss:$0x1], vm0;
	_ =	sdelay $0x2  }
0x63: {  	p2 =	slt.s32 s23, s21;
	s0 =	smov.u32 s21  }
0x64: {  	s2 =	smov.u32 s22;
	s25 =	simm.s32 $0x0;
	s0 =	smov.u32 @p2 s23  }
.LBB2_8:
0x65: {  	(v2sf) =	vpush v2, s25;
	_ =	sdelay $0xc  }
0x66: {  	s25 =	sadd.s32 $0x1, s25  }
0x67: {  	s31 =	sadd.s32 s25, s24  }
0x68: {  	p2 =	slt.s32 s31, s0;
	s8 =	spop (v2sf)  }
.Ltmp7:
0x69: {  	s8 =	sshll.u32 s8, $0x4;
	(pc) =	sbr.rel @p2 .LBB2_8-.Ltmp7, $4  }
0x6a: {  	s8 =	sand.u32 $0x1FFFFFF0, s8  }
0x6b: {  	s8 =	sadd.s32 s4, s8  }
0x6c: {  	[tilespmem:s2], [sflag:$0x7] =	stream.linear.gather [hbm4b:s8+s15], $0x40, $0x38;
	[tilespmem:$0x1EF78] =	vst v63  }
0x6d: {  	s2 =	sadd.s32 $0x80, s2  }
.Ltmp8:
0x6e: {  	_ = 	snop;
	(pc) =	sbr.rel .LBB2_5-.Ltmp8, $1  }
0x6f: {  	_ =	sdelay $0x3  }
.LBB2_9:
0x70: {  	p2 =	slt.u32 s19, $0x2  }
.Ltmp9:
0x71: {  	_ = 	snop;
	(pc) =	sbr.rel @p2 .LBB2_27-.Ltmp9, $1  }
0x72: {  	_ =	sdelay $0x3  }
0x73: {  	p2 =	sgt.s32 s20, $0x25D0;
	s0 =	smov.u32 s20  }
0x74: {  	s2 =	sshra.s32 s20, $0x1F;
	s8 =	ssub.s32 $0x2710, s20;
	s0 =	simm.s32 @!p2 $0x25D0  }
0x75: {  	s2 =	sand.u32 s2, s20;
	p2 =	slt.s32 s8, $0x140;
	s21 =	smov.u32 s8  }
0x76: {  	s0 =	ssub.s32 s0, s2;
	s21 =	simm.s32 @!p2 $0x140  }
0x77: {  	s0 =	sadd.s32 $0xFFFFDA30, s0;
	s26 =	sshll.u32 s21, $0x6  }
0x78: {  	s9 =	simm.s32 $0x7;
	s29 =	sshll.u32 s0, $0x2;
	s2 =	sand.u32 $0x3FFFFFC0, s26  }
0x79: {  	p2 =	sgt.s32 s0, $0x13F;
	s30 =	ssub.s32 $0x500, s29;
	_ =	swait.ge [sflag:s9], s2  }
0x7a: {  	s2 =	ssub.s32 $0x0, s2;
	[sflag:s9] =	ssyncset.done $0x0;
	s0 =	sshrl.u32 s30, $0x2  }
0x7b: {  	[sflag:s9] =	ssyncadd.s32 s2;
	s0 =	simm.s32 @p2 $0x0  }
0x7c: {  	_ =	swait.ge [sflag:s10], s0  }
0x7d: {  	s0 =	ssub.s32 $0x0, s0;
	[sflag:s10] =	ssyncset.done $0x0  }
0x7e: {  	[sflag:s10] =	ssyncadd.s32 s0  }
0x7f: {  	v1 =	vld [tilespmem:$0xA108];
	_ =	sdelay $0x4  }
0x80: {  	(v2sf) =	vpush v1, $0x0  }
0x81: {  	(v2sf) =	vpush v1, $0x1  }
0x82: {  	(v2sf) =	vpush v1, $0x2;
	_ =	sdelay $0x3  }
0x83: {  	s0 =	sadd.s32 $0x140, s20  }
0x84: {  	p2 =	slt.s32 s7, s0  }
0x85: {  	s0 =	smov.u32 @p2 s7;
	p2 =	sgt.s32 s8, $0x0  }
0x86: {  	s24 =	ssub.s32 s0, s20;
	s8 =	simm.s32 @!p2 $0x0  }
0x87: {  	p2 =	slt.s32 s8, s24  }
0x88: {  	s24 =	smov.u32 @p2 s8  }
0x89: {  	s23 =	simm.s32 $0x1;
	p2 =	slt.s32 s24, $0x1  }
.Ltmp10:
0x8a: {  	s23 =	simm.s32 @!p1 $0x0;
	(pc) =	sbr.rel @p2 .LBB2_14-.Ltmp10, $4  }
0x8b: {  	s31 =	smul.u32 $0x500, s23  }
0x8c: {  	s25 =	spop (v2sf)  }
0x8d: {  	s0 =	sshrl.u32 s31, $0x2;
	s28 =	spop (v2sf)  }
0x8e: {  	s21 =	sadd.s32 $0xACF8, s0;
	s20 =	spop (v2sf)  }
0x8f: {  	s0 =	smin.u32 s24, $0x10  }
0x90: {  	v1 =	vmov s0  }
0x91: {  	p3 =	sgt.s32 s24, $0x10;
	vm1 =	vgt.u32 v1, v0  }
.Ltmp11:
0x92: {  	_ = 	snop;
	(pc) =	sbr.rel @!p3 .LBB2_13-.Ltmp11, $2  }
0x93: {  	_ =	sdelay $0x2  }
0x94: {  	s26 =	simm.s32 $0x10;
	s29 =	sadd.s32 $0xFFFFFFF0, s24;
	s22 =	smov.u32 s21;
	vm0 =	vmmov vm1  }
.LBB2_12:
0x95: {  	s0 =	smin.u32 s29, $0x10;
	s26 =	sadd.s32 $0x10, s26;
	v1 =	vld.msk [tilespmem:s22+$0x0 ss:$0x1], vm1  }
0x96: {  	v2 =	vmov s0;
	p3 =	slt.s32 s26, s24  }
0x97: {  	vm1 =	vgt.u32 v2, v0  }
.Ltmp12:
0x98: {  	(pc) =	sbr.rel @p3 .LBB2_12-.Ltmp12, $3  }
0x99: {  	_ =	sdelay $0x1  }
0x9a: {  	v1 =	vshll.u32 v1, $0x4  }
0x9b: {  	s29 =	sadd.s32 $0xFFFFFFF0, s29;
	[tilespmem:s22+$0x0] =	vst.msk vm0, v1;
	s22 =	sadd.s32 $0x10, s22;
	vm0 =	vmmov vm1  }
.LBB2_13:
0x9c: {  	_ =	sdelay $0x4  }
0x9d: {  	v1 =	vld.msk [tilespmem:s22+$0x0 ss:$0x1], vm1;
	_ =	sdelay $0x4  }
0x9e: {  	v1 =	vshll.u32 v1, $0x4  }
0x9f: {  	[tilespmem:s22+$0x0] =	vst.msk vm0, v1  }
.LBB2_14:
0xa0: {  	s0 =	sand.u32 $0x1, s19  }
0xa1: {  	s0 =	smul.u32 $0x140, s0  }
0xa2: {  	p3 =	sne.s32 s28, $0xFFFFFFFF  }
0xa3: {  	v1 =	vld.msk @!p3 [tilespmem:s0+$0xACF8], $0x1;
	_ =	sdelay $0x4  }
0xa4: {  	(v2sf) =	vpush @!p3 v1, $0x0;
	_ =	sdelay $0xc  }
.Ltmp13:
0xa5: {  	_ = 	snop;
	(pc) =	sbr.rel @p2 .LBB2_25-.Ltmp13, $4  }
0xa6: {  	_ = 	snop  }
0xa7: {  	s26 =	spop @!p3 (v2sf)  }
0xa8: {  	s20 =	simm.s32 @!p3 $0x0;
	s22 =	smov.u32 s26  }
0xa9: {  	[sflag:s16] =	ssyncpa.u1 $0x0;
	s26 =	smov.u32 @p3 s25;
	s22 =	smov.u32 @p3 s28  }
0xaa: {  	v1 =	vld.msk [tilespmem:s21+$0x0], $0x1;
	_ =	sdelay $0x4  }
0xab: {  	(v2sf) =	vpush v1, $0x0;
	_ =	sdelay $0xe  }
0xac: {  	s0 =	smul.u32 $0x28000, s23;
	s30 =	spop (v2sf)  }
0xad: {  	s24 =	ssub.s32 $0x0, s24;
	p2 =	seq.s32 s26, s30  }
0xae: {  	s28 =	sadd.s32 $0x1, s24;
	s0 =	sshrl.u32 s0, $0x2;
	p3 =	sgt.s32 @!p2 s26, $0x0  }
0xaf: {  	s23 =	sadd.s32 $0xAF98, s0;
	s0 =	smov.u32 s26;
	p3 =	por !p3, p2  }
0xb0: {  	s0 =	simm.s32 @p3 $0x0;
	p3 =	seq.s32 s28, $0x0  }
.Ltmp14:
0xb1: {  	_ = 	snop;
	(pc) =	sbr.rel @p3 .LBB2_17-.Ltmp14, $4  }
0xb2: {  	_ = 	snop  }
0xb3: {  	s25 =	simm.s32 $0x0;
	s31 =	simm.s32 @!p2 $0x1;
	s2 =	smin.u32 @!p2 s0, $0x78  }
0xb4: {  	s29 =	sadd.s32 $0x1, s21;
	s31 =	smov.u32 @p2 s25;
	s8 =	sand.u32 @!p2 $0x78, s2  }
0xb5: {  	s0 =	simm.s32 @!p2 $0x50C8;
	s2 =	sand.u32 @!p2 $0x7, s2;
	s8 =	sadd.s32 @!p2 s1, s8  }
.LBB2_16:
0xb6: {  	s9 =	smov.u32 s31  }
0xb7: {  	[tilespmem:s0], [sflag:$0x2] =	stream.linear.gather @!p2 [hbm4b:s8+s2], $0x40, $0x38;
	[tilespmem:$0x1EF78] =	vst v63  }
0xb8: {  	s28 =	sadd.s32 $0x1, s28;
	s2 =	smov.u32 s30;
	v1 =	vld.msk [tilespmem:s29+$0x0], $0x1  }
0xb9: {  	p3 =	seq.s32 s28, $0x0;
	_ =	sdelay $0x3  }
0xba: {  	(v2sf) =	vpush v1, $0x0;
	_ =	sdelay $0xe  }
0xbb: {  	s30 =	spop (v2sf)  }
0xbc: {  	p2 =	seq.s32 s2, s30  }
0xbd: {  	p4 =	sgt.s32 @!p2 s2, $0x0;
	s0 =	sshll.u32 @!p2 s31, $0x8;
	s31 =	sadd.s32 @!p2 $0x1, s31  }
.Ltmp15:
0xbe: {  	p4 =	por !p4, p2;
	s0 =	sshra.s32 @!p2 s0, $0x2;
	(pc) =	sbr.rel @!p3 .LBB2_16-.Ltmp15, $4  }
0xbf: {  	s31 =	smov.u32 @p2 s9;
	s2 =	simm.s32 @p4 $0x0;
	s0 =	sadd.s32 @!p2 $0x50C8, s0  }
0xc0: {  	s2 =	smin.u32 @!p2 s2, $0x78  }
0xc1: {  	s8 =	sand.u32 @!p2 $0x78, s2;
	s2 =	sand.u32 @!p2 $0x7, s2  }
0xc2: {  	s29 =	sadd.s32 $0x1, s29;
	s8 =	sadd.s32 @!p2 s1, s8  }
.LBB2_17:
0xc3: {  	[tilespmem:s0], [sflag:$0x2] =	stream.linear.gather @!p2 [hbm4b:s8+s2], $0x40, $0x38;
	[tilespmem:$0x1EF78] =	vst v63  }
.Ltmp16:
0xc4: {  	s30 =	sshll.u32 s31, $0x6;
	(pc) =	sbr.rel .LBB2_18-.Ltmp16, $4  }
0xc5: {  	s31 =	simm.s32 $0x2;
	s0 =	sand.u32 $0x3FFFFFC0, s30  }
0xc6: {  	_ =	swait.ge [sflag:s31], s0  }
0xc7: {  	s0 =	ssub.s32 $0x0, s0;
	[sflag:s31] =	ssyncset.done $0x0  }
0xc8: {  	s29 =	simm.s32 $0x0;
	[sflag:s31] =	ssyncadd.s32 s0  }
.LBB2_19:
0xc9: {  	v1 =	vld [tilespmem:s23+$0xFFFFFFE0];
	_ =	sdelay $0x4  }
0xca: {  	[tilespmem:s30+$0x88] =	vst.add.f32.msk $0xffff, v1  }
0xcb: {  	v1 =	vld [tilespmem:s23+$0xFFFFFFF0];
	_ =	sdelay $0x4  }
0xcc: {  	[tilespmem:s30+$0x98] =	vst.add.f32.msk $0xffff, v1  }
0xcd: {  	v1 =	vld [tilespmem:s23+$0x0];
	_ =	sdelay $0x4  }
0xce: {  	[tilespmem:s30+$0xA8] =	vst.add.f32.msk $0xffff, v1  }
0xcf: {  	v1 =	vld [tilespmem:s23+$0x10];
	_ =	sdelay $0x4  }
0xd0: {  	[tilespmem:s30+$0xB8] =	vst.add.f32.msk $0xffff, v1  }
.LBB2_23:
0xd1: {  	s24 =	sadd.s32 $0x1, s24  }
0xd2: {  	p2 =	seq.s32 s24, $0x0  }
.Ltmp17:
0xd3: {  	_ = 	snop;
	(pc) =	sbr.rel @p2 .LBB2_24-.Ltmp17, $2  }
0xd4: {  	_ =	sdelay $0x2  }
0xd5: {  	s23 =	sadd.s32 $0x80, s23;
	s21 =	sadd.s32 $0x1, s21;
	s26 =	smov.u32 s28  }
.LBB2_18:
0xd6: {  	v1 =	vld.msk [tilespmem:s21+$0x0], $0x1;
	_ =	sdelay $0x4  }
0xd7: {  	(v2sf) =	vpush v1, $0x0;
	_ =	sdelay $0xe  }
0xd8: {  	s28 =	spop (v2sf)  }
0xd9: {  	p2 =	sne.s32 s26, s28  }
.Ltmp18:
0xda: {  	_ = 	snop;
	(pc) =	sbr.rel @!p2 .LBB2_19-.Ltmp18, $3  }
0xdb: {  	_ =	sdelay $0x1  }
0xdc: {  	s0 =	sshll.u32 s20, $0x8  }
0xdd: {  	s30 =	sshra.s32 s0, $0x2  }
0xde: {  	p2 =	seq.s32 s26, s22  }
.Ltmp19:
0xdf: {  	_ = 	snop;
	(pc) =	sbr.rel @!p2 .LBB2_21-.Ltmp19, $1  }
0xe0: {  	_ =	sdelay $0x3  }
.Ltmp20:
0xe1: {  	s0 =	sadd.s32 $0x88, s30;
	(pc) =	sbr.rel .LBB2_22-.Ltmp20, $4  }
0xe2: {  	[spmem:s13] =	stream.linear.scatter [tilespmem:s0], [sflag:$0x1], $0x40, $0x38;
	[tilespmem:$0x1EF78] =	vst v63  }
0xe3: {  	_ =	swait.ge [sflag:s11], $0x40  }
0xe4: {  	[sflag:s11] =	ssyncset.done $0x0  }
0xe5: {  	[sflag:s11] =	ssyncadd.s32 $0xFFFFFFC0  }
.LBB2_21:
0xe6: {  	s0 =	sshll.u32 s25, $0x8  }
0xe7: {  	s0 =	sshra.s32 s0, $0x2  }
0xe8: {  	v1 =	vld [tilespmem:s0+$0x50C8];
	_ =	sdelay $0x4  }
0xe9: {  	[tilespmem:s30+$0x88] =	vst.add.f32.msk $0xffff, v1  }
0xea: {  	v1 =	vld [tilespmem:s0+$0x50D8];
	_ =	sdelay $0x4  }
0xeb: {  	[tilespmem:s30+$0x98] =	vst.add.f32.msk $0xffff, v1  }
0xec: {  	v1 =	vld [tilespmem:s0+$0x50E8];
	_ =	sdelay $0x4  }
0xed: {  	[tilespmem:s30+$0xA8] =	vst.add.f32.msk $0xffff, v1  }
0xee: {  	v1 =	vld [tilespmem:s0+$0x50F8];
	_ =	sdelay $0x2  }
0xef: {  	p2 =	sgt.u32 s26, $0x78  }
0xf0: {  	s0 =	sand.u32 @!p2 $0x78, s26  }
0xf1: {  	s2 =	sadd.s32 $0x88, s30;
	s8 =	sand.u32 @!p2 $0x7, s26;
	s0 =	sadd.s32 @!p2 s1, s0;
	[tilespmem:s30+$0xB8] =	vst.add.f32.msk $0xffff, v1  }
0xf2: {  	[hbm4b:s0+s8] =	stream.linear.scatter @!p2 [tilespmem:s2], [sflag:$0xA], $0x40, $0x38;
	[tilespmem:$0x1EF78] =	vst v63  }
0xf3: {  	s0 =	simm.s32 $0x0  }
0xf4: {  	s0 =	simm.s32 @!p2 $0x100  }
0xf5: {  	s29 =	sadd.s32 s0, s29  }
.LBB2_22:
0xf6: {  	s0 =	sadd.s32 $0x1, s20  }
0xf7: {  	s2 =	smulhi.u32 $0xCCCCCCCD, s0;
	_ =	sdelay $0x1  }
0xf8: {  	v1 =	vld [tilespmem:s23+$0xFFFFFFE0];
	s2 =	sshrl.u32 s2, $0x8  }
0xf9: {  	s2 =	smul.u32 $0x140, s2;
	_ =	sdelay $0x1  }
0xfa: {  	s20 =	ssub.s32 s0, s2  }
0xfb: {  	s0 =	sshll.u32 s20, $0x6  }
0xfc: {  	[tilespmem:s0+$0x88] =	vst v1  }
0xfd: {  	v1 =	vld [tilespmem:s23+$0xFFFFFFF0];
	_ =	sdelay $0x4  }
0xfe: {  	[tilespmem:s0+$0x98] =	vst v1  }
0xff: {  	v1 =	vld [tilespmem:s23+$0x0];
	_ =	sdelay $0x4  }
0x100: {  	[tilespmem:s0+$0xA8] =	vst v1  }
0x101: {  	v1 =	vld [tilespmem:s23+$0x10]  }
.Ltmp21:
0x102: {  	_ = 	snop;
	(pc) =	sbr.rel .LBB2_23-.Ltmp21, $2  }
0x103: {  	_ =	sdelay $0x2  }
0x104: {  	s25 =	sadd.s32 $0x1, s25;
	[tilespmem:s0+$0xB8] =	vst v1  }
.LBB2_25:
.Ltmp22:
0x105: {  	(pc) =	sbr.rel .LBB2_26-.Ltmp22, $4  }
0x106: {  	_ = 	snop  }
0x107: {  	s0 =	simm.s32 $0x2  }
0x108: {  	_ =	swait.ge [sflag:s0], $0x0  }
0x109: {  	s28 =	smov.u32 s26;
	[sflag:s0] =	ssyncset.done $0x0;
	s0 =	simm.s32 $0x0  }
.LBB2_28:
0x10a: {  	_ =	sfence.sel $0x180000  }
0x10b: {  	s0 =	simm.s32 $0x7;
	[bflag:$0x0] =	sbarrier.arrive $0xFFFF  }
0x10c: {  	s25 =	simm.s32 $0x8;
	[sflag:s0] =	ssyncpa.u1 $0x1  }
0x10d: {  	s26 =	simm.s32 $0x9;
	[sflag:s25] =	ssyncpa.u1 $0x1  }
0x10e: {  	s28 =	simm.s32 $0x2;
	[sflag:s26] =	ssyncpa.u1 $0x1  }
0x10f: {  	[sflag:s28] =	ssyncpa.u1 $0x1  }
0x110: {  	v0 =	vld [tilespmem:$0xA108];
	_ =	sdelay $0x4  }
0x111: {  	(v2sf) =	vpush v0, $0x0  }
0x112: {  	(v2sf) =	vpush v0, $0x1;
	_ =	sdelay $0x1  }
0x113: {  	(v2sf) =	vpush v0, $0x2;
	_ =	sdelay $0xb  }
0x114: {  	s0 =	spop (v2sf)  }
0x115: {  	s2 =	spop (v2sf)  }
0x116: {  	s3 =	smov.u32 s0;
	p0 =	sne.s32 s0, s2  }
0x117: {  	s4 =	spop (v2sf);
	s3 =	simm.s32 @!p0 $0xFFFFFFFF  }
0x118: {  	v2 =	vimm.s32 $0x1;
	v3 =	vlaneseq.u32;
	p0 =	seq.s32 s4, $0xFFFFFFFF;
	v1 =	vmov s3  }
0x119: {  	s7 =	stileid.u32;
	v0 =	vperm.xlane v0, v2;
	p1 =	sne.s32 @!p0 s0, s2;
	v1 =	vperm.xlane v1, v3  }
0x11a: {  	vm0 =	vcmask $0x3F04;
	s6 =	simm.s32 $0xA108;
	s0 =	simm.s32 @!p0 $0x1;
	p1 =	por !p1, p0  }
0x11b: {  	s3 =	sshll.u32 s7, $0x1;
	s2 =	sshll.u32 @!p0 s4, $0x8;
	s0 =	simm.s32 @p1 $0x0;
	v0 =	vsel vm0, v1, v0  }
0x11c: {  	s5 =	sor.u32 $0x800, s3;
	s2 =	sshra.s32 @!p0 s2, $0x2;
	s0 =	sor.u32 @!p0 s0, s3;
	[tilespmem:$0xA108] =	vst v0  }
0x11d: {  	[spmem:s5] =	stream.linear.scatter [tilespmem:s6], [sflag:$0x1], $0x2, $0x38;
	[tilespmem:$0x1EF78] =	vst v63  }
0x11e: {  	s2 =	sadd.s32 @!p0 $0x88, s2;
	s0 =	sshll.u32 @!p0 s0, $0x6  }
0x11f: {  	[spmem:s0] =	stream.linear.scatter @!p0 [tilespmem:s2], [sflag:$0x1], $0x40, $0x38;
	[tilespmem:$0x1EF78] =	vst v63  }
0x120: {  	s2 =	simm.s32 @!p0 $0x42  }
0x121: {  	s0 =	simm.s32 $0x1;
	s2 =	simm.s32 @p0 $0x2  }
0x122: {  	_ =	swait.ge [sflag:s0], s2  }
0x123: {  	s2 =	ssub.s32 $0x0, s2;
	[sflag:s0] =	ssyncset.done $0x0  }
0x124: {  	[sflag:s0] =	ssyncadd.s32 s2  }
0x125: {  	_ =	sfence.stream.spmem  }
0x126: {  	s29 =	simm.s32 $0x3;
	[bflag:$0x0] =	sbarrier.arrive $0xFFFF  }
0x127: {  	s30 =	simm.s32 $0x4;
	[sflag:s29] =	ssyncpa.u1 $0x1  }
0x128: {  	s31 =	simm.s32 $0x3C;
	[sflag:s30] =	ssyncpa.u1 $0x1  }
0x129: {  	p0 =	sne.s32 s7, $0x0;
	[sflag:s31] =	ssyncpa.u1 $0x1  }
0x12a: {  	_ =	sfence @p0  }
0x12b: {  	[sflag:s0] =	ssyncpa.u1 @p0 $0x1  }
0x12c: {  	_ =	strace @p0 $0x90000047  }
0x12d: {  	[bflag:$0x2] =	sbarrier.arrive @p0 $0xFFFF  }
0x12e: {  	_ =	shalt @p0  }
.LBB2_29:
0x12f: {  	_ =	sfence.stream.spmem;
	s0 =	simm.s32 $0x5  }
0x130: {  	s2 =	simm.s32 $0x800;
	s3 =	simm.s32 $0xA118;
	[sflag:s0] =	ssyncpa.u1 $0x0  }
0x131: {  	[tilespmem:s3], [sflag:$0x5] =	stream.linear.gather [spmem:s2], $0x20, $0x38;
	[tilespmem:$0x1EF78] =	vst v63  }
0x132: {  	s30 =	simm.s32 $0xA138;
	s2 =	simm.s32 $0x0  }
0x133: {  	[tilespmem:s30], [sflag:$0x5] =	stream.linear.gather [spmem:s2], $0x800, $0x38;
	[tilespmem:$0x1EF78] =	vst v63  }
.Ltmp23:
0x134: {  	_ = 	snop;
	(pc) =	sbr.rel .LBB2_30-.Ltmp23, $4  }
0x135: {  	_ =	swait.ge [sflag:s0], $0x820  }
0x136: {  	[sflag:s0] =	ssyncset.done $0x0  }
0x137: {  	s31 =	simm.s32 $0x6;
	[sflag:s0] =	ssyncadd.s32 $0xFFFFF7E0  }
0x138: {  	s3 =	simm.s32 $0x0;
	[sflag:s31] =	ssyncpa.u1 $0x0  }
.LBB2_36:
0x139: {  	p0 =	slt.u32 s4, $0x79  }
0x13a: {  	s0 =	sand.u32 @p0 $0x78, s4  }
0x13b: {  	s4 =	sand.u32 @p0 $0x7, s4;
	s5 =	simm.s32 @p0 $0xA0C8;
	s0 =	sadd.s32 @p0 s1, s0  }
0x13c: {  	[tilespmem:s5], [sflag:$0x6] =	stream.linear.gather @p0 [hbm4b:s0+s4], $0x40, $0x38;
	[tilespmem:$0x1EF78] =	vst v63  }
0x13d: {  	s0 =	simm.s32 @p0 $0x6  }
0x13e: {  	_ =	swait.ge @p0 [sflag:s0], $0x40  }
0x13f: {  	[sflag:s0] =	ssyncset.done @p0 $0x0  }
0x140: {  	[sflag:s0] =	ssyncadd.s32 @p0 $0xFFFFFFC0  }
0x141: {  	v1 =	vld @p0 [tilespmem:$0xA0C8];
	_ =	sdelay $0x2  }
0x142: {  	s0 =	sshll.u32 @p0 s3, $0x8  }
0x143: {  	s4 =	sshrl.u32 @p0 s0, $0x2  }
0x144: {  	[tilespmem:s4+$0xA138] =	vst.add.f32.msk @p0 $0xffff, v1  }
0x145: {  	v1 =	vld @p0 [tilespmem:$0xA0D8];
	_ =	sdelay $0x4  }
0x146: {  	[tilespmem:s4+$0xA148] =	vst.add.f32.msk @p0 $0xffff, v1  }
0x147: {  	v1 =	vld @p0 [tilespmem:$0xA0E8];
	_ =	sdelay $0x4  }
0x148: {  	[tilespmem:s4+$0xA158] =	vst.add.f32.msk @p0 $0xffff, v1  }
0x149: {  	v1 =	vld @p0 [tilespmem:$0xA0F8];
	_ =	sdelay $0x3  }
0x14a: {  	s5 =	sshll.u32 @!p0 s3, $0x8  }
0x14b: {  	s5 =	smov.u32 @p0 s0;
	[tilespmem:s4+$0xA168] =	vst.add.f32.msk @p0 $0xffff, v1  }
0x14c: {  	s0 =	sshrl.u32 s5, $0x2;
	[tilespmem:s2+$0xA118] =	vst.msk $0x1, v0  }
0x14d: {  	v0 =	vld [tilespmem:s0+$0xA138];
	_ =	sdelay $0x2  }
0x14e: {  	s31 =	sshll.u32 s2, $0x8  }
0x14f: {  	s4 =	sshra.s32 s31, $0x2  }
0x150: {  	[tilespmem:s4+$0xA138] =	vst v0  }
0x151: {  	v0 =	vld [tilespmem:s0+$0xA148];
	_ =	sdelay $0x4  }
0x152: {  	[tilespmem:s4+$0xA148] =	vst v0  }
0x153: {  	v0 =	vld [tilespmem:s0+$0xA158];
	_ =	sdelay $0x4  }
0x154: {  	[tilespmem:s4+$0xA158] =	vst v0  }
0x155: {  	v0 =	vld [tilespmem:s0+$0xA168];
	_ =	sdelay $0x4  }
0x156: {  	s2 =	sadd.s32 $0x1, s2;
	[tilespmem:s4+$0xA168] =	vst v0  }
.LBB2_37:
0x157: {  	s3 =	sadd.s32 $0x1, s3  }
0x158: {  	p0 =	sne.s32 s3, $0x20  }
.Ltmp24:
0x159: {  	_ = 	snop;
	(pc) =	sbr.rel @!p0 .LBB2_38-.Ltmp24, $1  }
0x15a: {  	_ =	sdelay $0x3  }
.LBB2_30:
0x15b: {  	v0 =	vld.msk [tilespmem:s3+$0xA118], $0x1;
	_ =	sdelay $0x4  }
0x15c: {  	(v2sf) =	vpush v0, $0x0;
	_ =	sdelay $0xe  }
0x15d: {  	s4 =	spop (v2sf)  }
0x15e: {  	p0 =	seq.s32 s4, $0xFFFFFFFF  }
.Ltmp25:
0x15f: {  	_ = 	snop;
	(pc) =	sbr.rel @p0 .LBB2_37-.Ltmp25, $1  }
0x160: {  	_ =	sdelay $0x3  }
0x161: {  	p0 =	slt.s32 s2, $0x1  }
.Ltmp26:
0x162: {  	_ = 	snop;
	(pc) =	sbr.rel @p0 .LBB2_36-.Ltmp26, $1  }
0x163: {  	_ =	sdelay $0x3  }
0x164: {  	s5 =	simm.s32 $0xA118;
	p0 =	por $0x0, $0x0  }
0x165: {  	v1 =	vld.msk @!p0 [tilespmem:s5+$0x0], $0x1;
	_ =	sdelay $0x4  }
0x166: {  	(v2sf) =	vpush @!p0 v1, $0x0;
	_ =	sdelay $0xd  }
0x167: {  	p2 =	sne.s32 s2, $0x1  }
.Ltmp27:
0x168: {  	s0 =	spop @!p0 (v2sf);
	(pc) =	sbr.rel @!p2 .LBB2_34-.Ltmp27, $4  }
0x169: {  	p1 =	seq.s32 @!p0 s4, s0  }
0x16a: {  	s6 =	simm.s32 $0x0;
	p1 =	por !p1, p0  }
0x16b: {  	s0 =	simm.s32 $0xFFFFFFFF;
	s6 =	simm.s32 @p1 $0xFFFFFFFF  }
0x16c: {  	s7 =	simm.s32 $0x1;
	s6 =	smov.u32 @p0 s0  }
.LBB2_33:
0x16d: {  	s0 =	smov.u32 s6;
	p0 =	sne.s32 s6, $0xFFFFFFFF  }
0x16e: {  	s5 =	sadd.s32 $0x1, s5;
	s6 =	smov.u32 s7;
	s7 =	sadd.s32 $0x1, s7  }
0x16f: {  	p1 =	sne.s32 s2, s7;
	v1 =	vld.msk @!p0 [tilespmem:s5+$0x0], $0x1;
	_ =	sdelay $0x4  }
0x170: {  	(v2sf) =	vpush @!p0 v1, $0x0;
	_ =	sdelay $0xe  }
.Ltmp28:
0x171: {  	s8 =	spop @!p0 (v2sf);
	(pc) =	sbr.rel @p1 .LBB2_33-.Ltmp28, $4  }
0x172: {  	p2 =	seq.s32 @!p0 s4, s8  }
0x173: {  	p2 =	por !p2, p0  }
0x174: {  	s6 =	simm.s32 @p2 $0xFFFFFFFF  }
0x175: {  	s6 =	smov.u32 @p0 s0  }
.LBB2_34:
0x176: {  	p0 =	seq.s32 s6, $0xFFFFFFFF  }
.Ltmp29:
0x177: {  	_ = 	snop;
	(pc) =	sbr.rel @p0 .LBB2_36-.Ltmp29, $1  }
0x178: {  	_ =	sdelay $0x3  }
0x179: {  	s0 =	sshll.u32 s3, $0x6  }
0x17a: {  	s0 =	sand.u32 $0x3FFFFFC0, s0  }
0x17b: {  	v0 =	vld [tilespmem:s0+$0xA138];
	_ =	sdelay $0x2  }
0x17c: {  	s4 =	sshll.u32 s6, $0x8  }
0x17d: {  	s4 =	sshra.s32 s4, $0x2  }
0x17e: {  	[tilespmem:s4+$0xA138] =	vst.add.f32.msk $0xffff, v0  }
0x17f: {  	v0 =	vld [tilespmem:s0+$0xA148];
	_ =	sdelay $0x4  }
0x180: {  	[tilespmem:s4+$0xA148] =	vst.add.f32.msk $0xffff, v0  }
0x181: {  	v0 =	vld [tilespmem:s0+$0xA158];
	_ =	sdelay $0x4  }
0x182: {  	[tilespmem:s4+$0xA158] =	vst.add.f32.msk $0xffff, v0  }
0x183: {  	v0 =	vld [tilespmem:s0+$0xA168]  }
.Ltmp30:
0x184: {  	_ = 	snop;
	(pc) =	sbr.rel .LBB2_37-.Ltmp30, $2  }
0x185: {  	_ =	sdelay $0x2  }
0x186: {  	[tilespmem:s4+$0xA168] =	vst.add.f32.msk $0xffff, v0  }
.LBB2_38:
0x187: {  	p0 =	slt.s32 s2, $0x1  }
.Ltmp31:
0x188: {  	_ = 	snop;
	(pc) =	sbr.rel @p0 .LBB2_42-.Ltmp31, $3  }
0x189: {  	_ =	sdelay $0x1  }
0x18a: {  	s0 =	simm.s32 $0x6  }
0x18b: {  	s3 =	simm.s32 $0x0;
	[sflag:s0] =	ssyncpa.u1 $0x1  }
0x18c: {  	s0 =	simm.s32 $0xA118  }
0x18d: {  	v0 =	vld.msk [tilespmem:s0+$0x0], $0x1;
	_ =	sdelay $0x4  }
0x18e: {  	(v2sf) =	vpush v0, $0x0;
	_ =	sdelay $0xe  }
0x18f: {  	s2 =	sadd.s32 $0xFFFFFFFF, s2;
	s0 =	spop (v2sf)  }
0x190: {  	p1 =	sne.s32 s2, $0x0;
	p0 =	sgt.u32 s0, $0x78  }
.Ltmp32:
0x191: {  	s5 =	sand.u32 @!p0 $0x78, s0;
	(pc) =	sbr.rel @!p1 .LBB2_41-.Ltmp32, $4  }
0x192: {  	s4 =	simm.s32 $0xA138;
	s0 =	sand.u32 @!p0 $0x7, s0;
	s5 =	sadd.s32 @!p0 s1, s5  }
0x193: {  	[hbm4b:s5+s0] =	stream.linear.scatter @!p0 [tilespmem:s4], [sflag:$0x5], $0x40, $0x38;
	[tilespmem:$0x1EF78] =	vst v63  }
0x194: {  	s0 =	simm.s32 $0x0  }
0x195: {  	s5 =	simm.s32 $0xA119;
	s0 =	simm.s32 @!p0 $0x100  }
.LBB2_40:
0x196: {  	v0 =	vld.msk [tilespmem:s5+$0x0], $0x1;
	s2 =	sadd.s32 $0xFFFFFFFF, s2;
	s3 =	sadd.s32 s3, s0  }
0x197: {  	p0 =	sne.s32 s2, $0x0;
	_ =	sdelay $0x3  }
0x198: {  	(v2sf) =	vpush v0, $0x0;
	_ =	sdelay $0xe  }
.Ltmp33:
0x199: {  	s6 =	spop (v2sf);
	(pc) =	sbr.rel @p0 .LBB2_40-.Ltmp33, $4  }
0x19a: {  	s0 =	simm.s32 $0x0;
	p1 =	sgt.u32 s6, $0x78  }
0x19b: {  	s4 =	sadd.s32 $0x40, s4;
	s0 =	simm.s32 @!p1 $0x100;
	s7 =	sand.u32 @!p1 $0x78, s6  }
0x19c: {  	s5 =	sadd.s32 $0x1, s5;
	s6 =	sand.u32 @!p1 $0x7, s6;
	s7 =	sadd.s32 @!p1 s1, s7  }
0x19d: {  	[hbm4b:s7+s6] =	stream.linear.scatter @!p1 [tilespmem:s4], [sflag:$0x5], $0x40, $0x38;
	[tilespmem:$0x1EF78] =	vst v63  }
.LBB2_41:
0x19e: {  	s0 =	sadd.s32 s3, s0  }
0x19f: {  	s3 =	sshrl.u32 s0, $0x2  }
.LBB2_42:
0x1a0: {  	s0 =	simm.s32 $0x5  }
0x1a1: {  	_ =	swait.ge [sflag:s0], s3  }
0x1a2: {  	s1 =	ssub.s32 $0x0, s3;
	[sflag:s0] =	ssyncset.done $0x0  }
0x1a3: {  	[sflag:s0] =	ssyncadd.s32 s1  }
0x1a4: {  	[sflag:s0] =	ssyncpa.u1 $0x1  }
0x1a5: {  	s30 =	simm.s32 $0x1;
	_ =	sfence  }
0x1a6: {  	[sflag:s30] =	ssyncpa.u1 $0x1  }
0x1a7: {  	_ =	strace $0x90000047  }
0x1a8: {  	[bflag:$0x2] =	sbarrier.arrive $0xFFFF  }
0x1a9: {  	s31 =	rddreg [dreg:$0x1]  }
0x1aa: {  	s0 =	sadd.s32 $0x100000, s31  }
0x1ab: {  	[sflag:s0] =	ssyncadd.tile.s32 $0x1;
	_ =	shalt  }
.Lfunc_end2:
_tile_overlayer_lowered:
.L_overlay_start_2:
0x1ac: {  	(tag) =	ssettag $0x2  }
0x1ad: {  	s0 =	rddreg [dreg:$0x0];
	s2 =	stileid.u32  }
0x1ae: {  	s1 =	rddreg [dreg:$0x1];
	p0 =	sne.s32 s2, $0x0  }
0x1af: {  	s3 =	rddreg [dreg:$0x2];
	[bflag:$0x3] =	sbarrier.arrive $0xFFFF;
	s2 =	simm.s32 @!p0 $0x1C01  }
0x1b0: {  	[timem:s3], [sflag:s2] =	dma.local @!p0 [hbm:s0], s1  }
0x1b1: {  	s0 =	simm.s32 @!p0 $0x1  }
0x1b2: {  	_ =	swait.ge @!p0 [sflag:s0], s1  }
0x1b3: {  	s1 =	ssub.s32 @!p0 $0x0, s1;
	[sflag:s0] =	ssyncset.done @!p0 $0x0  }
0x1b4: {  	[sflag:s0] =	ssyncadd.s32 @!p0 s1  }
0x1b5: {  	[bflag:$0x3] =	sbarrier.arrive $0xFFFF  }
0x1b6: {  	_ =	shalt  }

// kernel: scatter_offload_async_start.5
scs
__scs_entry_jumppad:
0x0: {  	(pc) =	sbr.rel $0x88, $3  }
0x1: {  	(tag) =	ssettag $0x0;
	lr =	simm.s32 $0x1  }
0x2: {  	[smem:$0x3F7C] =	sst lr;
	_ =	strace $0xD0000000  }
0x3: {  	_ = 	snop  }
0x4: {  	_ = 	snop  }
0x5: {  	_ = 	snop  }
0x6: {  	_ = 	snop  }
0x7: {  	_ = 	snop  }
__scs_overlays_trampoline_lowered:
0x8: {  	[smem:$0x3F8B] =	sst s0  }
0x9: {  	[smem:$0x3F8C] =	sst s1  }
0xa: {  	[smem:$0x3F8D] =	sst s2  }
0xb: {  	[smem:$0x3F8E] =	sst s3  }
0xc: {  	[smem:$0x3F8F] =	sst s4  }
0xd: {  	[smem:$0x3F90] =	sst s5  }
0xe: {  	[smem:$0x3F91] =	sst s6  }
0xf: {  	[smem:$0x3F92] =	sst s7  }
0x10: {  	[smem:$0x3F93] =	sst s8  }
0x11: {  	[smem:$0x3F94] =	sst s9;
	s0 =	simm.s32 @!p0 $0x0  }
0x12: {  	s1 =	sld [smem:$0x3F7A];
	s0 =	simm.s32 @p0 $0x1  }
0x13: {  	[smem:$0x3F95] =	sst s0;
	s0 =	simm.s32 @!p1 $0x0  }
0x14: {  	s2 =	sld [smem:$0x3F79];
	s0 =	simm.s32 @p1 $0x1  }
0x15: {  	[smem:$0x3F96] =	sst s0;
	s0 =	simm.s32 @!p2 $0x0  }
0x16: {  	s3 =	sld [smem:$0x3FDB];
	s0 =	simm.s32 @p2 $0x1  }
0x17: {  	s4 =	simm.s32 $0x1BF5;
	[smem:$0x3F98] =	sst s0  }
0x18: {  	s0 =	sld [smem:$0x3F7B];
	_ =	swait.ge [sflag:s4], $0x0  }
0x19: {  	s7 =	sld [smem:$0x3F7C]  }
0x1a: {  	s8 =	sadd.s32 $0xFFFFE003, lr  }
0x1b: {  	s9 =	sadd.s32 $0xFFFFFEF7, lr;
	s5 =	simm.s32 $0xFFFFFFFF;
	p2 =	slt.u32 s8, $0xFFFFF086  }
0x1c: {  	p1 =	slt.u32 s9, $0xF7A;
	s5 =	simm.s32 @!p2 $0x0  }
0x1d: {  	s5 =	simm.s32 @p1 $0x1;
	p0 =	seq.s32 s7, s2  }
0x1e: {  	s7 =	smul.u32 @!p0 $0xF7A, s2;
	p2 =	seq.s32 @!p0 s5, $0x0  }
0x1f: {  	s9 =	smul.u32 $0xF7A, s1;
	s8 =	simm.s32 @!p0 $0x1BF5;
	p2 =	por !p2, p0  }
0x20: {  	[sflag:s8] =	ssyncset.s32 @!p0 $0xFFFFF086;
	s6 =	sadd.s32 @!p0 s3, s7;
	s7 =	simm.s32 @!p0 $0x108  }
0x21: {  	s3 =	sadd.s32 s3, s9;
	s6 =	sadd.s32 @!p0 $0x88, s6;
	s7 =	simm.s32 @p2 $0x1082  }
0x22: {  	[simem:s7], [sflag:s8] =	dma.local @!p0 [hbm:s6], $0xF7A  }
0x23: {  	s9 =	sor.u32 $0xD0000000, s2;
	s6 =	simm.s32 $0x108;
	_ =	swait.ge @!p0 [sflag:s8], $0x0  }
0x24: {  	s3 =	sadd.s32 $0x88, s3;
	s6 =	simm.s32 @!p1 $0x1082;
	[sflag:s4] =	ssyncset.s32 $0xFFFFF086  }
0x25: {  	[simem:s6], [sflag:s4] =	dma.local [hbm:s3], $0xF7A  }
0x26: {  	[smem:$0x3F7C] =	sst s1;
	(tag) =	ssettag s2;
	_ =	strace s9  }
0x27: {  	s1 =	sld [smem:$0x3F8C]  }
0x28: {  	s2 =	sld [smem:$0x3F8D]  }
0x29: {  	s4 =	sld [smem:$0x3F8F]  }
0x2a: {  	p0 =	seq.s32 s5, $0x0;
	s5 =	sld [smem:$0x3F90]  }
0x2b: {  	s6 =	sld [smem:$0x3F91]  }
0x2c: {  	s7 =	sld [smem:$0x3F92]  }
0x2d: {  	s3 =	simm.s32 $0x108;
	s8 =	sld [smem:$0x3F93]  }
0x2e: {  	s3 =	simm.s32 @!p0 $0x1082;
	s9 =	sld [smem:$0x3F94]  }
0x2f: {  	lr =	sadd.s32 s0, s3;
	s0 =	sld [smem:$0x3F8B]  }
0x30: {  	s3 =	sld [smem:$0x3F8E]  }
0x31: {  	[smem:$0x3F97] =	sst s10  }
0x32: {  	s10 =	sld [smem:$0x3F95];
	_ =	sdelay $0x3  }
0x33: {  	p0 =	seq.s32 s10, $0x1;
	s10 =	sld [smem:$0x3F97];
	_ =	sdelay $0x3  }
0x34: {  	[smem:$0x3F97] =	sst s10  }
0x35: {  	s10 =	sld [smem:$0x3F96];
	_ =	sdelay $0x3  }
0x36: {  	p1 =	seq.s32 s10, $0x1;
	s10 =	sld [smem:$0x3F97];
	_ =	sdelay $0x3  }
0x37: {  	[smem:$0x3F97] =	sst s10  }
0x38: {  	s10 =	sld [smem:$0x3F98]  }
0x39: {  	_ = 	snop;
	(pc) =	sbr.ind lr, $3  }
0x3a: {  	_ = 	snop  }
0x3b: {  	_ = 	snop  }
0x3c: {  	p2 =	seq.s32 s10, $0x1;
	s10 =	sld [smem:$0x3F97]  }
0x3d: {  	_ =	shalt  }
0x3e: {  	_ =	shalt  }
0x3f: {  	_ =	shalt  }
0x40: {  	_ =	shalt  }
0x41: {  	_ =	shalt  }
0x42: {  	_ =	shalt  }
0x43: {  	_ =	shalt  }
0x44: {  	_ =	shalt  }
0x45: {  	_ =	shalt  }
0x46: {  	_ =	shalt  }
0x47: {  	_ =	shalt  }
0x48: {  	_ =	shalt  }
0x49: {  	_ =	shalt  }
0x4a: {  	_ =	shalt  }
0x4b: {  	_ =	shalt  }
0x4c: {  	_ =	shalt  }
0x4d: {  	_ =	shalt  }
0x4e: {  	_ =	shalt  }
0x4f: {  	_ =	shalt  }
0x50: {  	_ =	shalt  }
0x51: {  	_ =	shalt  }
0x52: {  	_ =	shalt  }
0x53: {  	_ =	shalt  }
0x54: {  	_ =	shalt  }
0x55: {  	_ =	shalt  }
0x56: {  	_ =	shalt  }
0x57: {  	_ =	shalt  }
0x58: {  	_ =	shalt  }
0x59: {  	_ =	shalt  }
0x5a: {  	_ =	shalt  }
0x5b: {  	_ =	shalt  }
0x5c: {  	_ =	shalt  }
0x5d: {  	_ =	shalt  }
0x5e: {  	_ =	shalt  }
0x5f: {  	_ =	shalt  }
0x60: {  	_ =	shalt  }
0x61: {  	_ =	shalt  }
0x62: {  	_ =	shalt  }
0x63: {  	_ =	shalt  }
0x64: {  	_ =	shalt  }
0x65: {  	_ =	shalt  }
0x66: {  	_ =	shalt  }
0x67: {  	_ =	shalt  }
0x68: {  	_ =	shalt  }
0x69: {  	_ =	shalt  }
0x6a: {  	_ =	shalt  }
0x6b: {  	_ =	shalt  }
0x6c: {  	_ =	shalt  }
0x6d: {  	_ =	shalt  }
0x6e: {  	_ =	shalt  }
0x6f: {  	_ =	shalt  }
0x70: {  	_ =	shalt  }
0x71: {  	_ =	shalt  }
0x72: {  	_ =	shalt  }
0x73: {  	_ =	shalt  }
0x74: {  	_ =	shalt  }
0x75: {  	_ =	shalt  }
0x76: {  	_ =	shalt  }
0x77: {  	_ =	shalt  }
0x78: {  	_ =	shalt  }
0x79: {  	_ =	shalt  }
0x7a: {  	_ =	shalt  }
0x7b: {  	_ =	shalt  }
0x7c: {  	_ =	shalt  }
0x7d: {  	_ =	shalt  }
0x7e: {  	_ =	shalt  }
0x7f: {  	_ =	shalt  }
0x80: {  	_ =	shalt  }
0x81: {  	_ =	shalt  }
0x82: {  	_ =	shalt  }
0x83: {  	_ =	shalt  }
0x84: {  	_ =	shalt  }
0x85: {  	_ =	shalt  }
0x86: {  	_ =	shalt  }
0x87: {  	_ =	shalt  }
.Lfunc_end0:
.L_simem_size_0:
called_computation_lowered:
.L_overlay_start_0:
0x88: {  	s2 =	sld [smem:$0x3FD9]  }
0x89: {  	s3 =	sld [smem:$0x3FFE];
	_ =	sdelay $0x1  }
0x8a: {  	s1 =	srdreg.scid  }
0x8b: {  	s0 =	sand.u32 $0x1, s1  }
0x8c: {  	s15 =	sshll.u32 s0, $0xA;
	s2 =	sadd.s32 s3, s2  }
0x8d: {  	s2 =	sadd.s32 s2, s15  }
0x8e: {  	[smem:$0x3FA3] =	sst s2  }
0x8f: {  	_ = 	snop  }
0x90: {  	(tm) =	ssettm $0x1  }
0x91: {  	s16 =	sld [smem:$0x3FFB];
	_ =	sdelay $0x3  }
0x92: {  	_ =	strace s16  }
0x93: {  	s2 =	sld [smem:$0x3FFC];
	_ =	sdelay $0x3  }
0x94: {  	_ =	strace s2  }
0x95: {  	s2 =	sld [smem:$0x3FFD];
	_ =	sdelay $0x3  }
0x96: {  	_ =	strace s2  }
0x97: {  	_ =	strace $0x8FFFFFFF  }
0x98: {  	s17 =	sld [smem:$0x3FDB];
	_ =	sdelay $0x1  }
0x99: {  	s18 =	simm.s32 $_scs_section_size  }
0x9a: {  	s4 =	simm.s32 $_size__tile_overlayer_lowered;
	s5 =	simm.s32 $_tile_overlayer_lowered  }
0x9b: {  	s21 =	simm.s32 $0x1BFF;
	s20 =	sshll.u32 s5, $0x1;
	s2 =	sadd.s32 s18, s17  }
0x9c: {  	s6 =	simm.s32 $0x0;
	s19 =	sshll.u32 s4, $0x1;
	s4 =	sadd.s32 s20, s2  }
0x9d: {  	[timem:s6], [sflag:s21] =	dma.local [hbm:s4], s19  }
0x9e: {  	_ =	swait.ge [sflag:s21], s19  }
0x9f: {  	s3 =	ssub.s32 $0x0, s19;
	[sflag:s21] =	ssyncset.done $0x0  }
0xa0: {  	[sflag:s21] =	ssyncadd.s32 s3;
	_ =	sdelay $0x1  }
0xa1: {  	s22 =	simm.s32 $0x1B8B  }
0xa2: {  	_ =	swait.ge [sflag:s22], $0x1  }
0xa3: {  	[sflag:s22] =	ssyncset.done $0x0  }
0xa4: {  	s23 =	sld [smem:$0x3FFE];
	[sflag:s22] =	ssyncadd.s32 $0xFFFFFFFF  }
0xa5: {  	s25 =	simm.s32 $0x1B8E;
	s24 =	sld [smem:$0x0]  }
0xa6: {  	s26 =	simm.s32 $execute0_lowered;
	[smem:$0x3FD2] =	sst s25  }
0xa7: {  	s5 =	sshll.u32 s26, $0x1;
	_ =	strace $0x8000004C;
	[dreg:$0x1] =	wrdreg $0xFFFFFFFF  }
0xa8: {  	s28 =	simm.s32 $_size_execute0_lowered;
	s2 =	sadd.s32 s2, s5;
	[dreg:$0x0] =	wrdreg $0x0  }
0xa9: {  	s5 =	sshll.u32 s28, $0x1;
	[dreg:$0x2] =	wrdreg s2  }
0xaa: {  	[dreg:$0x3] =	wrdreg s5  }
0xab: {  	[dreg:$0x4] =	wrdreg $0xC0  }
0xac: {  	_ =	task [dreg:s6], $0x5FFFF  }
0xad: {  	[dreg:$0x1] =	wrdreg $0xFFFFFFFF  }
0xae: {  	[dreg:$0x0] =	wrdreg $0x60  }
0xaf: {  	[dreg:$0x2] =	wrdreg s23  }
0xb0: {  	[dreg:$0x3] =	wrdreg s1  }
0xb1: {  	[dreg:$0x4] =	wrdreg s24  }
0xb2: {  	[dreg:$0x5] =	wrdreg $0x9  }
0xb3: {  	_ =	task.clear_ibuf [dreg:s6], $0x6FFFF;
	_ =	strace $0x9000004C  }
0xb4: {  	s29 =	simm.s32 $0x9;
	_ =	strace $0x8000004E  }
0xb5: {  	_ =	swait.ge [sflag:s29], $0x1  }
0xb6: {  	[sflag:s29] =	ssyncadd.s32 $0xFFFFFFFF  }
0xb7: {  	_ =	strace $0x9000004E  }
0xb8: {  	_ =	sfence  }
0xb9: {  	s30 =	sld [smem:$0x0];
	_ =	sdelay $0x2  }
0xba: {  	s31 =	sshll.u32 s1, $0xD;
	s1 =	sshrl.u32 s1, $0x2  }
0xbb: {  	s3 =	sand.u32 $0x4000, s31;
	s1 =	sadd.s32 s1, s30  }
0xbc: {  	s0 =	sor.u32 s3, s0;
	s1 =	sshll.u32 s1, $0x11  }
0xbd: {  	s0 =	sor.u32 s1, s0  }
0xbe: {  	s0 =	sadd.s32 $0x8F2B, s0  }
0xbf: {  	[sflag:s0] =	ssyncadd.remote.s32 $0x1  }
0xc0: {  	_ =	sfence.sel $0xFFFF  }
0xc1: {  	[dreg:$0x0] =	wrdreg $0xFFFFFFFF;
	(pc) =	sbr.abs _section_cstart, $3  }
0xc2: {  	[dreg:$0x1] =	wrdreg $0xFFFFFFFF  }
0xc3: {  	_ =	task.clear_ibuf [dreg:s6], $0x2FFFF;
	_ =	strace $0x9FFFFFFF  }
0xc4: {  	(tm) =	ssettm $0x7FFFFFFF  }
0xc5: {  	_ =	shalt  }
tec
execute0_lowered:
.L_overlay_start_1:
0x0: {  	(tag) =	ssettag $0x1  }
0x1: {  	s2 =	rddreg [dreg:$0x0]  }
0x2: {  	s4 =	rddreg [dreg:$0x1];
	_ =	strace $0x8000004D;
	s0 =	simm.s32 $0x1  }
0x3: {  	s3 =	simm.s32 $0x88;
	v0 =	vimm.s32 $0x0;
	[sflag:s0] =	ssyncpa.u1 $0x0  }
0x4: {  	s1 =	sadd.s32 $0xA6BC00, s2;
	[tilespmem:s3+$0x30] =	vst v0  }
0x5: {  	s0 =	sadd.s32 $0x1245400, s2;
	s6 =	sadd.s32 $0xA7C00, s2;
	[tilespmem:s3+$0x20] =	vst v0  }
0x6: {  	s2 =	sadd.s32 $0x1258E00, s2;
	s7 =	sand.u32 $0x1, s4;
	s4 =	simm.s32 $0x40;
	[tilespmem:s3+$0x10] =	vst v0  }
.LBB2_1:
0x7: {  	s4 =	sadd.s32 $0x40, s4  }
0x8: {  	[tilespmem:s3+$0x0] =	vst v0;
	s3 =	sadd.s32 $0x40, s3;
	p0 =	slt.u32 s4, $0x5040  }
.Ltmp0:
0x9: {  	(pc) =	sbr.rel @p0 .LBB2_1-.Ltmp0, $4  }
0xa: {  	_ = 	snop  }
0xb: {  	[tilespmem:s3+$0x30] =	vst v0  }
0xc: {  	[tilespmem:s3+$0x20] =	vst v0  }
0xd: {  	[tilespmem:s3+$0x10] =	vst v0  }
0xe: {  	s8 =	stileid.u32  }
0xf: {  	s4 =	smul.u32 $0x3E, s8  }
0x10: {  	s5 =	smin.u32 s8, $0x8  }
0x11: {  	s4 =	sadd.s32 s5, s4  }
0x12: {  	p0 =	slt.u32 s8, $0x8;
	s12 =	smul.u32 $0x140, s4;
	s4 =	simm.s32 $0x4EC0  }
0x13: {  	s4 =	simm.s32 @!p0 $0x4D80  }
0x14: {  	s25 =	simm.s32 $0x2;
	s4 =	sadd.s32 s4, s12  }
0x15: {  	s28 =	simm.s32 $0x9;
	s9 =	simm.s32 $0xA;
	s14 =	smin.u32 s4, $0x4E200  }
0x16: {  	s30 =	simm.s32 $0xB;
	[dreg:$0x4] =	wrdreg s7;
	s4 =	ssub.s32 s14, s12  }
0x17: {  	s31 =	smul.u32 $0x9C40, s7;
	s13 =	simm.s32 $0x1;
	p0 =	sgt.s32 s4, $0x0  }
0x18: {  	s19 =	simm.s32 $0x0;
	s20 =	simm.s32 $0xA808;
	s4 =	simm.s32 @!p0 $0x0  }
0x19: {  	s21 =	simm.s32 $0xFFFFFFFF;
	p1 =	por $0x0, $0x0;
	s26 =	smulhi.u32 $0x66666667, s4  }
0x1a: {  	[tilespmem:s3+$0x0] =	vst v0;
	s23 =	simm.s32 $0x0;
	[sflag:s25] =	ssyncpa.u1 $0x0;
	s18 =	sshll.u32 s8, $0x7  }
0x1b: {  	s0 =	sadd.s32 s31, s0;
	[dreg:$0xa] =	wrdreg s18;
	s3 =	sshrl.u32 s26, $0x7  }
0x1c: {  	v0 =	vimm.s32 $0xFFFFFFFF;
	s17 =	sadd.s32 s31, s2;
	[dreg:$0x9] =	wrdreg s0;
	s29 =	smul.u32 $0x140, s3  }
0x1d: {  	s25 =	simm.s32 $0x0;
	[tilespmem:$0xA108] =	vst v0;
	[sflag:s28] =	ssyncpa.u1 $0x0;
	[dreg:$0x8] =	wrdreg s17  }
.Ltmp1:
0x1e: {  	p0 =	sne.s32 s4, s29;
	s4 =	simm.s32 $0x1;
	(pc) =	sbr.rel .LBB2_3-.Ltmp1, $4  }
0x1f: {  	[sflag:s9] =	ssyncpa.u1 $0x0;
	[dreg:$0x5] =	wrdreg s12;
	s4 =	simm.s32 @!p0 $0x0  }
0x20: {  	[sflag:s30] =	ssyncpa.u1 $0x0;
	[dreg:$0x6] =	wrdreg s14;
	s15 =	sadd.s32 s4, s3  }
0x21: {  	s24 =	smov.u32 s12;
	s22 =	sadd.s32 $0x1, s15;
	[dreg:$0x7] =	wrdreg s15  }
0x22: {  	v0 =	vlaneseq.u32;
	s26 =	simm.s32 $0x0;
	p0 =	por $0x1, $0x1;
	[dreg:$0xb] =	wrdreg s22  }
.LBB2_22:
0x23: {  	s0 =	sshrl.u32 s3, $0x2  }
.LBB2_24:
0x24: {  	s3 =	simm.s32 $0xC  }
0x25: {  	_ =	swait.ge [sflag:s3], s0  }
0x26: {  	s31 =	ssub.s32 $0x0, s0;
	v1 =	vmov s4;
	vm0 =	veq.s32 v0, $0x0;
	[sflag:s3] =	ssyncset.done $0x0  }
0x27: {  	vm15 =	veq.s32 v0, $0x2;
	v1 =	vsel vm0, s2, v1;
	[sflag:s3] =	ssyncadd.s32 s31  }
0x28: {  	v1 =	vsel vm15, s26, v1;
	[sflag:s3] =	ssyncpa.u1 $0x1  }
0x29: {  	[tilespmem:$0xA108] =	vst v1  }
.LBB2_25:
0x2a: {  	s0 =	sadd.s32 $0x140, s24  }
0x2b: {  	s2 =	smov.u32 s12;
	p2 =	slt.s32 s0, s14  }
0x2c: {  	s2 =	smov.u32 @p2 s0;
	p2 =	sne.s32 s25, s22  }
.Ltmp2:
0x2d: {  	_ = 	snop;
	(pc) =	sbr.rel @!p2 .LBB2_26-.Ltmp2, $4  }
0x2e: {  	_ = 	snop  }
0x2f: {  	s26 =	smov.u32 s23;
	s31 =	sadd.s32 $0x1, s25;
	p0 =	por !p0, !p0  }
0x30: {  	s23 =	smov.u32 s24;
	s20 =	sadd.s32 $0x140, s20;
	s21 =	sadd.s32 $0x1, s21  }
0x31: {  	p1 =	por !p1, !p1;
	s25 =	smov.u32 s31;
	s24 =	smov.u32 s2  }
.LBB2_3:
0x32: {  	p2 =	sge.u32 s25, s15  }
0x33: {  	s0 =	smulhi.u32 @!p2 $0xAAAAAAAB, s25  }
0x34: {  	s2 =	smov.u32 s24;
	p3 =	sgt.s32 @!p2 s24, $0x4E0C0  }
0x35: {  	s3 =	sshra.s32 @!p2 s24, $0x1F;
	p3 =	por !p3, p2;
	s0 =	sshrl.u32 @!p2 s0, $0x1  }
0x36: {  	s3 =	sand.u32 @!p2 s3, s24;
	s2 =	simm.s32 @p3 $0x4E0C0;
	s0 =	smul.u32 @!p2 $0x3, s0  }
0x37: {  	s2 =	ssub.s32 @!p2 s2, s3  }
0x38: {  	s2 =	sadd.s32 @!p2 $0xFFFB1F40, s2;
	s0 =	ssub.s32 @!p2 s25, s0  }
0x39: {  	s3 =	sshll.u32 @!p2 s2, $0x2;
	p3 =	sgt.s32 @!p2 s2, $0x13F;
	s0 =	smul.u32 @!p2 $0x500, s0  }
0x3a: {  	s4 =	sand.u32 @!p2 $0x7, s24;
	s2 =	ssub.s32 @!p2 $0x500, s3;
	p3 =	por !p3, p2  }
0x3b: {  	s3 =	sshrl.u32 @!p2 s24, $0x3;
	s2 =	sshrl.u32 @!p2 s2, $0x2;
	s0 =	sshrl.u32 @!p2 s0, $0x2  }
0x3c: {  	s3 =	sadd.s32 @!p2 s3, s17;
	s2 =	simm.s32 @!p3 $0x0;
	s0 =	sadd.s32 @!p2 $0xA948, s0  }
0x3d: {  	[tilespmem:s0], [sflag:$0xA] =	stream.linear.gather @!p2 [hbm4b:s3+s4], s2, $0x38;
	[tilespmem:$0x1EF88] =	vst v63  }
0x3e: {  	s0 =	sadd.s32 $0xFFFFFFFF, s25  }
0x3f: {  	p2 =	sge.u32 s0, s15  }
.Ltmp3:
0x40: {  	_ = 	snop;
	(pc) =	sbr.rel @p2 .LBB2_7-.Ltmp3, $1  }
0x41: {  	_ =	sdelay $0x3  }
0x42: {  	p2 =	sgt.s32 s23, $0x4E0C0;
	s2 =	smov.u32 s23;
	s3 =	sshra.s32 s23, $0x1F  }
0x43: {  	s2 =	simm.s32 @!p2 $0x4E0C0;
	s3 =	sand.u32 s3, s23  }
0x44: {  	s17 =	smulhi.u32 $0xAAAAAAAB, s21;
	s2 =	ssub.s32 s2, s3  }
0x45: {  	s0 =	sand.u32 $0x1, s0;
	s2 =	sadd.s32 $0xFFFB1F40, s2  }
0x46: {  	s5 =	simm.s32 $0xA;
	s3 =	sshrl.u32 s17, $0x1;
	s4 =	sshll.u32 s2, $0x2  }
0x47: {  	s7 =	sshrl.u32 s23, $0x3;
	s3 =	smul.u32 $0xFFFFF100, s3;
	s4 =	ssub.s32 $0x500, s4  }
0x48: {  	s18 =	smul.u32 $0x500, s0;
	p2 =	sgt.s32 s2, $0x13F;
	s2 =	sshrl.u32 s4, $0x2  }
0x49: {  	s9 =	sand.u32 $0x7, s23;
	s3 =	sshra.s32 s3, $0x2;
	s2 =	simm.s32 @p2 $0x0  }
0x4a: {  	s0 =	sadd.s32 s3, s20;
	s4 =	sshrl.u32 s18, $0x2;
	_ =	swait.ge [sflag:s5], s2  }
0x4b: {  	s22 =	ssub.s32 $0x0, s2;
	[sflag:s5] =	ssyncset.done $0x0;
	s8 =	rddreg [dreg:$0x9]  }
0x4c: {  	s4 =	sadd.s32 $0xAD08, s4;
	[sflag:s5] =	ssyncadd.s32 s22;
	s3 =	sadd.s32 s7, s8  }
0x4d: {  	[tilespmem:s4], [sflag:$0xB] =	stream.linear.gather [hbm4b:s3+s9], s2, $0x38;
	[tilespmem:$0x1EF88] =	vst v63  }
0x4e: {  	v1 =	vld.msk [tilespmem:s0+$0x0], $0xffff;
	_ =	sdelay $0x4  }
0x4f: {  	v1 =	vshll.u32 v1, $0x4  }
0x50: {  	(v2sf) =	vpush v1, $0x0  }
0x51: {  	(v2sf) =	vpush v1, $0x1  }
0x52: {  	(v2sf) =	vpush v1, $0x2;
	_ =	sdelay $0x3  }
0x53: {  	(v2sf) =	vpush v1, $0x3;
	_ =	sdelay $0x1  }
0x54: {  	(v2sf) =	vpush v1, $0x4  }
0x55: {  	s2 =	simm.s32 $0x1;
	(v2sf) =	vpush v1, $0x5  }
0x56: {  	s2 =	simm.s32 @!p0 $0x0  }
0x57: {  	s2 =	smul.u32 $0x28000, s2;
	(v2sf) =	vpush v1, $0x6;
	_ =	sdelay $0x1  }
0x58: {  	s2 =	sshrl.u32 s2, $0x2  }
0x59: {  	s28 =	sadd.s32 $0xB708, s2  }
0x5a: {  	s12 =	sadd.s32 $0xFFFFF880, s28;
	s17 =	sadd.s32 $0xFFFFF900, s28;
	s10 =	spop (v2sf);
	(v2sf) =	vpush v1, $0x7  }
0x5b: {  	s18 =	sadd.s32 $0xFFFFF980, s28;
	s11 =	sand.u32 $0x1FFFFFF0, s10;
	s14 =	spop (v2sf)  }
0x5c: {  	(v2sf) =	vpush v1, $0x8;
	s2 =	sadd.s32 s6, s11;
	s15 =	sand.u32 $0x1FFFFFF0, s14;
	s16 =	spop (v2sf)  }
0x5d: {  	[tilespmem:s12], [sflag:$0x9] =	stream.linear.gather [hbm4b:s2+s19], $0x40, $0x38;
	[tilespmem:$0x1EF88] =	vst v63  }
0x5e: {  	s5 =	sadd.s32 $0xFFFFFA00, s28;
	s2 =	sadd.s32 s6, s15;
	s3 =	sand.u32 $0x1FFFFFF0, s16  }
0x5f: {  	(v2sf) =	vpush v1, $0x9;
	[tilespmem:s17], [sflag:$0x9] =	stream.linear.gather [hbm4b:s2+s19], $0x40, $0x38;
	[tilespmem:$0x1EF88] =	vst v63  }
0x60: {  	s7 =	sadd.s32 $0xFFFFFA80, s28;
	s22 =	spop (v2sf);
	s3 =	sadd.s32 s6, s3  }
0x61: {  	(v2sf) =	vpush v1, $0xA;
	[tilespmem:s18], [sflag:$0x9] =	stream.linear.gather [hbm4b:s3+s19], $0x40, $0x38;
	[tilespmem:$0x1EF88] =	vst v63  }
0x62: {  	s11 =	sadd.s32 $0xFFFFFB00, s28;
	s4 =	spop (v2sf);
	(v2sf) =	vpush v1, $0xB;
	s3 =	sand.u32 $0x1FFFFFF0, s22  }
0x63: {  	s8 =	spop (v2sf);
	s2 =	sadd.s32 s6, s3;
	s3 =	sand.u32 $0x1FFFFFF0, s4  }
0x64: {  	(v2sf) =	vpush v1, $0xC;
	[tilespmem:s5], [sflag:$0x9] =	stream.linear.gather [hbm4b:s2+s19], $0x40, $0x38;
	[tilespmem:$0x1EF88] =	vst v63  }
0x65: {  	s9 =	sand.u32 $0x1FFFFFF0, s8;
	s10 =	spop (v2sf);
	s3 =	sadd.s32 s6, s3  }
0x66: {  	(v2sf) =	vpush v1, $0xD;
	[tilespmem:s7], [sflag:$0x9] =	stream.linear.gather [hbm4b:s3+s19], $0x40, $0x38;
	[tilespmem:$0x1EF88] =	vst v63  }
0x67: {  	s12 =	sadd.s32 $0xFFFFFB80, s28;
	s2 =	sadd.s32 s6, s9;
	s3 =	sand.u32 $0x1FFFFFF0, s10  }
0x68: {  	[tilespmem:s11], [sflag:$0x9] =	stream.linear.gather [hbm4b:s2+s19], $0x40, $0x38;
	[tilespmem:$0x1EF88] =	vst v63  }
0x69: {  	s17 =	sadd.s32 $0xFFFFFC00, s28;
	s3 =	sadd.s32 s6, s3;
	s14 =	spop (v2sf)  }
0x6a: {  	[tilespmem:s12], [sflag:$0x9] =	stream.linear.gather [hbm4b:s3+s19], $0x40, $0x38;
	(v2sf) =	vpush v1, $0xE;
	[tilespmem:$0x1EF88] =	vst v63  }
0x6b: {  	s18 =	sadd.s32 $0xFFFFFC80, s28;
	s15 =	sand.u32 $0x1FFFFFF0, s14;
	s16 =	spop (v2sf)  }
0x6c: {  	s5 =	sadd.s32 $0xFFFFFD00, s28;
	(v2sf) =	vpush v1, $0xF;
	s2 =	sadd.s32 s6, s15;
	s3 =	sand.u32 $0x1FFFFFF0, s16  }
0x6d: {  	[tilespmem:s17], [sflag:$0x9] =	stream.linear.gather [hbm4b:s2+s19], $0x40, $0x38;
	[tilespmem:$0x1EF88] =	vst v63  }
0x6e: {  	s7 =	sadd.s32 $0xFFFFFD80, s28;
	s22 =	spop (v2sf);
	s3 =	sadd.s32 s6, s3  }
0x6f: {  	[tilespmem:s18], [sflag:$0x9] =	stream.linear.gather [hbm4b:s3+s19], $0x40, $0x38;
	[tilespmem:$0x1EF88] =	vst v63  }
0x70: {  	s11 =	sadd.s32 $0xFFFFFE00, s28;
	s4 =	spop (v2sf);
	s3 =	sand.u32 $0x1FFFFFF0, s22  }
0x71: {  	s8 =	spop (v2sf);
	s2 =	sadd.s32 s6, s3;
	s3 =	sand.u32 $0x1FFFFFF0, s4  }
0x72: {  	[tilespmem:s5], [sflag:$0x9] =	stream.linear.gather [hbm4b:s2+s19], $0x40, $0x38;
	[tilespmem:$0x1EF88] =	vst v63  }
0x73: {  	s9 =	sand.u32 $0x1FFFFFF0, s8;
	s10 =	spop (v2sf);
	s3 =	sadd.s32 s6, s3  }
0x74: {  	[tilespmem:s7], [sflag:$0x9] =	stream.linear.gather [hbm4b:s3+s19], $0x40, $0x38;
	[tilespmem:$0x1EF88] =	vst v63  }
0x75: {  	s14 =	spop (v2sf);
	s2 =	sadd.s32 s6, s9;
	s3 =	sand.u32 $0x1FFFFFF0, s10  }
0x76: {  	[tilespmem:s11], [sflag:$0x9] =	stream.linear.gather [hbm4b:s2+s19], $0x40, $0x38;
	[tilespmem:$0x1EF88] =	vst v63  }
0x77: {  	s12 =	sadd.s32 $0xFFFFFE80, s28;
	s15 =	sand.u32 $0x1FFFFFF0, s14;
	s3 =	sadd.s32 s6, s3  }
0x78: {  	[tilespmem:s12], [sflag:$0x9] =	stream.linear.gather [hbm4b:s3+s19], $0x40, $0x38;
	[tilespmem:$0x1EF88] =	vst v63  }
0x79: {  	s17 =	sadd.s32 $0xFFFFFF00, s28;
	s2 =	sadd.s32 s6, s15;
	s16 =	spop (v2sf)  }
0x7a: {  	[tilespmem:s17], [sflag:$0x9] =	stream.linear.gather [hbm4b:s2+s19], $0x40, $0x38;
	[tilespmem:$0x1EF88] =	vst v63  }
0x7b: {  	s29 =	simm.s32 $0x0;
	s3 =	sand.u32 $0x1FFFFFF0, s16;
	s18 =	spop (v2sf)  }
0x7c: {  	s22 =	sadd.s32 $0xFFFFFF80, s28;
	s3 =	sadd.s32 s6, s3;
	s2 =	sand.u32 $0x1FFFFFF0, s18  }
0x7d: {  	[tilespmem:s22], [sflag:$0x9] =	stream.linear.gather [hbm4b:s3+s19], $0x40, $0x38;
	[tilespmem:$0x1EF88] =	vst v63  }
0x7e: {  	s31 =	sadd.s32 $0x10, s0;
	s30 =	sadd.s32 $0x800, s28;
	s2 =	sadd.s32 s6, s2  }
.LBB2_5:
0x7f: {  	[tilespmem:s28], [sflag:$0x9] =	stream.linear.gather [hbm4b:s2+s19], $0x40, $0x38;
	[tilespmem:$0x1EF88] =	vst v63  }
0x80: {  	s29 =	sadd.s32 $0x10, s29;
	s28 =	smov.u32 s30  }
0x81: {  	p2 =	slt.u32 s29, $0x130;
	v1 =	vld.msk [tilespmem:s31+$0x0], $0xffff;
	_ =	sdelay $0x4  }
0x82: {  	v1 =	vshll.u32 v1, $0x4  }
0x83: {  	(v2sf) =	vpush v1, $0x0  }
0x84: {  	(v2sf) =	vpush v1, $0x1  }
0x85: {  	(v2sf) =	vpush v1, $0x2;
	_ =	sdelay $0x1  }
0x86: {  	(v2sf) =	vpush v1, $0x3;
	_ =	sdelay $0x1  }
0x87: {  	(v2sf) =	vpush v1, $0x4;
	_ =	sdelay $0x1  }
0x88: {  	(v2sf) =	vpush v1, $0x5;
	_ =	sdelay $0x1  }
0x89: {  	(v2sf) =	vpush v1, $0x6  }
0x8a: {  	s4 =	sadd.s32 $0xFFFFFE80, s30;
	s0 =	sadd.s32 $0xFFFFFF00, s30  }
0x8b: {  	s3 =	sadd.s32 $0xFFFFFD00, s30;
	s2 =	sadd.s32 $0xFFFFFD80, s30;
	s5 =	sadd.s32 $0xFFFFFE00, s30;
	(v2sf) =	vpush v1, $0x7  }
0x8c: {  	s10 =	sadd.s32 $0xFFFFFB80, s30;
	s9 =	sadd.s32 $0xFFFFFC00, s30;
	s16 =	sadd.s32 $0xFFFFFC80, s30  }
0x8d: {  	s11 =	sadd.s32 $0xFFFFFA00, s30;
	s12 =	sadd.s32 $0xFFFFFA80, s30;
	s15 =	sadd.s32 $0xFFFFFB00, s30;
	(v2sf) =	vpush v1, $0x8  }
0x8e: {  	s18 =	sadd.s32 $0xFFFFF900, s30;
	s7 =	sadd.s32 $0xFFFFF980, s30;
	s22 =	spop (v2sf)  }
0x8f: {  	s8 =	sadd.s32 $0xFFFFF880, s30;
	s22 =	sand.u32 $0x1FFFFFF0, s22;
	s14 =	spop (v2sf);
	(v2sf) =	vpush v1, $0x9  }
0x90: {  	s22 =	sadd.s32 s6, s22;
	s14 =	sand.u32 $0x1FFFFFF0, s14;
	s17 =	spop (v2sf)  }
0x91: {  	[tilespmem:s8], [sflag:$0x9] =	stream.linear.gather [hbm4b:s22+s19], $0x40, $0x38;
	(v2sf) =	vpush v1, $0xA;
	[tilespmem:$0x1EF88] =	vst v63  }
0x92: {  	s8 =	sadd.s32 s6, s14;
	s14 =	sand.u32 $0x1FFFFFF0, s17;
	s17 =	spop (v2sf)  }
0x93: {  	[tilespmem:s18], [sflag:$0x9] =	stream.linear.gather [hbm4b:s8+s19], $0x40, $0x38;
	(v2sf) =	vpush v1, $0xB;
	[tilespmem:$0x1EF88] =	vst v63  }
0x94: {  	s8 =	sadd.s32 s6, s14;
	s14 =	sand.u32 $0x1FFFFFF0, s17;
	s17 =	spop (v2sf)  }
0x95: {  	[tilespmem:s7], [sflag:$0x9] =	stream.linear.gather [hbm4b:s8+s19], $0x40, $0x38;
	(v2sf) =	vpush v1, $0xC;
	[tilespmem:$0x1EF88] =	vst v63  }
0x96: {  	s7 =	sadd.s32 s6, s14;
	s8 =	sand.u32 $0x1FFFFFF0, s17;
	s14 =	spop (v2sf)  }
0x97: {  	[tilespmem:s11], [sflag:$0x9] =	stream.linear.gather [hbm4b:s7+s19], $0x40, $0x38;
	(v2sf) =	vpush v1, $0xD;
	[tilespmem:$0x1EF88] =	vst v63  }
0x98: {  	s7 =	sadd.s32 s6, s8;
	s8 =	sand.u32 $0x1FFFFFF0, s14;
	s11 =	spop (v2sf)  }
0x99: {  	[tilespmem:s12], [sflag:$0x9] =	stream.linear.gather [hbm4b:s7+s19], $0x40, $0x38;
	(v2sf) =	vpush v1, $0xE;
	[tilespmem:$0x1EF88] =	vst v63  }
0x9a: {  	s7 =	sadd.s32 s6, s8;
	s8 =	sand.u32 $0x1FFFFFF0, s11;
	s11 =	spop (v2sf)  }
0x9b: {  	[tilespmem:s15], [sflag:$0x9] =	stream.linear.gather [hbm4b:s7+s19], $0x40, $0x38;
	(v2sf) =	vpush v1, $0xF;
	[tilespmem:$0x1EF88] =	vst v63  }
0x9c: {  	s7 =	sadd.s32 s6, s8;
	s8 =	sand.u32 $0x1FFFFFF0, s11;
	s11 =	spop (v2sf)  }
0x9d: {  	[tilespmem:s10], [sflag:$0x9] =	stream.linear.gather [hbm4b:s7+s19], $0x40, $0x38;
	[tilespmem:$0x1EF88] =	vst v63  }
0x9e: {  	s7 =	sadd.s32 s6, s8;
	s8 =	sand.u32 $0x1FFFFFF0, s11;
	s10 =	spop (v2sf)  }
0x9f: {  	[tilespmem:s9], [sflag:$0x9] =	stream.linear.gather [hbm4b:s7+s19], $0x40, $0x38;
	[tilespmem:$0x1EF88] =	vst v63  }
0xa0: {  	s7 =	sadd.s32 s6, s8;
	s8 =	sand.u32 $0x1FFFFFF0, s10;
	s9 =	spop (v2sf)  }
0xa1: {  	[tilespmem:s16], [sflag:$0x9] =	stream.linear.gather [hbm4b:s7+s19], $0x40, $0x38;
	[tilespmem:$0x1EF88] =	vst v63  }
0xa2: {  	s7 =	sadd.s32 s6, s8;
	s8 =	sand.u32 $0x1FFFFFF0, s9;
	s9 =	spop (v2sf)  }
0xa3: {  	[tilespmem:s3], [sflag:$0x9] =	stream.linear.gather [hbm4b:s7+s19], $0x40, $0x38;
	[tilespmem:$0x1EF88] =	vst v63  }
0xa4: {  	s3 =	sadd.s32 s6, s8;
	s7 =	sand.u32 $0x1FFFFFF0, s9;
	s8 =	spop (v2sf)  }
0xa5: {  	[tilespmem:s2], [sflag:$0x9] =	stream.linear.gather [hbm4b:s3+s19], $0x40, $0x38;
	[tilespmem:$0x1EF88] =	vst v63  }
0xa6: {  	s2 =	sadd.s32 s6, s7;
	s3 =	sand.u32 $0x1FFFFFF0, s8;
	s7 =	spop (v2sf)  }
0xa7: {  	[tilespmem:s5], [sflag:$0x9] =	stream.linear.gather [hbm4b:s2+s19], $0x40, $0x38;
	[tilespmem:$0x1EF88] =	vst v63  }
0xa8: {  	s2 =	sadd.s32 s6, s3;
	s3 =	sand.u32 $0x1FFFFFF0, s7;
	s5 =	spop (v2sf)  }
0xa9: {  	[tilespmem:s4], [sflag:$0x9] =	stream.linear.gather [hbm4b:s2+s19], $0x40, $0x38;
	[tilespmem:$0x1EF88] =	vst v63  }
0xaa: {  	s2 =	sadd.s32 s6, s3  }
.Ltmp4:
0xab: {  	s3 =	sand.u32 $0x1FFFFFF0, s5;
	s4 =	spop (v2sf);
	(pc) =	sbr.rel @p2 .LBB2_5-.Ltmp4, $4  }
0xac: {  	[tilespmem:s0], [sflag:$0x9] =	stream.linear.gather [hbm4b:s2+s19], $0x40, $0x38;
	[tilespmem:$0x1EF88] =	vst v63  }
0xad: {  	s0 =	sadd.s32 s6, s3;
	s2 =	sadd.s32 $0xFFFFFF80, s30;
	s3 =	sand.u32 $0x1FFFFFF0, s4  }
0xae: {  	[tilespmem:s2], [sflag:$0x9] =	stream.linear.gather [hbm4b:s0+s19], $0x40, $0x38;
	[tilespmem:$0x1EF88] =	vst v63  }
0xaf: {  	s31 =	sadd.s32 $0x10, s31;
	s30 =	sadd.s32 $0x800, s30;
	s2 =	sadd.s32 s6, s3  }
0xb0: {  	[tilespmem:s28], [sflag:$0x9] =	stream.linear.gather [hbm4b:s2+s19], $0x40, $0x38;
	[tilespmem:$0x1EF88] =	vst v63  }
0xb1: {  	s12 =	rddreg [dreg:$0x5]  }
0xb2: {  	s14 =	rddreg [dreg:$0x6]  }
0xb3: {  	s15 =	rddreg [dreg:$0x7]  }
0xb4: {  	s17 =	rddreg [dreg:$0x8]  }
0xb5: {  	s18 =	rddreg [dreg:$0xa]  }
0xb6: {  	s22 =	rddreg [dreg:$0xb]  }
.LBB2_7:
0xb7: {  	p2 =	slt.u32 s25, $0x2  }
.Ltmp5:
0xb8: {  	_ = 	snop;
	(pc) =	sbr.rel @p2 .LBB2_25-.Ltmp5, $1  }
0xb9: {  	_ =	sdelay $0x3  }
0xba: {  	p2 =	sgt.s32 s26, $0x4E0C0;
	s0 =	smov.u32 s26;
	s2 =	sshra.s32 s26, $0x1F  }
0xbb: {  	s0 =	simm.s32 @!p2 $0x4E0C0;
	s2 =	sand.u32 s2, s26  }
0xbc: {  	s0 =	ssub.s32 s0, s2  }
0xbd: {  	s0 =	sadd.s32 $0xFFFB1F40, s0  }
0xbe: {  	s3 =	simm.s32 $0x9;
	s29 =	sshll.u32 s0, $0x2  }
0xbf: {  	_ =	swait.ge [sflag:s3], $0x5000;
	s2 =	ssub.s32 $0x500, s29  }
0xc0: {  	[sflag:s3] =	ssyncset.done $0x0;
	p2 =	sgt.s32 s0, $0x13F;
	s0 =	sshrl.u32 s2, $0x2  }
0xc1: {  	s30 =	simm.s32 $0xB;
	[sflag:s3] =	ssyncadd.s32 $0xFFFFB000;
	s0 =	simm.s32 @p2 $0x0  }
0xc2: {  	_ =	swait.ge [sflag:s30], s0  }
0xc3: {  	s0 =	ssub.s32 $0x0, s0;
	[sflag:s30] =	ssyncset.done $0x0  }
0xc4: {  	[sflag:s30] =	ssyncadd.s32 s0  }
0xc5: {  	v1 =	vld [tilespmem:$0xA108];
	_ =	sdelay $0x4  }
0xc6: {  	(v2sf) =	vpush v1, $0x0  }
0xc7: {  	(v2sf) =	vpush v1, $0x1  }
0xc8: {  	(v2sf) =	vpush v1, $0x2;
	_ =	sdelay $0x3  }
0xc9: {  	s0 =	sadd.s32 $0x140, s26  }
0xca: {  	s4 =	ssub.s32 $0x9C400, s26;
	p2 =	slt.s32 s14, s0  }
0xcb: {  	s0 =	smov.u32 @p2 s14;
	p2 =	sgt.s32 s4, $0x0  }
0xcc: {  	s0 =	ssub.s32 s0, s26;
	s4 =	simm.s32 @!p2 $0x0  }
0xcd: {  	p2 =	slt.s32 s4, s0  }
0xce: {  	s0 =	smov.u32 @p2 s4  }
0xcf: {  	s2 =	simm.s32 $0x1;
	p2 =	slt.s32 s0, $0x1  }
.Ltmp6:
0xd0: {  	s2 =	simm.s32 @!p1 $0x0;
	(pc) =	sbr.rel @p2 .LBB2_12-.Ltmp6, $4  }
0xd1: {  	s7 =	smul.u32 $0x500, s2  }
0xd2: {  	s3 =	spop (v2sf)  }
0xd3: {  	s31 =	sshrl.u32 s7, $0x2;
	s5 =	spop (v2sf)  }
0xd4: {  	s28 =	sadd.s32 $0xAD08, s31;
	s26 =	spop (v2sf)  }
0xd5: {  	s4 =	smin.u32 s0, $0x10  }
0xd6: {  	v1 =	vmov s4  }
0xd7: {  	p3 =	sgt.s32 s0, $0x10;
	vm1 =	vgt.u32 v1, v0  }
.Ltmp7:
0xd8: {  	_ = 	snop;
	(pc) =	sbr.rel @!p3 .LBB2_11-.Ltmp7, $2  }
0xd9: {  	_ =	sdelay $0x2  }
0xda: {  	s9 =	simm.s32 $0x10;
	s10 =	sadd.s32 $0xFFFFFFF0, s0;
	s4 =	smov.u32 s28;
	vm0 =	vmmov vm1  }
.LBB2_10:
0xdb: {  	s7 =	smin.u32 s10, $0x10;
	s9 =	sadd.s32 $0x10, s9;
	v1 =	vld.msk [tilespmem:s4+$0x0 ss:$0x1], vm1  }
0xdc: {  	v2 =	vmov s7;
	p3 =	slt.s32 s9, s0  }
0xdd: {  	vm1 =	vgt.u32 v2, v0  }
.Ltmp8:
0xde: {  	(pc) =	sbr.rel @p3 .LBB2_10-.Ltmp8, $3  }
0xdf: {  	_ =	sdelay $0x1  }
0xe0: {  	v1 =	vshll.u32 v1, $0x4  }
0xe1: {  	s10 =	sadd.s32 $0xFFFFFFF0, s10;
	[tilespmem:s4+$0x0] =	vst.msk vm0, v1;
	s4 =	sadd.s32 $0x10, s4;
	vm0 =	vmmov vm1  }
.LBB2_11:
0xe2: {  	_ =	sdelay $0x4  }
0xe3: {  	v1 =	vld.msk [tilespmem:s4+$0x0 ss:$0x1], vm1;
	_ =	sdelay $0x4  }
0xe4: {  	v1 =	vshll.u32 v1, $0x4  }
0xe5: {  	[tilespmem:s4+$0x0] =	vst.msk vm0, v1  }
.LBB2_12:
0xe6: {  	s4 =	sand.u32 $0x1, s25  }
0xe7: {  	s4 =	smul.u32 $0x140, s4  }
0xe8: {  	p3 =	sne.s32 s5, $0xFFFFFFFF  }
0xe9: {  	v1 =	vld.msk @!p3 [tilespmem:s4+$0xAD08], $0x1;
	_ =	sdelay $0x4  }
0xea: {  	(v2sf) =	vpush @!p3 v1, $0x0;
	_ =	sdelay $0xc  }
.Ltmp9:
0xeb: {  	_ = 	snop;
	(pc) =	sbr.rel @p2 .LBB2_23-.Ltmp9, $4  }
0xec: {  	_ = 	snop  }
0xed: {  	s29 =	spop @!p3 (v2sf)  }
0xee: {  	s31 =	simm.s32 $0xC;
	s26 =	simm.s32 @!p3 $0x0;
	s4 =	smov.u32 s29  }
0xef: {  	[sflag:s31] =	ssyncpa.u1 $0x0;
	s29 =	smov.u32 @p3 s3;
	s4 =	smov.u32 @p3 s5  }
0xf0: {  	v1 =	vld.msk [tilespmem:s28+$0x0], $0x1;
	_ =	sdelay $0x4  }
0xf1: {  	(v2sf) =	vpush v1, $0x0;
	_ =	sdelay $0xe  }
0xf2: {  	s2 =	smul.u32 $0x28000, s2;
	s5 =	spop (v2sf)  }
0xf3: {  	s31 =	ssub.s32 $0x0, s0;
	p2 =	seq.s32 s29, s5  }
0xf4: {  	s3 =	smov.u32 s29;
	s2 =	sshrl.u32 s2, $0x2;
	p3 =	sgt.s32 @!p2 s29, $0x0  }
0xf5: {  	s30 =	sadd.s32 $0xAFA8, s2;
	s2 =	sadd.s32 $0x1, s31;
	p3 =	por !p3, p2  }
0xf6: {  	s3 =	simm.s32 @p3 $0x0;
	p3 =	seq.s32 s2, $0x0  }
.Ltmp10:
0xf7: {  	_ = 	snop;
	(pc) =	sbr.rel @p3 .LBB2_15-.Ltmp10, $4  }
0xf8: {  	_ = 	snop  }
0xf9: {  	s0 =	simm.s32 $0x0;
	s9 =	simm.s32 @!p2 $0x1;
	s3 =	smin.u32 @!p2 s3, $0x270F8  }
0xfa: {  	s10 =	simm.s32 @!p2 $0x50C8;
	s9 =	smov.u32 @p2 s0;
	s7 =	sand.u32 @!p2 $0x3FFF8, s3  }
0xfb: {  	s16 =	sand.u32 @!p2 $0x7, s3;
	s3 =	sadd.s32 $0x1, s28;
	s11 =	sadd.s32 @!p2 s1, s7  }
.LBB2_14:
0xfc: {  	s7 =	smov.u32 s9  }
0xfd: {  	[tilespmem:s10], [sflag:$0x2] =	stream.linear.gather @!p2 [hbm4b:s11+s16], $0x40, $0x38;
	[tilespmem:$0x1EF88] =	vst v63  }
0xfe: {  	s2 =	sadd.s32 $0x1, s2;
	s8 =	smov.u32 s5;
	v1 =	vld.msk [tilespmem:s3+$0x0], $0x1  }
0xff: {  	p3 =	seq.s32 s2, $0x0;
	_ =	sdelay $0x3  }
0x100: {  	(v2sf) =	vpush v1, $0x0;
	_ =	sdelay $0xe  }
0x101: {  	s5 =	spop (v2sf)  }
0x102: {  	p2 =	seq.s32 s8, s5  }
0x103: {  	p4 =	sgt.s32 @!p2 s8, $0x0;
	s10 =	sshll.u32 @!p2 s9, $0x8;
	s9 =	sadd.s32 @!p2 $0x1, s9  }
.Ltmp11:
0x104: {  	p4 =	por !p4, p2;
	s10 =	sshra.s32 @!p2 s10, $0x2;
	(pc) =	sbr.rel @!p3 .LBB2_14-.Ltmp11, $4  }
0x105: {  	s9 =	smov.u32 @p2 s7;
	s8 =	simm.s32 @p4 $0x0;
	s10 =	sadd.s32 @!p2 $0x50C8, s10  }
0x106: {  	s7 =	smin.u32 @!p2 s8, $0x270F8  }
0x107: {  	s8 =	sand.u32 @!p2 $0x3FFF8, s7;
	s16 =	sand.u32 @!p2 $0x7, s7  }
0x108: {  	s3 =	sadd.s32 $0x1, s3;
	s11 =	sadd.s32 @!p2 s1, s8  }
.LBB2_15:
0x109: {  	[tilespmem:s10], [sflag:$0x2] =	stream.linear.gather @!p2 [hbm4b:s11+s16], $0x40, $0x38;
	[tilespmem:$0x1EF88] =	vst v63  }
.Ltmp12:
0x10a: {  	s2 =	sshll.u32 s9, $0x6;
	(pc) =	sbr.rel .LBB2_16-.Ltmp12, $4  }
0x10b: {  	s3 =	simm.s32 $0x2;
	s2 =	sand.u32 $0x3FFFFFC0, s2  }
0x10c: {  	_ =	swait.ge [sflag:s3], s2  }
0x10d: {  	s2 =	ssub.s32 $0x0, s2;
	[sflag:s3] =	ssyncset.done $0x0  }
0x10e: {  	[sflag:s3] =	ssyncadd.s32 s2;
	s3 =	simm.s32 $0x0  }
.LBB2_17:
0x10f: {  	v1 =	vld [tilespmem:s30+$0xFFFFFFE0];
	_ =	sdelay $0x4  }
0x110: {  	[tilespmem:s5+$0x88] =	vst.add.f32.msk $0xffff, v1  }
0x111: {  	v1 =	vld [tilespmem:s30+$0xFFFFFFF0];
	_ =	sdelay $0x4  }
0x112: {  	[tilespmem:s5+$0x98] =	vst.add.f32.msk $0xffff, v1  }
0x113: {  	v1 =	vld [tilespmem:s30+$0x0];
	_ =	sdelay $0x4  }
0x114: {  	[tilespmem:s5+$0xA8] =	vst.add.f32.msk $0xffff, v1  }
0x115: {  	v1 =	vld [tilespmem:s30+$0x10];
	_ =	sdelay $0x4  }
0x116: {  	[tilespmem:s5+$0xB8] =	vst.add.f32.msk $0xffff, v1  }
.LBB2_21:
0x117: {  	s31 =	sadd.s32 $0x1, s31  }
0x118: {  	p2 =	seq.s32 s31, $0x0  }
.Ltmp13:
0x119: {  	_ = 	snop;
	(pc) =	sbr.rel @p2 .LBB2_22-.Ltmp13, $2  }
0x11a: {  	_ =	sdelay $0x2  }
0x11b: {  	s30 =	sadd.s32 $0x80, s30;
	s28 =	sadd.s32 $0x1, s28;
	s29 =	smov.u32 s2  }
.LBB2_16:
0x11c: {  	v1 =	vld.msk [tilespmem:s28+$0x0], $0x1;
	_ =	sdelay $0x4  }
0x11d: {  	(v2sf) =	vpush v1, $0x0;
	_ =	sdelay $0xe  }
0x11e: {  	s2 =	spop (v2sf)  }
0x11f: {  	p2 =	sne.s32 s29, s2  }
.Ltmp14:
0x120: {  	_ = 	snop;
	(pc) =	sbr.rel @!p2 .LBB2_17-.Ltmp14, $3  }
0x121: {  	_ =	sdelay $0x1  }
0x122: {  	s5 =	sshll.u32 s26, $0x8  }
0x123: {  	s5 =	sshra.s32 s5, $0x2  }
0x124: {  	p2 =	seq.s32 s29, s4  }
.Ltmp15:
0x125: {  	_ = 	snop;
	(pc) =	sbr.rel @!p2 .LBB2_19-.Ltmp15, $1  }
0x126: {  	_ =	sdelay $0x3  }
.Ltmp16:
0x127: {  	s5 =	sadd.s32 $0x88, s5;
	(pc) =	sbr.rel .LBB2_20-.Ltmp16, $4  }
0x128: {  	[spmem:s18] =	stream.linear.scatter [tilespmem:s5], [sflag:$0x1], $0x40, $0x38;
	[tilespmem:$0x1EF88] =	vst v63  }
0x129: {  	_ =	swait.ge [sflag:s13], $0x40  }
0x12a: {  	[sflag:s13] =	ssyncset.done $0x0  }
0x12b: {  	[sflag:s13] =	ssyncadd.s32 $0xFFFFFFC0  }
.LBB2_19:
0x12c: {  	s7 =	sshll.u32 s0, $0x8  }
0x12d: {  	s7 =	sshra.s32 s7, $0x2  }
0x12e: {  	v1 =	vld [tilespmem:s7+$0x50C8];
	_ =	sdelay $0x4  }
0x12f: {  	[tilespmem:s5+$0x88] =	vst.add.f32.msk $0xffff, v1  }
0x130: {  	v1 =	vld [tilespmem:s7+$0x50D8];
	_ =	sdelay $0x4  }
0x131: {  	[tilespmem:s5+$0x98] =	vst.add.f32.msk $0xffff, v1  }
0x132: {  	v1 =	vld [tilespmem:s7+$0x50E8];
	_ =	sdelay $0x4  }
0x133: {  	[tilespmem:s5+$0xA8] =	vst.add.f32.msk $0xffff, v1  }
0x134: {  	v1 =	vld [tilespmem:s7+$0x50F8];
	_ =	sdelay $0x2  }
0x135: {  	p2 =	sgt.u32 s29, $0x270F8  }
0x136: {  	s7 =	sand.u32 @!p2 $0x3FFF8, s29  }
0x137: {  	s8 =	sadd.s32 $0x88, s5;
	[tilespmem:s5+$0xB8] =	vst.add.f32.msk $0xffff, v1;
	s5 =	sadd.s32 @!p2 s1, s7;
	s7 =	sand.u32 @!p2 $0x7, s29  }
0x138: {  	[hbm4b:s5+s7] =	stream.linear.scatter @!p2 [tilespmem:s8], [sflag:$0xC], $0x40, $0x38;
	[tilespmem:$0x1EF88] =	vst v63  }
0x139: {  	s5 =	simm.s32 $0x0  }
0x13a: {  	s5 =	simm.s32 @!p2 $0x100  }
0x13b: {  	s3 =	sadd.s32 s5, s3  }
.LBB2_20:
0x13c: {  	s5 =	sadd.s32 $0x1, s26  }
0x13d: {  	s7 =	smulhi.u32 $0xCCCCCCCD, s5;
	_ =	sdelay $0x1  }
0x13e: {  	v1 =	vld [tilespmem:s30+$0xFFFFFFE0];
	s7 =	sshrl.u32 s7, $0x8  }
0x13f: {  	s7 =	smul.u32 $0x140, s7;
	_ =	sdelay $0x1  }
0x140: {  	s26 =	ssub.s32 s5, s7  }
0x141: {  	s5 =	sshll.u32 s26, $0x6  }
0x142: {  	[tilespmem:s5+$0x88] =	vst v1  }
0x143: {  	v1 =	vld [tilespmem:s30+$0xFFFFFFF0];
	_ =	sdelay $0x4  }
0x144: {  	[tilespmem:s5+$0x98] =	vst v1  }
0x145: {  	v1 =	vld [tilespmem:s30+$0x0];
	_ =	sdelay $0x4  }
0x146: {  	[tilespmem:s5+$0xA8] =	vst v1  }
0x147: {  	v1 =	vld [tilespmem:s30+$0x10]  }
.Ltmp17:
0x148: {  	_ = 	snop;
	(pc) =	sbr.rel .LBB2_21-.Ltmp17, $2  }
0x149: {  	_ =	sdelay $0x2  }
0x14a: {  	s0 =	sadd.s32 $0x1, s0;
	[tilespmem:s5+$0xB8] =	vst v1  }
.LBB2_23:
.Ltmp18:
0x14b: {  	(pc) =	sbr.rel .LBB2_24-.Ltmp18, $4  }
0x14c: {  	_ = 	snop  }
0x14d: {  	s0 =	simm.s32 $0x2  }
0x14e: {  	_ =	swait.ge [sflag:s0], $0x0  }
0x14f: {  	s2 =	smov.u32 s29;
	[sflag:s0] =	ssyncset.done $0x0;
	s0 =	simm.s32 $0x0  }
.LBB2_26:
0x150: {  	_ =	sfence.sel $0x180000  }
0x151: {  	s0 =	simm.s32 $0x9;
	[bflag:$0x0] =	sbarrier.arrive $0xFFFF  }
0x152: {  	s24 =	simm.s32 $0xA;
	[sflag:s0] =	ssyncpa.u1 $0x1  }
0x153: {  	s25 =	simm.s32 $0xB;
	[sflag:s24] =	ssyncpa.u1 $0x1  }
0x154: {  	s26 =	simm.s32 $0x2;
	[sflag:s25] =	ssyncpa.u1 $0x1  }
0x155: {  	[sflag:s26] =	ssyncpa.u1 $0x1  }
0x156: {  	v0 =	vld [tilespmem:$0xA108];
	_ =	sdelay $0x4  }
0x157: {  	(v2sf) =	vpush v0, $0x0  }
0x158: {  	(v2sf) =	vpush v0, $0x1;
	_ =	sdelay $0x1  }
0x159: {  	(v2sf) =	vpush v0, $0x2;
	_ =	sdelay $0xb  }
0x15a: {  	s0 =	spop (v2sf)  }
0x15b: {  	s2 =	spop (v2sf)  }
0x15c: {  	s3 =	smov.u32 s0;
	p0 =	sne.s32 s0, s2  }
0x15d: {  	s4 =	spop (v2sf);
	s3 =	simm.s32 @!p0 $0xFFFFFFFF  }
0x15e: {  	v2 =	vimm.s32 $0x1;
	v3 =	vlaneseq.u32;
	p0 =	seq.s32 s4, $0xFFFFFFFF;
	v1 =	vmov s3  }
0x15f: {  	s14 =	stileid.u32;
	v0 =	vperm.xlane v0, v2;
	p1 =	sne.s32 @!p0 s0, s2;
	v1 =	vperm.xlane v1, v3  }
0x160: {  	vm0 =	vcmask $0x3F04;
	s6 =	simm.s32 $0xA108;
	s0 =	simm.s32 @!p0 $0x1;
	p1 =	por !p1, p0  }
0x161: {  	s3 =	sshll.u32 s14, $0x1;
	s2 =	sshll.u32 @!p0 s4, $0x8;
	s0 =	simm.s32 @p1 $0x0;
	v0 =	vsel vm0, v1, v0  }
0x162: {  	s5 =	sor.u32 $0x800, s3;
	s2 =	sshra.s32 @!p0 s2, $0x2;
	s0 =	sor.u32 @!p0 s0, s3;
	[tilespmem:$0xA108] =	vst v0  }
0x163: {  	[spmem:s5] =	stream.linear.scatter [tilespmem:s6], [sflag:$0x1], $0x2, $0x38;
	[tilespmem:$0x1EF88] =	vst v63  }
0x164: {  	s2 =	sadd.s32 @!p0 $0x88, s2;
	s0 =	sshll.u32 @!p0 s0, $0x6  }
0x165: {  	[spmem:s0] =	stream.linear.scatter @!p0 [tilespmem:s2], [sflag:$0x1], $0x40, $0x38;
	[tilespmem:$0x1EF88] =	vst v63  }
0x166: {  	s0 =	simm.s32 @!p0 $0x42  }
0x167: {  	s28 =	simm.s32 $0x1;
	s0 =	simm.s32 @p0 $0x2  }
0x168: {  	_ =	swait.ge [sflag:s28], s0  }
0x169: {  	s0 =	ssub.s32 $0x0, s0;
	[sflag:s28] =	ssyncset.done $0x0  }
0x16a: {  	p0 =	sne.s32 s14, $0x0;
	[sflag:s28] =	ssyncadd.s32 s0  }
.Ltmp19:
0x16b: {  	_ =	sfence.stream.spmem;
	(pc) =	sbr.rel @p0 .LBB2_43-.Ltmp19, $4  }
0x16c: {  	s29 =	simm.s32 $0x3;
	[bflag:$0x0] =	sbarrier.arrive $0xFFFF  }
0x16d: {  	s30 =	simm.s32 $0x4;
	[sflag:s29] =	ssyncpa.u1 $0x1  }
0x16e: {  	s31 =	simm.s32 $0x3C;
	[sflag:s30] =	ssyncpa.u1 $0x1  }
0x16f: {  	s13 =	rddreg [dreg:$0x4];
	[sflag:s31] =	ssyncpa.u1 $0x1  }
0x170: {  	_ =	sfence.stream.spmem;
	s0 =	simm.s32 $0x5  }
0x171: {  	s2 =	simm.s32 $0x800;
	s3 =	simm.s32 $0xA118;
	[sflag:s0] =	ssyncpa.u1 $0x0  }
0x172: {  	[tilespmem:s3], [sflag:$0x5] =	stream.linear.gather [spmem:s2], $0x20, $0x38;
	[tilespmem:$0x1EF88] =	vst v63  }
0x173: {  	s26 =	simm.s32 $0x0;
	s28 =	simm.s32 $0xA138  }
0x174: {  	[tilespmem:s28], [sflag:$0x5] =	stream.linear.gather [spmem:s26], $0x800, $0x38;
	[tilespmem:$0x1EF88] =	vst v63  }
0x175: {  	_ =	swait.ge [sflag:s0], $0x820  }
0x176: {  	[sflag:s0] =	ssyncset.done $0x0  }
0x177: {  	s29 =	simm.s32 $0x0;
	[sflag:s0] =	ssyncadd.s32 $0xFFFFF7E0  }
0x178: {  	v0 =	vld.msk [tilespmem:s29+$0xA118], $0x1;
	_ =	sdelay $0x1  }
0x179: {  	s30 =	simm.s32 $0x1  }
0x17a: {  	v1 =	vld.msk [tilespmem:s30+$0xA118], $0x1;
	_ =	sdelay $0x1  }
0x17b: {  	(v2sf) =	vpush v0, $0x0;
	_ =	sdelay $0x2  }
0x17c: {  	(v2sf) =	vpush v1, $0x0;
	_ =	sdelay $0x2  }
0x17d: {  	s31 =	simm.s32 $0x2  }
0x17e: {  	v0 =	vld.msk [tilespmem:s31+$0xA118], $0x1;
	_ =	sdelay $0x2  }
0x17f: {  	s2 =	simm.s32 $0xFFFFFFFF;
	s3 =	simm.s32 $0xFFFFFFFF;
	s0 =	simm.s32 $0xC  }
.LBB2_28:
0x180: {  	s4 =	smov.u32 s3;
	s5 =	smov.u32 s2  }
0x181: {  	s2 =	sshra.s32 s0, $0x2;
	p1 =	sne.s32 s0, $0x7C;
	s0 =	sadd.s32 $0x4, s0;
	(v2sf) =	vpush v0, $0x0  }
0x182: {  	v0 =	vld.msk [tilespmem:s2+$0xA118], $0x1  }
.Ltmp20:
0x183: {  	(pc) =	sbr.rel @p1 .LBB2_28-.Ltmp20, $4  }
0x184: {  	s3 =	spop (v2sf)  }
0x185: {  	p2 =	sne.s32 s5, $0xFFFFFFFF;
	s2 =	smov.u32 s3  }
0x186: {  	p3 =	seq.s32 s3, $0xFFFFFFFF;
	s2 =	smov.u32 @p2 s5  }
0x187: {  	s3 =	smov.u32 @p3 s4;
	s2 =	smov.u32 @p3 s5  }
0x188: {  	(v2sf) =	vpush v0, $0x0;
	_ =	sdelay $0x8  }
0x189: {  	s0 =	spop (v2sf)  }
0x18a: {  	p1 =	sne.s32 s2, $0xFFFFFFFF;
	s4 =	smov.u32 s0  }
0x18b: {  	s6 =	simm.s32 $0x0;
	p2 =	seq.s32 s0, $0xFFFFFFFF;
	s4 =	smov.u32 @p1 s2  }
0x18c: {  	s9 =	simm.s32 $0xA0C8;
	s4 =	smov.u32 @p2 s2;
	s2 =	spop (v2sf)  }
0x18d: {  	s0 =	smov.u32 @p2 s3;
	p1 =	sne.s32 s4, $0xFFFFFFFF;
	s5 =	smov.u32 s2  }
.Ltmp21:
0x18e: {  	p2 =	seq.s32 s2, $0xFFFFFFFF;
	s5 =	smov.u32 @p1 s4;
	(pc) =	sbr.rel .LBB2_30-.Ltmp21, $4  }
0x18f: {  	s10 =	simm.s32 $0x0;
	s5 =	smov.u32 @p2 s4;
	s7 =	spop (v2sf)  }
0x190: {  	s2 =	smov.u32 @p2 s0;
	p1 =	sne.s32 s5, $0xFFFFFFFF;
	s8 =	smov.u32 s7  }
0x191: {  	s0 =	simm.s32 $0x6;
	p2 =	seq.s32 s7, $0xFFFFFFFF;
	s8 =	smov.u32 @p1 s5  }
0x192: {  	[sflag:s0] =	ssyncpa.u1 $0x0;
	s7 =	smov.u32 @p2 s2;
	s8 =	smov.u32 @p2 s5  }
.LBB2_36:
0x193: {  	p1 =	sgt.u32 s2, $0x270F8  }
0x194: {  	p2 =	seq.s32 @!p1 s2, s8  }
0x195: {  	p1 =	por p1, p2  }
0x196: {  	p2 =	sne.s32 @!p1 s2, s7  }
0x197: {  	p1 =	por p1, !p2  }
0x198: {  	s2 =	sshll.u32 @p1 s10, $0x8  }
0x199: {  	s3 =	sand.u32 @!p1 $0x3FFF8, s2  }
0x19a: {  	s2 =	sand.u32 @!p1 $0x7, s2;
	s3 =	sadd.s32 @!p1 s1, s3  }
0x19b: {  	[tilespmem:s9], [sflag:$0x6] =	stream.linear.gather @!p1 [hbm4b:s3+s2], $0x40, $0x38;
	[tilespmem:$0x1EF88] =	vst v63  }
0x19c: {  	_ =	swait.ge @!p1 [sflag:s0], $0x40  }
0x19d: {  	[sflag:s0] =	ssyncset.done @!p1 $0x0  }
0x19e: {  	[sflag:s0] =	ssyncadd.s32 @!p1 $0xFFFFFFC0  }
0x19f: {  	v1 =	vld @!p1 [tilespmem:$0xA0C8];
	_ =	sdelay $0x2  }
0x1a0: {  	s2 =	sshll.u32 @!p1 s10, $0x8  }
0x1a1: {  	s3 =	sshrl.u32 @!p1 s2, $0x2  }
0x1a2: {  	[tilespmem:s3+$0xA138] =	vst.add.f32.msk @!p1 $0xffff, v1  }
0x1a3: {  	v1 =	vld @!p1 [tilespmem:$0xA0D8];
	_ =	sdelay $0x4  }
0x1a4: {  	[tilespmem:s3+$0xA148] =	vst.add.f32.msk @!p1 $0xffff, v1  }
0x1a5: {  	v1 =	vld @!p1 [tilespmem:$0xA0E8];
	_ =	sdelay $0x4  }
0x1a6: {  	[tilespmem:s3+$0xA158] =	vst.add.f32.msk @!p1 $0xffff, v1  }
0x1a7: {  	v1 =	vld @!p1 [tilespmem:$0xA0F8];
	_ =	sdelay $0x4  }
0x1a8: {  	[tilespmem:s3+$0xA168] =	vst.add.f32.msk @!p1 $0xffff, v1  }
0x1a9: {  	s2 =	sshrl.u32 s2, $0x2;
	[tilespmem:s6+$0xA118] =	vst.msk $0x1, v0  }
0x1aa: {  	v0 =	vld [tilespmem:s2+$0xA138];
	_ =	sdelay $0x2  }
0x1ab: {  	s31 =	sshll.u32 s6, $0x8  }
0x1ac: {  	s3 =	sshra.s32 s31, $0x2  }
0x1ad: {  	[tilespmem:s3+$0xA138] =	vst v0  }
0x1ae: {  	v0 =	vld [tilespmem:s2+$0xA148];
	_ =	sdelay $0x4  }
0x1af: {  	[tilespmem:s3+$0xA148] =	vst v0  }
0x1b0: {  	v0 =	vld [tilespmem:s2+$0xA158];
	_ =	sdelay $0x4  }
0x1b1: {  	[tilespmem:s3+$0xA158] =	vst v0  }
0x1b2: {  	v0 =	vld [tilespmem:s2+$0xA168];
	_ =	sdelay $0x4  }
0x1b3: {  	s6 =	sadd.s32 $0x1, s6;
	[tilespmem:s3+$0xA168] =	vst v0  }
.LBB2_37:
0x1b4: {  	s10 =	sadd.s32 $0x1, s10  }
0x1b5: {  	p1 =	sne.s32 s10, $0x20  }
.Ltmp22:
0x1b6: {  	_ = 	snop;
	(pc) =	sbr.rel @!p1 .LBB2_38-.Ltmp22, $1  }
0x1b7: {  	_ =	sdelay $0x3  }
.LBB2_30:
0x1b8: {  	v0 =	vld.msk [tilespmem:s10+$0xA118], $0x1;
	_ =	sdelay $0x4  }
0x1b9: {  	(v2sf) =	vpush v0, $0x0;
	_ =	sdelay $0xe  }
0x1ba: {  	s2 =	spop (v2sf)  }
0x1bb: {  	p1 =	seq.s32 s2, $0xFFFFFFFF  }
.Ltmp23:
0x1bc: {  	_ = 	snop;
	(pc) =	sbr.rel @p1 .LBB2_37-.Ltmp23, $1  }
0x1bd: {  	_ =	sdelay $0x3  }
0x1be: {  	p1 =	slt.s32 s6, $0x1  }
.Ltmp24:
0x1bf: {  	_ = 	snop;
	(pc) =	sbr.rel @p1 .LBB2_36-.Ltmp24, $1  }
0x1c0: {  	_ =	sdelay $0x3  }
0x1c1: {  	s3 =	simm.s32 $0xA118;
	p1 =	por $0x0, $0x0  }
0x1c2: {  	v1 =	vld.msk @!p1 [tilespmem:s3+$0x0], $0x1;
	_ =	sdelay $0x4  }
0x1c3: {  	(v2sf) =	vpush @!p1 v1, $0x0;
	_ =	sdelay $0xd  }
0x1c4: {  	p3 =	sne.s32 s6, $0x1  }
.Ltmp25:
0x1c5: {  	s4 =	spop @!p1 (v2sf);
	(pc) =	sbr.rel @!p3 .LBB2_34-.Ltmp25, $4  }
0x1c6: {  	p2 =	seq.s32 @!p1 s2, s4  }
0x1c7: {  	s4 =	simm.s32 $0x0;
	p2 =	por !p2, p1  }
0x1c8: {  	s11 =	simm.s32 $0xFFFFFFFF;
	s4 =	simm.s32 @p2 $0xFFFFFFFF  }
0x1c9: {  	s5 =	simm.s32 $0x1;
	s4 =	smov.u32 @p1 s11  }
.LBB2_33:
0x1ca: {  	s11 =	smov.u32 s4;
	p1 =	sne.s32 s4, $0xFFFFFFFF  }
0x1cb: {  	s3 =	sadd.s32 $0x1, s3;
	s4 =	smov.u32 s5;
	s5 =	sadd.s32 $0x1, s5  }
0x1cc: {  	p2 =	sne.s32 s6, s5;
	v1 =	vld.msk @!p1 [tilespmem:s3+$0x0], $0x1;
	_ =	sdelay $0x4  }
0x1cd: {  	(v2sf) =	vpush @!p1 v1, $0x0;
	_ =	sdelay $0xe  }
.Ltmp26:
0x1ce: {  	s12 =	spop @!p1 (v2sf);
	(pc) =	sbr.rel @p2 .LBB2_33-.Ltmp26, $4  }
0x1cf: {  	p3 =	seq.s32 @!p1 s2, s12  }
0x1d0: {  	p3 =	por !p3, p1  }
0x1d1: {  	s4 =	simm.s32 @p3 $0xFFFFFFFF  }
0x1d2: {  	s4 =	smov.u32 @p1 s11  }
.LBB2_34:
0x1d3: {  	p1 =	seq.s32 s4, $0xFFFFFFFF  }
.Ltmp27:
0x1d4: {  	_ = 	snop;
	(pc) =	sbr.rel @p1 .LBB2_36-.Ltmp27, $1  }
0x1d5: {  	_ =	sdelay $0x3  }
0x1d6: {  	s2 =	sshll.u32 s10, $0x6  }
0x1d7: {  	s2 =	sand.u32 $0x3FFFFFC0, s2  }
0x1d8: {  	v0 =	vld [tilespmem:s2+$0xA138];
	_ =	sdelay $0x2  }
0x1d9: {  	s3 =	sshll.u32 s4, $0x8  }
0x1da: {  	s3 =	sshra.s32 s3, $0x2  }
0x1db: {  	[tilespmem:s3+$0xA138] =	vst.add.f32.msk $0xffff, v0  }
0x1dc: {  	v0 =	vld [tilespmem:s2+$0xA148];
	_ =	sdelay $0x4  }
0x1dd: {  	[tilespmem:s3+$0xA148] =	vst.add.f32.msk $0xffff, v0  }
0x1de: {  	v0 =	vld [tilespmem:s2+$0xA158];
	_ =	sdelay $0x4  }
0x1df: {  	[tilespmem:s3+$0xA158] =	vst.add.f32.msk $0xffff, v0  }
0x1e0: {  	v0 =	vld [tilespmem:s2+$0xA168]  }
.Ltmp28:
0x1e1: {  	_ = 	snop;
	(pc) =	sbr.rel .LBB2_37-.Ltmp28, $2  }
0x1e2: {  	_ =	sdelay $0x2  }
0x1e3: {  	[tilespmem:s3+$0xA168] =	vst.add.f32.msk $0xffff, v0  }
.LBB2_38:
0x1e4: {  	s0 =	simm.s32 $0x6;
	p1 =	seq.s32 s6, $0x0  }
0x1e5: {  	[sflag:s0] =	ssyncpa.u1 $0x1;
	v0 =	vimm.s32 @p1 $0xFFFFFFFF  }
0x1e6: {  	s0 =	sadd.s32 $0xFFFFFFFF, s6;
	[tilespmem:$0xA938] =	vst @p1 v0  }
0x1e7: {  	v0 =	vld.msk @!p1 [tilespmem:s0+$0xA118], $0x1;
	_ =	sdelay $0x1  }
0x1e8: {  	v1 =	vld.msk @!p1 [tilespmem:$0xA118], $0x1;
	_ =	sdelay $0x2  }
0x1e9: {  	p2 =	seq.s32 @!p1 s0, $0x0;
	v0 =	vbroadcast @!p1 v0, $0x0  }
0x1ea: {  	vm0 =	vmmov @!p1 $0x1;
	p2 =	por !p2, p1  }
0x1eb: {  	v1 =	vnsel @!p1 vm0, $0xFFFFFFFF, v1;
	vm0 =	vcmask @!p1 $0x308;
	v0 =	vpsel !p2, $0xFFFFFFFF, v0  }
0x1ec: {  	p2 =	sne.s32 @!p1 s8, s7;
	v0 =	vsel @!p1 vm0, v1, v0  }
0x1ed: {  	s2 =	simm.s32 @!p1 $0xA138;
	s3 =	simm.s32 @!p1 $0x0;
	p3 =	por !p2, p1;
	[tilespmem:$0xA938] =	vst @!p1 v0  }
0x1ee: {  	[spmem:s3] =	stream.linear.scatter @!p1 [tilespmem:s2], [sflag:$0x1], $0x40, $0x38;
	[tilespmem:$0x1EF88] =	vst v63  }
0x1ef: {  	s2 =	sshll.u32 @!p3 s0, $0x8  }
0x1f0: {  	s2 =	sshra.s32 @!p3 s2, $0x2  }
0x1f1: {  	s3 =	simm.s32 @!p3 $0x40;
	s2 =	sadd.s32 @!p3 $0xA138, s2  }
0x1f2: {  	[spmem:s3] =	stream.linear.scatter @!p3 [tilespmem:s2], [sflag:$0x1], $0x40, $0x38;
	[tilespmem:$0x1EF88] =	vst v63  }
0x1f3: {  	s2 =	simm.s32 @!p3 $0x1  }
0x1f4: {  	_ =	swait.ge @!p3 [sflag:s2], $0x80  }
0x1f5: {  	p1 =	por p2, p1;
	[sflag:s2] =	ssyncset.done @!p3 $0x0  }
0x1f6: {  	[sflag:s2] =	ssyncadd.s32 @!p3 $0xFFFFFF80;
	s2 =	simm.s32 @!p1 $0x1  }
0x1f7: {  	_ =	swait.ge @!p1 [sflag:s2], $0x40  }
0x1f8: {  	s29 =	simm.s32 $0xA938;
	[sflag:s2] =	ssyncset.done @!p1 $0x0  }
0x1f9: {  	s30 =	simm.s32 $0x800;
	s31 =	simm.s32 $0x1;
	[sflag:s2] =	ssyncadd.s32 @!p1 $0xFFFFFFC0  }
0x1fa: {  	[spmem:s30] =	stream.linear.scatter [tilespmem:s29], [sflag:$0x1], $0x10, $0x38;
	[tilespmem:$0x1EF88] =	vst v63  }
0x1fb: {  	_ =	swait.ge [sflag:s31], $0x10  }
0x1fc: {  	[sflag:s31] =	ssyncset.done $0x0  }
0x1fd: {  	p1 =	seq.s32 s13, $0x0;
	s9 =	rddreg [dreg:$0x1];
	[sflag:s31] =	ssyncadd.s32 $0xFFFFFFF0  }
0x1fe: {  	s3 =	sshll.u32 @p1 s9, $0xE;
	s8 =	rddreg [dreg:$0x2]  }
0x1ff: {  	s2 =	sadd.s32 @p1 $0x15C3C, s3;
	s3 =	sshll.u32 @p1 s8, $0x11  }
0x200: {  	_ =	sfence.stream.spmem;
	s2 =	sor.u32 @p1 s3, s2  }
0x201: {  	[sflag:s2] =	ssyncadd.remote.s32 @p1 $0x1;
	s2 =	simm.s32 @p1 $0x4  }
0x202: {  	s4 =	simm.s32 @!p1 $0x3C;
	s3 =	sand.u32 $0xFFFFFFFE, s9;
	_ =	swait.ge @p1 [sflag:s2], $0x12  }
0x203: {  	s5 =	simm.s32 @!p1 $0x0;
	s3 =	sadd.s32 @!p1 $0x4, s3;
	[sflag:s2] =	ssyncset.done @p1 $0x0  }
0x204: {  	s7 =	simm.s32 @!p1 $0x80;
	[sflag:s2] =	ssyncadd.s32 @p1 $0xFFFFFFEE;
	s2 =	sshll.u32 @!p1 s3, $0x1A  }
0x205: {  	s3 =	sshll.u32 @!p1 s3, $0xD;
	s2 =	sor.u32 @!p1 s2, s8;
	_ =	swait.eq @!p1 [sflag:s4], $0x1  }
0x206: {  	s3 =	sor.u32 @!p1 $0x1C04, s3;
	s4 =	simm.s32 @!p1 $0x1C03;
	s2 =	sor.u32 @!p1 $0x80004000, s2  }
0x207: {  	[spmem:s7], [sflag:s3] =	dma.general @!p1 [spmem:s5], [sflag:s4], length:$0x10, [dreg:$0x0], stride_count:$0x0, ici_dest:s2, dma_misc:DstOpCode:WRITE  }
0x208: {  	p2 =	slt.s32 s0, $0x2;
	s5 =	simm.s32 @!p1 $0x100;
	s7 =	simm.s32 @!p1 $0x102  }
0x209: {  	[spmem:s7], [sflag:s3] =	dma.general @!p1 [spmem:s5], [sflag:s4], length:$0x2, [dreg:$0x0], stride_count:$0x0, ici_dest:s2, dma_misc:DstOpCode:WRITE  }
.Ltmp29:
0x20a: {  	s2 =	simm.s32 @!p1 $0x3;
	(pc) =	sbr.rel @p2 .LBB2_42-.Ltmp29, $4  }
0x20b: {  	s3 =	sshll.u32 @!p1 s9, $0xE;
	_ =	swait.ge @!p1 [sflag:s2], $0x12  }
0x20c: {  	s4 =	sshll.u32 @!p1 s8, $0x11;
	s3 =	sadd.s32 @!p1 $0x11C3C, s3;
	[sflag:s2] =	ssyncset.done @!p1 $0x0  }
0x20d: {  	[sflag:s2] =	ssyncadd.s32 @!p1 $0xFFFFFFEE;
	s2 =	sor.u32 @!p1 s4, s3  }
0x20e: {  	s0 =	simm.s32 $0x0;
	[sflag:s2] =	ssyncadd.remote.s32 @!p1 $0xFFFFFFFF  }
0x20f: {  	s0 =	simm.s32 $0xA119  }
0x210: {  	v0 =	vld.msk [tilespmem:s0+$0x0], $0x1;
	_ =	sdelay $0x4  }
0x211: {  	(v2sf) =	vpush v0, $0x0;
	_ =	sdelay $0xc  }
0x212: {  	s2 =	sadd.s32 $0xFFFFFFFE, s6  }
0x213: {  	s2 =	sadd.s32 $0xFFFFFFFF, s2  }
0x214: {  	p2 =	sne.s32 s2, $0x0;
	s3 =	spop (v2sf)  }
.Ltmp30:
0x215: {  	p1 =	sgt.u32 s3, $0x270F8;
	(pc) =	sbr.rel @!p2 .LBB2_41-.Ltmp30, $4  }
0x216: {  	s5 =	simm.s32 $0x0;
	s4 =	sand.u32 @!p1 $0x3FFF8, s3  }
0x217: {  	s0 =	simm.s32 $0xA178;
	s3 =	sand.u32 @!p1 $0x7, s3;
	s4 =	sadd.s32 @!p1 s1, s4  }
0x218: {  	[hbm4b:s4+s3] =	stream.linear.scatter @!p1 [tilespmem:s0], [sflag:$0x5], $0x40, $0x38;
	[tilespmem:$0x1EF88] =	vst v63  }
0x219: {  	s5 =	simm.s32 @!p1 $0x100;
	s3 =	simm.s32 $0x0;
	s4 =	simm.s32 $0xA11A  }
.LBB2_40:
0x21a: {  	v0 =	vld.msk [tilespmem:s4+$0x0], $0x1;
	s2 =	sadd.s32 $0xFFFFFFFF, s2;
	s3 =	sadd.s32 s3, s5  }
0x21b: {  	p1 =	sne.s32 s2, $0x0;
	_ =	sdelay $0x3  }
0x21c: {  	(v2sf) =	vpush v0, $0x0;
	_ =	sdelay $0xe  }
.Ltmp31:
0x21d: {  	s6 =	spop (v2sf);
	(pc) =	sbr.rel @p1 .LBB2_40-.Ltmp31, $4  }
0x21e: {  	s5 =	simm.s32 $0x0;
	p2 =	sgt.u32 s6, $0x270F8  }
0x21f: {  	s0 =	sadd.s32 $0x40, s0;
	s5 =	simm.s32 @!p2 $0x100;
	s7 =	sand.u32 @!p2 $0x3FFF8, s6  }
0x220: {  	s4 =	sadd.s32 $0x1, s4;
	s6 =	sand.u32 @!p2 $0x7, s6;
	s7 =	sadd.s32 @!p2 s1, s7  }
0x221: {  	[hbm4b:s7+s6] =	stream.linear.scatter @!p2 [tilespmem:s0], [sflag:$0x5], $0x40, $0x38;
	[tilespmem:$0x1EF88] =	vst v63  }
.LBB2_41:
0x222: {  	s0 =	sadd.s32 s3, s5  }
0x223: {  	s0 =	sshrl.u32 s0, $0x2  }
.LBB2_42:
0x224: {  	s2 =	simm.s32 $0x5  }
0x225: {  	_ =	swait.ge [sflag:s2], s0  }
0x226: {  	s31 =	ssub.s32 $0x0, s0;
	[sflag:s2] =	ssyncset.done $0x0  }
0x227: {  	[sflag:s2] =	ssyncadd.s32 s31  }
0x228: {  	[sflag:s2] =	ssyncpa.u1 $0x1  }
.LBB2_43:
0x229: {  	s0 =	sor.u32 s13, s14  }
0x22a: {  	p1 =	sne.s32 s0, $0x0  }
.Ltmp32:
0x22b: {  	_ = 	snop;
	(pc) =	sbr.rel @p1 .LBB2_58-.Ltmp32, $3  }
0x22c: {  	_ =	sdelay $0x1  }
0x22d: {  	[bflag:$0x0] =	sbarrier.arrive $0xFFFF  }
0x22e: {  	_ =	sfence  }
0x22f: {  	s2 =	simm.s32 $0x7  }
0x230: {  	s0 =	simm.s32 $0x800;
	s3 =	simm.s32 $0xA118;
	[sflag:s2] =	ssyncpa.u1 $0x0  }
0x231: {  	[tilespmem:s3], [sflag:$0x7] =	stream.linear.gather [spmem:s0], $0x20, $0x38;
	[tilespmem:$0x1EF88] =	vst v63  }
0x232: {  	s30 =	simm.s32 $0xA138;
	s0 =	simm.s32 $0x0  }
0x233: {  	[tilespmem:s30], [sflag:$0x7] =	stream.linear.gather [spmem:s0], $0x800, $0x38;
	[tilespmem:$0x1EF88] =	vst v63  }
.Ltmp33:
0x234: {  	_ = 	snop;
	(pc) =	sbr.rel .LBB2_45-.Ltmp33, $4  }
0x235: {  	_ =	swait.ge [sflag:s2], $0x820  }
0x236: {  	[sflag:s2] =	ssyncset.done $0x0  }
0x237: {  	s31 =	simm.s32 $0x8;
	[sflag:s2] =	ssyncadd.s32 $0xFFFFF7E0  }
0x238: {  	s2 =	simm.s32 $0x0;
	[sflag:s31] =	ssyncpa.u1 $0x0  }
.LBB2_51:
0x239: {  	p1 =	slt.u32 s3, $0x270F9  }
0x23a: {  	s4 =	sand.u32 @p1 $0x3FFF8, s3  }
0x23b: {  	s3 =	sand.u32 @p1 $0x7, s3;
	s5 =	simm.s32 @p1 $0xA0C8;
	s4 =	sadd.s32 @p1 s1, s4  }
0x23c: {  	[tilespmem:s5], [sflag:$0x8] =	stream.linear.gather @p1 [hbm4b:s4+s3], $0x40, $0x38;
	[tilespmem:$0x1EF88] =	vst v63  }
0x23d: {  	s3 =	simm.s32 @p1 $0x8  }
0x23e: {  	_ =	swait.ge @p1 [sflag:s3], $0x40  }
0x23f: {  	[sflag:s3] =	ssyncset.done @p1 $0x0  }
0x240: {  	[sflag:s3] =	ssyncadd.s32 @p1 $0xFFFFFFC0  }
0x241: {  	v1 =	vld @p1 [tilespmem:$0xA0C8];
	_ =	sdelay $0x2  }
0x242: {  	s3 =	sshll.u32 @p1 s2, $0x8  }
0x243: {  	s4 =	sshrl.u32 @p1 s3, $0x2  }
0x244: {  	[tilespmem:s4+$0xA138] =	vst.add.f32.msk @p1 $0xffff, v1  }
0x245: {  	v1 =	vld @p1 [tilespmem:$0xA0D8];
	_ =	sdelay $0x4  }
0x246: {  	[tilespmem:s4+$0xA148] =	vst.add.f32.msk @p1 $0xffff, v1  }
0x247: {  	v1 =	vld @p1 [tilespmem:$0xA0E8];
	_ =	sdelay $0x4  }
0x248: {  	[tilespmem:s4+$0xA158] =	vst.add.f32.msk @p1 $0xffff, v1  }
0x249: {  	v1 =	vld @p1 [tilespmem:$0xA0F8];
	_ =	sdelay $0x3  }
0x24a: {  	s5 =	sshll.u32 @!p1 s2, $0x8  }
0x24b: {  	s5 =	smov.u32 @p1 s3;
	[tilespmem:s4+$0xA168] =	vst.add.f32.msk @p1 $0xffff, v1  }
0x24c: {  	s3 =	sshrl.u32 s5, $0x2;
	[tilespmem:s0+$0xA118] =	vst.msk $0x1, v0  }
0x24d: {  	v0 =	vld [tilespmem:s3+$0xA138];
	_ =	sdelay $0x2  }
0x24e: {  	s31 =	sshll.u32 s0, $0x8  }
0x24f: {  	s4 =	sshra.s32 s31, $0x2  }
0x250: {  	[tilespmem:s4+$0xA138] =	vst v0  }
0x251: {  	v0 =	vld [tilespmem:s3+$0xA148];
	_ =	sdelay $0x4  }
0x252: {  	[tilespmem:s4+$0xA148] =	vst v0  }
0x253: {  	v0 =	vld [tilespmem:s3+$0xA158];
	_ =	sdelay $0x4  }
0x254: {  	[tilespmem:s4+$0xA158] =	vst v0  }
0x255: {  	v0 =	vld [tilespmem:s3+$0xA168];
	_ =	sdelay $0x4  }
0x256: {  	s0 =	sadd.s32 $0x1, s0;
	[tilespmem:s4+$0xA168] =	vst v0  }
.LBB2_52:
0x257: {  	s2 =	sadd.s32 $0x1, s2  }
0x258: {  	p1 =	sne.s32 s2, $0x20  }
.Ltmp34:
0x259: {  	_ = 	snop;
	(pc) =	sbr.rel @!p1 .LBB2_53-.Ltmp34, $1  }
0x25a: {  	_ =	sdelay $0x3  }
.LBB2_45:
0x25b: {  	v0 =	vld.msk [tilespmem:s2+$0xA118], $0x1;
	_ =	sdelay $0x4  }
0x25c: {  	(v2sf) =	vpush v0, $0x0;
	_ =	sdelay $0xe  }
0x25d: {  	s3 =	spop (v2sf)  }
0x25e: {  	p1 =	seq.s32 s3, $0xFFFFFFFF  }
.Ltmp35:
0x25f: {  	_ = 	snop;
	(pc) =	sbr.rel @p1 .LBB2_52-.Ltmp35, $1  }
0x260: {  	_ =	sdelay $0x3  }
0x261: {  	p1 =	slt.s32 s0, $0x1  }
.Ltmp36:
0x262: {  	_ = 	snop;
	(pc) =	sbr.rel @p1 .LBB2_51-.Ltmp36, $1  }
0x263: {  	_ =	sdelay $0x3  }
0x264: {  	s4 =	simm.s32 $0xA118;
	p1 =	por $0x0, $0x0  }
0x265: {  	v1 =	vld.msk @!p1 [tilespmem:s4+$0x0], $0x1;
	_ =	sdelay $0x4  }
0x266: {  	(v2sf) =	vpush @!p1 v1, $0x0;
	_ =	sdelay $0xd  }
0x267: {  	p3 =	sne.s32 s0, $0x1  }
.Ltmp37:
0x268: {  	s5 =	spop @!p1 (v2sf);
	(pc) =	sbr.rel @!p3 .LBB2_49-.Ltmp37, $4  }
0x269: {  	p2 =	seq.s32 @!p1 s3, s5  }
0x26a: {  	s5 =	simm.s32 $0x0;
	p2 =	por !p2, p1  }
0x26b: {  	s7 =	simm.s32 $0xFFFFFFFF;
	s5 =	simm.s32 @p2 $0xFFFFFFFF  }
0x26c: {  	s6 =	simm.s32 $0x1;
	s5 =	smov.u32 @p1 s7  }
.LBB2_48:
0x26d: {  	s7 =	smov.u32 s5;
	p1 =	sne.s32 s5, $0xFFFFFFFF  }
0x26e: {  	s4 =	sadd.s32 $0x1, s4;
	s5 =	smov.u32 s6;
	s6 =	sadd.s32 $0x1, s6  }
0x26f: {  	p2 =	sne.s32 s0, s6;
	v1 =	vld.msk @!p1 [tilespmem:s4+$0x0], $0x1;
	_ =	sdelay $0x4  }
0x270: {  	(v2sf) =	vpush @!p1 v1, $0x0;
	_ =	sdelay $0xe  }
.Ltmp38:
0x271: {  	s8 =	spop @!p1 (v2sf);
	(pc) =	sbr.rel @p2 .LBB2_48-.Ltmp38, $4  }
0x272: {  	p3 =	seq.s32 @!p1 s3, s8  }
0x273: {  	p3 =	por !p3, p1  }
0x274: {  	s5 =	simm.s32 @p3 $0xFFFFFFFF  }
0x275: {  	s5 =	smov.u32 @p1 s7  }
.LBB2_49:
0x276: {  	p1 =	seq.s32 s5, $0xFFFFFFFF  }
.Ltmp39:
0x277: {  	_ = 	snop;
	(pc) =	sbr.rel @p1 .LBB2_51-.Ltmp39, $1  }
0x278: {  	_ =	sdelay $0x3  }
0x279: {  	s3 =	sshll.u32 s2, $0x6  }
0x27a: {  	s3 =	sand.u32 $0x3FFFFFC0, s3  }
0x27b: {  	v0 =	vld [tilespmem:s3+$0xA138];
	_ =	sdelay $0x2  }
0x27c: {  	s4 =	sshll.u32 s5, $0x8  }
0x27d: {  	s4 =	sshra.s32 s4, $0x2  }
0x27e: {  	[tilespmem:s4+$0xA138] =	vst.add.f32.msk $0xffff, v0  }
0x27f: {  	v0 =	vld [tilespmem:s3+$0xA148];
	_ =	sdelay $0x4  }
0x280: {  	[tilespmem:s4+$0xA148] =	vst.add.f32.msk $0xffff, v0  }
0x281: {  	v0 =	vld [tilespmem:s3+$0xA158];
	_ =	sdelay $0x4  }
0x282: {  	[tilespmem:s4+$0xA158] =	vst.add.f32.msk $0xffff, v0  }
0x283: {  	v0 =	vld [tilespmem:s3+$0xA168]  }
.Ltmp40:
0x284: {  	_ = 	snop;
	(pc) =	sbr.rel .LBB2_52-.Ltmp40, $2  }
0x285: {  	_ =	sdelay $0x2  }
0x286: {  	[tilespmem:s4+$0xA168] =	vst.add.f32.msk $0xffff, v0  }
.LBB2_53:
0x287: {  	p1 =	slt.s32 s0, $0x1  }
.Ltmp41:
0x288: {  	_ = 	snop;
	(pc) =	sbr.rel @p1 .LBB2_57-.Ltmp41, $3  }
0x289: {  	_ =	sdelay $0x1  }
0x28a: {  	s2 =	simm.s32 $0x8  }
0x28b: {  	[sflag:s2] =	ssyncpa.u1 $0x1;
	s2 =	simm.s32 $0x0  }
0x28c: {  	s3 =	simm.s32 $0xA118  }
0x28d: {  	v0 =	vld.msk [tilespmem:s3+$0x0], $0x1;
	_ =	sdelay $0x4  }
0x28e: {  	(v2sf) =	vpush v0, $0x0;
	_ =	sdelay $0xe  }
0x28f: {  	s0 =	sadd.s32 $0xFFFFFFFF, s0;
	s4 =	spop (v2sf)  }
0x290: {  	p2 =	sne.s32 s0, $0x0;
	p1 =	sgt.u32 s4, $0x270F8  }
.Ltmp42:
0x291: {  	s5 =	sand.u32 @!p1 $0x3FFF8, s4;
	(pc) =	sbr.rel @!p2 .LBB2_56-.Ltmp42, $4  }
0x292: {  	s3 =	simm.s32 $0xA138;
	s4 =	sand.u32 @!p1 $0x7, s4;
	s5 =	sadd.s32 @!p1 s1, s5  }
0x293: {  	[hbm4b:s5+s4] =	stream.linear.scatter @!p1 [tilespmem:s3], [sflag:$0x7], $0x40, $0x38;
	[tilespmem:$0x1EF88] =	vst v63  }
0x294: {  	s5 =	simm.s32 $0x0  }
0x295: {  	s4 =	simm.s32 $0xA119;
	s5 =	simm.s32 @!p1 $0x100  }
.LBB2_55:
0x296: {  	v0 =	vld.msk [tilespmem:s4+$0x0], $0x1;
	s0 =	sadd.s32 $0xFFFFFFFF, s0;
	s2 =	sadd.s32 s2, s5  }
0x297: {  	p1 =	sne.s32 s0, $0x0;
	_ =	sdelay $0x3  }
0x298: {  	(v2sf) =	vpush v0, $0x0;
	_ =	sdelay $0xe  }
.Ltmp43:
0x299: {  	s6 =	spop (v2sf);
	(pc) =	sbr.rel @p1 .LBB2_55-.Ltmp43, $4  }
0x29a: {  	s5 =	simm.s32 $0x0;
	p2 =	sgt.u32 s6, $0x270F8  }
0x29b: {  	s3 =	sadd.s32 $0x40, s3;
	s5 =	simm.s32 @!p2 $0x100;
	s7 =	sand.u32 @!p2 $0x3FFF8, s6  }
0x29c: {  	s4 =	sadd.s32 $0x1, s4;
	s6 =	sand.u32 @!p2 $0x7, s6;
	s7 =	sadd.s32 @!p2 s1, s7  }
0x29d: {  	[hbm4b:s7+s6] =	stream.linear.scatter @!p2 [tilespmem:s3], [sflag:$0x7], $0x40, $0x38;
	[tilespmem:$0x1EF88] =	vst v63  }
.LBB2_56:
0x29e: {  	s0 =	sadd.s32 s2, s5  }
0x29f: {  	s2 =	sshrl.u32 s0, $0x2  }
.LBB2_57:
0x2a0: {  	s0 =	simm.s32 $0x7  }
0x2a1: {  	_ =	swait.ge [sflag:s0], s2  }
0x2a2: {  	s1 =	ssub.s32 $0x0, s2;
	[sflag:s0] =	ssyncset.done $0x0  }
0x2a3: {  	[sflag:s0] =	ssyncadd.s32 s1  }
0x2a4: {  	[sflag:s0] =	ssyncpa.u1 $0x1  }
.LBB2_58:
0x2a5: {  	_ =	sfence;
	s0 =	simm.s32 $0x1  }
0x2a6: {  	[sflag:s0] =	ssyncpa.u1 $0x1  }
0x2a7: {  	_ =	strace $0x9000004D  }
0x2a8: {  	[bflag:$0x2] =	sbarrier.arrive $0xFFFF  }
0x2a9: {  	s0 =	rddreg [dreg:$0x3]  }
0x2aa: {  	s0 =	sadd.s32 @!p0 $0x100000, s0  }
0x2ab: {  	[sflag:s0] =	ssyncadd.tile.s32 @!p0 $0x1;
	_ =	shalt  }
.Lfunc_end2:
_tile_overlayer_lowered:
.L_overlay_start_2:
0x2ac: {  	(tag) =	ssettag $0x2  }
0x2ad: {  	s0 =	rddreg [dreg:$0x0];
	s2 =	stileid.u32  }
0x2ae: {  	s1 =	rddreg [dreg:$0x1];
	p0 =	sne.s32 s2, $0x0  }
0x2af: {  	s3 =	rddreg [dreg:$0x2];
	[bflag:$0x3] =	sbarrier.arrive $0xFFFF;
	s2 =	simm.s32 @!p0 $0x1C01  }
0x2b0: {  	[timem:s3], [sflag:s2] =	dma.local @!p0 [hbm:s0], s1  }
0x2b1: {  	s0 =	simm.s32 @!p0 $0x1  }
0x2b2: {  	_ =	swait.ge @!p0 [sflag:s0], s1  }
0x2b3: {  	s1 =	ssub.s32 @!p0 $0x0, s1;
	[sflag:s0] =	ssyncset.done @!p0 $0x0  }
0x2b4: {  	[sflag:s0] =	ssyncadd.s32 @!p0 s1  }
0x2b5: {  	[bflag:$0x3] =	sbarrier.arrive $0xFFFF  }
0x2b6: {  	_ =	shalt  }

// kernel: scatter_offload_async_start.6
scs
__scs_entry_jumppad:
0x0: {  	(pc) =	sbr.rel $0x88, $3  }
0x1: {  	(tag) =	ssettag $0x0;
	lr =	simm.s32 $0x1  }
0x2: {  	[smem:$0x3F7C] =	sst lr;
	_ =	strace $0xD0000000  }
0x3: {  	_ = 	snop  }
0x4: {  	_ = 	snop  }
0x5: {  	_ = 	snop  }
0x6: {  	_ = 	snop  }
0x7: {  	_ = 	snop  }
__scs_overlays_trampoline_lowered:
0x8: {  	[smem:$0x3F8B] =	sst s0  }
0x9: {  	[smem:$0x3F8C] =	sst s1  }
0xa: {  	[smem:$0x3F8D] =	sst s2  }
0xb: {  	[smem:$0x3F8E] =	sst s3  }
0xc: {  	[smem:$0x3F8F] =	sst s4  }
0xd: {  	[smem:$0x3F90] =	sst s5  }
0xe: {  	[smem:$0x3F91] =	sst s6  }
0xf: {  	[smem:$0x3F92] =	sst s7  }
0x10: {  	[smem:$0x3F93] =	sst s8  }
0x11: {  	[smem:$0x3F94] =	sst s9;
	s0 =	simm.s32 @!p0 $0x0  }
0x12: {  	s1 =	sld [smem:$0x3F7A];
	s0 =	simm.s32 @p0 $0x1  }
0x13: {  	[smem:$0x3F95] =	sst s0;
	s0 =	simm.s32 @!p1 $0x0  }
0x14: {  	s2 =	sld [smem:$0x3F79];
	s0 =	simm.s32 @p1 $0x1  }
0x15: {  	[smem:$0x3F96] =	sst s0;
	s0 =	simm.s32 @!p2 $0x0  }
0x16: {  	s3 =	sld [smem:$0x3FDB];
	s0 =	simm.s32 @p2 $0x1  }
0x17: {  	s4 =	simm.s32 $0x1BF5;
	[smem:$0x3F98] =	sst s0  }
0x18: {  	s0 =	sld [smem:$0x3F7B];
	_ =	swait.ge [sflag:s4], $0x0  }
0x19: {  	s7 =	sld [smem:$0x3F7C]  }
0x1a: {  	s8 =	sadd.s32 $0xFFFFE003, lr  }
0x1b: {  	s9 =	sadd.s32 $0xFFFFFEF7, lr;
	s5 =	simm.s32 $0xFFFFFFFF;
	p2 =	slt.u32 s8, $0xFFFFF086  }
0x1c: {  	p1 =	slt.u32 s9, $0xF7A;
	s5 =	simm.s32 @!p2 $0x0  }
0x1d: {  	s5 =	simm.s32 @p1 $0x1;
	p0 =	seq.s32 s7, s2  }
0x1e: {  	s7 =	smul.u32 @!p0 $0xF7A, s2;
	p2 =	seq.s32 @!p0 s5, $0x0  }
0x1f: {  	s9 =	smul.u32 $0xF7A, s1;
	s8 =	simm.s32 @!p0 $0x1BF5;
	p2 =	por !p2, p0  }
0x20: {  	[sflag:s8] =	ssyncset.s32 @!p0 $0xFFFFF086;
	s6 =	sadd.s32 @!p0 s3, s7;
	s7 =	simm.s32 @!p0 $0x108  }
0x21: {  	s3 =	sadd.s32 s3, s9;
	s6 =	sadd.s32 @!p0 $0x88, s6;
	s7 =	simm.s32 @p2 $0x1082  }
0x22: {  	[simem:s7], [sflag:s8] =	dma.local @!p0 [hbm:s6], $0xF7A  }
0x23: {  	s9 =	sor.u32 $0xD0000000, s2;
	s6 =	simm.s32 $0x108;
	_ =	swait.ge @!p0 [sflag:s8], $0x0  }
0x24: {  	s3 =	sadd.s32 $0x88, s3;
	s6 =	simm.s32 @!p1 $0x1082;
	[sflag:s4] =	ssyncset.s32 $0xFFFFF086  }
0x25: {  	[simem:s6], [sflag:s4] =	dma.local [hbm:s3], $0xF7A  }
0x26: {  	[smem:$0x3F7C] =	sst s1;
	(tag) =	ssettag s2;
	_ =	strace s9  }
0x27: {  	s1 =	sld [smem:$0x3F8C]  }
0x28: {  	s2 =	sld [smem:$0x3F8D]  }
0x29: {  	s4 =	sld [smem:$0x3F8F]  }
0x2a: {  	p0 =	seq.s32 s5, $0x0;
	s5 =	sld [smem:$0x3F90]  }
0x2b: {  	s6 =	sld [smem:$0x3F91]  }
0x2c: {  	s7 =	sld [smem:$0x3F92]  }
0x2d: {  	s3 =	simm.s32 $0x108;
	s8 =	sld [smem:$0x3F93]  }
0x2e: {  	s3 =	simm.s32 @!p0 $0x1082;
	s9 =	sld [smem:$0x3F94]  }
0x2f: {  	lr =	sadd.s32 s0, s3;
	s0 =	sld [smem:$0x3F8B]  }
0x30: {  	s3 =	sld [smem:$0x3F8E]  }
0x31: {  	[smem:$0x3F97] =	sst s10  }
0x32: {  	s10 =	sld [smem:$0x3F95];
	_ =	sdelay $0x3  }
0x33: {  	p0 =	seq.s32 s10, $0x1;
	s10 =	sld [smem:$0x3F97];
	_ =	sdelay $0x3  }
0x34: {  	[smem:$0x3F97] =	sst s10  }
0x35: {  	s10 =	sld [smem:$0x3F96];
	_ =	sdelay $0x3  }
0x36: {  	p1 =	seq.s32 s10, $0x1;
	s10 =	sld [smem:$0x3F97];
	_ =	sdelay $0x3  }
0x37: {  	[smem:$0x3F97] =	sst s10  }
0x38: {  	s10 =	sld [smem:$0x3F98]  }
0x39: {  	_ = 	snop;
	(pc) =	sbr.ind lr, $3  }
0x3a: {  	_ = 	snop  }
0x3b: {  	_ = 	snop  }
0x3c: {  	p2 =	seq.s32 s10, $0x1;
	s10 =	sld [smem:$0x3F97]  }
0x3d: {  	_ =	shalt  }
0x3e: {  	_ =	shalt  }
0x3f: {  	_ =	shalt  }
0x40: {  	_ =	shalt  }
0x41: {  	_ =	shalt  }
0x42: {  	_ =	shalt  }
0x43: {  	_ =	shalt  }
0x44: {  	_ =	shalt  }
0x45: {  	_ =	shalt  }
0x46: {  	_ =	shalt  }
0x47: {  	_ =	shalt  }
0x48: {  	_ =	shalt  }
0x49: {  	_ =	shalt  }
0x4a: {  	_ =	shalt  }
0x4b: {  	_ =	shalt  }
0x4c: {  	_ =	shalt  }
0x4d: {  	_ =	shalt  }
0x4e: {  	_ =	shalt  }
0x4f: {  	_ =	shalt  }
0x50: {  	_ =	shalt  }
0x51: {  	_ =	shalt  }
0x52: {  	_ =	shalt  }
0x53: {  	_ =	shalt  }
0x54: {  	_ =	shalt  }
0x55: {  	_ =	shalt  }
0x56: {  	_ =	shalt  }
0x57: {  	_ =	shalt  }
0x58: {  	_ =	shalt  }
0x59: {  	_ =	shalt  }
0x5a: {  	_ =	shalt  }
0x5b: {  	_ =	shalt  }
0x5c: {  	_ =	shalt  }
0x5d: {  	_ =	shalt  }
0x5e: {  	_ =	shalt  }
0x5f: {  	_ =	shalt  }
0x60: {  	_ =	shalt  }
0x61: {  	_ =	shalt  }
0x62: {  	_ =	shalt  }
0x63: {  	_ =	shalt  }
0x64: {  	_ =	shalt  }
0x65: {  	_ =	shalt  }
0x66: {  	_ =	shalt  }
0x67: {  	_ =	shalt  }
0x68: {  	_ =	shalt  }
0x69: {  	_ =	shalt  }
0x6a: {  	_ =	shalt  }
0x6b: {  	_ =	shalt  }
0x6c: {  	_ =	shalt  }
0x6d: {  	_ =	shalt  }
0x6e: {  	_ =	shalt  }
0x6f: {  	_ =	shalt  }
0x70: {  	_ =	shalt  }
0x71: {  	_ =	shalt  }
0x72: {  	_ =	shalt  }
0x73: {  	_ =	shalt  }
0x74: {  	_ =	shalt  }
0x75: {  	_ =	shalt  }
0x76: {  	_ =	shalt  }
0x77: {  	_ =	shalt  }
0x78: {  	_ =	shalt  }
0x79: {  	_ =	shalt  }
0x7a: {  	_ =	shalt  }
0x7b: {  	_ =	shalt  }
0x7c: {  	_ =	shalt  }
0x7d: {  	_ =	shalt  }
0x7e: {  	_ =	shalt  }
0x7f: {  	_ =	shalt  }
0x80: {  	_ =	shalt  }
0x81: {  	_ =	shalt  }
0x82: {  	_ =	shalt  }
0x83: {  	_ =	shalt  }
0x84: {  	_ =	shalt  }
0x85: {  	_ =	shalt  }
0x86: {  	_ =	shalt  }
0x87: {  	_ =	shalt  }
.Lfunc_end0:
.L_simem_size_0:
called_computation.1_lowered:
.L_overlay_start_0:
0x88: {  	s2 =	sld [smem:$0x3FD9]  }
0x89: {  	s3 =	sld [smem:$0x3FFE];
	_ =	sdelay $0x1  }
0x8a: {  	s1 =	srdreg.scid  }
0x8b: {  	s0 =	sand.u32 $0x1, s1  }
0x8c: {  	s15 =	sshll.u32 s0, $0xA;
	s2 =	sadd.s32 s3, s2  }
0x8d: {  	s2 =	sadd.s32 s2, s15  }
0x8e: {  	[smem:$0x3FA3] =	sst s2  }
0x8f: {  	_ = 	snop  }
0x90: {  	(tm) =	ssettm $0x1  }
0x91: {  	s16 =	sld [smem:$0x3FFB];
	_ =	sdelay $0x3  }
0x92: {  	_ =	strace s16  }
0x93: {  	s2 =	sld [smem:$0x3FFC];
	_ =	sdelay $0x3  }
0x94: {  	_ =	strace s2  }
0x95: {  	s2 =	sld [smem:$0x3FFD];
	_ =	sdelay $0x3  }
0x96: {  	_ =	strace s2  }
0x97: {  	_ =	strace $0x8FFFFFFF  }
0x98: {  	s17 =	sld [smem:$0x3FDB];
	_ =	sdelay $0x1  }
0x99: {  	s18 =	simm.s32 $_scs_section_size  }
0x9a: {  	s4 =	simm.s32 $_size__tile_overlayer_lowered;
	s5 =	simm.s32 $_tile_overlayer_lowered  }
0x9b: {  	s21 =	simm.s32 $0x1BFF;
	s20 =	sshll.u32 s5, $0x1;
	s2 =	sadd.s32 s18, s17  }
0x9c: {  	s6 =	simm.s32 $0x0;
	s19 =	sshll.u32 s4, $0x1;
	s4 =	sadd.s32 s20, s2  }
0x9d: {  	[timem:s6], [sflag:s21] =	dma.local [hbm:s4], s19  }
0x9e: {  	_ =	swait.ge [sflag:s21], s19  }
0x9f: {  	s3 =	ssub.s32 $0x0, s19;
	[sflag:s21] =	ssyncset.done $0x0  }
0xa0: {  	[sflag:s21] =	ssyncadd.s32 s3;
	_ =	sdelay $0x1  }
0xa1: {  	s22 =	simm.s32 $0x1B8B  }
0xa2: {  	_ =	swait.ge [sflag:s22], $0x1  }
0xa3: {  	[sflag:s22] =	ssyncset.done $0x0  }
0xa4: {  	s23 =	sld [smem:$0x3FFE];
	[sflag:s22] =	ssyncadd.s32 $0xFFFFFFFF  }
0xa5: {  	s25 =	simm.s32 $0x1B8E;
	s24 =	sld [smem:$0x0]  }
0xa6: {  	s26 =	simm.s32 $execute0_lowered;
	[smem:$0x3FD2] =	sst s25  }
0xa7: {  	s5 =	sshll.u32 s26, $0x1;
	_ =	strace $0x80000058;
	[dreg:$0x1] =	wrdreg $0xFFFFFFFF  }
0xa8: {  	s28 =	simm.s32 $_size_execute0_lowered;
	s2 =	sadd.s32 s2, s5;
	[dreg:$0x0] =	wrdreg $0x0  }
0xa9: {  	s5 =	sshll.u32 s28, $0x1;
	[dreg:$0x2] =	wrdreg s2  }
0xaa: {  	[dreg:$0x3] =	wrdreg s5  }
0xab: {  	[dreg:$0x4] =	wrdreg $0xC0  }
0xac: {  	_ =	task [dreg:s6], $0x5FFFF  }
0xad: {  	[dreg:$0x1] =	wrdreg $0xFFFFFFFF  }
0xae: {  	[dreg:$0x0] =	wrdreg $0x60  }
0xaf: {  	[dreg:$0x2] =	wrdreg s23  }
0xb0: {  	[dreg:$0x3] =	wrdreg s1  }
0xb1: {  	[dreg:$0x4] =	wrdreg s24  }
0xb2: {  	[dreg:$0x5] =	wrdreg $0x9  }
0xb3: {  	_ =	task.clear_ibuf [dreg:s6], $0x6FFFF;
	_ =	strace $0x90000058  }
0xb4: {  	s29 =	simm.s32 $0x9;
	_ =	strace $0x8000005A  }
0xb5: {  	_ =	swait.ge [sflag:s29], $0x1  }
0xb6: {  	[sflag:s29] =	ssyncadd.s32 $0xFFFFFFFF  }
0xb7: {  	_ =	strace $0x9000005A  }
0xb8: {  	_ =	sfence  }
0xb9: {  	s30 =	sld [smem:$0x0];
	_ =	sdelay $0x2  }
0xba: {  	s31 =	sshll.u32 s1, $0xD;
	s1 =	sshrl.u32 s1, $0x2  }
0xbb: {  	s3 =	sand.u32 $0x4000, s31;
	s1 =	sadd.s32 s1, s30  }
0xbc: {  	s0 =	sor.u32 s3, s0;
	s1 =	sshll.u32 s1, $0x11  }
0xbd: {  	s0 =	sor.u32 s1, s0  }
0xbe: {  	s0 =	sadd.s32 $0x8F2B, s0  }
0xbf: {  	[sflag:s0] =	ssyncadd.remote.s32 $0x1  }
0xc0: {  	_ =	sfence.sel $0xFFFF  }
0xc1: {  	[dreg:$0x0] =	wrdreg $0xFFFFFFFF;
	(pc) =	sbr.abs _section_cstart, $3  }
0xc2: {  	[dreg:$0x1] =	wrdreg $0xFFFFFFFF  }
0xc3: {  	_ =	task.clear_ibuf [dreg:s6], $0x2FFFF;
	_ =	strace $0x9FFFFFFF  }
0xc4: {  	(tm) =	ssettm $0x7FFFFFFF  }
0xc5: {  	_ =	shalt  }
tec
execute0_lowered:
.L_overlay_start_1:
0x0: {  	(tag) =	ssettag $0x1  }
0x1: {  	s2 =	rddreg [dreg:$0x0]  }
0x2: {  	s4 =	rddreg [dreg:$0x1];
	_ =	strace $0x80000059;
	s0 =	simm.s32 $0x1  }
0x3: {  	s3 =	simm.s32 $0x88;
	v0 =	vimm.s32 $0x0;
	[sflag:s0] =	ssyncpa.u1 $0x0  }
0x4: {  	s1 =	sadd.s32 $0xABE400, s2;
	[tilespmem:s3+$0x30] =	vst v0  }
0x5: {  	s0 =	sadd.s32 $0xAFD800, s2;
	s6 =	sadd.s32 $0xB12800, s2;
	[tilespmem:s3+$0x20] =	vst v0  }
0x6: {  	s2 =	sadd.s32 $0x737C00, s2;
	s7 =	sand.u32 $0x1, s4;
	s4 =	simm.s32 $0x40;
	[tilespmem:s3+$0x10] =	vst v0  }
.LBB2_1:
0x7: {  	s4 =	sadd.s32 $0x40, s4  }
0x8: {  	[tilespmem:s3+$0x0] =	vst v0;
	s3 =	sadd.s32 $0x40, s3;
	p0 =	slt.u32 s4, $0x5040  }
.Ltmp0:
0x9: {  	(pc) =	sbr.rel @p0 .LBB2_1-.Ltmp0, $4  }
0xa: {  	_ = 	snop  }
0xb: {  	[tilespmem:s3+$0x30] =	vst v0  }
0xc: {  	[tilespmem:s3+$0x20] =	vst v0  }
0xd: {  	[tilespmem:s3+$0x10] =	vst v0  }
0xe: {  	s8 =	stileid.u32  }
0xf: {  	s4 =	simm.s32 $0x1;
	p0 =	sne.s32 s8, $0x0  }
0x10: {  	s5 =	sshll.u32 s8, $0x6;
	s4 =	simm.s32 @!p0 $0x0  }
0x11: {  	s4 =	sor.u32 s4, s5  }
0x12: {  	p1 =	seq.s32 s8, $0x0;
	s13 =	smul.u32 $0x140, s4;
	s4 =	simm.s32 $0x5140  }
0x13: {  	s4 =	simm.s32 @!p1 $0x5000  }
0x14: {  	s26 =	simm.s32 $0x2;
	s4 =	sadd.s32 s4, s13  }
0x15: {  	s9 =	simm.s32 $0x9;
	s11 =	simm.s32 $0x1;
	s14 =	smin.u32 s4, $0x50140  }
0x16: {  	s29 =	simm.s32 $0xA;
	[dreg:$0x4] =	wrdreg s7;
	s4 =	ssub.s32 s14, s13  }
0x17: {  	s30 =	smul.u32 $0xA028, s7;
	s31 =	simm.s32 $0xB;
	p1 =	sgt.s32 s4, $0x0  }
0x18: {  	s19 =	simm.s32 $0x0;
	s20 =	simm.s32 $0xA808;
	s4 =	simm.s32 @!p1 $0x0  }
0x19: {  	s21 =	simm.s32 $0xFFFFFFFF;
	p2 =	por $0x0, $0x0;
	s25 =	smulhi.u32 $0x66666667, s4  }
0x1a: {  	[tilespmem:s3+$0x0] =	vst v0;
	s23 =	simm.s32 $0x0;
	[sflag:s26] =	ssyncpa.u1 $0x0;
	s18 =	sshll.u32 s8, $0x7  }
0x1b: {  	s0 =	sadd.s32 s30, s0;
	[dreg:$0xa] =	wrdreg s18;
	s28 =	sshrl.u32 s25, $0x7  }
0x1c: {  	v0 =	vimm.s32 $0xFFFFFFFF;
	s17 =	sadd.s32 s30, s2;
	[dreg:$0x9] =	wrdreg s0;
	s5 =	smul.u32 $0x140, s28  }
0x1d: {  	s26 =	simm.s32 $0x0;
	[tilespmem:$0xA108] =	vst v0;
	[sflag:s9] =	ssyncpa.u1 $0x0;
	[dreg:$0x8] =	wrdreg s17  }
.Ltmp1:
0x1e: {  	p1 =	sne.s32 s4, s5;
	s4 =	simm.s32 $0x1;
	(pc) =	sbr.rel .LBB2_3-.Ltmp1, $4  }
0x1f: {  	[sflag:s29] =	ssyncpa.u1 $0x0;
	[dreg:$0x5] =	wrdreg s13;
	s4 =	simm.s32 @!p1 $0x0  }
0x20: {  	[sflag:s31] =	ssyncpa.u1 $0x0;
	[dreg:$0x6] =	wrdreg s14;
	s15 =	sadd.s32 s4, s28  }
0x21: {  	s24 =	smov.u32 s13;
	s22 =	sadd.s32 $0x1, s15;
	[dreg:$0x7] =	wrdreg s15  }
0x22: {  	v0 =	vlaneseq.u32;
	s25 =	simm.s32 $0x0;
	p1 =	por $0x1, $0x1;
	[dreg:$0xb] =	wrdreg s22  }
.LBB2_22:
0x23: {  	s0 =	sshrl.u32 s3, $0x2  }
.LBB2_24:
0x24: {  	s3 =	simm.s32 $0xC  }
0x25: {  	_ =	swait.ge [sflag:s3], s0  }
0x26: {  	s31 =	ssub.s32 $0x0, s0;
	v1 =	vmov s4;
	vm0 =	veq.s32 v0, $0x0;
	[sflag:s3] =	ssyncset.done $0x0  }
0x27: {  	vm15 =	veq.s32 v0, $0x2;
	v1 =	vsel vm0, s2, v1;
	[sflag:s3] =	ssyncadd.s32 s31  }
0x28: {  	v1 =	vsel vm15, s26, v1;
	[sflag:s3] =	ssyncpa.u1 $0x1  }
0x29: {  	[tilespmem:$0xA108] =	vst v1  }
.LBB2_25:
0x2a: {  	s0 =	sadd.s32 $0x140, s24  }
0x2b: {  	s2 =	smov.u32 s13;
	p3 =	slt.s32 s0, s14  }
0x2c: {  	s2 =	smov.u32 @p3 s0;
	p3 =	sne.s32 s25, s22  }
.Ltmp2:
0x2d: {  	_ = 	snop;
	(pc) =	sbr.rel @!p3 .LBB2_26-.Ltmp2, $4  }
0x2e: {  	_ = 	snop  }
0x2f: {  	s26 =	smov.u32 s23;
	s31 =	sadd.s32 $0x1, s25;
	p1 =	por !p1, !p1  }
0x30: {  	s23 =	smov.u32 s24;
	s20 =	sadd.s32 $0x140, s20;
	s21 =	sadd.s32 $0x1, s21  }
0x31: {  	p2 =	por !p2, !p2;
	s25 =	smov.u32 s31;
	s24 =	smov.u32 s2  }
.LBB2_3:
0x32: {  	p3 =	sge.u32 s25, s15  }
0x33: {  	s0 =	smulhi.u32 @!p3 $0xAAAAAAAB, s25  }
0x34: {  	s2 =	smov.u32 s24;
	p4 =	sgt.s32 @!p3 s24, $0x50000  }
0x35: {  	s3 =	sshra.s32 @!p3 s24, $0x1F;
	p4 =	por !p4, p3;
	s0 =	sshrl.u32 @!p3 s0, $0x1  }
0x36: {  	s3 =	sand.u32 @!p3 s3, s24;
	s2 =	simm.s32 @p4 $0x50000;
	s0 =	smul.u32 @!p3 $0x3, s0  }
0x37: {  	s2 =	ssub.s32 @!p3 s2, s3  }
0x38: {  	s2 =	sadd.s32 @!p3 $0xFFFB0000, s2;
	s0 =	ssub.s32 @!p3 s25, s0  }
0x39: {  	s3 =	sshll.u32 @!p3 s2, $0x2;
	p4 =	sgt.s32 @!p3 s2, $0x13F;
	s0 =	smul.u32 @!p3 $0x500, s0  }
0x3a: {  	s4 =	sand.u32 @!p3 $0x7, s24;
	s2 =	ssub.s32 @!p3 $0x500, s3;
	p4 =	por !p4, p3  }
0x3b: {  	s3 =	sshrl.u32 @!p3 s24, $0x3;
	s2 =	sshrl.u32 @!p3 s2, $0x2;
	s0 =	sshrl.u32 @!p3 s0, $0x2  }
0x3c: {  	s3 =	sadd.s32 @!p3 s3, s17;
	s2 =	simm.s32 @!p4 $0x0;
	s0 =	sadd.s32 @!p3 $0xA948, s0  }
0x3d: {  	[tilespmem:s0], [sflag:$0xA] =	stream.linear.gather @!p3 [hbm4b:s3+s4], s2, $0x38;
	[tilespmem:$0x1EF88] =	vst v63  }
0x3e: {  	s0 =	sadd.s32 $0xFFFFFFFF, s25  }
0x3f: {  	p3 =	sge.u32 s0, s15  }
.Ltmp3:
0x40: {  	_ = 	snop;
	(pc) =	sbr.rel @p3 .LBB2_7-.Ltmp3, $1  }
0x41: {  	_ =	sdelay $0x3  }
0x42: {  	p3 =	sgt.s32 s23, $0x50000;
	s2 =	smov.u32 s23;
	s3 =	sshra.s32 s23, $0x1F  }
0x43: {  	s2 =	simm.s32 @!p3 $0x50000;
	s3 =	sand.u32 s3, s23  }
0x44: {  	s17 =	smulhi.u32 $0xAAAAAAAB, s21;
	s2 =	ssub.s32 s2, s3  }
0x45: {  	s0 =	sand.u32 $0x1, s0;
	s2 =	sadd.s32 $0xFFFB0000, s2  }
0x46: {  	s5 =	simm.s32 $0xA;
	s3 =	sshrl.u32 s17, $0x1;
	s4 =	sshll.u32 s2, $0x2  }
0x47: {  	s7 =	sshrl.u32 s23, $0x3;
	s3 =	smul.u32 $0xFFFFF100, s3;
	s4 =	ssub.s32 $0x500, s4  }
0x48: {  	s18 =	smul.u32 $0x500, s0;
	p3 =	sgt.s32 s2, $0x13F;
	s2 =	sshrl.u32 s4, $0x2  }
0x49: {  	s9 =	sand.u32 $0x7, s23;
	s3 =	sshra.s32 s3, $0x2;
	s2 =	simm.s32 @p3 $0x0  }
0x4a: {  	s0 =	sadd.s32 s3, s20;
	s4 =	sshrl.u32 s18, $0x2;
	_ =	swait.ge [sflag:s5], s2  }
0x4b: {  	s22 =	ssub.s32 $0x0, s2;
	[sflag:s5] =	ssyncset.done $0x0;
	s8 =	rddreg [dreg:$0x9]  }
0x4c: {  	s4 =	sadd.s32 $0xAD08, s4;
	[sflag:s5] =	ssyncadd.s32 s22;
	s3 =	sadd.s32 s7, s8  }
0x4d: {  	[tilespmem:s4], [sflag:$0xB] =	stream.linear.gather [hbm4b:s3+s9], s2, $0x38;
	[tilespmem:$0x1EF88] =	vst v63  }
0x4e: {  	v1 =	vld.msk [tilespmem:s0+$0x0], $0xffff;
	_ =	sdelay $0x4  }
0x4f: {  	v1 =	vshll.u32 v1, $0x4  }
0x50: {  	(v2sf) =	vpush v1, $0x0  }
0x51: {  	(v2sf) =	vpush v1, $0x1  }
0x52: {  	(v2sf) =	vpush v1, $0x2;
	_ =	sdelay $0x3  }
0x53: {  	(v2sf) =	vpush v1, $0x3;
	_ =	sdelay $0x1  }
0x54: {  	(v2sf) =	vpush v1, $0x4  }
0x55: {  	s2 =	simm.s32 $0x1;
	(v2sf) =	vpush v1, $0x5  }
0x56: {  	s2 =	simm.s32 @!p1 $0x0  }
0x57: {  	s2 =	smul.u32 $0x28000, s2;
	(v2sf) =	vpush v1, $0x6;
	_ =	sdelay $0x1  }
0x58: {  	s2 =	sshrl.u32 s2, $0x2  }
0x59: {  	s28 =	sadd.s32 $0xB708, s2  }
0x5a: {  	s13 =	sadd.s32 $0xFFFFF880, s28;
	s17 =	sadd.s32 $0xFFFFF900, s28;
	s10 =	spop (v2sf);
	(v2sf) =	vpush v1, $0x7  }
0x5b: {  	s18 =	sadd.s32 $0xFFFFF980, s28;
	s12 =	sand.u32 $0x1FFFFFF0, s10;
	s14 =	spop (v2sf)  }
0x5c: {  	(v2sf) =	vpush v1, $0x8;
	s2 =	sadd.s32 s6, s12;
	s15 =	sand.u32 $0x1FFFFFF0, s14;
	s16 =	spop (v2sf)  }
0x5d: {  	[tilespmem:s13], [sflag:$0x9] =	stream.linear.gather [hbm4b:s2+s19], $0x40, $0x38;
	[tilespmem:$0x1EF88] =	vst v63  }
0x5e: {  	s5 =	sadd.s32 $0xFFFFFA00, s28;
	s2 =	sadd.s32 s6, s15;
	s3 =	sand.u32 $0x1FFFFFF0, s16  }
0x5f: {  	(v2sf) =	vpush v1, $0x9;
	[tilespmem:s17], [sflag:$0x9] =	stream.linear.gather [hbm4b:s2+s19], $0x40, $0x38;
	[tilespmem:$0x1EF88] =	vst v63  }
0x60: {  	s7 =	sadd.s32 $0xFFFFFA80, s28;
	s22 =	spop (v2sf);
	s3 =	sadd.s32 s6, s3  }
0x61: {  	(v2sf) =	vpush v1, $0xA;
	[tilespmem:s18], [sflag:$0x9] =	stream.linear.gather [hbm4b:s3+s19], $0x40, $0x38;
	[tilespmem:$0x1EF88] =	vst v63  }
0x62: {  	s12 =	sadd.s32 $0xFFFFFB00, s28;
	s4 =	spop (v2sf);
	(v2sf) =	vpush v1, $0xB;
	s3 =	sand.u32 $0x1FFFFFF0, s22  }
0x63: {  	s8 =	spop (v2sf);
	s2 =	sadd.s32 s6, s3;
	s3 =	sand.u32 $0x1FFFFFF0, s4  }
0x64: {  	(v2sf) =	vpush v1, $0xC;
	[tilespmem:s5], [sflag:$0x9] =	stream.linear.gather [hbm4b:s2+s19], $0x40, $0x38;
	[tilespmem:$0x1EF88] =	vst v63  }
0x65: {  	s9 =	sand.u32 $0x1FFFFFF0, s8;
	s10 =	spop (v2sf);
	s3 =	sadd.s32 s6, s3  }
0x66: {  	(v2sf) =	vpush v1, $0xD;
	[tilespmem:s7], [sflag:$0x9] =	stream.linear.gather [hbm4b:s3+s19], $0x40, $0x38;
	[tilespmem:$0x1EF88] =	vst v63  }
0x67: {  	s13 =	sadd.s32 $0xFFFFFB80, s28;
	s2 =	sadd.s32 s6, s9;
	s3 =	sand.u32 $0x1FFFFFF0, s10  }
0x68: {  	[tilespmem:s12], [sflag:$0x9] =	stream.linear.gather [hbm4b:s2+s19], $0x40, $0x38;
	[tilespmem:$0x1EF88] =	vst v63  }
0x69: {  	s17 =	sadd.s32 $0xFFFFFC00, s28;
	s3 =	sadd.s32 s6, s3;
	s14 =	spop (v2sf)  }
0x6a: {  	[tilespmem:s13], [sflag:$0x9] =	stream.linear.gather [hbm4b:s3+s19], $0x40, $0x38;
	(v2sf) =	vpush v1, $0xE;
	[tilespmem:$0x1EF88] =	vst v63  }
0x6b: {  	s18 =	sadd.s32 $0xFFFFFC80, s28;
	s15 =	sand.u32 $0x1FFFFFF0, s14;
	s16 =	spop (v2sf)  }
0x6c: {  	s5 =	sadd.s32 $0xFFFFFD00, s28;
	(v2sf) =	vpush v1, $0xF;
	s2 =	sadd.s32 s6, s15;
	s3 =	sand.u32 $0x1FFFFFF0, s16  }
0x6d: {  	[tilespmem:s17], [sflag:$0x9] =	stream.linear.gather [hbm4b:s2+s19], $0x40, $0x38;
	[tilespmem:$0x1EF88] =	vst v63  }
0x6e: {  	s7 =	sadd.s32 $0xFFFFFD80, s28;
	s22 =	spop (v2sf);
	s3 =	sadd.s32 s6, s3  }
0x6f: {  	[tilespmem:s18], [sflag:$0x9] =	stream.linear.gather [hbm4b:s3+s19], $0x40, $0x38;
	[tilespmem:$0x1EF88] =	vst v63  }
0x70: {  	s12 =	sadd.s32 $0xFFFFFE00, s28;
	s4 =	spop (v2sf);
	s3 =	sand.u32 $0x1FFFFFF0, s22  }
0x71: {  	s8 =	spop (v2sf);
	s2 =	sadd.s32 s6, s3;
	s3 =	sand.u32 $0x1FFFFFF0, s4  }
0x72: {  	[tilespmem:s5], [sflag:$0x9] =	stream.linear.gather [hbm4b:s2+s19], $0x40, $0x38;
	[tilespmem:$0x1EF88] =	vst v63  }
0x73: {  	s9 =	sand.u32 $0x1FFFFFF0, s8;
	s10 =	spop (v2sf);
	s3 =	sadd.s32 s6, s3  }
0x74: {  	[tilespmem:s7], [sflag:$0x9] =	stream.linear.gather [hbm4b:s3+s19], $0x40, $0x38;
	[tilespmem:$0x1EF88] =	vst v63  }
0x75: {  	s14 =	spop (v2sf);
	s2 =	sadd.s32 s6, s9;
	s3 =	sand.u32 $0x1FFFFFF0, s10  }
0x76: {  	[tilespmem:s12], [sflag:$0x9] =	stream.linear.gather [hbm4b:s2+s19], $0x40, $0x38;
	[tilespmem:$0x1EF88] =	vst v63  }
0x77: {  	s13 =	sadd.s32 $0xFFFFFE80, s28;
	s15 =	sand.u32 $0x1FFFFFF0, s14;
	s3 =	sadd.s32 s6, s3  }
0x78: {  	[tilespmem:s13], [sflag:$0x9] =	stream.linear.gather [hbm4b:s3+s19], $0x40, $0x38;
	[tilespmem:$0x1EF88] =	vst v63  }
0x79: {  	s17 =	sadd.s32 $0xFFFFFF00, s28;
	s2 =	sadd.s32 s6, s15;
	s16 =	spop (v2sf)  }
0x7a: {  	[tilespmem:s17], [sflag:$0x9] =	stream.linear.gather [hbm4b:s2+s19], $0x40, $0x38;
	[tilespmem:$0x1EF88] =	vst v63  }
0x7b: {  	s29 =	simm.s32 $0x0;
	s3 =	sand.u32 $0x1FFFFFF0, s16;
	s18 =	spop (v2sf)  }
0x7c: {  	s22 =	sadd.s32 $0xFFFFFF80, s28;
	s3 =	sadd.s32 s6, s3;
	s2 =	sand.u32 $0x1FFFFFF0, s18  }
0x7d: {  	[tilespmem:s22], [sflag:$0x9] =	stream.linear.gather [hbm4b:s3+s19], $0x40, $0x38;
	[tilespmem:$0x1EF88] =	vst v63  }
0x7e: {  	s31 =	sadd.s32 $0x10, s0;
	s30 =	sadd.s32 $0x800, s28;
	s2 =	sadd.s32 s6, s2  }
.LBB2_5:
0x7f: {  	[tilespmem:s28], [sflag:$0x9] =	stream.linear.gather [hbm4b:s2+s19], $0x40, $0x38;
	[tilespmem:$0x1EF88] =	vst v63  }
0x80: {  	s29 =	sadd.s32 $0x10, s29;
	s28 =	smov.u32 s30  }
0x81: {  	p3 =	slt.u32 s29, $0x130;
	v1 =	vld.msk [tilespmem:s31+$0x0], $0xffff;
	_ =	sdelay $0x4  }
0x82: {  	v1 =	vshll.u32 v1, $0x4  }
0x83: {  	(v2sf) =	vpush v1, $0x0  }
0x84: {  	(v2sf) =	vpush v1, $0x1  }
0x85: {  	(v2sf) =	vpush v1, $0x2;
	_ =	sdelay $0x1  }
0x86: {  	(v2sf) =	vpush v1, $0x3;
	_ =	sdelay $0x1  }
0x87: {  	(v2sf) =	vpush v1, $0x4;
	_ =	sdelay $0x1  }
0x88: {  	(v2sf) =	vpush v1, $0x5;
	_ =	sdelay $0x1  }
0x89: {  	(v2sf) =	vpush v1, $0x6  }
0x8a: {  	s4 =	sadd.s32 $0xFFFFFE80, s30;
	s0 =	sadd.s32 $0xFFFFFF00, s30  }
0x8b: {  	s3 =	sadd.s32 $0xFFFFFD00, s30;
	s2 =	sadd.s32 $0xFFFFFD80, s30;
	s5 =	sadd.s32 $0xFFFFFE00, s30;
	(v2sf) =	vpush v1, $0x7  }
0x8c: {  	s10 =	sadd.s32 $0xFFFFFB80, s30;
	s9 =	sadd.s32 $0xFFFFFC00, s30;
	s16 =	sadd.s32 $0xFFFFFC80, s30  }
0x8d: {  	s12 =	sadd.s32 $0xFFFFFA00, s30;
	s13 =	sadd.s32 $0xFFFFFA80, s30;
	s15 =	sadd.s32 $0xFFFFFB00, s30;
	(v2sf) =	vpush v1, $0x8  }
0x8e: {  	s18 =	sadd.s32 $0xFFFFF900, s30;
	s7 =	sadd.s32 $0xFFFFF980, s30;
	s22 =	spop (v2sf)  }
0x8f: {  	s8 =	sadd.s32 $0xFFFFF880, s30;
	s22 =	sand.u32 $0x1FFFFFF0, s22;
	s14 =	spop (v2sf);
	(v2sf) =	vpush v1, $0x9  }
0x90: {  	s22 =	sadd.s32 s6, s22;
	s14 =	sand.u32 $0x1FFFFFF0, s14;
	s17 =	spop (v2sf)  }
0x91: {  	[tilespmem:s8], [sflag:$0x9] =	stream.linear.gather [hbm4b:s22+s19], $0x40, $0x38;
	(v2sf) =	vpush v1, $0xA;
	[tilespmem:$0x1EF88] =	vst v63  }
0x92: {  	s8 =	sadd.s32 s6, s14;
	s14 =	sand.u32 $0x1FFFFFF0, s17;
	s17 =	spop (v2sf)  }
0x93: {  	[tilespmem:s18], [sflag:$0x9] =	stream.linear.gather [hbm4b:s8+s19], $0x40, $0x38;
	(v2sf) =	vpush v1, $0xB;
	[tilespmem:$0x1EF88] =	vst v63  }
0x94: {  	s8 =	sadd.s32 s6, s14;
	s14 =	sand.u32 $0x1FFFFFF0, s17;
	s17 =	spop (v2sf)  }
0x95: {  	[tilespmem:s7], [sflag:$0x9] =	stream.linear.gather [hbm4b:s8+s19], $0x40, $0x38;
	(v2sf) =	vpush v1, $0xC;
	[tilespmem:$0x1EF88] =	vst v63  }
0x96: {  	s7 =	sadd.s32 s6, s14;
	s8 =	sand.u32 $0x1FFFFFF0, s17;
	s14 =	spop (v2sf)  }
0x97: {  	[tilespmem:s12], [sflag:$0x9] =	stream.linear.gather [hbm4b:s7+s19], $0x40, $0x38;
	(v2sf) =	vpush v1, $0xD;
	[tilespmem:$0x1EF88] =	vst v63  }
0x98: {  	s7 =	sadd.s32 s6, s8;
	s8 =	sand.u32 $0x1FFFFFF0, s14;
	s12 =	spop (v2sf)  }
0x99: {  	[tilespmem:s13], [sflag:$0x9] =	stream.linear.gather [hbm4b:s7+s19], $0x40, $0x38;
	(v2sf) =	vpush v1, $0xE;
	[tilespmem:$0x1EF88] =	vst v63  }
0x9a: {  	s7 =	sadd.s32 s6, s8;
	s8 =	sand.u32 $0x1FFFFFF0, s12;
	s12 =	spop (v2sf)  }
0x9b: {  	[tilespmem:s15], [sflag:$0x9] =	stream.linear.gather [hbm4b:s7+s19], $0x40, $0x38;
	(v2sf) =	vpush v1, $0xF;
	[tilespmem:$0x1EF88] =	vst v63  }
0x9c: {  	s7 =	sadd.s32 s6, s8;
	s8 =	sand.u32 $0x1FFFFFF0, s12;
	s12 =	spop (v2sf)  }
0x9d: {  	[tilespmem:s10], [sflag:$0x9] =	stream.linear.gather [hbm4b:s7+s19], $0x40, $0x38;
	[tilespmem:$0x1EF88] =	vst v63  }
0x9e: {  	s7 =	sadd.s32 s6, s8;
	s8 =	sand.u32 $0x1FFFFFF0, s12;
	s10 =	spop (v2sf)  }
0x9f: {  	[tilespmem:s9], [sflag:$0x9] =	stream.linear.gather [hbm4b:s7+s19], $0x40, $0x38;
	[tilespmem:$0x1EF88] =	vst v63  }
0xa0: {  	s7 =	sadd.s32 s6, s8;
	s8 =	sand.u32 $0x1FFFFFF0, s10;
	s9 =	spop (v2sf)  }
0xa1: {  	[tilespmem:s16], [sflag:$0x9] =	stream.linear.gather [hbm4b:s7+s19], $0x40, $0x38;
	[tilespmem:$0x1EF88] =	vst v63  }
0xa2: {  	s7 =	sadd.s32 s6, s8;
	s8 =	sand.u32 $0x1FFFFFF0, s9;
	s9 =	spop (v2sf)  }
0xa3: {  	[tilespmem:s3], [sflag:$0x9] =	stream.linear.gather [hbm4b:s7+s19], $0x40, $0x38;
	[tilespmem:$0x1EF88] =	vst v63  }
0xa4: {  	s3 =	sadd.s32 s6, s8;
	s7 =	sand.u32 $0x1FFFFFF0, s9;
	s8 =	spop (v2sf)  }
0xa5: {  	[tilespmem:s2], [sflag:$0x9] =	stream.linear.gather [hbm4b:s3+s19], $0x40, $0x38;
	[tilespmem:$0x1EF88] =	vst v63  }
0xa6: {  	s2 =	sadd.s32 s6, s7;
	s3 =	sand.u32 $0x1FFFFFF0, s8;
	s7 =	spop (v2sf)  }
0xa7: {  	[tilespmem:s5], [sflag:$0x9] =	stream.linear.gather [hbm4b:s2+s19], $0x40, $0x38;
	[tilespmem:$0x1EF88] =	vst v63  }
0xa8: {  	s2 =	sadd.s32 s6, s3;
	s3 =	sand.u32 $0x1FFFFFF0, s7;
	s5 =	spop (v2sf)  }
0xa9: {  	[tilespmem:s4], [sflag:$0x9] =	stream.linear.gather [hbm4b:s2+s19], $0x40, $0x38;
	[tilespmem:$0x1EF88] =	vst v63  }
0xaa: {  	s2 =	sadd.s32 s6, s3  }
.Ltmp4:
0xab: {  	s3 =	sand.u32 $0x1FFFFFF0, s5;
	s4 =	spop (v2sf);
	(pc) =	sbr.rel @p3 .LBB2_5-.Ltmp4, $4  }
0xac: {  	[tilespmem:s0], [sflag:$0x9] =	stream.linear.gather [hbm4b:s2+s19], $0x40, $0x38;
	[tilespmem:$0x1EF88] =	vst v63  }
0xad: {  	s0 =	sadd.s32 s6, s3;
	s2 =	sadd.s32 $0xFFFFFF80, s30;
	s3 =	sand.u32 $0x1FFFFFF0, s4  }
0xae: {  	[tilespmem:s2], [sflag:$0x9] =	stream.linear.gather [hbm4b:s0+s19], $0x40, $0x38;
	[tilespmem:$0x1EF88] =	vst v63  }
0xaf: {  	s31 =	sadd.s32 $0x10, s31;
	s30 =	sadd.s32 $0x800, s30;
	s2 =	sadd.s32 s6, s3  }
0xb0: {  	[tilespmem:s28], [sflag:$0x9] =	stream.linear.gather [hbm4b:s2+s19], $0x40, $0x38;
	[tilespmem:$0x1EF88] =	vst v63  }
0xb1: {  	s13 =	rddreg [dreg:$0x5]  }
0xb2: {  	s14 =	rddreg [dreg:$0x6]  }
0xb3: {  	s15 =	rddreg [dreg:$0x7]  }
0xb4: {  	s17 =	rddreg [dreg:$0x8]  }
0xb5: {  	s18 =	rddreg [dreg:$0xa]  }
0xb6: {  	s22 =	rddreg [dreg:$0xb]  }
.LBB2_7:
0xb7: {  	p3 =	slt.u32 s25, $0x2  }
.Ltmp5:
0xb8: {  	_ = 	snop;
	(pc) =	sbr.rel @p3 .LBB2_25-.Ltmp5, $1  }
0xb9: {  	_ =	sdelay $0x3  }
0xba: {  	p3 =	sgt.s32 s26, $0x50000;
	s0 =	smov.u32 s26;
	s2 =	sshra.s32 s26, $0x1F  }
0xbb: {  	s0 =	simm.s32 @!p3 $0x50000;
	s2 =	sand.u32 s2, s26  }
0xbc: {  	s0 =	ssub.s32 s0, s2  }
0xbd: {  	s0 =	sadd.s32 $0xFFFB0000, s0  }
0xbe: {  	s3 =	simm.s32 $0x9;
	s29 =	sshll.u32 s0, $0x2  }
0xbf: {  	_ =	swait.ge [sflag:s3], $0x5000;
	s2 =	ssub.s32 $0x500, s29  }
0xc0: {  	[sflag:s3] =	ssyncset.done $0x0;
	p3 =	sgt.s32 s0, $0x13F;
	s0 =	sshrl.u32 s2, $0x2  }
0xc1: {  	s30 =	simm.s32 $0xB;
	[sflag:s3] =	ssyncadd.s32 $0xFFFFB000;
	s0 =	simm.s32 @p3 $0x0  }
0xc2: {  	_ =	swait.ge [sflag:s30], s0  }
0xc3: {  	s0 =	ssub.s32 $0x0, s0;
	[sflag:s30] =	ssyncset.done $0x0  }
0xc4: {  	[sflag:s30] =	ssyncadd.s32 s0  }
0xc5: {  	v1 =	vld [tilespmem:$0xA108];
	_ =	sdelay $0x4  }
0xc6: {  	(v2sf) =	vpush v1, $0x0  }
0xc7: {  	(v2sf) =	vpush v1, $0x1  }
0xc8: {  	(v2sf) =	vpush v1, $0x2;
	_ =	sdelay $0x3  }
0xc9: {  	s0 =	sadd.s32 $0x140, s26  }
0xca: {  	s4 =	ssub.s32 $0xA0280, s26;
	p3 =	slt.s32 s14, s0  }
0xcb: {  	s0 =	smov.u32 @p3 s14;
	p3 =	sgt.s32 s4, $0x0  }
0xcc: {  	s0 =	ssub.s32 s0, s26;
	s4 =	simm.s32 @!p3 $0x0  }
0xcd: {  	p3 =	slt.s32 s4, s0  }
0xce: {  	s0 =	smov.u32 @p3 s4  }
0xcf: {  	s2 =	simm.s32 $0x1;
	p3 =	slt.s32 s0, $0x1  }
.Ltmp6:
0xd0: {  	s2 =	simm.s32 @!p2 $0x0;
	(pc) =	sbr.rel @p3 .LBB2_12-.Ltmp6, $4  }
0xd1: {  	s7 =	smul.u32 $0x500, s2  }
0xd2: {  	s3 =	spop (v2sf)  }
0xd3: {  	s31 =	sshrl.u32 s7, $0x2;
	s5 =	spop (v2sf)  }
0xd4: {  	s28 =	sadd.s32 $0xAD08, s31;
	s26 =	spop (v2sf)  }
0xd5: {  	s4 =	smin.u32 s0, $0x10  }
0xd6: {  	v1 =	vmov s4  }
0xd7: {  	p4 =	sgt.s32 s0, $0x10;
	vm1 =	vgt.u32 v1, v0  }
.Ltmp7:
0xd8: {  	_ = 	snop;
	(pc) =	sbr.rel @!p4 .LBB2_11-.Ltmp7, $2  }
0xd9: {  	_ =	sdelay $0x2  }
0xda: {  	s9 =	simm.s32 $0x10;
	s10 =	sadd.s32 $0xFFFFFFF0, s0;
	s4 =	smov.u32 s28;
	vm0 =	vmmov vm1  }
.LBB2_10:
0xdb: {  	s7 =	smin.u32 s10, $0x10;
	s9 =	sadd.s32 $0x10, s9;
	v1 =	vld.msk [tilespmem:s4+$0x0 ss:$0x1], vm1  }
0xdc: {  	v2 =	vmov s7;
	p4 =	slt.s32 s9, s0  }
0xdd: {  	vm1 =	vgt.u32 v2, v0  }
.Ltmp8:
0xde: {  	(pc) =	sbr.rel @p4 .LBB2_10-.Ltmp8, $3  }
0xdf: {  	_ =	sdelay $0x1  }
0xe0: {  	v1 =	vshll.u32 v1, $0x4  }
0xe1: {  	s10 =	sadd.s32 $0xFFFFFFF0, s10;
	[tilespmem:s4+$0x0] =	vst.msk vm0, v1;
	s4 =	sadd.s32 $0x10, s4;
	vm0 =	vmmov vm1  }
.LBB2_11:
0xe2: {  	_ =	sdelay $0x4  }
0xe3: {  	v1 =	vld.msk [tilespmem:s4+$0x0 ss:$0x1], vm1;
	_ =	sdelay $0x4  }
0xe4: {  	v1 =	vshll.u32 v1, $0x4  }
0xe5: {  	[tilespmem:s4+$0x0] =	vst.msk vm0, v1  }
.LBB2_12:
0xe6: {  	s4 =	sand.u32 $0x1, s25  }
0xe7: {  	s4 =	smul.u32 $0x140, s4  }
0xe8: {  	p4 =	sne.s32 s5, $0xFFFFFFFF  }
0xe9: {  	v1 =	vld.msk @!p4 [tilespmem:s4+$0xAD08], $0x1;
	_ =	sdelay $0x4  }
0xea: {  	(v2sf) =	vpush @!p4 v1, $0x0;
	_ =	sdelay $0xc  }
.Ltmp9:
0xeb: {  	_ = 	snop;
	(pc) =	sbr.rel @p3 .LBB2_23-.Ltmp9, $4  }
0xec: {  	_ = 	snop  }
0xed: {  	s29 =	spop @!p4 (v2sf)  }
0xee: {  	s31 =	simm.s32 $0xC;
	s26 =	simm.s32 @!p4 $0x0;
	s4 =	smov.u32 s29  }
0xef: {  	[sflag:s31] =	ssyncpa.u1 $0x0;
	s29 =	smov.u32 @p4 s3;
	s4 =	smov.u32 @p4 s5  }
0xf0: {  	v1 =	vld.msk [tilespmem:s28+$0x0], $0x1;
	_ =	sdelay $0x4  }
0xf1: {  	(v2sf) =	vpush v1, $0x0;
	_ =	sdelay $0xe  }
0xf2: {  	s2 =	smul.u32 $0x28000, s2;
	s5 =	spop (v2sf)  }
0xf3: {  	s31 =	ssub.s32 $0x0, s0;
	p3 =	seq.s32 s29, s5  }
0xf4: {  	s3 =	smov.u32 s29;
	s2 =	sshrl.u32 s2, $0x2;
	p4 =	sgt.s32 @!p3 s29, $0x0  }
0xf5: {  	s30 =	sadd.s32 $0xAFA8, s2;
	s2 =	sadd.s32 $0x1, s31;
	p4 =	por !p4, p3  }
0xf6: {  	s3 =	simm.s32 @p4 $0x0;
	p4 =	seq.s32 s2, $0x0  }
.Ltmp10:
0xf7: {  	_ = 	snop;
	(pc) =	sbr.rel @p4 .LBB2_15-.Ltmp10, $4  }
0xf8: {  	_ = 	snop  }
0xf9: {  	s0 =	simm.s32 $0x0;
	s9 =	simm.s32 @!p3 $0x1;
	s3 =	smin.u32 @!p3 s3, $0x3EF8  }
0xfa: {  	s10 =	simm.s32 @!p3 $0x50C8;
	s9 =	smov.u32 @p3 s0;
	s7 =	sand.u32 @!p3 $0x3FF8, s3  }
0xfb: {  	s16 =	sand.u32 @!p3 $0x7, s3;
	s3 =	sadd.s32 $0x1, s28;
	s12 =	sadd.s32 @!p3 s1, s7  }
.LBB2_14:
0xfc: {  	s7 =	smov.u32 s9  }
0xfd: {  	[tilespmem:s10], [sflag:$0x2] =	stream.linear.gather @!p3 [hbm4b:s12+s16], $0x40, $0x38;
	[tilespmem:$0x1EF88] =	vst v63  }
0xfe: {  	s2 =	sadd.s32 $0x1, s2;
	s8 =	smov.u32 s5;
	v1 =	vld.msk [tilespmem:s3+$0x0], $0x1  }
0xff: {  	p4 =	seq.s32 s2, $0x0;
	_ =	sdelay $0x3  }
0x100: {  	(v2sf) =	vpush v1, $0x0;
	_ =	sdelay $0xe  }
0x101: {  	s5 =	spop (v2sf)  }
0x102: {  	p3 =	seq.s32 s8, s5  }
0x103: {  	p5 =	sgt.s32 @!p3 s8, $0x0;
	s10 =	sshll.u32 @!p3 s9, $0x8;
	s9 =	sadd.s32 @!p3 $0x1, s9  }
.Ltmp11:
0x104: {  	p5 =	por !p5, p3;
	s10 =	sshra.s32 @!p3 s10, $0x2;
	(pc) =	sbr.rel @!p4 .LBB2_14-.Ltmp11, $4  }
0x105: {  	s9 =	smov.u32 @p3 s7;
	s8 =	simm.s32 @p5 $0x0;
	s10 =	sadd.s32 @!p3 $0x50C8, s10  }
0x106: {  	s7 =	smin.u32 @!p3 s8, $0x3EF8  }
0x107: {  	s8 =	sand.u32 @!p3 $0x3FF8, s7;
	s16 =	sand.u32 @!p3 $0x7, s7  }
0x108: {  	s3 =	sadd.s32 $0x1, s3;
	s12 =	sadd.s32 @!p3 s1, s8  }
.LBB2_15:
0x109: {  	[tilespmem:s10], [sflag:$0x2] =	stream.linear.gather @!p3 [hbm4b:s12+s16], $0x40, $0x38;
	[tilespmem:$0x1EF88] =	vst v63  }
.Ltmp12:
0x10a: {  	s2 =	sshll.u32 s9, $0x6;
	(pc) =	sbr.rel .LBB2_16-.Ltmp12, $4  }
0x10b: {  	s3 =	simm.s32 $0x2;
	s2 =	sand.u32 $0x3FFFFFC0, s2  }
0x10c: {  	_ =	swait.ge [sflag:s3], s2  }
0x10d: {  	s2 =	ssub.s32 $0x0, s2;
	[sflag:s3] =	ssyncset.done $0x0  }
0x10e: {  	[sflag:s3] =	ssyncadd.s32 s2;
	s3 =	simm.s32 $0x0  }
.LBB2_17:
0x10f: {  	v1 =	vld [tilespmem:s30+$0xFFFFFFE0];
	_ =	sdelay $0x4  }
0x110: {  	[tilespmem:s5+$0x88] =	vst.add.f32.msk $0xffff, v1  }
0x111: {  	v1 =	vld [tilespmem:s30+$0xFFFFFFF0];
	_ =	sdelay $0x4  }
0x112: {  	[tilespmem:s5+$0x98] =	vst.add.f32.msk $0xffff, v1  }
0x113: {  	v1 =	vld [tilespmem:s30+$0x0];
	_ =	sdelay $0x4  }
0x114: {  	[tilespmem:s5+$0xA8] =	vst.add.f32.msk $0xffff, v1  }
0x115: {  	v1 =	vld [tilespmem:s30+$0x10];
	_ =	sdelay $0x4  }
0x116: {  	[tilespmem:s5+$0xB8] =	vst.add.f32.msk $0xffff, v1  }
.LBB2_21:
0x117: {  	s31 =	sadd.s32 $0x1, s31  }
0x118: {  	p3 =	seq.s32 s31, $0x0  }
.Ltmp13:
0x119: {  	_ = 	snop;
	(pc) =	sbr.rel @p3 .LBB2_22-.Ltmp13, $2  }
0x11a: {  	_ =	sdelay $0x2  }
0x11b: {  	s30 =	sadd.s32 $0x80, s30;
	s28 =	sadd.s32 $0x1, s28;
	s29 =	smov.u32 s2  }
.LBB2_16:
0x11c: {  	v1 =	vld.msk [tilespmem:s28+$0x0], $0x1;
	_ =	sdelay $0x4  }
0x11d: {  	(v2sf) =	vpush v1, $0x0;
	_ =	sdelay $0xe  }
0x11e: {  	s2 =	spop (v2sf)  }
0x11f: {  	p3 =	sne.s32 s29, s2  }
.Ltmp14:
0x120: {  	_ = 	snop;
	(pc) =	sbr.rel @!p3 .LBB2_17-.Ltmp14, $3  }
0x121: {  	_ =	sdelay $0x1  }
0x122: {  	s5 =	sshll.u32 s26, $0x8  }
0x123: {  	s5 =	sshra.s32 s5, $0x2  }
0x124: {  	p3 =	seq.s32 s29, s4  }
.Ltmp15:
0x125: {  	_ = 	snop;
	(pc) =	sbr.rel @!p3 .LBB2_19-.Ltmp15, $1  }
0x126: {  	_ =	sdelay $0x3  }
.Ltmp16:
0x127: {  	s5 =	sadd.s32 $0x88, s5;
	(pc) =	sbr.rel .LBB2_20-.Ltmp16, $4  }
0x128: {  	[spmem:s18] =	stream.linear.scatter [tilespmem:s5], [sflag:$0x1], $0x40, $0x38;
	[tilespmem:$0x1EF88] =	vst v63  }
0x129: {  	_ =	swait.ge [sflag:s11], $0x40  }
0x12a: {  	[sflag:s11] =	ssyncset.done $0x0  }
0x12b: {  	[sflag:s11] =	ssyncadd.s32 $0xFFFFFFC0  }
.LBB2_19:
0x12c: {  	s7 =	sshll.u32 s0, $0x8  }
0x12d: {  	s7 =	sshra.s32 s7, $0x2  }
0x12e: {  	v1 =	vld [tilespmem:s7+$0x50C8];
	_ =	sdelay $0x4  }
0x12f: {  	[tilespmem:s5+$0x88] =	vst.add.f32.msk $0xffff, v1  }
0x130: {  	v1 =	vld [tilespmem:s7+$0x50D8];
	_ =	sdelay $0x4  }
0x131: {  	[tilespmem:s5+$0x98] =	vst.add.f32.msk $0xffff, v1  }
0x132: {  	v1 =	vld [tilespmem:s7+$0x50E8];
	_ =	sdelay $0x4  }
0x133: {  	[tilespmem:s5+$0xA8] =	vst.add.f32.msk $0xffff, v1  }
0x134: {  	v1 =	vld [tilespmem:s7+$0x50F8];
	_ =	sdelay $0x2  }
0x135: {  	p3 =	sgt.u32 s29, $0x3EF8  }
0x136: {  	s7 =	sand.u32 @!p3 $0x3FF8, s29  }
0x137: {  	s8 =	sadd.s32 $0x88, s5;
	[tilespmem:s5+$0xB8] =	vst.add.f32.msk $0xffff, v1;
	s5 =	sadd.s32 @!p3 s1, s7;
	s7 =	sand.u32 @!p3 $0x7, s29  }
0x138: {  	[hbm4b:s5+s7] =	stream.linear.scatter @!p3 [tilespmem:s8], [sflag:$0xC], $0x40, $0x38;
	[tilespmem:$0x1EF88] =	vst v63  }
0x139: {  	s5 =	simm.s32 $0x0  }
0x13a: {  	s5 =	simm.s32 @!p3 $0x100  }
0x13b: {  	s3 =	sadd.s32 s5, s3  }
.LBB2_20:
0x13c: {  	s5 =	sadd.s32 $0x1, s26  }
0x13d: {  	s7 =	smulhi.u32 $0xCCCCCCCD, s5;
	_ =	sdelay $0x1  }
0x13e: {  	v1 =	vld [tilespmem:s30+$0xFFFFFFE0];
	s7 =	sshrl.u32 s7, $0x8  }
0x13f: {  	s7 =	smul.u32 $0x140, s7;
	_ =	sdelay $0x1  }
0x140: {  	s26 =	ssub.s32 s5, s7  }
0x141: {  	s5 =	sshll.u32 s26, $0x6  }
0x142: {  	[tilespmem:s5+$0x88] =	vst v1  }
0x143: {  	v1 =	vld [tilespmem:s30+$0xFFFFFFF0];
	_ =	sdelay $0x4  }
0x144: {  	[tilespmem:s5+$0x98] =	vst v1  }
0x145: {  	v1 =	vld [tilespmem:s30+$0x0];
	_ =	sdelay $0x4  }
0x146: {  	[tilespmem:s5+$0xA8] =	vst v1  }
0x147: {  	v1 =	vld [tilespmem:s30+$0x10]  }
.Ltmp17:
0x148: {  	_ = 	snop;
	(pc) =	sbr.rel .LBB2_21-.Ltmp17, $2  }
0x149: {  	_ =	sdelay $0x2  }
0x14a: {  	s0 =	sadd.s32 $0x1, s0;
	[tilespmem:s5+$0xB8] =	vst v1  }
.LBB2_23:
.Ltmp18:
0x14b: {  	(pc) =	sbr.rel .LBB2_24-.Ltmp18, $4  }
0x14c: {  	_ = 	snop  }
0x14d: {  	s0 =	simm.s32 $0x2  }
0x14e: {  	_ =	swait.ge [sflag:s0], $0x0  }
0x14f: {  	s2 =	smov.u32 s29;
	[sflag:s0] =	ssyncset.done $0x0;
	s0 =	simm.s32 $0x0  }
.LBB2_26:
0x150: {  	_ =	sfence.sel $0x180000  }
0x151: {  	s0 =	simm.s32 $0x9;
	[bflag:$0x0] =	sbarrier.arrive $0xFFFF  }
0x152: {  	s24 =	simm.s32 $0xA;
	[sflag:s0] =	ssyncpa.u1 $0x1  }
0x153: {  	s25 =	simm.s32 $0xB;
	[sflag:s24] =	ssyncpa.u1 $0x1  }
0x154: {  	s26 =	simm.s32 $0x2;
	[sflag:s25] =	ssyncpa.u1 $0x1  }
0x155: {  	[sflag:s26] =	ssyncpa.u1 $0x1  }
0x156: {  	v0 =	vld [tilespmem:$0xA108];
	_ =	sdelay $0x4  }
0x157: {  	(v2sf) =	vpush v0, $0x0  }
0x158: {  	(v2sf) =	vpush v0, $0x1;
	_ =	sdelay $0x1  }
0x159: {  	(v2sf) =	vpush v0, $0x2;
	_ =	sdelay $0xb  }
0x15a: {  	s0 =	spop (v2sf)  }
0x15b: {  	s2 =	spop (v2sf)  }
0x15c: {  	s3 =	smov.u32 s0;
	p1 =	sne.s32 s0, s2  }
0x15d: {  	s4 =	spop (v2sf);
	s3 =	simm.s32 @!p1 $0xFFFFFFFF  }
0x15e: {  	v2 =	vimm.s32 $0x1;
	v3 =	vlaneseq.u32;
	p1 =	seq.s32 s4, $0xFFFFFFFF;
	v1 =	vmov s3  }
0x15f: {  	s14 =	stileid.u32;
	v0 =	vperm.xlane v0, v2;
	p2 =	sne.s32 @!p1 s0, s2;
	v1 =	vperm.xlane v1, v3  }
0x160: {  	vm0 =	vcmask $0x3F04;
	s6 =	simm.s32 $0xA108;
	s0 =	simm.s32 @!p1 $0x1;
	p2 =	por !p2, p1  }
0x161: {  	s3 =	sshll.u32 s14, $0x1;
	s2 =	sshll.u32 @!p1 s4, $0x8;
	s0 =	simm.s32 @p2 $0x0;
	v0 =	vsel vm0, v1, v0  }
0x162: {  	s5 =	sor.u32 $0x800, s3;
	s2 =	sshra.s32 @!p1 s2, $0x2;
	s0 =	sor.u32 @!p1 s0, s3;
	[tilespmem:$0xA108] =	vst v0  }
0x163: {  	[spmem:s5] =	stream.linear.scatter [tilespmem:s6], [sflag:$0x1], $0x2, $0x38;
	[tilespmem:$0x1EF88] =	vst v63  }
0x164: {  	s2 =	sadd.s32 @!p1 $0x88, s2;
	s0 =	sshll.u32 @!p1 s0, $0x6  }
0x165: {  	[spmem:s0] =	stream.linear.scatter @!p1 [tilespmem:s2], [sflag:$0x1], $0x40, $0x38;
	[tilespmem:$0x1EF88] =	vst v63  }
0x166: {  	s0 =	simm.s32 @!p1 $0x42  }
0x167: {  	s28 =	simm.s32 $0x1;
	s0 =	simm.s32 @p1 $0x2  }
0x168: {  	_ =	swait.ge [sflag:s28], s0  }
0x169: {  	s0 =	ssub.s32 $0x0, s0;
	[sflag:s28] =	ssyncset.done $0x0  }
0x16a: {  	[sflag:s28] =	ssyncadd.s32 s0  }
.Ltmp19:
0x16b: {  	_ =	sfence.stream.spmem;
	(pc) =	sbr.rel @p0 .LBB2_43-.Ltmp19, $4  }
0x16c: {  	s29 =	simm.s32 $0x3;
	[bflag:$0x0] =	sbarrier.arrive $0xFFFF  }
0x16d: {  	s30 =	simm.s32 $0x4;
	[sflag:s29] =	ssyncpa.u1 $0x1  }
0x16e: {  	s31 =	simm.s32 $0x3C;
	[sflag:s30] =	ssyncpa.u1 $0x1  }
0x16f: {  	s13 =	rddreg [dreg:$0x4];
	[sflag:s31] =	ssyncpa.u1 $0x1  }
0x170: {  	_ =	sfence.stream.spmem;
	s0 =	simm.s32 $0x5  }
0x171: {  	s2 =	simm.s32 $0x800;
	s3 =	simm.s32 $0xA118;
	[sflag:s0] =	ssyncpa.u1 $0x0  }
0x172: {  	[tilespmem:s3], [sflag:$0x5] =	stream.linear.gather [spmem:s2], $0x20, $0x38;
	[tilespmem:$0x1EF88] =	vst v63  }
0x173: {  	s26 =	simm.s32 $0x0;
	s28 =	simm.s32 $0xA138  }
0x174: {  	[tilespmem:s28], [sflag:$0x5] =	stream.linear.gather [spmem:s26], $0x800, $0x38;
	[tilespmem:$0x1EF88] =	vst v63  }
0x175: {  	_ =	swait.ge [sflag:s0], $0x820  }
0x176: {  	[sflag:s0] =	ssyncset.done $0x0  }
0x177: {  	s29 =	simm.s32 $0x0;
	[sflag:s0] =	ssyncadd.s32 $0xFFFFF7E0  }
0x178: {  	v0 =	vld.msk [tilespmem:s29+$0xA118], $0x1;
	_ =	sdelay $0x1  }
0x179: {  	s30 =	simm.s32 $0x1  }
0x17a: {  	v1 =	vld.msk [tilespmem:s30+$0xA118], $0x1;
	_ =	sdelay $0x1  }
0x17b: {  	(v2sf) =	vpush v0, $0x0;
	_ =	sdelay $0x2  }
0x17c: {  	(v2sf) =	vpush v1, $0x0;
	_ =	sdelay $0x2  }
0x17d: {  	s31 =	simm.s32 $0x2  }
0x17e: {  	v0 =	vld.msk [tilespmem:s31+$0xA118], $0x1;
	_ =	sdelay $0x2  }
0x17f: {  	s2 =	simm.s32 $0xFFFFFFFF;
	s3 =	simm.s32 $0xFFFFFFFF;
	s0 =	simm.s32 $0xC  }
.LBB2_28:
0x180: {  	s4 =	smov.u32 s3;
	s5 =	smov.u32 s2  }
0x181: {  	s2 =	sshra.s32 s0, $0x2;
	p1 =	sne.s32 s0, $0x7C;
	s0 =	sadd.s32 $0x4, s0;
	(v2sf) =	vpush v0, $0x0  }
0x182: {  	v0 =	vld.msk [tilespmem:s2+$0xA118], $0x1  }
.Ltmp20:
0x183: {  	(pc) =	sbr.rel @p1 .LBB2_28-.Ltmp20, $4  }
0x184: {  	s3 =	spop (v2sf)  }
0x185: {  	p2 =	sne.s32 s5, $0xFFFFFFFF;
	s2 =	smov.u32 s3  }
0x186: {  	p3 =	seq.s32 s3, $0xFFFFFFFF;
	s2 =	smov.u32 @p2 s5  }
0x187: {  	s3 =	smov.u32 @p3 s4;
	s2 =	smov.u32 @p3 s5  }
0x188: {  	(v2sf) =	vpush v0, $0x0;
	_ =	sdelay $0x8  }
0x189: {  	s0 =	spop (v2sf)  }
0x18a: {  	p1 =	sne.s32 s2, $0xFFFFFFFF;
	s4 =	smov.u32 s0  }
0x18b: {  	s6 =	simm.s32 $0x0;
	p2 =	seq.s32 s0, $0xFFFFFFFF;
	s4 =	smov.u32 @p1 s2  }
0x18c: {  	s9 =	simm.s32 $0xA0C8;
	s4 =	smov.u32 @p2 s2;
	s2 =	spop (v2sf)  }
0x18d: {  	s0 =	smov.u32 @p2 s3;
	p1 =	sne.s32 s4, $0xFFFFFFFF;
	s5 =	smov.u32 s2  }
.Ltmp21:
0x18e: {  	p2 =	seq.s32 s2, $0xFFFFFFFF;
	s5 =	smov.u32 @p1 s4;
	(pc) =	sbr.rel .LBB2_30-.Ltmp21, $4  }
0x18f: {  	s10 =	simm.s32 $0x0;
	s5 =	smov.u32 @p2 s4;
	s7 =	spop (v2sf)  }
0x190: {  	s2 =	smov.u32 @p2 s0;
	p1 =	sne.s32 s5, $0xFFFFFFFF;
	s8 =	smov.u32 s7  }
0x191: {  	s0 =	simm.s32 $0x6;
	p2 =	seq.s32 s7, $0xFFFFFFFF;
	s8 =	smov.u32 @p1 s5  }
0x192: {  	[sflag:s0] =	ssyncpa.u1 $0x0;
	s7 =	smov.u32 @p2 s2;
	s8 =	smov.u32 @p2 s5  }
.LBB2_36:
0x193: {  	p1 =	sgt.u32 s2, $0x3EF8  }
0x194: {  	p2 =	seq.s32 @!p1 s2, s8  }
0x195: {  	p1 =	por p1, p2  }
0x196: {  	p2 =	sne.s32 @!p1 s2, s7  }
0x197: {  	p1 =	por p1, !p2  }
0x198: {  	s2 =	sshll.u32 @p1 s10, $0x8  }
0x199: {  	s3 =	sand.u32 @!p1 $0x3FF8, s2  }
0x19a: {  	s2 =	sand.u32 @!p1 $0x7, s2;
	s3 =	sadd.s32 @!p1 s1, s3  }
0x19b: {  	[tilespmem:s9], [sflag:$0x6] =	stream.linear.gather @!p1 [hbm4b:s3+s2], $0x40, $0x38;
	[tilespmem:$0x1EF88] =	vst v63  }
0x19c: {  	_ =	swait.ge @!p1 [sflag:s0], $0x40  }
0x19d: {  	[sflag:s0] =	ssyncset.done @!p1 $0x0  }
0x19e: {  	[sflag:s0] =	ssyncadd.s32 @!p1 $0xFFFFFFC0  }
0x19f: {  	v1 =	vld @!p1 [tilespmem:$0xA0C8];
	_ =	sdelay $0x2  }
0x1a0: {  	s2 =	sshll.u32 @!p1 s10, $0x8  }
0x1a1: {  	s3 =	sshrl.u32 @!p1 s2, $0x2  }
0x1a2: {  	[tilespmem:s3+$0xA138] =	vst.add.f32.msk @!p1 $0xffff, v1  }
0x1a3: {  	v1 =	vld @!p1 [tilespmem:$0xA0D8];
	_ =	sdelay $0x4  }
0x1a4: {  	[tilespmem:s3+$0xA148] =	vst.add.f32.msk @!p1 $0xffff, v1  }
0x1a5: {  	v1 =	vld @!p1 [tilespmem:$0xA0E8];
	_ =	sdelay $0x4  }
0x1a6: {  	[tilespmem:s3+$0xA158] =	vst.add.f32.msk @!p1 $0xffff, v1  }
0x1a7: {  	v1 =	vld @!p1 [tilespmem:$0xA0F8];
	_ =	sdelay $0x4  }
0x1a8: {  	[tilespmem:s3+$0xA168] =	vst.add.f32.msk @!p1 $0xffff, v1  }
0x1a9: {  	s2 =	sshrl.u32 s2, $0x2;
	[tilespmem:s6+$0xA118] =	vst.msk $0x1, v0  }
0x1aa: {  	v0 =	vld [tilespmem:s2+$0xA138];
	_ =	sdelay $0x2  }
0x1ab: {  	s31 =	sshll.u32 s6, $0x8  }
0x1ac: {  	s3 =	sshra.s32 s31, $0x2  }
0x1ad: {  	[tilespmem:s3+$0xA138] =	vst v0  }
0x1ae: {  	v0 =	vld [tilespmem:s2+$0xA148];
	_ =	sdelay $0x4  }
0x1af: {  	[tilespmem:s3+$0xA148] =	vst v0  }
0x1b0: {  	v0 =	vld [tilespmem:s2+$0xA158];
	_ =	sdelay $0x4  }
0x1b1: {  	[tilespmem:s3+$0xA158] =	vst v0  }
0x1b2: {  	v0 =	vld [tilespmem:s2+$0xA168];
	_ =	sdelay $0x4  }
0x1b3: {  	s6 =	sadd.s32 $0x1, s6;
	[tilespmem:s3+$0xA168] =	vst v0  }
.LBB2_37:
0x1b4: {  	s10 =	sadd.s32 $0x1, s10  }
0x1b5: {  	p1 =	sne.s32 s10, $0x20  }
.Ltmp22:
0x1b6: {  	_ = 	snop;
	(pc) =	sbr.rel @!p1 .LBB2_38-.Ltmp22, $1  }
0x1b7: {  	_ =	sdelay $0x3  }
.LBB2_30:
0x1b8: {  	v0 =	vld.msk [tilespmem:s10+$0xA118], $0x1;
	_ =	sdelay $0x4  }
0x1b9: {  	(v2sf) =	vpush v0, $0x0;
	_ =	sdelay $0xe  }
0x1ba: {  	s2 =	spop (v2sf)  }
0x1bb: {  	p1 =	seq.s32 s2, $0xFFFFFFFF  }
.Ltmp23:
0x1bc: {  	_ = 	snop;
	(pc) =	sbr.rel @p1 .LBB2_37-.Ltmp23, $1  }
0x1bd: {  	_ =	sdelay $0x3  }
0x1be: {  	p1 =	slt.s32 s6, $0x1  }
.Ltmp24:
0x1bf: {  	_ = 	snop;
	(pc) =	sbr.rel @p1 .LBB2_36-.Ltmp24, $1  }
0x1c0: {  	_ =	sdelay $0x3  }
0x1c1: {  	s3 =	simm.s32 $0xA118;
	p1 =	por $0x0, $0x0  }
0x1c2: {  	v1 =	vld.msk @!p1 [tilespmem:s3+$0x0], $0x1;
	_ =	sdelay $0x4  }
0x1c3: {  	(v2sf) =	vpush @!p1 v1, $0x0;
	_ =	sdelay $0xd  }
0x1c4: {  	p3 =	sne.s32 s6, $0x1  }
.Ltmp25:
0x1c5: {  	s4 =	spop @!p1 (v2sf);
	(pc) =	sbr.rel @!p3 .LBB2_34-.Ltmp25, $4  }
0x1c6: {  	p2 =	seq.s32 @!p1 s2, s4  }
0x1c7: {  	s4 =	simm.s32 $0x0;
	p2 =	por !p2, p1  }
0x1c8: {  	s11 =	simm.s32 $0xFFFFFFFF;
	s4 =	simm.s32 @p2 $0xFFFFFFFF  }
0x1c9: {  	s5 =	simm.s32 $0x1;
	s4 =	smov.u32 @p1 s11  }
.LBB2_33:
0x1ca: {  	s11 =	smov.u32 s4;
	p1 =	sne.s32 s4, $0xFFFFFFFF  }
0x1cb: {  	s3 =	sadd.s32 $0x1, s3;
	s4 =	smov.u32 s5;
	s5 =	sadd.s32 $0x1, s5  }
0x1cc: {  	p2 =	sne.s32 s6, s5;
	v1 =	vld.msk @!p1 [tilespmem:s3+$0x0], $0x1;
	_ =	sdelay $0x4  }
0x1cd: {  	(v2sf) =	vpush @!p1 v1, $0x0;
	_ =	sdelay $0xe  }
.Ltmp26:
0x1ce: {  	s12 =	spop @!p1 (v2sf);
	(pc) =	sbr.rel @p2 .LBB2_33-.Ltmp26, $4  }
0x1cf: {  	p3 =	seq.s32 @!p1 s2, s12  }
0x1d0: {  	p3 =	por !p3, p1  }
0x1d1: {  	s4 =	simm.s32 @p3 $0xFFFFFFFF  }
0x1d2: {  	s4 =	smov.u32 @p1 s11  }
.LBB2_34:
0x1d3: {  	p1 =	seq.s32 s4, $0xFFFFFFFF  }
.Ltmp27:
0x1d4: {  	_ = 	snop;
	(pc) =	sbr.rel @p1 .LBB2_36-.Ltmp27, $1  }
0x1d5: {  	_ =	sdelay $0x3  }
0x1d6: {  	s2 =	sshll.u32 s10, $0x6  }
0x1d7: {  	s2 =	sand.u32 $0x3FFFFFC0, s2  }
0x1d8: {  	v0 =	vld [tilespmem:s2+$0xA138];
	_ =	sdelay $0x2  }
0x1d9: {  	s3 =	sshll.u32 s4, $0x8  }
0x1da: {  	s3 =	sshra.s32 s3, $0x2  }
0x1db: {  	[tilespmem:s3+$0xA138] =	vst.add.f32.msk $0xffff, v0  }
0x1dc: {  	v0 =	vld [tilespmem:s2+$0xA148];
	_ =	sdelay $0x4  }
0x1dd: {  	[tilespmem:s3+$0xA148] =	vst.add.f32.msk $0xffff, v0  }
0x1de: {  	v0 =	vld [tilespmem:s2+$0xA158];
	_ =	sdelay $0x4  }
0x1df: {  	[tilespmem:s3+$0xA158] =	vst.add.f32.msk $0xffff, v0  }
0x1e0: {  	v0 =	vld [tilespmem:s2+$0xA168]  }
.Ltmp28:
0x1e1: {  	_ = 	snop;
	(pc) =	sbr.rel .LBB2_37-.Ltmp28, $2  }
0x1e2: {  	_ =	sdelay $0x2  }
0x1e3: {  	[tilespmem:s3+$0xA168] =	vst.add.f32.msk $0xffff, v0  }
.LBB2_38:
0x1e4: {  	s0 =	simm.s32 $0x6;
	p1 =	seq.s32 s6, $0x0  }
0x1e5: {  	[sflag:s0] =	ssyncpa.u1 $0x1;
	v0 =	vimm.s32 @p1 $0xFFFFFFFF  }
0x1e6: {  	s0 =	sadd.s32 $0xFFFFFFFF, s6;
	[tilespmem:$0xA938] =	vst @p1 v0  }
0x1e7: {  	v0 =	vld.msk @!p1 [tilespmem:s0+$0xA118], $0x1;
	_ =	sdelay $0x1  }
0x1e8: {  	v1 =	vld.msk @!p1 [tilespmem:$0xA118], $0x1;
	_ =	sdelay $0x2  }
0x1e9: {  	p2 =	seq.s32 @!p1 s0, $0x0;
	v0 =	vbroadcast @!p1 v0, $0x0  }
0x1ea: {  	vm0 =	vmmov @!p1 $0x1;
	p2 =	por !p2, p1  }
0x1eb: {  	v1 =	vnsel @!p1 vm0, $0xFFFFFFFF, v1;
	vm0 =	vcmask @!p1 $0x308;
	v0 =	vpsel !p2, $0xFFFFFFFF, v0  }
0x1ec: {  	p2 =	sne.s32 @!p1 s8, s7;
	v0 =	vsel @!p1 vm0, v1, v0  }
0x1ed: {  	s2 =	simm.s32 @!p1 $0xA138;
	s3 =	simm.s32 @!p1 $0x0;
	p3 =	por !p2, p1;
	[tilespmem:$0xA938] =	vst @!p1 v0  }
0x1ee: {  	[spmem:s3] =	stream.linear.scatter @!p1 [tilespmem:s2], [sflag:$0x1], $0x40, $0x38;
	[tilespmem:$0x1EF88] =	vst v63  }
0x1ef: {  	s2 =	sshll.u32 @!p3 s0, $0x8  }
0x1f0: {  	s2 =	sshra.s32 @!p3 s2, $0x2  }
0x1f1: {  	s3 =	simm.s32 @!p3 $0x40;
	s2 =	sadd.s32 @!p3 $0xA138, s2  }
0x1f2: {  	[spmem:s3] =	stream.linear.scatter @!p3 [tilespmem:s2], [sflag:$0x1], $0x40, $0x38;
	[tilespmem:$0x1EF88] =	vst v63  }
0x1f3: {  	s2 =	simm.s32 @!p3 $0x1  }
0x1f4: {  	_ =	swait.ge @!p3 [sflag:s2], $0x80  }
0x1f5: {  	p1 =	por p2, p1;
	[sflag:s2] =	ssyncset.done @!p3 $0x0  }
0x1f6: {  	[sflag:s2] =	ssyncadd.s32 @!p3 $0xFFFFFF80;
	s2 =	simm.s32 @!p1 $0x1  }
0x1f7: {  	_ =	swait.ge @!p1 [sflag:s2], $0x40  }
0x1f8: {  	s29 =	simm.s32 $0xA938;
	[sflag:s2] =	ssyncset.done @!p1 $0x0  }
0x1f9: {  	s30 =	simm.s32 $0x800;
	s31 =	simm.s32 $0x1;
	[sflag:s2] =	ssyncadd.s32 @!p1 $0xFFFFFFC0  }
0x1fa: {  	[spmem:s30] =	stream.linear.scatter [tilespmem:s29], [sflag:$0x1], $0x10, $0x38;
	[tilespmem:$0x1EF88] =	vst v63  }
0x1fb: {  	_ =	swait.ge [sflag:s31], $0x10  }
0x1fc: {  	[sflag:s31] =	ssyncset.done $0x0  }
0x1fd: {  	p1 =	seq.s32 s13, $0x0;
	s9 =	rddreg [dreg:$0x1];
	[sflag:s31] =	ssyncadd.s32 $0xFFFFFFF0  }
0x1fe: {  	s3 =	sshll.u32 @p1 s9, $0xE;
	s8 =	rddreg [dreg:$0x2]  }
0x1ff: {  	s2 =	sadd.s32 @p1 $0x15C3C, s3;
	s3 =	sshll.u32 @p1 s8, $0x11  }
0x200: {  	_ =	sfence.stream.spmem;
	s2 =	sor.u32 @p1 s3, s2  }
0x201: {  	[sflag:s2] =	ssyncadd.remote.s32 @p1 $0x1;
	s2 =	simm.s32 @p1 $0x4  }
0x202: {  	s4 =	simm.s32 @!p1 $0x3C;
	s3 =	sand.u32 $0xFFFFFFFE, s9;
	_ =	swait.ge @p1 [sflag:s2], $0x12  }
0x203: {  	s5 =	simm.s32 @!p1 $0x0;
	s3 =	sadd.s32 @!p1 $0x4, s3;
	[sflag:s2] =	ssyncset.done @p1 $0x0  }
0x204: {  	s7 =	simm.s32 @!p1 $0x80;
	[sflag:s2] =	ssyncadd.s32 @p1 $0xFFFFFFEE;
	s2 =	sshll.u32 @!p1 s3, $0x1A  }
0x205: {  	s3 =	sshll.u32 @!p1 s3, $0xD;
	s2 =	sor.u32 @!p1 s2, s8;
	_ =	swait.eq @!p1 [sflag:s4], $0x1  }
0x206: {  	s3 =	sor.u32 @!p1 $0x1C04, s3;
	s4 =	simm.s32 @!p1 $0x1C03;
	s2 =	sor.u32 @!p1 $0x80004000, s2  }
0x207: {  	[spmem:s7], [sflag:s3] =	dma.general @!p1 [spmem:s5], [sflag:s4], length:$0x10, [dreg:$0x0], stride_count:$0x0, ici_dest:s2, dma_misc:DstOpCode:WRITE  }
0x208: {  	p2 =	slt.s32 s0, $0x2;
	s5 =	simm.s32 @!p1 $0x100;
	s7 =	simm.s32 @!p1 $0x102  }
0x209: {  	[spmem:s7], [sflag:s3] =	dma.general @!p1 [spmem:s5], [sflag:s4], length:$0x2, [dreg:$0x0], stride_count:$0x0, ici_dest:s2, dma_misc:DstOpCode:WRITE  }
.Ltmp29:
0x20a: {  	s2 =	simm.s32 @!p1 $0x3;
	(pc) =	sbr.rel @p2 .LBB2_42-.Ltmp29, $4  }
0x20b: {  	s3 =	sshll.u32 @!p1 s9, $0xE;
	_ =	swait.ge @!p1 [sflag:s2], $0x12  }
0x20c: {  	s4 =	sshll.u32 @!p1 s8, $0x11;
	s3 =	sadd.s32 @!p1 $0x11C3C, s3;
	[sflag:s2] =	ssyncset.done @!p1 $0x0  }
0x20d: {  	[sflag:s2] =	ssyncadd.s32 @!p1 $0xFFFFFFEE;
	s2 =	sor.u32 @!p1 s4, s3  }
0x20e: {  	s0 =	simm.s32 $0x0;
	[sflag:s2] =	ssyncadd.remote.s32 @!p1 $0xFFFFFFFF  }
0x20f: {  	s0 =	simm.s32 $0xA119  }
0x210: {  	v0 =	vld.msk [tilespmem:s0+$0x0], $0x1;
	_ =	sdelay $0x4  }
0x211: {  	(v2sf) =	vpush v0, $0x0;
	_ =	sdelay $0xc  }
0x212: {  	s2 =	sadd.s32 $0xFFFFFFFE, s6  }
0x213: {  	s2 =	sadd.s32 $0xFFFFFFFF, s2  }
0x214: {  	p2 =	sne.s32 s2, $0x0;
	s3 =	spop (v2sf)  }
.Ltmp30:
0x215: {  	p1 =	sgt.u32 s3, $0x3EF8;
	(pc) =	sbr.rel @!p2 .LBB2_41-.Ltmp30, $4  }
0x216: {  	s5 =	simm.s32 $0x0;
	s4 =	sand.u32 @!p1 $0x3FF8, s3  }
0x217: {  	s0 =	simm.s32 $0xA178;
	s3 =	sand.u32 @!p1 $0x7, s3;
	s4 =	sadd.s32 @!p1 s1, s4  }
0x218: {  	[hbm4b:s4+s3] =	stream.linear.scatter @!p1 [tilespmem:s0], [sflag:$0x5], $0x40, $0x38;
	[tilespmem:$0x1EF88] =	vst v63  }
0x219: {  	s5 =	simm.s32 @!p1 $0x100;
	s3 =	simm.s32 $0x0;
	s4 =	simm.s32 $0xA11A  }
.LBB2_40:
0x21a: {  	v0 =	vld.msk [tilespmem:s4+$0x0], $0x1;
	s2 =	sadd.s32 $0xFFFFFFFF, s2;
	s3 =	sadd.s32 s3, s5  }
0x21b: {  	p1 =	sne.s32 s2, $0x0;
	_ =	sdelay $0x3  }
0x21c: {  	(v2sf) =	vpush v0, $0x0;
	_ =	sdelay $0xe  }
.Ltmp31:
0x21d: {  	s6 =	spop (v2sf);
	(pc) =	sbr.rel @p1 .LBB2_40-.Ltmp31, $4  }
0x21e: {  	s5 =	simm.s32 $0x0;
	p2 =	sgt.u32 s6, $0x3EF8  }
0x21f: {  	s0 =	sadd.s32 $0x40, s0;
	s5 =	simm.s32 @!p2 $0x100;
	s7 =	sand.u32 @!p2 $0x3FF8, s6  }
0x220: {  	s4 =	sadd.s32 $0x1, s4;
	s6 =	sand.u32 @!p2 $0x7, s6;
	s7 =	sadd.s32 @!p2 s1, s7  }
0x221: {  	[hbm4b:s7+s6] =	stream.linear.scatter @!p2 [tilespmem:s0], [sflag:$0x5], $0x40, $0x38;
	[tilespmem:$0x1EF88] =	vst v63  }
.LBB2_41:
0x222: {  	s0 =	sadd.s32 s3, s5  }
0x223: {  	s0 =	sshrl.u32 s0, $0x2  }
.LBB2_42:
0x224: {  	s2 =	simm.s32 $0x5  }
0x225: {  	_ =	swait.ge [sflag:s2], s0  }
0x226: {  	s31 =	ssub.s32 $0x0, s0;
	[sflag:s2] =	ssyncset.done $0x0  }
0x227: {  	[sflag:s2] =	ssyncadd.s32 s31  }
0x228: {  	[sflag:s2] =	ssyncpa.u1 $0x1  }
.LBB2_43:
0x229: {  	s0 =	sor.u32 s13, s14  }
0x22a: {  	p1 =	sne.s32 s0, $0x0  }
.Ltmp32:
0x22b: {  	_ = 	snop;
	(pc) =	sbr.rel @p1 .LBB2_58-.Ltmp32, $3  }
0x22c: {  	_ =	sdelay $0x1  }
0x22d: {  	[bflag:$0x0] =	sbarrier.arrive $0xFFFF  }
0x22e: {  	_ =	sfence  }
0x22f: {  	s2 =	simm.s32 $0x7  }
0x230: {  	s0 =	simm.s32 $0x800;
	s3 =	simm.s32 $0xA118;
	[sflag:s2] =	ssyncpa.u1 $0x0  }
0x231: {  	[tilespmem:s3], [sflag:$0x7] =	stream.linear.gather [spmem:s0], $0x20, $0x38;
	[tilespmem:$0x1EF88] =	vst v63  }
0x232: {  	s30 =	simm.s32 $0xA138;
	s0 =	simm.s32 $0x0  }
0x233: {  	[tilespmem:s30], [sflag:$0x7] =	stream.linear.gather [spmem:s0], $0x800, $0x38;
	[tilespmem:$0x1EF88] =	vst v63  }
.Ltmp33:
0x234: {  	_ = 	snop;
	(pc) =	sbr.rel .LBB2_45-.Ltmp33, $4  }
0x235: {  	_ =	swait.ge [sflag:s2], $0x820  }
0x236: {  	[sflag:s2] =	ssyncset.done $0x0  }
0x237: {  	s31 =	simm.s32 $0x8;
	[sflag:s2] =	ssyncadd.s32 $0xFFFFF7E0  }
0x238: {  	s2 =	simm.s32 $0x0;
	[sflag:s31] =	ssyncpa.u1 $0x0  }
.LBB2_51:
0x239: {  	p1 =	slt.u32 s3, $0x3EF9  }
0x23a: {  	s4 =	sand.u32 @p1 $0x3FF8, s3  }
0x23b: {  	s3 =	sand.u32 @p1 $0x7, s3;
	s5 =	simm.s32 @p1 $0xA0C8;
	s4 =	sadd.s32 @p1 s1, s4  }
0x23c: {  	[tilespmem:s5], [sflag:$0x8] =	stream.linear.gather @p1 [hbm4b:s4+s3], $0x40, $0x38;
	[tilespmem:$0x1EF88] =	vst v63  }
0x23d: {  	s3 =	simm.s32 @p1 $0x8  }
0x23e: {  	_ =	swait.ge @p1 [sflag:s3], $0x40  }
0x23f: {  	[sflag:s3] =	ssyncset.done @p1 $0x0  }
0x240: {  	[sflag:s3] =	ssyncadd.s32 @p1 $0xFFFFFFC0  }
0x241: {  	v1 =	vld @p1 [tilespmem:$0xA0C8];
	_ =	sdelay $0x2  }
0x242: {  	s3 =	sshll.u32 @p1 s2, $0x8  }
0x243: {  	s4 =	sshrl.u32 @p1 s3, $0x2  }
0x244: {  	[tilespmem:s4+$0xA138] =	vst.add.f32.msk @p1 $0xffff, v1  }
0x245: {  	v1 =	vld @p1 [tilespmem:$0xA0D8];
	_ =	sdelay $0x4  }
0x246: {  	[tilespmem:s4+$0xA148] =	vst.add.f32.msk @p1 $0xffff, v1  }
0x247: {  	v1 =	vld @p1 [tilespmem:$0xA0E8];
	_ =	sdelay $0x4  }
0x248: {  	[tilespmem:s4+$0xA158] =	vst.add.f32.msk @p1 $0xffff, v1  }
0x249: {  	v1 =	vld @p1 [tilespmem:$0xA0F8];
	_ =	sdelay $0x3  }
0x24a: {  	s5 =	sshll.u32 @!p1 s2, $0x8  }
0x24b: {  	s5 =	smov.u32 @p1 s3;
	[tilespmem:s4+$0xA168] =	vst.add.f32.msk @p1 $0xffff, v1  }
0x24c: {  	s3 =	sshrl.u32 s5, $0x2;
	[tilespmem:s0+$0xA118] =	vst.msk $0x1, v0  }
0x24d: {  	v0 =	vld [tilespmem:s3+$0xA138];
	_ =	sdelay $0x2  }
0x24e: {  	s31 =	sshll.u32 s0, $0x8  }
0x24f: {  	s4 =	sshra.s32 s31, $0x2  }
0x250: {  	[tilespmem:s4+$0xA138] =	vst v0  }
0x251: {  	v0 =	vld [tilespmem:s3+$0xA148];
	_ =	sdelay $0x4  }
0x252: {  	[tilespmem:s4+$0xA148] =	vst v0  }
0x253: {  	v0 =	vld [tilespmem:s3+$0xA158];
	_ =	sdelay $0x4  }
0x254: {  	[tilespmem:s4+$0xA158] =	vst v0  }
0x255: {  	v0 =	vld [tilespmem:s3+$0xA168];
	_ =	sdelay $0x4  }
0x256: {  	s0 =	sadd.s32 $0x1, s0;
	[tilespmem:s4+$0xA168] =	vst v0  }
.LBB2_52:
0x257: {  	s2 =	sadd.s32 $0x1, s2  }
0x258: {  	p1 =	sne.s32 s2, $0x20  }
.Ltmp34:
0x259: {  	_ = 	snop;
	(pc) =	sbr.rel @!p1 .LBB2_53-.Ltmp34, $1  }
0x25a: {  	_ =	sdelay $0x3  }
.LBB2_45:
0x25b: {  	v0 =	vld.msk [tilespmem:s2+$0xA118], $0x1;
	_ =	sdelay $0x4  }
0x25c: {  	(v2sf) =	vpush v0, $0x0;
	_ =	sdelay $0xe  }
0x25d: {  	s3 =	spop (v2sf)  }
0x25e: {  	p1 =	seq.s32 s3, $0xFFFFFFFF  }
.Ltmp35:
0x25f: {  	_ = 	snop;
	(pc) =	sbr.rel @p1 .LBB2_52-.Ltmp35, $1  }
0x260: {  	_ =	sdelay $0x3  }
0x261: {  	p1 =	slt.s32 s0, $0x1  }
.Ltmp36:
0x262: {  	_ = 	snop;
	(pc) =	sbr.rel @p1 .LBB2_51-.Ltmp36, $1  }
0x263: {  	_ =	sdelay $0x3  }
0x264: {  	s4 =	simm.s32 $0xA118;
	p1 =	por $0x0, $0x0  }
0x265: {  	v1 =	vld.msk @!p1 [tilespmem:s4+$0x0], $0x1;
	_ =	sdelay $0x4  }
0x266: {  	(v2sf) =	vpush @!p1 v1, $0x0;
	_ =	sdelay $0xd  }
0x267: {  	p3 =	sne.s32 s0, $0x1  }
.Ltmp37:
0x268: {  	s5 =	spop @!p1 (v2sf);
	(pc) =	sbr.rel @!p3 .LBB2_49-.Ltmp37, $4  }
0x269: {  	p2 =	seq.s32 @!p1 s3, s5  }
0x26a: {  	s5 =	simm.s32 $0x0;
	p2 =	por !p2, p1  }
0x26b: {  	s7 =	simm.s32 $0xFFFFFFFF;
	s5 =	simm.s32 @p2 $0xFFFFFFFF  }
0x26c: {  	s6 =	simm.s32 $0x1;
	s5 =	smov.u32 @p1 s7  }
.LBB2_48:
0x26d: {  	s7 =	smov.u32 s5;
	p1 =	sne.s32 s5, $0xFFFFFFFF  }
0x26e: {  	s4 =	sadd.s32 $0x1, s4;
	s5 =	smov.u32 s6;
	s6 =	sadd.s32 $0x1, s6  }
0x26f: {  	p2 =	sne.s32 s0, s6;
	v1 =	vld.msk @!p1 [tilespmem:s4+$0x0], $0x1;
	_ =	sdelay $0x4  }
0x270: {  	(v2sf) =	vpush @!p1 v1, $0x0;
	_ =	sdelay $0xe  }
.Ltmp38:
0x271: {  	s8 =	spop @!p1 (v2sf);
	(pc) =	sbr.rel @p2 .LBB2_48-.Ltmp38, $4  }
0x272: {  	p3 =	seq.s32 @!p1 s3, s8  }
0x273: {  	p3 =	por !p3, p1  }
0x274: {  	s5 =	simm.s32 @p3 $0xFFFFFFFF  }
0x275: {  	s5 =	smov.u32 @p1 s7  }
.LBB2_49:
0x276: {  	p1 =	seq.s32 s5, $0xFFFFFFFF  }
.Ltmp39:
0x277: {  	_ = 	snop;
	(pc) =	sbr.rel @p1 .LBB2_51-.Ltmp39, $1  }
0x278: {  	_ =	sdelay $0x3  }
0x279: {  	s3 =	sshll.u32 s2, $0x6  }
0x27a: {  	s3 =	sand.u32 $0x3FFFFFC0, s3  }
0x27b: {  	v0 =	vld [tilespmem:s3+$0xA138];
	_ =	sdelay $0x2  }
0x27c: {  	s4 =	sshll.u32 s5, $0x8  }
0x27d: {  	s4 =	sshra.s32 s4, $0x2  }
0x27e: {  	[tilespmem:s4+$0xA138] =	vst.add.f32.msk $0xffff, v0  }
0x27f: {  	v0 =	vld [tilespmem:s3+$0xA148];
	_ =	sdelay $0x4  }
0x280: {  	[tilespmem:s4+$0xA148] =	vst.add.f32.msk $0xffff, v0  }
0x281: {  	v0 =	vld [tilespmem:s3+$0xA158];
	_ =	sdelay $0x4  }
0x282: {  	[tilespmem:s4+$0xA158] =	vst.add.f32.msk $0xffff, v0  }
0x283: {  	v0 =	vld [tilespmem:s3+$0xA168]  }
.Ltmp40:
0x284: {  	_ = 	snop;
	(pc) =	sbr.rel .LBB2_52-.Ltmp40, $2  }
0x285: {  	_ =	sdelay $0x2  }
0x286: {  	[tilespmem:s4+$0xA168] =	vst.add.f32.msk $0xffff, v0  }
.LBB2_53:
0x287: {  	p1 =	slt.s32 s0, $0x1  }
.Ltmp41:
0x288: {  	_ = 	snop;
	(pc) =	sbr.rel @p1 .LBB2_57-.Ltmp41, $3  }
0x289: {  	_ =	sdelay $0x1  }
0x28a: {  	s2 =	simm.s32 $0x8  }
0x28b: {  	[sflag:s2] =	ssyncpa.u1 $0x1;
	s2 =	simm.s32 $0x0  }
0x28c: {  	s3 =	simm.s32 $0xA118  }
0x28d: {  	v0 =	vld.msk [tilespmem:s3+$0x0], $0x1;
	_ =	sdelay $0x4  }
0x28e: {  	(v2sf) =	vpush v0, $0x0;
	_ =	sdelay $0xe  }
0x28f: {  	s0 =	sadd.s32 $0xFFFFFFFF, s0;
	s4 =	spop (v2sf)  }
0x290: {  	p2 =	sne.s32 s0, $0x0;
	p1 =	sgt.u32 s4, $0x3EF8  }
.Ltmp42:
0x291: {  	s5 =	sand.u32 @!p1 $0x3FF8, s4;
	(pc) =	sbr.rel @!p2 .LBB2_56-.Ltmp42, $4  }
0x292: {  	s3 =	simm.s32 $0xA138;
	s4 =	sand.u32 @!p1 $0x7, s4;
	s5 =	sadd.s32 @!p1 s1, s5  }
0x293: {  	[hbm4b:s5+s4] =	stream.linear.scatter @!p1 [tilespmem:s3], [sflag:$0x7], $0x40, $0x38;
	[tilespmem:$0x1EF88] =	vst v63  }
0x294: {  	s5 =	simm.s32 $0x0  }
0x295: {  	s4 =	simm.s32 $0xA119;
	s5 =	simm.s32 @!p1 $0x100  }
.LBB2_55:
0x296: {  	v0 =	vld.msk [tilespmem:s4+$0x0], $0x1;
	s0 =	sadd.s32 $0xFFFFFFFF, s0;
	s2 =	sadd.s32 s2, s5  }
0x297: {  	p1 =	sne.s32 s0, $0x0;
	_ =	sdelay $0x3  }
0x298: {  	(v2sf) =	vpush v0, $0x0;
	_ =	sdelay $0xe  }
.Ltmp43:
0x299: {  	s6 =	spop (v2sf);
	(pc) =	sbr.rel @p1 .LBB2_55-.Ltmp43, $4  }
0x29a: {  	s5 =	simm.s32 $0x0;
	p2 =	sgt.u32 s6, $0x3EF8  }
0x29b: {  	s3 =	sadd.s32 $0x40, s3;
	s5 =	simm.s32 @!p2 $0x100;
	s7 =	sand.u32 @!p2 $0x3FF8, s6  }
0x29c: {  	s4 =	sadd.s32 $0x1, s4;
	s6 =	sand.u32 @!p2 $0x7, s6;
	s7 =	sadd.s32 @!p2 s1, s7  }
0x29d: {  	[hbm4b:s7+s6] =	stream.linear.scatter @!p2 [tilespmem:s3], [sflag:$0x7], $0x40, $0x38;
	[tilespmem:$0x1EF88] =	vst v63  }
.LBB2_56:
0x29e: {  	s0 =	sadd.s32 s2, s5  }
0x29f: {  	s2 =	sshrl.u32 s0, $0x2  }
.LBB2_57:
0x2a0: {  	s0 =	simm.s32 $0x7  }
0x2a1: {  	_ =	swait.ge [sflag:s0], s2  }
0x2a2: {  	s1 =	ssub.s32 $0x0, s2;
	[sflag:s0] =	ssyncset.done $0x0  }
0x2a3: {  	[sflag:s0] =	ssyncadd.s32 s1  }
0x2a4: {  	[sflag:s0] =	ssyncpa.u1 $0x1  }
.LBB2_58:
0x2a5: {  	_ =	sfence;
	s0 =	simm.s32 $0x1  }
0x2a6: {  	[sflag:s0] =	ssyncpa.u1 $0x1  }
0x2a7: {  	_ =	strace $0x90000059  }
0x2a8: {  	[bflag:$0x2] =	sbarrier.arrive $0xFFFF  }
0x2a9: {  	s0 =	rddreg [dreg:$0x3]  }
0x2aa: {  	s0 =	sadd.s32 @!p0 $0x100000, s0  }
0x2ab: {  	[sflag:s0] =	ssyncadd.tile.s32 @!p0 $0x1;
	_ =	shalt  }
.Lfunc_end2:
_tile_overlayer_lowered:
.L_overlay_start_2:
0x2ac: {  	(tag) =	ssettag $0x2  }
0x2ad: {  	s0 =	rddreg [dreg:$0x0];
	s2 =	stileid.u32  }
0x2ae: {  	s1 =	rddreg [dreg:$0x1];
	p0 =	sne.s32 s2, $0x0  }
0x2af: {  	s3 =	rddreg [dreg:$0x2];
	[bflag:$0x3] =	sbarrier.arrive $0xFFFF;
	s2 =	simm.s32 @!p0 $0x1C01  }
0x2b0: {  	[timem:s3], [sflag:s2] =	dma.local @!p0 [hbm:s0], s1  }
0x2b1: {  	s0 =	simm.s32 @!p0 $0x1  }
0x2b2: {  	_ =	swait.ge @!p0 [sflag:s0], s1  }
0x2b3: {  	s1 =	ssub.s32 @!p0 $0x0, s1;
	[sflag:s0] =	ssyncset.done @!p0 $0x0  }
0x2b4: {  	[sflag:s0] =	ssyncadd.s32 @!p0 s1  }
0x2b5: {  	[bflag:$0x3] =	sbarrier.arrive $0xFFFF  }
0x2b6: {  	_ =	shalt  }

</sc_bundles>
